<compile_context>
chip_gen: v7x
topology: tpu7x:2x2x1
jax: 0.10.2.dev20260603
libtpu: 0.0.44.dev20260713+nightly
codegen_flags: <defaults>
</compile_context>

<pallas_src>
import functools

import jax
import jax.numpy as jnp
from jax import lax
from jax.experimental import pallas as pl
from jax.experimental.pallas import tpu as pltpu
from jax.experimental.pallas import tpu_sc as plsc

N = 10000
E = 320000
DN = 128
DE = 16
DG = 32
H1 = 256
H2 = 128
G1 = 16
HH = 128

NH = N // 2
NHP = NH + 8
NC = 2
NS = 16
SCB = 64
ECH1 = E // SCB
ECPS1 = -(-ECH1 // NS)
E2 = E // NC
ECH2 = E2 // SCB
ECPS2 = -(-ECH2 // NS)
CP = 40
NCH = NH // CP
CPS = -(-NCH // NS)

_DOT = jnp.dot


def _relu(v):
    return jnp.maximum(v, 0.0)



def _proj1_body(x_ref, ws_ref, wr_ref, xs_ref, xr_ref):
    m = _DOT(x_ref[...], ws_ref[...])
    xs_ref[0] = m[:, :HH]
    xs_ref[1] = m[:, HH:]
    m = _DOT(x_ref[...], wr_ref[...])
    xr_ref[0] = m[:, :HH]
    xr_ref[1] = m[:, HH:]


def _zedge_body(ea_ref, we_ref, u_ref, wg_ref, be_ref, z_ref):
    c1 = _DOT(u_ref[...], wg_ref[...]) + be_ref[...]
    z = _DOT(ea_ref[...], we_ref[...]) + c1
    z_ref[0] = z[:, :HH]
    z_ref[1] = z[:, HH:]


def _node1_body(x_ref, seg_ref, cnt_ref, u_ref, wn_ref, win_ref, wgn_ref,
                bn_ref, ws2_ref, wr2_ref,
                n1_ref, ns2_ref, nr2_ref, nsum_ref, esum_ref):
    i = pl.program_id(0)

    @pl.when(i == 0)
    def _():
        nsum_ref[...] = jnp.zeros_like(nsum_ref)
        esum_ref[...] = jnp.zeros_like(esum_ref)

    cb = jnp.maximum(cnt_ref[:, 0:1], 1.0)
    agg_lo = seg_ref[0] / cb
    agg_hi = seg_ref[1] / cb
    pre = (_DOT(x_ref[...], wn_ref[...])
           + _DOT(agg_lo, win_ref[:HH, :])
           + _DOT(agg_hi, win_ref[HH:, :])
           + _DOT(u_ref[...], wgn_ref[...]) + bn_ref[...])
    n1 = _relu(pre)
    n1_ref[...] = n1
    ns2_ref[...] = _DOT(n1, ws2_ref[...])
    nr2_ref[...] = _DOT(n1, wr2_ref[...])
    nsum_ref[...] += jnp.sum(n1, axis=0, keepdims=True)
    esum_ref[...] += jnp.concatenate(
        [jnp.sum(seg_ref[0], axis=0, keepdims=True),
         jnp.sum(seg_ref[1], axis=0, keepdims=True)], axis=1)


def _glob1_body(nsum_ref, esum_ref, u_ref, wgn1_ref, wge1_ref, wgg1_ref,
                bg1_ref, wg2_ref, be2_ref, wgn2_ref, bn2_ref,
                u1_ref, c2_ref, cn2_ref):
    u1 = _relu(_DOT(nsum_ref[...] * (1.0 / N), wgn1_ref[...])
               + _DOT(esum_ref[...] * (1.0 / E), wge1_ref[...])
               + _DOT(u_ref[...], wgg1_ref[...]) + bg1_ref[...])
    u1_ref[...] = u1
    c2_ref[...] = _DOT(u1, wg2_ref[...]) + be2_ref[...]
    cn2_ref[...] = _DOT(u1, wgn2_ref[...]) + bn2_ref[...]


def _t2_body(e1_ref, we2_ref, c2_ref, t2_ref):
    t2_ref[...] = (_DOT(e1_ref[0], we2_ref[:HH, :])
                   + _DOT(e1_ref[1], we2_ref[HH:, :]) + c2_ref[...])


def _node2_body(n1_ref, seg_ref, cnt_ref, wn2_ref, win2_ref, cn2_ref,
                n2sum_ref, esum2_ref):
    i = pl.program_id(0)

    @pl.when(i == 0)
    def _():
        n2sum_ref[...] = jnp.zeros_like(n2sum_ref)
        esum2_ref[...] = jnp.zeros_like(esum2_ref)

    cb = jnp.maximum(cnt_ref[:, 0:1], 1.0)
    sseg = seg_ref[0] + seg_ref[1]
    agg2 = sseg / cb
    n2 = _relu(_DOT(n1_ref[...], wn2_ref[...])
               + _DOT(agg2, win2_ref[...]) + cn2_ref[...])
    n2sum_ref[...] += jnp.sum(n2, axis=0, keepdims=True)
    esum2_ref[...] += jnp.sum(sseg, axis=0, keepdims=True)


def _out_body(n2sum_ref, esum2_ref, u1_ref, wgn2_ref, wge2_ref, wgg2_ref,
              bg2_ref, o_ref):
    o_ref[...] = (_DOT(n2sum_ref[...] * (1.0 / N), wgn2_ref[...])
                  + _DOT(esum2_ref[...] * (1.0 / E), wge2_ref[...])
                  + _DOT(u1_ref[...], wgg2_ref[...]) + bg2_ref[...])


def _full(shape):
    return pl.BlockSpec(shape, lambda *_: (0,) * len(shape))



def _zero_vmem(ref, rows, cols):
    def body(j, carry):
        for k in range(cols // 16):
            ref[j, pl.ds(k * 16, 16)] = jnp.zeros((16,), jnp.float32)
        return carry
    lax.fori_loop(0, rows, body, 0)


def _sc_pass1(z_hbm, xs_hbm, xr_hbm, snd2_hbm, rcv2_hbm, rcvc_hbm,
              e1_hbm, seg_hbm,
              acc_sh,
              sidx, gidx, cidx,
              zb, xsb, xrb,
              sem0, sem1, sem2):
    c = lax.axis_index("c")
    s = lax.axis_index("s")

    def init_acc():
        for kk in range(CPS):
            t = s * CPS + kk

            @pl.when(t < NCH)
            def _():
                pltpu.sync_copy(zb.at[pl.ds(0, CP)],
                                acc_sh.at[pl.ds(t * CP, CP)])

    _zero_vmem(zb, CP, HH)
    init_acc()
    plsc.subcore_barrier()

    for h in range(2):

        def step(i, carry):
            t = s * ECPS1 + i

            @pl.when(t < ECH1)
            def _():
                base = t * SCB
                pltpu.sync_copy(rcvc_hbm.at[pl.ds(h * E + base, SCB)], cidx)
                if h == 0:
                    pltpu.sync_copy(snd2_hbm.at[pl.ds(c * E + base, SCB)],
                                    sidx)
                    pltpu.sync_copy(rcv2_hbm.at[pl.ds(c * E + base, SCB)],
                                    gidx)
                    cp1 = pltpu.async_copy(xs_hbm.at[sidx], xsb, sem0)
                    cp2 = pltpu.async_copy(xr_hbm.at[gidx], xrb, sem1)
                    cp3 = pltpu.async_copy(
                        z_hbm.at[pl.ds(c * E + base, SCB)], zb, sem2)
                    cp1.wait()
                    cp2.wait()
                    cp3.wait()

                    def row(j, carry2):
                        for k in range(HH // 16):
                            sl = pl.ds(k * 16, 16)
                            zb[j, sl] = jnp.maximum(
                                zb[j, sl] + xsb[j, sl] + xrb[j, sl], 0.0)
                        return carry2
                    lax.fori_loop(0, SCB, row, 0)

                    pltpu.sync_copy(zb, e1_hbm.at[pl.ds(c * E + base, SCB)])
                else:
                    pltpu.sync_copy(e1_hbm.at[pl.ds(c * E + base, SCB)], zb)

                pltpu.sync_copy(zb, acc_sh.at[cidx], add=True)
            return carry

        lax.fori_loop(0, ECPS1, step, 0)
        plsc.subcore_barrier()

        for kk in range(CPS):
            t = s * CPS + kk

            @pl.when(t < NCH)
            def _():
                pltpu.sync_copy(
                    acc_sh.at[pl.ds(t * CP, CP)],
                    seg_hbm.at[pl.ds(c * N + h * NH + t * CP, CP)])

        if h == 0:
            _zero_vmem(zb, CP, HH)
            init_acc()
            plsc.subcore_barrier()


def _sc_pass2(t2_hbm, ns2_hbm, nr2_hbm, snd_hbm, rcv_hbm, rcvc_hbm,
              e2_hbm, seg_hbm,
              acc_sh,
              sidx, gidx, cidx,
              tb, nsb, nrb,
              sem0, sem1, sem2):
    c = lax.axis_index("c")
    s = lax.axis_index("s")

    def init_acc():
        for kk in range(CPS):
            t = s * CPS + kk

            @pl.when(t < NCH)
            def _():
                pltpu.sync_copy(tb.at[pl.ds(0, CP)],
                                acc_sh.at[pl.ds(t * CP, CP)])

    _zero_vmem(tb, CP, HH)
    init_acc()
    plsc.subcore_barrier()

    for h in range(2):

        def step(i, carry):
            t = s * ECPS2 + i

            @pl.when(t < ECH2)
            def _():
                base = c * E2 + t * SCB
                pltpu.sync_copy(rcvc_hbm.at[pl.ds(h * E + base, SCB)], cidx)
                if h == 0:
                    pltpu.sync_copy(snd_hbm.at[pl.ds(base, SCB)], sidx)
                    pltpu.sync_copy(rcv_hbm.at[pl.ds(base, SCB)], gidx)
                    cp1 = pltpu.async_copy(ns2_hbm.at[sidx], nsb, sem0)
                    cp2 = pltpu.async_copy(nr2_hbm.at[gidx], nrb, sem1)
                    cp3 = pltpu.async_copy(t2_hbm.at[pl.ds(base, SCB)], tb,
                                           sem2)
                    cp1.wait()
                    cp2.wait()
                    cp3.wait()

                    def row(j, carry2):
                        for k in range(HH // 16):
                            sl = pl.ds(k * 16, 16)
                            tb[j, sl] = jnp.maximum(
                                tb[j, sl] + nsb[j, sl] + nrb[j, sl], 0.0)
                        return carry2
                    lax.fori_loop(0, SCB, row, 0)

                    pltpu.sync_copy(tb, e2_hbm.at[pl.ds(base, SCB)])
                else:
                    pltpu.sync_copy(e2_hbm.at[pl.ds(base, SCB)], tb)

                pltpu.sync_copy(tb, acc_sh.at[cidx], add=True)
            return carry

        lax.fori_loop(0, ECPS2, step, 0)
        plsc.subcore_barrier()

        for kk in range(CPS):
            t = s * CPS + kk

            @pl.when(t < NCH)
            def _():
                pltpu.sync_copy(
                    acc_sh.at[pl.ds(t * CP, CP)],
                    seg_hbm.at[pl.ds(c * N + h * NH + t * CP, CP)])

        if h == 0:
            _zero_vmem(tb, CP, HH)
            init_acc()
            plsc.subcore_barrier()


def _sc_cnt(rcvc_hbm, cnt_hbm, acc_sh, cidx, onesb, sem0):
    c = lax.axis_index("c")
    s = lax.axis_index("s")

    _zero_vmem(onesb, CP, HH)
    for kk in range(CPS):
        t = s * CPS + kk

        @pl.when(t < NCH)
        def _():
            pltpu.sync_copy(onesb.at[pl.ds(0, CP)],
                            acc_sh.at[pl.ds(t * CP, CP)])

    def ones_body(j, carry):
        for k in range(HH // 16):
            onesb[j, pl.ds(k * 16, 16)] = jnp.full((16,), 1.0, jnp.float32)
        return carry
    lax.fori_loop(0, SCB, ones_body, 0)
    plsc.subcore_barrier()

    def step(i, carry):
        t = s * ECPS1 + i

        @pl.when(t < ECH1)
        def _():
            base = t * SCB
            pltpu.sync_copy(rcvc_hbm.at[pl.ds(c * E + base, SCB)], cidx)
            pltpu.sync_copy(onesb, acc_sh.at[cidx], add=True)
        return carry

    lax.fori_loop(0, ECPS1, step, 0)
    plsc.subcore_barrier()

    for kk in range(CPS):
        t = s * CPS + kk

        @pl.when(t < NCH)
        def _():
            pltpu.sync_copy(acc_sh.at[pl.ds(t * CP, CP)],
                            cnt_hbm.at[pl.ds(c * NH + t * CP, CP)])


_sc_calls = {}


def _build_sc_calls():
    if _sc_calls:
        return
    mesh = plsc.VectorSubcoreMesh(core_axis_name="c", subcore_axis_name="s")
    _sc_calls["cnt"] = pl.kernel(
        _sc_cnt,
        out_type=[
            jax.ShapeDtypeStruct((N, HH), jnp.float32),
        ],
        mesh=mesh,
        scratch_types=[
            pltpu.VMEM_SHARED((NHP, HH), jnp.float32),
            pltpu.VMEM((SCB,), jnp.int32),
            pltpu.VMEM((SCB, HH), jnp.float32),
            pltpu.SemaphoreType.DMA,
        ],
    )
    _sc_calls["p1"] = pl.kernel(
        _sc_pass1,
        out_type=[
            jax.ShapeDtypeStruct((2 * E, HH), jnp.float32),
            jax.ShapeDtypeStruct((2 * N, HH), jnp.float32),
        ],
        mesh=mesh,
        scratch_types=[
            pltpu.VMEM_SHARED((NHP, HH), jnp.float32),
            pltpu.VMEM((SCB,), jnp.int32),
            pltpu.VMEM((SCB,), jnp.int32),
            pltpu.VMEM((SCB,), jnp.int32),
            pltpu.VMEM((SCB, HH), jnp.float32),
            pltpu.VMEM((SCB, HH), jnp.float32),
            pltpu.VMEM((SCB, HH), jnp.float32),
            pltpu.SemaphoreType.DMA,
            pltpu.SemaphoreType.DMA,
            pltpu.SemaphoreType.DMA,
        ],
    )
    _sc_calls["p2"] = pl.kernel(
        _sc_pass2,
        out_type=[
            jax.ShapeDtypeStruct((E, HH), jnp.float32),
            jax.ShapeDtypeStruct((2 * N, HH), jnp.float32),
        ],
        mesh=mesh,
        scratch_types=[
            pltpu.VMEM_SHARED((NHP, HH), jnp.float32),
            pltpu.VMEM((SCB,), jnp.int32),
            pltpu.VMEM((SCB,), jnp.int32),
            pltpu.VMEM((SCB,), jnp.int32),
            pltpu.VMEM((SCB, HH), jnp.float32),
            pltpu.VMEM((SCB, HH), jnp.float32),
            pltpu.VMEM((SCB, HH), jnp.float32),
            pltpu.SemaphoreType.DMA,
            pltpu.SemaphoreType.DMA,
            pltpu.SemaphoreType.DMA,
        ],
    )



def kernel(x, edge_attr, senders, receivers, u,
           We1, Ws1, Wr1, Wg1, be1,
           Wn1, Win1, Wgn1, bn1,
           WGn1, WGe1, WGg1, bg1,
           We2, Ws2, Wr2, Wg2, be2,
           Wn2, Win2, Wgn2, bn2,
           WGn2, WGe2, WGg2, bg2):
    _build_sc_calls()
    u2 = u.reshape(1, DG)
    be1r = be1.reshape(1, H1)
    bn1r = bn1.reshape(1, H1)
    bg1r = bg1.reshape(1, G1)
    be2r = be2.reshape(1, H2)
    bn2r = bn2.reshape(1, H2)
    bg2r = bg2.reshape(1, 1)
    snd = senders.astype(jnp.int32)
    rcv = receivers.astype(jnp.int32)
    snd2 = jnp.concatenate([snd, snd + N])
    rcv2 = jnp.concatenate([rcv, rcv + N])
    rcvc = jnp.concatenate([jnp.where(rcv < NH, rcv, NH),
                            jnp.where(rcv >= NH, rcv - NH, NH)])

    BN = 1000
    BEB = 2000

    xs3, xr3 = pl.pallas_call(
        _proj1_body,
        grid=(N // BN,),
        in_specs=[pl.BlockSpec((BN, DN), lambda i: (i, 0)),
                  _full((DN, H1)), _full((DN, H1))],
        out_specs=[pl.BlockSpec((2, BN, HH), lambda i: (0, i, 0)),
                   pl.BlockSpec((2, BN, HH), lambda i: (0, i, 0))],
        out_shape=[jax.ShapeDtypeStruct((2, N, HH), jnp.float32),
                   jax.ShapeDtypeStruct((2, N, HH), jnp.float32)],
    )(x, Ws1, Wr1)

    z3 = pl.pallas_call(
        _zedge_body,
        grid=(E // BEB,),
        in_specs=[pl.BlockSpec((BEB, DE), lambda i: (i, 0)),
                  _full((DE, H1)), _full((1, DG)), _full((DG, H1)),
                  _full((1, H1))],
        out_specs=pl.BlockSpec((2, BEB, HH), lambda i: (0, i, 0)),
        out_shape=jax.ShapeDtypeStruct((2, E, HH), jnp.float32),
    )(edge_attr, We1, u2, Wg1, be1r)

    (cnt,) = _sc_calls["cnt"](rcvc)

    e1f, seg1f = _sc_calls["p1"](
        z3.reshape(2 * E, HH), xs3.reshape(2 * N, HH), xr3.reshape(2 * N, HH),
        snd2, rcv2, rcvc)
    e1_3 = e1f.reshape(2, E, HH)
    seg1_3 = seg1f.reshape(2, N, HH)

    n1, ns2, nr2, nsum, esum1 = pl.pallas_call(
        _node1_body,
        grid=(N // BN,),
        in_specs=[pl.BlockSpec((BN, DN), lambda i: (i, 0)),
                  pl.BlockSpec((2, BN, HH), lambda i: (0, i, 0)),
                  pl.BlockSpec((BN, HH), lambda i: (i, 0)),
                  _full((1, DG)), _full((DN, H1)), _full((H1, H1)),
                  _full((DG, H1)), _full((1, H1)), _full((H1, H2)),
                  _full((H1, H2))],
        out_specs=[pl.BlockSpec((BN, H1), lambda i: (i, 0)),
                   pl.BlockSpec((BN, H2), lambda i: (i, 0)),
                   pl.BlockSpec((BN, H2), lambda i: (i, 0)),
                   pl.BlockSpec((1, H1), lambda i: (0, 0)),
                   pl.BlockSpec((1, H1), lambda i: (0, 0))],
        out_shape=[jax.ShapeDtypeStruct((N, H1), jnp.float32),
                   jax.ShapeDtypeStruct((N, H2), jnp.float32),
                   jax.ShapeDtypeStruct((N, H2), jnp.float32),
                   jax.ShapeDtypeStruct((1, H1), jnp.float32),
                   jax.ShapeDtypeStruct((1, H1), jnp.float32)],
    )(x, seg1_3, cnt, u2, Wn1, Win1, Wgn1, bn1r, Ws2, Wr2)

    u1, c2, cn2 = pl.pallas_call(
        _glob1_body,
        in_specs=[_full((1, H1)), _full((1, H1)), _full((1, DG)),
                  _full((H1, G1)), _full((H1, G1)), _full((DG, G1)),
                  _full((1, G1)), _full((G1, H2)), _full((1, H2)),
                  _full((G1, H2)), _full((1, H2))],
        out_specs=[_full((1, G1)), _full((1, H2)), _full((1, H2))],
        out_shape=[jax.ShapeDtypeStruct((1, G1), jnp.float32),
                   jax.ShapeDtypeStruct((1, H2), jnp.float32),
                   jax.ShapeDtypeStruct((1, H2), jnp.float32)],
    )(nsum, esum1, u2, WGn1, WGe1, WGg1, bg1r, Wg2, be2r, Wgn2, bn2r)

    t2 = pl.pallas_call(
        _t2_body,
        grid=(E // BEB,),
        in_specs=[pl.BlockSpec((2, BEB, HH), lambda i: (0, i, 0)),
                  _full((H1, H2)), _full((1, H2))],
        out_specs=pl.BlockSpec((BEB, H2), lambda i: (i, 0)),
        out_shape=jax.ShapeDtypeStruct((E, H2), jnp.float32),
    )(e1_3, We2, c2)

    _, seg2f = _sc_calls["p2"](t2, ns2, nr2, snd, rcv, rcvc)
    seg2_2 = seg2f.reshape(2, N, HH)

    n2sum, esum2 = pl.pallas_call(
        _node2_body,
        grid=(N // BN,),
        in_specs=[pl.BlockSpec((BN, H1), lambda i: (i, 0)),
                  pl.BlockSpec((2, BN, HH), lambda i: (0, i, 0)),
                  pl.BlockSpec((BN, HH), lambda i: (i, 0)),
                  _full((H1, H2)), _full((H2, H2)), _full((1, H2))],
        out_specs=[pl.BlockSpec((1, H2), lambda i: (0, 0)),
                   pl.BlockSpec((1, H2), lambda i: (0, 0))],
        out_shape=[jax.ShapeDtypeStruct((1, H2), jnp.float32),
                   jax.ShapeDtypeStruct((1, H2), jnp.float32)],
    )(n1, seg2_2, cnt, Wn2, Win2, cn2)

    o = pl.pallas_call(
        _out_body,
        in_specs=[_full((1, H2)), _full((1, H2)), _full((1, G1)),
                  _full((H2, 1)), _full((H2, 1)), _full((G1, 1)),
                  _full((1, 1))],
        out_specs=_full((1, 1)),
        out_shape=jax.ShapeDtypeStruct((1, 1), jnp.float32),
    )(n2sum, esum2, u1, WGn2, WGe2, WGg2, bg2r)

    return o.reshape(1)

# --- scband reference (transcript-rebuilt; emitter-appended) ---
"""Pipeline reference for scband-qnetwork-83210696392994 (READ-ONLY COPY).

The authoritative reference and input builder live on the scoring server;
editing this copy changes nothing except your own understanding.
"""

import jax, jax.numpy as jnp
import numpy as np

N = 10000
E = 320000
DN = 128
DE = 16
DG = 32
H1 = 256
H2 = 128
G1 = 16


def setup_inputs(seed: int = 0):
    key = jax.random.key(seed)
    ks = jax.random.split(key, 40)

    def w(i, shape):
        return jax.random.normal(ks[i], shape, jnp.float32) / np.sqrt(shape[0])

    inp = {}
    inp['x'] = jax.random.normal(ks[0], (N, DN), jnp.float32)
    inp['edge_attr'] = jax.random.normal(ks[1], (E, DE), jnp.float32)
    inp['senders'] = jax.random.randint(ks[2], (E,), 0, N)
    inp['receivers'] = jax.random.randint(ks[3], (E,), 0, N)
    inp['u'] = jax.random.normal(ks[4], (DG,), jnp.float32)
    # EdgeLinear 1
    inp['We1'] = w(5, (DE, H1)); inp['Ws1'] = w(6, (DN, H1)); inp['Wr1'] = w(7, (DN, H1)); inp['Wg1'] = w(8, (DG, H1)); inp['be1'] = jnp.zeros((H1,), jnp.float32)
    # NodeLinear 1
    inp['Wn1'] = w(9, (DN, H1)); inp['Win1'] = w(10, (H1, H1)); inp['Wgn1'] = w(11, (DG, H1)); inp['bn1'] = jnp.zeros((H1,), jnp.float32)
    # GlobalLinear 1
    inp['WGn1'] = w(12, (H1, G1)); inp['WGe1'] = w(13, (H1, G1)); inp['WGg1'] = w(14, (DG, G1)); inp['bg1'] = jnp.zeros((G1,), jnp.float32)
    # EdgeLinear 2
    inp['We2'] = w(15, (H1, H2)); inp['Ws2'] = w(16, (H1, H2)); inp['Wr2'] = w(17, (H1, H2)); inp['Wg2'] = w(18, (G1, H2)); inp['be2'] = jnp.zeros((H2,), jnp.float32)
    # NodeLinear 2
    inp['Wn2'] = w(19, (H1, H2)); inp['Win2'] = w(20, (H2, H2)); inp['Wgn2'] = w(21, (G1, H2)); inp['bn2'] = jnp.zeros((H2,), jnp.float32)
    # GlobalLinear output
    inp['WGn2'] = w(22, (H2, 1)); inp['WGe2'] = w(23, (H2, 1)); inp['WGg2'] = w(24, (G1, 1)); inp['bg2'] = jnp.zeros((1,), jnp.float32)
    return inp


def _avg_incoming(e, receivers, n_nodes):
    s = jax.ops.segment_sum(e, receivers, num_segments=n_nodes)
    c = jax.ops.segment_sum(jnp.ones((e.shape[0],), e.dtype), receivers, num_segments=n_nodes)
    return s / jnp.maximum(c, 1.0)[:, None]


def reference(x, edge_attr, senders, receivers, u,
              We1, Ws1, Wr1, Wg1, be1,
              Wn1, Win1, Wgn1, bn1,
              WGn1, WGe1, WGg1, bg1,
              We2, Ws2, Wr2, Wg2, be2,
              Wn2, Win2, Wgn2, bn2,
              WGn2, WGe2, WGg2, bg2):
    n_nodes = x.shape[0]
    # EdgeLinear1 + EdgeReLU: edge + sender + receiver + global
    e1 = jax.nn.relu(edge_attr @ We1 + x[senders] @ Ws1 + x[receivers] @ Wr1 + (u @ Wg1)[None, :] + be1)
    # NodeLinear1 + NodeReLU: node + avg incoming edges + global
    agg1 = _avg_incoming(e1, receivers, n_nodes)
    n1 = jax.nn.relu(x @ Wn1 + agg1 @ Win1 + (u @ Wgn1)[None, :] + bn1)
    # GlobalLinear1 + GlobalReLU: avg nodes + avg edges + global
    u1 = jax.nn.relu(jnp.mean(n1, axis=0) @ WGn1 + jnp.mean(e1, axis=0) @ WGe1 + u @ WGg1 + bg1)
    # EdgeLinear2 + EdgeReLU
    e2 = jax.nn.relu(e1 @ We2 + n1[senders] @ Ws2 + n1[receivers] @ Wr2 + (u1 @ Wg2)[None, :] + be2)
    # NodeLinear2 + NodeReLU
    agg2 = _avg_incoming(e2, receivers, n_nodes)
    n2 = jax.nn.relu(n1 @ Wn2 + agg2 @ Win2 + (u1 @ Wgn2)[None, :] + bn2)
    # GlobalLinear output -> global_features
    out = jnp.mean(n2, axis=0) @ WGn2 + jnp.mean(e2, axis=0) @ WGe2 + u1 @ WGg2 + bg2
    return out

if __name__ == "__main__":
    import jax
    _d = setup_inputs()
    print(jax.jit(kernel)(*tuple(_d.values())))

</pallas_src>

<mosaic_0001>
#map = affine_map<(d0, d1) -> (0, 0)>
#map1 = affine_map<(d0, d1) -> (0)>
module attributes {stable_mosaic.version = 14 : i64} {
  func.func @_sc_pass2(%arg0: i32, %arg1: i32, %arg2: memref<320000x128xf32, #tpu.memory_space<hbm>>, %arg3: memref<10000x128xf32, #tpu.memory_space<hbm>>, %arg4: memref<10000x128xf32, #tpu.memory_space<hbm>>, %arg5: memref<320000xi32, #tpu.memory_space<hbm>>, %arg6: memref<320000xi32, #tpu.memory_space<hbm>>, %arg7: memref<640000xi32, #tpu.memory_space<hbm>>, %arg8: memref<320000x128xf32, #tpu.memory_space<hbm>>, %arg9: memref<20000x128xf32, #tpu.memory_space<hbm>>, %arg10: memref<5008x128xf32, #tpu.memory_space<vmem_shared>>, %arg11: memref<64xi32, #tpu.memory_space<vmem>>, %arg12: memref<64xi32, #tpu.memory_space<vmem>>, %arg13: memref<64xi32, #tpu.memory_space<vmem>>, %arg14: memref<64x128xf32, #tpu.memory_space<vmem>>, %arg15: memref<64x128xf32, #tpu.memory_space<vmem>>, %arg16: memref<64x128xf32, #tpu.memory_space<vmem>>, %arg17: memref<!tpu.dma_semaphore, #tpu.memory_space<semaphore_mem>>, %arg18: memref<!tpu.dma_semaphore, #tpu.memory_space<semaphore_mem>>, %arg19: memref<!tpu.dma_semaphore, #tpu.memory_space<semaphore_mem>>) attributes {dimension_semantics = [#tpu.dimension_semantics<core_parallel>, #tpu.dimension_semantics<subcore_parallel>], iteration_bounds = array<i64: 2, 16>, scalar_prefetch = 0 : i64, scratch_operands = 10 : i64, tpu.core_type = #tpu.core_type<sc_vector_subcore>, window_params = [{transform_indices = #map}, {transform_indices = #map}, {transform_indices = #map}, {transform_indices = #map1}, {transform_indices = #map1}, {transform_indices = #map1}, {transform_indices = #map}, {transform_indices = #map}]} {
    %scan3A = arith.constant 0 : i32
    %scan3A_0 = arith.constant 0 : i32
    %scan3A_1 = arith.constant 40 : i32
    %scan3A_2 = arith.addi %scan3A_0, %scan3A_1 : i32
    %scan3A_3 = arith.constant 1 : i32
    scf.for %scan3A_309 = %scan3A_0 to %scan3A_2 step %scan3A_3  : i32 {
      %broadcast_in_dim3A = arith.constant 0.000000e+00 : f32
      %broadcast_in_dim3A_310 = vector.broadcast %broadcast_in_dim3A : f32 to vector<16xf32>
      %swap3A = arith.index_cast %scan3A_309 : i32 to index
      %swap3A_311 = arith.constant 0 : index
      %swap3A_312 = tpu.vector_load %arg14[%swap3A, %swap3A_311] {strides = array<i32>} : memref<64x128xf32, #tpu.memory_space<vmem>>, vector<1x16xf32>,
      %swap3A_313 = vector.shape_cast %swap3A_312 : vector<1x16xf32> to vector<16xf32>
      %swap3A_314 = vector.shape_cast %broadcast_in_dim3A_310 : vector<16xf32> to vector<1x16xf32>
      tpu.vector_store %arg14[%swap3A, %swap3A_311], %swap3A_314 {strides = array<i32>} : memref<64x128xf32, #tpu.memory_space<vmem>>, vector<1x16xf32>,
      %broadcast_in_dim3A_315 = arith.constant 0.000000e+00 : f32
      %broadcast_in_dim3A_316 = vector.broadcast %broadcast_in_dim3A_315 : f32 to vector<16xf32>
      %swap3A_317 = arith.index_cast %scan3A_309 : i32 to index
      %swap3A_318 = arith.constant 16 : index
      %swap3A_319 = tpu.vector_load %arg14[%swap3A_317, %swap3A_318] {strides = array<i32>} : memref<64x128xf32, #tpu.memory_space<vmem>>, vector<1x16xf32>,
      %swap3A_320 = vector.shape_cast %swap3A_319 : vector<1x16xf32> to vector<16xf32>
      %swap3A_321 = vector.shape_cast %broadcast_in_dim3A_316 : vector<16xf32> to vector<1x16xf32>
      tpu.vector_store %arg14[%swap3A_317, %swap3A_318], %swap3A_321 {strides = array<i32>} : memref<64x128xf32, #tpu.memory_space<vmem>>, vector<1x16xf32>,
      %broadcast_in_dim3A_322 = arith.constant 0.000000e+00 : f32
      %broadcast_in_dim3A_323 = vector.broadcast %broadcast_in_dim3A_322 : f32 to vector<16xf32>
      %swap3A_324 = arith.index_cast %scan3A_309 : i32 to index
      %swap3A_325 = arith.constant 32 : index
      %swap3A_326 = tpu.vector_load %arg14[%swap3A_324, %swap3A_325] {strides = array<i32>} : memref<64x128xf32, #tpu.memory_space<vmem>>, vector<1x16xf32>,
      %swap3A_327 = vector.shape_cast %swap3A_326 : vector<1x16xf32> to vector<16xf32>
      %swap3A_328 = vector.shape_cast %broadcast_in_dim3A_323 : vector<16xf32> to vector<1x16xf32>
      tpu.vector_store %arg14[%swap3A_324, %swap3A_325], %swap3A_328 {strides = array<i32>} : memref<64x128xf32, #tpu.memory_space<vmem>>, vector<1x16xf32>,
      %broadcast_in_dim3A_329 = arith.constant 0.000000e+00 : f32
      %broadcast_in_dim3A_330 = vector.broadcast %broadcast_in_dim3A_329 : f32 to vector<16xf32>
      %swap3A_331 = arith.index_cast %scan3A_309 : i32 to index
      %swap3A_332 = arith.constant 48 : index
      %swap3A_333 = tpu.vector_load %arg14[%swap3A_331, %swap3A_332] {strides = array<i32>} : memref<64x128xf32, #tpu.memory_space<vmem>>, vector<1x16xf32>,
      %swap3A_334 = vector.shape_cast %swap3A_333 : vector<1x16xf32> to vector<16xf32>
      %swap3A_335 = vector.shape_cast %broadcast_in_dim3A_330 : vector<16xf32> to vector<1x16xf32>
      tpu.vector_store %arg14[%swap3A_331, %swap3A_332], %swap3A_335 {strides = array<i32>} : memref<64x128xf32, #tpu.memory_space<vmem>>, vector<1x16xf32>,
      %broadcast_in_dim3A_336 = arith.constant 0.000000e+00 : f32
      %broadcast_in_dim3A_337 = vector.broadcast %broadcast_in_dim3A_336 : f32 to vector<16xf32>
      %swap3A_338 = arith.index_cast %scan3A_309 : i32 to index
      %swap3A_339 = arith.constant 64 : index
      %swap3A_340 = tpu.vector_load %arg14[%swap3A_338, %swap3A_339] {strides = array<i32>} : memref<64x128xf32, #tpu.memory_space<vmem>>, vector<1x16xf32>,
      %swap3A_341 = vector.shape_cast %swap3A_340 : vector<1x16xf32> to vector<16xf32>
      %swap3A_342 = vector.shape_cast %broadcast_in_dim3A_337 : vector<16xf32> to vector<1x16xf32>
      tpu.vector_store %arg14[%swap3A_338, %swap3A_339], %swap3A_342 {strides = array<i32>} : memref<64x128xf32, #tpu.memory_space<vmem>>, vector<1x16xf32>,
      %broadcast_in_dim3A_343 = arith.constant 0.000000e+00 : f32
      %broadcast_in_dim3A_344 = vector.broadcast %broadcast_in_dim3A_343 : f32 to vector<16xf32>
      %swap3A_345 = arith.index_cast %scan3A_309 : i32 to index
      %swap3A_346 = arith.constant 80 : index
      %swap3A_347 = tpu.vector_load %arg14[%swap3A_345, %swap3A_346] {strides = array<i32>} : memref<64x128xf32, #tpu.memory_space<vmem>>, vector<1x16xf32>,
      %swap3A_348 = vector.shape_cast %swap3A_347 : vector<1x16xf32> to vector<16xf32>
      %swap3A_349 = vector.shape_cast %broadcast_in_dim3A_344 : vector<16xf32> to vector<1x16xf32>
      tpu.vector_store %arg14[%swap3A_345, %swap3A_346], %swap3A_349 {strides = array<i32>} : memref<64x128xf32, #tpu.memory_space<vmem>>, vector<1x16xf32>,
      %broadcast_in_dim3A_350 = arith.constant 0.000000e+00 : f32
      %broadcast_in_dim3A_351 = vector.broadcast %broadcast_in_dim3A_350 : f32 to vector<16xf32>
      %swap3A_352 = arith.index_cast %scan3A_309 : i32 to index
      %swap3A_353 = arith.constant 96 : index
      %swap3A_354 = tpu.vector_load %arg14[%swap3A_352, %swap3A_353] {strides = array<i32>} : memref<64x128xf32, #tpu.memory_space<vmem>>, vector<1x16xf32>,
      %swap3A_355 = vector.shape_cast %swap3A_354 : vector<1x16xf32> to vector<16xf32>
      %swap3A_356 = vector.shape_cast %broadcast_in_dim3A_351 : vector<16xf32> to vector<1x16xf32>
      tpu.vector_store %arg14[%swap3A_352, %swap3A_353], %swap3A_356 {strides = array<i32>} : memref<64x128xf32, #tpu.memory_space<vmem>>, vector<1x16xf32>,
      %broadcast_in_dim3A_357 = arith.constant 0.000000e+00 : f32
      %broadcast_in_dim3A_358 = vector.broadcast %broadcast_in_dim3A_357 : f32 to vector<16xf32>
      %swap3A_359 = arith.index_cast %scan3A_309 : i32 to index
      %swap3A_360 = arith.constant 112 : index
      %swap3A_361 = tpu.vector_load %arg14[%swap3A_359, %swap3A_360] {strides = array<i32>} : memref<64x128xf32, #tpu.memory_space<vmem>>, vector<1x16xf32>,
      %swap3A_362 = vector.shape_cast %swap3A_361 : vector<1x16xf32> to vector<16xf32>
      %swap3A_363 = vector.shape_cast %broadcast_in_dim3A_358 : vector<16xf32> to vector<1x16xf32>
      tpu.vector_store %arg14[%swap3A_359, %swap3A_360], %swap3A_363 {strides = array<i32>} : memref<64x128xf32, #tpu.memory_space<vmem>>, vector<1x16xf32>,
    }
    %scan3A_4 = arith.constant 40 : i32
    %mul3A = arith.constant 8 : i32
    %mul3A_5 = arith.muli %arg1, %mul3A : i32
    %add3A = arith.constant 0 : i32
    %add3A_6 = arith.addi %mul3A_5, %add3A : i32
    %lt3A = arith.constant 125 : i32
    %lt3A_7 = arith.cmpi slt, %add3A_6, %lt3A : i32
    %convert_element_type3A = arith.extui %lt3A_7 : i1 to i32
    %cond3A = arith.constant 0 : i32
    %cond3A_8 = arith.cmpi ne, %convert_element_type3A, %cond3A : i32
    scf.if %cond3A_8 {
      %mul3A_309 = arith.constant 40 : i32
      %mul3A_310 = arith.muli %add3A_6, %mul3A_309 : i32
      "tpu.region"() ({
        %run_scoped3A = tpu.sem_alloc : memref<!tpu.dma_semaphore, #tpu.memory_space<semaphore_mem>>
        %dma_start3A = arith.constant 0 : i32
        %dma_start3A_311 = arith.constant 0 : i32
        %dma_start3A_312 = tpu.memref_slice %arg14[%dma_start3A, %dma_start3A_311] : memref<64x128xf32, #tpu.memory_space<vmem>> -> memref<40x128xf32, #tpu.memory_space<vmem>>
        %dma_start3A_313 = arith.constant 0 : i32
        %dma_start3A_314 = tpu.memref_slice %arg10[%mul3A_310, %dma_start3A_313] : memref<5008x128xf32, #tpu.memory_space<vmem_shared>> -> memref<40x128xf32, #tpu.memory_space<vmem_shared>>
        %dma_start3A_315 = arith.constant 0 : i32
        %dma_start3A_316 = tpu.memref_slice %arg10[%mul3A_310, %dma_start3A_315] : memref<5008x128xf32, #tpu.memory_space<vmem_shared>> -> memref<40x128xf32, #tpu.memory_space<vmem_shared>>
        %dma_start3A_317 = arith.constant 0 : i32
        %dma_start3A_318 = arith.constant 0 : i32
        %dma_start3A_319 = tpu.memref_slice %arg14[%dma_start3A_317, %dma_start3A_318] : memref<64x128xf32, #tpu.memory_space<vmem>> -> memref<40x128xf32, #tpu.memory_space<vmem>>
        tpu.enqueue_dma source(%dma_start3A_319 : memref<40x128xf32, #tpu.memory_space<vmem>>) target(%dma_start3A_316 : memref<40x128xf32, #tpu.memory_space<vmem_shared>>) target_semaphore(%run_scoped3A : memref<!tpu.dma_semaphore, #tpu.memory_space<semaphore_mem>>)
        %dma_wait3A = arith.constant 0 : i32
        %dma_wait3A_320 = arith.constant 0 : i32
        %dma_wait3A_321 = tpu.memref_slice %arg14[%dma_wait3A, %dma_wait3A_320] : memref<64x128xf32, #tpu.memory_space<vmem>> -> memref<40x128xf32, #tpu.memory_space<vmem>>
        %dma_wait3A_322 = arith.constant 0 : i32
        %dma_wait3A_323 = tpu.memref_slice %arg10[%mul3A_310, %dma_wait3A_322] : memref<5008x128xf32, #tpu.memory_space<vmem_shared>> -> memref<40x128xf32, #tpu.memory_space<vmem_shared>>
        %dma_wait3A_324 = arith.constant 0 : i32
        %dma_wait3A_325 = tpu.memref_slice %arg10[%mul3A_310, %dma_wait3A_324] : memref<5008x128xf32, #tpu.memory_space<vmem_shared>> -> memref<40x128xf32, #tpu.memory_space<vmem_shared>>
        %dma_wait3A_326 = arith.constant 0 : i32
        %dma_wait3A_327 = arith.constant 0 : i32
        %dma_wait3A_328 = tpu.memref_slice %arg14[%dma_wait3A_326, %dma_wait3A_327] : memref<64x128xf32, #tpu.memory_space<vmem>> -> memref<40x128xf32, #tpu.memory_space<vmem>>
        tpu.wait_dma2 semaphore(%run_scoped3A : memref<!tpu.dma_semaphore, #tpu.memory_space<semaphore_mem>>) src(%dma_wait3A_328 : memref<40x128xf32, #tpu.memory_space<vmem>>) dst(%dma_wait3A_325 : memref<40x128xf32, #tpu.memory_space<vmem_shared>>)
        tpu.yield
      }) : () -> ()
    } else {
    }
    %mul3A_9 = arith.constant 8 : i32
    %mul3A_10 = arith.muli %arg1, %mul3A_9 : i32
    %add3A_11 = arith.constant 1 : i32
    %add3A_12 = arith.addi %mul3A_10, %add3A_11 : i32
    %lt3A_13 = arith.constant 125 : i32
    %lt3A_14 = arith.cmpi slt, %add3A_12, %lt3A_13 : i32
    %convert_element_type3A_15 = arith.extui %lt3A_14 : i1 to i32
    %cond3A_16 = arith.constant 0 : i32
    %cond3A_17 = arith.cmpi ne, %convert_element_type3A_15, %cond3A_16 : i32
    scf.if %cond3A_17 {
      %mul3A_309 = arith.constant 40 : i32
      %mul3A_310 = arith.muli %add3A_12, %mul3A_309 : i32
      "tpu.region"() ({
        %run_scoped3A = tpu.sem_alloc : memref<!tpu.dma_semaphore, #tpu.memory_space<semaphore_mem>>
        %dma_start3A = arith.constant 0 : i32
        %dma_start3A_311 = arith.constant 0 : i32
        %dma_start3A_312 = tpu.memref_slice %arg14[%dma_start3A, %dma_start3A_311] : memref<64x128xf32, #tpu.memory_space<vmem>> -> memref<40x128xf32, #tpu.memory_space<vmem>>
        %dma_start3A_313 = arith.constant 0 : i32
        %dma_start3A_314 = tpu.memref_slice %arg10[%mul3A_310, %dma_start3A_313] : memref<5008x128xf32, #tpu.memory_space<vmem_shared>> -> memref<40x128xf32, #tpu.memory_space<vmem_shared>>
        %dma_start3A_315 = arith.constant 0 : i32
        %dma_start3A_316 = tpu.memref_slice %arg10[%mul3A_310, %dma_start3A_315] : memref<5008x128xf32, #tpu.memory_space<vmem_shared>> -> memref<40x128xf32, #tpu.memory_space<vmem_shared>>
        %dma_start3A_317 = arith.constant 0 : i32
        %dma_start3A_318 = arith.constant 0 : i32
        %dma_start3A_319 = tpu.memref_slice %arg14[%dma_start3A_317, %dma_start3A_318] : memref<64x128xf32, #tpu.memory_space<vmem>> -> memref<40x128xf32, #tpu.memory_space<vmem>>
        tpu.enqueue_dma source(%dma_start3A_319 : memref<40x128xf32, #tpu.memory_space<vmem>>) target(%dma_start3A_316 : memref<40x128xf32, #tpu.memory_space<vmem_shared>>) target_semaphore(%run_scoped3A : memref<!tpu.dma_semaphore, #tpu.memory_space<semaphore_mem>>)
        %dma_wait3A = arith.constant 0 : i32
        %dma_wait3A_320 = arith.constant 0 : i32
        %dma_wait3A_321 = tpu.memref_slice %arg14[%dma_wait3A, %dma_wait3A_320] : memref<64x128xf32, #tpu.memory_space<vmem>> -> memref<40x128xf32, #tpu.memory_space<vmem>>
        %dma_wait3A_322 = arith.constant 0 : i32
        %dma_wait3A_323 = tpu.memref_slice %arg10[%mul3A_310, %dma_wait3A_322] : memref<5008x128xf32, #tpu.memory_space<vmem_shared>> -> memref<40x128xf32, #tpu.memory_space<vmem_shared>>
        %dma_wait3A_324 = arith.constant 0 : i32
        %dma_wait3A_325 = tpu.memref_slice %arg10[%mul3A_310, %dma_wait3A_324] : memref<5008x128xf32, #tpu.memory_space<vmem_shared>> -> memref<40x128xf32, #tpu.memory_space<vmem_shared>>
        %dma_wait3A_326 = arith.constant 0 : i32
        %dma_wait3A_327 = arith.constant 0 : i32
        %dma_wait3A_328 = tpu.memref_slice %arg14[%dma_wait3A_326, %dma_wait3A_327] : memref<64x128xf32, #tpu.memory_space<vmem>> -> memref<40x128xf32, #tpu.memory_space<vmem>>
        tpu.wait_dma2 semaphore(%run_scoped3A : memref<!tpu.dma_semaphore, #tpu.memory_space<semaphore_mem>>) src(%dma_wait3A_328 : memref<40x128xf32, #tpu.memory_space<vmem>>) dst(%dma_wait3A_325 : memref<40x128xf32, #tpu.memory_space<vmem_shared>>)
        tpu.yield
      }) : () -> ()
    } else {
    }
    %mul3A_18 = arith.constant 8 : i32
    %mul3A_19 = arith.muli %arg1, %mul3A_18 : i32
    %add3A_20 = arith.constant 2 : i32
    %add3A_21 = arith.addi %mul3A_19, %add3A_20 : i32
    %lt3A_22 = arith.constant 125 : i32
    %lt3A_23 = arith.cmpi slt, %add3A_21, %lt3A_22 : i32
    %convert_element_type3A_24 = arith.extui %lt3A_23 : i1 to i32
    %cond3A_25 = arith.constant 0 : i32
    %cond3A_26 = arith.cmpi ne, %convert_element_type3A_24, %cond3A_25 : i32
    scf.if %cond3A_26 {
      %mul3A_309 = arith.constant 40 : i32
      %mul3A_310 = arith.muli %add3A_21, %mul3A_309 : i32
      "tpu.region"() ({
        %run_scoped3A = tpu.sem_alloc : memref<!tpu.dma_semaphore, #tpu.memory_space<semaphore_mem>>
        %dma_start3A = arith.constant 0 : i32
        %dma_start3A_311 = arith.constant 0 : i32
        %dma_start3A_312 = tpu.memref_slice %arg14[%dma_start3A, %dma_start3A_311] : memref<64x128xf32, #tpu.memory_space<vmem>> -> memref<40x128xf32, #tpu.memory_space<vmem>>
        %dma_start3A_313 = arith.constant 0 : i32
        %dma_start3A_314 = tpu.memref_slice %arg10[%mul3A_310, %dma_start3A_313] : memref<5008x128xf32, #tpu.memory_space<vmem_shared>> -> memref<40x128xf32, #tpu.memory_space<vmem_shared>>
        %dma_start3A_315 = arith.constant 0 : i32
        %dma_start3A_316 = tpu.memref_slice %arg10[%mul3A_310, %dma_start3A_315] : memref<5008x128xf32, #tpu.memory_space<vmem_shared>> -> memref<40x128xf32, #tpu.memory_space<vmem_shared>>
        %dma_start3A_317 = arith.constant 0 : i32
        %dma_start3A_318 = arith.constant 0 : i32
        %dma_start3A_319 = tpu.memref_slice %arg14[%dma_start3A_317, %dma_start3A_318] : memref<64x128xf32, #tpu.memory_space<vmem>> -> memref<40x128xf32, #tpu.memory_space<vmem>>
        tpu.enqueue_dma source(%dma_start3A_319 : memref<40x128xf32, #tpu.memory_space<vmem>>) target(%dma_start3A_316 : memref<40x128xf32, #tpu.memory_space<vmem_shared>>) target_semaphore(%run_scoped3A : memref<!tpu.dma_semaphore, #tpu.memory_space<semaphore_mem>>)
        %dma_wait3A = arith.constant 0 : i32
        %dma_wait3A_320 = arith.constant 0 : i32
        %dma_wait3A_321 = tpu.memref_slice %arg14[%dma_wait3A, %dma_wait3A_320] : memref<64x128xf32, #tpu.memory_space<vmem>> -> memref<40x128xf32, #tpu.memory_space<vmem>>
        %dma_wait3A_322 = arith.constant 0 : i32
        %dma_wait3A_323 = tpu.memref_slice %arg10[%mul3A_310, %dma_wait3A_322] : memref<5008x128xf32, #tpu.memory_space<vmem_shared>> -> memref<40x128xf32, #tpu.memory_space<vmem_shared>>
        %dma_wait3A_324 = arith.constant 0 : i32
        %dma_wait3A_325 = tpu.memref_slice %arg10[%mul3A_310, %dma_wait3A_324] : memref<5008x128xf32, #tpu.memory_space<vmem_shared>> -> memref<40x128xf32, #tpu.memory_space<vmem_shared>>
        %dma_wait3A_326 = arith.constant 0 : i32
        %dma_wait3A_327 = arith.constant 0 : i32
        %dma_wait3A_328 = tpu.memref_slice %arg14[%dma_wait3A_326, %dma_wait3A_327] : memref<64x128xf32, #tpu.memory_space<vmem>> -> memref<40x128xf32, #tpu.memory_space<vmem>>
        tpu.wait_dma2 semaphore(%run_scoped3A : memref<!tpu.dma_semaphore, #tpu.memory_space<semaphore_mem>>) src(%dma_wait3A_328 : memref<40x128xf32, #tpu.memory_space<vmem>>) dst(%dma_wait3A_325 : memref<40x128xf32, #tpu.memory_space<vmem_shared>>)
        tpu.yield
      }) : () -> ()
    } else {
    }
    %mul3A_27 = arith.constant 8 : i32
    %mul3A_28 = arith.muli %arg1, %mul3A_27 : i32
    %add3A_29 = arith.constant 3 : i32
    %add3A_30 = arith.addi %mul3A_28, %add3A_29 : i32
    %lt3A_31 = arith.constant 125 : i32
    %lt3A_32 = arith.cmpi slt, %add3A_30, %lt3A_31 : i32
    %convert_element_type3A_33 = arith.extui %lt3A_32 : i1 to i32
    %cond3A_34 = arith.constant 0 : i32
    %cond3A_35 = arith.cmpi ne, %convert_element_type3A_33, %cond3A_34 : i32
    scf.if %cond3A_35 {
      %mul3A_309 = arith.constant 40 : i32
      %mul3A_310 = arith.muli %add3A_30, %mul3A_309 : i32
      "tpu.region"() ({
        %run_scoped3A = tpu.sem_alloc : memref<!tpu.dma_semaphore, #tpu.memory_space<semaphore_mem>>
        %dma_start3A = arith.constant 0 : i32
        %dma_start3A_311 = arith.constant 0 : i32
        %dma_start3A_312 = tpu.memref_slice %arg14[%dma_start3A, %dma_start3A_311] : memref<64x128xf32, #tpu.memory_space<vmem>> -> memref<40x128xf32, #tpu.memory_space<vmem>>
        %dma_start3A_313 = arith.constant 0 : i32
        %dma_start3A_314 = tpu.memref_slice %arg10[%mul3A_310, %dma_start3A_313] : memref<5008x128xf32, #tpu.memory_space<vmem_shared>> -> memref<40x128xf32, #tpu.memory_space<vmem_shared>>
        %dma_start3A_315 = arith.constant 0 : i32
        %dma_start3A_316 = tpu.memref_slice %arg10[%mul3A_310, %dma_start3A_315] : memref<5008x128xf32, #tpu.memory_space<vmem_shared>> -> memref<40x128xf32, #tpu.memory_space<vmem_shared>>
        %dma_start3A_317 = arith.constant 0 : i32
        %dma_start3A_318 = arith.constant 0 : i32
        %dma_start3A_319 = tpu.memref_slice %arg14[%dma_start3A_317, %dma_start3A_318] : memref<64x128xf32, #tpu.memory_space<vmem>> -> memref<40x128xf32, #tpu.memory_space<vmem>>
        tpu.enqueue_dma source(%dma_start3A_319 : memref<40x128xf32, #tpu.memory_space<vmem>>) target(%dma_start3A_316 : memref<40x128xf32, #tpu.memory_space<vmem_shared>>) target_semaphore(%run_scoped3A : memref<!tpu.dma_semaphore, #tpu.memory_space<semaphore_mem>>)
        %dma_wait3A = arith.constant 0 : i32
        %dma_wait3A_320 = arith.constant 0 : i32
        %dma_wait3A_321 = tpu.memref_slice %arg14[%dma_wait3A, %dma_wait3A_320] : memref<64x128xf32, #tpu.memory_space<vmem>> -> memref<40x128xf32, #tpu.memory_space<vmem>>
        %dma_wait3A_322 = arith.constant 0 : i32
        %dma_wait3A_323 = tpu.memref_slice %arg10[%mul3A_310, %dma_wait3A_322] : memref<5008x128xf32, #tpu.memory_space<vmem_shared>> -> memref<40x128xf32, #tpu.memory_space<vmem_shared>>
        %dma_wait3A_324 = arith.constant 0 : i32
        %dma_wait3A_325 = tpu.memref_slice %arg10[%mul3A_310, %dma_wait3A_324] : memref<5008x128xf32, #tpu.memory_space<vmem_shared>> -> memref<40x128xf32, #tpu.memory_space<vmem_shared>>
        %dma_wait3A_326 = arith.constant 0 : i32
        %dma_wait3A_327 = arith.constant 0 : i32
        %dma_wait3A_328 = tpu.memref_slice %arg14[%dma_wait3A_326, %dma_wait3A_327] : memref<64x128xf32, #tpu.memory_space<vmem>> -> memref<40x128xf32, #tpu.memory_space<vmem>>
        tpu.wait_dma2 semaphore(%run_scoped3A : memref<!tpu.dma_semaphore, #tpu.memory_space<semaphore_mem>>) src(%dma_wait3A_328 : memref<40x128xf32, #tpu.memory_space<vmem>>) dst(%dma_wait3A_325 : memref<40x128xf32, #tpu.memory_space<vmem_shared>>)
        tpu.yield
      }) : () -> ()
    } else {
    }
    %mul3A_36 = arith.constant 8 : i32
    %mul3A_37 = arith.muli %arg1, %mul3A_36 : i32
    %add3A_38 = arith.constant 4 : i32
    %add3A_39 = arith.addi %mul3A_37, %add3A_38 : i32
    %lt3A_40 = arith.constant 125 : i32
    %lt3A_41 = arith.cmpi slt, %add3A_39, %lt3A_40 : i32
    %convert_element_type3A_42 = arith.extui %lt3A_41 : i1 to i32
    %cond3A_43 = arith.constant 0 : i32
    %cond3A_44 = arith.cmpi ne, %convert_element_type3A_42, %cond3A_43 : i32
    scf.if %cond3A_44 {
      %mul3A_309 = arith.constant 40 : i32
      %mul3A_310 = arith.muli %add3A_39, %mul3A_309 : i32
      "tpu.region"() ({
        %run_scoped3A = tpu.sem_alloc : memref<!tpu.dma_semaphore, #tpu.memory_space<semaphore_mem>>
        %dma_start3A = arith.constant 0 : i32
        %dma_start3A_311 = arith.constant 0 : i32
        %dma_start3A_312 = tpu.memref_slice %arg14[%dma_start3A, %dma_start3A_311] : memref<64x128xf32, #tpu.memory_space<vmem>> -> memref<40x128xf32, #tpu.memory_space<vmem>>
        %dma_start3A_313 = arith.constant 0 : i32
        %dma_start3A_314 = tpu.memref_slice %arg10[%mul3A_310, %dma_start3A_313] : memref<5008x128xf32, #tpu.memory_space<vmem_shared>> -> memref<40x128xf32, #tpu.memory_space<vmem_shared>>
        %dma_start3A_315 = arith.constant 0 : i32
        %dma_start3A_316 = tpu.memref_slice %arg10[%mul3A_310, %dma_start3A_315] : memref<5008x128xf32, #tpu.memory_space<vmem_shared>> -> memref<40x128xf32, #tpu.memory_space<vmem_shared>>
        %dma_start3A_317 = arith.constant 0 : i32
        %dma_start3A_318 = arith.constant 0 : i32
        %dma_start3A_319 = tpu.memref_slice %arg14[%dma_start3A_317, %dma_start3A_318] : memref<64x128xf32, #tpu.memory_space<vmem>> -> memref<40x128xf32, #tpu.memory_space<vmem>>
        tpu.enqueue_dma source(%dma_start3A_319 : memref<40x128xf32, #tpu.memory_space<vmem>>) target(%dma_start3A_316 : memref<40x128xf32, #tpu.memory_space<vmem_shared>>) target_semaphore(%run_scoped3A : memref<!tpu.dma_semaphore, #tpu.memory_space<semaphore_mem>>)
        %dma_wait3A = arith.constant 0 : i32
        %dma_wait3A_320 = arith.constant 0 : i32
        %dma_wait3A_321 = tpu.memref_slice %arg14[%dma_wait3A, %dma_wait3A_320] : memref<64x128xf32, #tpu.memory_space<vmem>> -> memref<40x128xf32, #tpu.memory_space<vmem>>
        %dma_wait3A_322 = arith.constant 0 : i32
        %dma_wait3A_323 = tpu.memref_slice %arg10[%mul3A_310, %dma_wait3A_322] : memref<5008x128xf32, #tpu.memory_space<vmem_shared>> -> memref<40x128xf32, #tpu.memory_space<vmem_shared>>
        %dma_wait3A_324 = arith.constant 0 : i32
        %dma_wait3A_325 = tpu.memref_slice %arg10[%mul3A_310, %dma_wait3A_324] : memref<5008x128xf32, #tpu.memory_space<vmem_shared>> -> memref<40x128xf32, #tpu.memory_space<vmem_shared>>
        %dma_wait3A_326 = arith.constant 0 : i32
        %dma_wait3A_327 = arith.constant 0 : i32
        %dma_wait3A_328 = tpu.memref_slice %arg14[%dma_wait3A_326, %dma_wait3A_327] : memref<64x128xf32, #tpu.memory_space<vmem>> -> memref<40x128xf32, #tpu.memory_space<vmem>>
        tpu.wait_dma2 semaphore(%run_scoped3A : memref<!tpu.dma_semaphore, #tpu.memory_space<semaphore_mem>>) src(%dma_wait3A_328 : memref<40x128xf32, #tpu.memory_space<vmem>>) dst(%dma_wait3A_325 : memref<40x128xf32, #tpu.memory_space<vmem_shared>>)
        tpu.yield
      }) : () -> ()
    } else {
    }
    %mul3A_45 = arith.constant 8 : i32
    %mul3A_46 = arith.muli %arg1, %mul3A_45 : i32
    %add3A_47 = arith.constant 5 : i32
    %add3A_48 = arith.addi %mul3A_46, %add3A_47 : i32
    %lt3A_49 = arith.constant 125 : i32
    %lt3A_50 = arith.cmpi slt, %add3A_48, %lt3A_49 : i32
    %convert_element_type3A_51 = arith.extui %lt3A_50 : i1 to i32
    %cond3A_52 = arith.constant 0 : i32
    %cond3A_53 = arith.cmpi ne, %convert_element_type3A_51, %cond3A_52 : i32
    scf.if %cond3A_53 {
      %mul3A_309 = arith.constant 40 : i32
      %mul3A_310 = arith.muli %add3A_48, %mul3A_309 : i32
      "tpu.region"() ({
        %run_scoped3A = tpu.sem_alloc : memref<!tpu.dma_semaphore, #tpu.memory_space<semaphore_mem>>
        %dma_start3A = arith.constant 0 : i32
        %dma_start3A_311 = arith.constant 0 : i32
        %dma_start3A_312 = tpu.memref_slice %arg14[%dma_start3A, %dma_start3A_311] : memref<64x128xf32, #tpu.memory_space<vmem>> -> memref<40x128xf32, #tpu.memory_space<vmem>>
        %dma_start3A_313 = arith.constant 0 : i32
        %dma_start3A_314 = tpu.memref_slice %arg10[%mul3A_310, %dma_start3A_313] : memref<5008x128xf32, #tpu.memory_space<vmem_shared>> -> memref<40x128xf32, #tpu.memory_space<vmem_shared>>
        %dma_start3A_315 = arith.constant 0 : i32
        %dma_start3A_316 = tpu.memref_slice %arg10[%mul3A_310, %dma_start3A_315] : memref<5008x128xf32, #tpu.memory_space<vmem_shared>> -> memref<40x128xf32, #tpu.memory_space<vmem_shared>>
        %dma_start3A_317 = arith.constant 0 : i32
        %dma_start3A_318 = arith.constant 0 : i32
        %dma_start3A_319 = tpu.memref_slice %arg14[%dma_start3A_317, %dma_start3A_318] : memref<64x128xf32, #tpu.memory_space<vmem>> -> memref<40x128xf32, #tpu.memory_space<vmem>>
        tpu.enqueue_dma source(%dma_start3A_319 : memref<40x128xf32, #tpu.memory_space<vmem>>) target(%dma_start3A_316 : memref<40x128xf32, #tpu.memory_space<vmem_shared>>) target_semaphore(%run_scoped3A : memref<!tpu.dma_semaphore, #tpu.memory_space<semaphore_mem>>)
        %dma_wait3A = arith.constant 0 : i32
        %dma_wait3A_320 = arith.constant 0 : i32
        %dma_wait3A_321 = tpu.memref_slice %arg14[%dma_wait3A, %dma_wait3A_320] : memref<64x128xf32, #tpu.memory_space<vmem>> -> memref<40x128xf32, #tpu.memory_space<vmem>>
        %dma_wait3A_322 = arith.constant 0 : i32
        %dma_wait3A_323 = tpu.memref_slice %arg10[%mul3A_310, %dma_wait3A_322] : memref<5008x128xf32, #tpu.memory_space<vmem_shared>> -> memref<40x128xf32, #tpu.memory_space<vmem_shared>>
        %dma_wait3A_324 = arith.constant 0 : i32
        %dma_wait3A_325 = tpu.memref_slice %arg10[%mul3A_310, %dma_wait3A_324] : memref<5008x128xf32, #tpu.memory_space<vmem_shared>> -> memref<40x128xf32, #tpu.memory_space<vmem_shared>>
        %dma_wait3A_326 = arith.constant 0 : i32
        %dma_wait3A_327 = arith.constant 0 : i32
        %dma_wait3A_328 = tpu.memref_slice %arg14[%dma_wait3A_326, %dma_wait3A_327] : memref<64x128xf32, #tpu.memory_space<vmem>> -> memref<40x128xf32, #tpu.memory_space<vmem>>
        tpu.wait_dma2 semaphore(%run_scoped3A : memref<!tpu.dma_semaphore, #tpu.memory_space<semaphore_mem>>) src(%dma_wait3A_328 : memref<40x128xf32, #tpu.memory_space<vmem>>) dst(%dma_wait3A_325 : memref<40x128xf32, #tpu.memory_space<vmem_shared>>)
        tpu.yield
      }) : () -> ()
    } else {
    }
    %mul3A_54 = arith.constant 8 : i32
    %mul3A_55 = arith.muli %arg1, %mul3A_54 : i32
    %add3A_56 = arith.constant 6 : i32
    %add3A_57 = arith.addi %mul3A_55, %add3A_56 : i32
    %lt3A_58 = arith.constant 125 : i32
    %lt3A_59 = arith.cmpi slt, %add3A_57, %lt3A_58 : i32
    %convert_element_type3A_60 = arith.extui %lt3A_59 : i1 to i32
    %cond3A_61 = arith.constant 0 : i32
    %cond3A_62 = arith.cmpi ne, %convert_element_type3A_60, %cond3A_61 : i32
    scf.if %cond3A_62 {
      %mul3A_309 = arith.constant 40 : i32
      %mul3A_310 = arith.muli %add3A_57, %mul3A_309 : i32
      "tpu.region"() ({
        %run_scoped3A = tpu.sem_alloc : memref<!tpu.dma_semaphore, #tpu.memory_space<semaphore_mem>>
        %dma_start3A = arith.constant 0 : i32
        %dma_start3A_311 = arith.constant 0 : i32
        %dma_start3A_312 = tpu.memref_slice %arg14[%dma_start3A, %dma_start3A_311] : memref<64x128xf32, #tpu.memory_space<vmem>> -> memref<40x128xf32, #tpu.memory_space<vmem>>
        %dma_start3A_313 = arith.constant 0 : i32
        %dma_start3A_314 = tpu.memref_slice %arg10[%mul3A_310, %dma_start3A_313] : memref<5008x128xf32, #tpu.memory_space<vmem_shared>> -> memref<40x128xf32, #tpu.memory_space<vmem_shared>>
        %dma_start3A_315 = arith.constant 0 : i32
        %dma_start3A_316 = tpu.memref_slice %arg10[%mul3A_310, %dma_start3A_315] : memref<5008x128xf32, #tpu.memory_space<vmem_shared>> -> memref<40x128xf32, #tpu.memory_space<vmem_shared>>
        %dma_start3A_317 = arith.constant 0 : i32
        %dma_start3A_318 = arith.constant 0 : i32
        %dma_start3A_319 = tpu.memref_slice %arg14[%dma_start3A_317, %dma_start3A_318] : memref<64x128xf32, #tpu.memory_space<vmem>> -> memref<40x128xf32, #tpu.memory_space<vmem>>
        tpu.enqueue_dma source(%dma_start3A_319 : memref<40x128xf32, #tpu.memory_space<vmem>>) target(%dma_start3A_316 : memref<40x128xf32, #tpu.memory_space<vmem_shared>>) target_semaphore(%run_scoped3A : memref<!tpu.dma_semaphore, #tpu.memory_space<semaphore_mem>>)
        %dma_wait3A = arith.constant 0 : i32
        %dma_wait3A_320 = arith.constant 0 : i32
        %dma_wait3A_321 = tpu.memref_slice %arg14[%dma_wait3A, %dma_wait3A_320] : memref<64x128xf32, #tpu.memory_space<vmem>> -> memref<40x128xf32, #tpu.memory_space<vmem>>
        %dma_wait3A_322 = arith.constant 0 : i32
        %dma_wait3A_323 = tpu.memref_slice %arg10[%mul3A_310, %dma_wait3A_322] : memref<5008x128xf32, #tpu.memory_space<vmem_shared>> -> memref<40x128xf32, #tpu.memory_space<vmem_shared>>
        %dma_wait3A_324 = arith.constant 0 : i32
        %dma_wait3A_325 = tpu.memref_slice %arg10[%mul3A_310, %dma_wait3A_324] : memref<5008x128xf32, #tpu.memory_space<vmem_shared>> -> memref<40x128xf32, #tpu.memory_space<vmem_shared>>
        %dma_wait3A_326 = arith.constant 0 : i32
        %dma_wait3A_327 = arith.constant 0 : i32
        %dma_wait3A_328 = tpu.memref_slice %arg14[%dma_wait3A_326, %dma_wait3A_327] : memref<64x128xf32, #tpu.memory_space<vmem>> -> memref<40x128xf32, #tpu.memory_space<vmem>>
        tpu.wait_dma2 semaphore(%run_scoped3A : memref<!tpu.dma_semaphore, #tpu.memory_space<semaphore_mem>>) src(%dma_wait3A_328 : memref<40x128xf32, #tpu.memory_space<vmem>>) dst(%dma_wait3A_325 : memref<40x128xf32, #tpu.memory_space<vmem_shared>>)
        tpu.yield
      }) : () -> ()
    } else {
    }
    %mul3A_63 = arith.constant 8 : i32
    %mul3A_64 = arith.muli %arg1, %mul3A_63 : i32
    %add3A_65 = arith.constant 7 : i32
    %add3A_66 = arith.addi %mul3A_64, %add3A_65 : i32
    %lt3A_67 = arith.constant 125 : i32
    %lt3A_68 = arith.cmpi slt, %add3A_66, %lt3A_67 : i32
    %convert_element_type3A_69 = arith.extui %lt3A_68 : i1 to i32
    %cond3A_70 = arith.constant 0 : i32
    %cond3A_71 = arith.cmpi ne, %convert_element_type3A_69, %cond3A_70 : i32
    scf.if %cond3A_71 {
      %mul3A_309 = arith.constant 40 : i32
      %mul3A_310 = arith.muli %add3A_66, %mul3A_309 : i32
      "tpu.region"() ({
        %run_scoped3A = tpu.sem_alloc : memref<!tpu.dma_semaphore, #tpu.memory_space<semaphore_mem>>
        %dma_start3A = arith.constant 0 : i32
        %dma_start3A_311 = arith.constant 0 : i32
        %dma_start3A_312 = tpu.memref_slice %arg14[%dma_start3A, %dma_start3A_311] : memref<64x128xf32, #tpu.memory_space<vmem>> -> memref<40x128xf32, #tpu.memory_space<vmem>>
        %dma_start3A_313 = arith.constant 0 : i32
        %dma_start3A_314 = tpu.memref_slice %arg10[%mul3A_310, %dma_start3A_313] : memref<5008x128xf32, #tpu.memory_space<vmem_shared>> -> memref<40x128xf32, #tpu.memory_space<vmem_shared>>
        %dma_start3A_315 = arith.constant 0 : i32
        %dma_start3A_316 = tpu.memref_slice %arg10[%mul3A_310, %dma_start3A_315] : memref<5008x128xf32, #tpu.memory_space<vmem_shared>> -> memref<40x128xf32, #tpu.memory_space<vmem_shared>>
        %dma_start3A_317 = arith.constant 0 : i32
        %dma_start3A_318 = arith.constant 0 : i32
        %dma_start3A_319 = tpu.memref_slice %arg14[%dma_start3A_317, %dma_start3A_318] : memref<64x128xf32, #tpu.memory_space<vmem>> -> memref<40x128xf32, #tpu.memory_space<vmem>>
        tpu.enqueue_dma source(%dma_start3A_319 : memref<40x128xf32, #tpu.memory_space<vmem>>) target(%dma_start3A_316 : memref<40x128xf32, #tpu.memory_space<vmem_shared>>) target_semaphore(%run_scoped3A : memref<!tpu.dma_semaphore, #tpu.memory_space<semaphore_mem>>)
        %dma_wait3A = arith.constant 0 : i32
        %dma_wait3A_320 = arith.constant 0 : i32
        %dma_wait3A_321 = tpu.memref_slice %arg14[%dma_wait3A, %dma_wait3A_320] : memref<64x128xf32, #tpu.memory_space<vmem>> -> memref<40x128xf32, #tpu.memory_space<vmem>>
        %dma_wait3A_322 = arith.constant 0 : i32
        %dma_wait3A_323 = tpu.memref_slice %arg10[%mul3A_310, %dma_wait3A_322] : memref<5008x128xf32, #tpu.memory_space<vmem_shared>> -> memref<40x128xf32, #tpu.memory_space<vmem_shared>>
        %dma_wait3A_324 = arith.constant 0 : i32
        %dma_wait3A_325 = tpu.memref_slice %arg10[%mul3A_310, %dma_wait3A_324] : memref<5008x128xf32, #tpu.memory_space<vmem_shared>> -> memref<40x128xf32, #tpu.memory_space<vmem_shared>>
        %dma_wait3A_326 = arith.constant 0 : i32
        %dma_wait3A_327 = arith.constant 0 : i32
        %dma_wait3A_328 = tpu.memref_slice %arg14[%dma_wait3A_326, %dma_wait3A_327] : memref<64x128xf32, #tpu.memory_space<vmem>> -> memref<40x128xf32, #tpu.memory_space<vmem>>
        tpu.wait_dma2 semaphore(%run_scoped3A : memref<!tpu.dma_semaphore, #tpu.memory_space<semaphore_mem>>) src(%dma_wait3A_328 : memref<40x128xf32, #tpu.memory_space<vmem>>) dst(%dma_wait3A_325 : memref<40x128xf32, #tpu.memory_space<vmem_shared>>)
        tpu.yield
      }) : () -> ()
    } else {
    }
    %barrier3A = arith.constant 0 : index
    tpu.barrier barrier_id(%barrier3A)
    %scan3A_72 = arith.constant 0 : i32
    %scan3A_73 = arith.constant 0 : i32
    %scan3A_74 = arith.constant 157 : i32
    %scan3A_75 = arith.addi %scan3A_73, %scan3A_74 : i32
    %scan3A_76 = arith.constant 1 : i32
    scf.for %scan3A_309 = %scan3A_73 to %scan3A_75 step %scan3A_76  : i32 {
      %mul3A_310 = arith.constant 157 : i32
      %mul3A_311 = arith.muli %arg1, %mul3A_310 : i32
      %add3A_312 = arith.addi %mul3A_311, %scan3A_309 : i32
      %lt3A_313 = arith.constant 2500 : i32
      %lt3A_314 = arith.cmpi slt, %add3A_312, %lt3A_313 : i32
      %convert_element_type3A_315 = arith.extui %lt3A_314 : i1 to i32
      %cond3A_316 = arith.constant 0 : i32
      %cond3A_317 = arith.cmpi ne, %convert_element_type3A_315, %cond3A_316 : i32
      scf.if %cond3A_317 {
        %mul3A_318 = arith.constant 160000 : i32
        %mul3A_319 = arith.muli %arg0, %mul3A_318 : i32
        %mul3A_320 = arith.constant 64 : i32
        %mul3A_321 = arith.muli %add3A_312, %mul3A_320 : i32
        %add3A_322 = arith.addi %mul3A_319, %mul3A_321 : i32
        %add3A_323 = arith.constant 0 : i32
        %add3A_324 = arith.addi %add3A_323, %add3A_322 : i32
        "tpu.region"() ({
          %run_scoped3A = tpu.sem_alloc : memref<!tpu.dma_semaphore, #tpu.memory_space<semaphore_mem>>
          %dma_start3A_349 = tpu.memref_slice %arg7[%add3A_324] : memref<640000xi32, #tpu.memory_space<hbm>> -> memref<64xi32, #tpu.memory_space<hbm>>
          %dma_start3A_350 = tpu.memref_slice %arg7[%add3A_324] : memref<640000xi32, #tpu.memory_space<hbm>> -> memref<64xi32, #tpu.memory_space<hbm>>
          tpu.enqueue_dma source(%dma_start3A_350 : memref<64xi32, #tpu.memory_space<hbm>>) target(%arg13 : memref<64xi32, #tpu.memory_space<vmem>>) target_semaphore(%run_scoped3A : memref<!tpu.dma_semaphore, #tpu.memory_space<semaphore_mem>>)
          %dma_wait3A_351 = tpu.memref_slice %arg7[%add3A_324] : memref<640000xi32, #tpu.memory_space<hbm>> -> memref<64xi32, #tpu.memory_space<hbm>>
          %dma_wait3A_352 = tpu.memref_slice %arg7[%add3A_324] : memref<640000xi32, #tpu.memory_space<hbm>> -> memref<64xi32, #tpu.memory_space<hbm>>
          tpu.wait_dma2 semaphore(%run_scoped3A : memref<!tpu.dma_semaphore, #tpu.memory_space<semaphore_mem>>) src(%dma_wait3A_352 : memref<64xi32, #tpu.memory_space<hbm>>) dst(%arg13 : memref<64xi32, #tpu.memory_space<vmem>>)
          tpu.yield
        }) : () -> ()
        "tpu.region"() ({
          %run_scoped3A = tpu.sem_alloc : memref<!tpu.dma_semaphore, #tpu.memory_space<semaphore_mem>>
          %dma_start3A_349 = tpu.memref_slice %arg5[%add3A_322] : memref<320000xi32, #tpu.memory_space<hbm>> -> memref<64xi32, #tpu.memory_space<hbm>>
          %dma_start3A_350 = tpu.memref_slice %arg5[%add3A_322] : memref<320000xi32, #tpu.memory_space<hbm>> -> memref<64xi32, #tpu.memory_space<hbm>>
          tpu.enqueue_dma source(%dma_start3A_350 : memref<64xi32, #tpu.memory_space<hbm>>) target(%arg11 : memref<64xi32, #tpu.memory_space<vmem>>) target_semaphore(%run_scoped3A : memref<!tpu.dma_semaphore, #tpu.memory_space<semaphore_mem>>)
          %dma_wait3A_351 = tpu.memref_slice %arg5[%add3A_322] : memref<320000xi32, #tpu.memory_space<hbm>> -> memref<64xi32, #tpu.memory_space<hbm>>
          %dma_wait3A_352 = tpu.memref_slice %arg5[%add3A_322] : memref<320000xi32, #tpu.memory_space<hbm>> -> memref<64xi32, #tpu.memory_space<hbm>>
          tpu.wait_dma2 semaphore(%run_scoped3A : memref<!tpu.dma_semaphore, #tpu.memory_space<semaphore_mem>>) src(%dma_wait3A_352 : memref<64xi32, #tpu.memory_space<hbm>>) dst(%arg11 : memref<64xi32, #tpu.memory_space<vmem>>)
          tpu.yield
        }) : () -> ()
        "tpu.region"() ({
          %run_scoped3A = tpu.sem_alloc : memref<!tpu.dma_semaphore, #tpu.memory_space<semaphore_mem>>
          %dma_start3A_349 = tpu.memref_slice %arg6[%add3A_322] : memref<320000xi32, #tpu.memory_space<hbm>> -> memref<64xi32, #tpu.memory_space<hbm>>
          %dma_start3A_350 = tpu.memref_slice %arg6[%add3A_322] : memref<320000xi32, #tpu.memory_space<hbm>> -> memref<64xi32, #tpu.memory_space<hbm>>
          tpu.enqueue_dma source(%dma_start3A_350 : memref<64xi32, #tpu.memory_space<hbm>>) target(%arg12 : memref<64xi32, #tpu.memory_space<vmem>>) target_semaphore(%run_scoped3A : memref<!tpu.dma_semaphore, #tpu.memory_space<semaphore_mem>>)
          %dma_wait3A_351 = tpu.memref_slice %arg6[%add3A_322] : memref<320000xi32, #tpu.memory_space<hbm>> -> memref<64xi32, #tpu.memory_space<hbm>>
          %dma_wait3A_352 = tpu.memref_slice %arg6[%add3A_322] : memref<320000xi32, #tpu.memory_space<hbm>> -> memref<64xi32, #tpu.memory_space<hbm>>
          tpu.wait_dma2 semaphore(%run_scoped3A : memref<!tpu.dma_semaphore, #tpu.memory_space<semaphore_mem>>) src(%dma_wait3A_352 : memref<64xi32, #tpu.memory_space<hbm>>) dst(%arg12 : memref<64xi32, #tpu.memory_space<vmem>>)
          tpu.yield
        }) : () -> ()
        %dma_start3A = arith.constant 0 : i32
        %dma_start3A_325 = arith.constant 0 : i32
        %dma_start3A_326 = tpu.memref_slice %arg3[%dma_start3A, %dma_start3A_325] : memref<10000x128xf32, #tpu.memory_space<hbm>> -> memref<10000x128xf32, #tpu.memory_space<hbm>>
        tpu.enqueue_indirect_dma source(%dma_start3A_326 : memref<10000x128xf32, #tpu.memory_space<hbm>>) target(%arg15 : memref<64x128xf32, #tpu.memory_space<vmem>>) offsets(%arg11 : memref<64xi32, #tpu.memory_space<vmem>>) semaphore(%arg17 : memref<!tpu.dma_semaphore, #tpu.memory_space<semaphore_mem>>)
        %dma_start3A_327 = arith.constant 0 : i32
        %dma_start3A_328 = arith.constant 0 : i32
        %dma_start3A_329 = tpu.memref_slice %arg4[%dma_start3A_327, %dma_start3A_328] : memref<10000x128xf32, #tpu.memory_space<hbm>> -> memref<10000x128xf32, #tpu.memory_space<hbm>>
        tpu.enqueue_indirect_dma source(%dma_start3A_329 : memref<10000x128xf32, #tpu.memory_space<hbm>>) target(%arg16 : memref<64x128xf32, #tpu.memory_space<vmem>>) offsets(%arg12 : memref<64xi32, #tpu.memory_space<vmem>>) semaphore(%arg18 : memref<!tpu.dma_semaphore, #tpu.memory_space<semaphore_mem>>)
        %dma_start3A_330 = arith.constant 0 : i32
        %dma_start3A_331 = tpu.memref_slice %arg2[%add3A_322, %dma_start3A_330] : memref<320000x128xf32, #tpu.memory_space<hbm>> -> memref<64x128xf32, #tpu.memory_space<hbm>>
        %dma_start3A_332 = arith.constant 0 : i32
        %dma_start3A_333 = tpu.memref_slice %arg2[%add3A_322, %dma_start3A_332] : memref<320000x128xf32, #tpu.memory_space<hbm>> -> memref<64x128xf32, #tpu.memory_space<hbm>>
        tpu.enqueue_dma source(%dma_start3A_333 : memref<64x128xf32, #tpu.memory_space<hbm>>) target(%arg14 : memref<64x128xf32, #tpu.memory_space<vmem>>) target_semaphore(%arg19 : memref<!tpu.dma_semaphore, #tpu.memory_space<semaphore_mem>>)
        %dma_wait3A = arith.constant 0 : i32
        %dma_wait3A_334 = arith.constant 0 : i32
        %dma_wait3A_335 = tpu.memref_slice %arg3[%dma_wait3A, %dma_wait3A_334] : memref<10000x128xf32, #tpu.memory_space<hbm>> -> memref<10000x128xf32, #tpu.memory_space<hbm>>
        tpu.wait_indirect_dma semaphore(%arg17 : memref<!tpu.dma_semaphore, #tpu.memory_space<semaphore_mem>>) src(%dma_wait3A_335 : memref<10000x128xf32, #tpu.memory_space<hbm>>) dst(%arg15 : memref<64x128xf32, #tpu.memory_space<vmem>>)
        %dma_wait3A_336 = arith.constant 0 : i32
        %dma_wait3A_337 = arith.constant 0 : i32
        %dma_wait3A_338 = tpu.memref_slice %arg4[%dma_wait3A_336, %dma_wait3A_337] : memref<10000x128xf32, #tpu.memory_space<hbm>> -> memref<10000x128xf32, #tpu.memory_space<hbm>>
        tpu.wait_indirect_dma semaphore(%arg18 : memref<!tpu.dma_semaphore, #tpu.memory_space<semaphore_mem>>) src(%dma_wait3A_338 : memref<10000x128xf32, #tpu.memory_space<hbm>>) dst(%arg16 : memref<64x128xf32, #tpu.memory_space<vmem>>)
        %dma_wait3A_339 = arith.constant 0 : i32
        %dma_wait3A_340 = tpu.memref_slice %arg2[%add3A_322, %dma_wait3A_339] : memref<320000x128xf32, #tpu.memory_space<hbm>> -> memref<64x128xf32, #tpu.memory_space<hbm>>
        %dma_wait3A_341 = arith.constant 0 : i32
        %dma_wait3A_342 = tpu.memref_slice %arg2[%add3A_322, %dma_wait3A_341] : memref<320000x128xf32, #tpu.memory_space<hbm>> -> memref<64x128xf32, #tpu.memory_space<hbm>>
        tpu.wait_dma2 semaphore(%arg19 : memref<!tpu.dma_semaphore, #tpu.memory_space<semaphore_mem>>) src(%dma_wait3A_342 : memref<64x128xf32, #tpu.memory_space<hbm>>) dst(%arg14 : memref<64x128xf32, #tpu.memory_space<vmem>>)
        %scan3A_343 = arith.constant 0 : i32
        %scan3A_344 = arith.constant 0 : i32
        %scan3A_345 = arith.constant 64 : i32
        %scan3A_346 = arith.addi %scan3A_344, %scan3A_345 : i32
        %scan3A_347 = arith.constant 1 : i32
        scf.for %scan3A_349 = %scan3A_344 to %scan3A_346 step %scan3A_347  : i32 {
          %get3A = arith.index_cast %scan3A_349 : i32 to index
          %get3A_350 = arith.constant 0 : index
          %get3A_351 = tpu.vector_load %arg14[%get3A, %get3A_350] {strides = array<i32>} : memref<64x128xf32, #tpu.memory_space<vmem>>, vector<1x16xf32>,
          %get3A_352 = vector.shape_cast %get3A_351 : vector<1x16xf32> to vector<16xf32>
          %get3A_353 = arith.index_cast %scan3A_349 : i32 to index
          %get3A_354 = arith.constant 0 : index
          %get3A_355 = tpu.vector_load %arg15[%get3A_353, %get3A_354] {strides = array<i32>} : memref<64x128xf32, #tpu.memory_space<vmem>>, vector<1x16xf32>,
          %get3A_356 = vector.shape_cast %get3A_355 : vector<1x16xf32> to vector<16xf32>
          %add3A_357 = arith.addf %get3A_352, %get3A_356 : vector<16xf32>
          %get3A_358 = arith.index_cast %scan3A_349 : i32 to index
          %get3A_359 = arith.constant 0 : index
          %get3A_360 = tpu.vector_load %arg16[%get3A_358, %get3A_359] {strides = array<i32>} : memref<64x128xf32, #tpu.memory_space<vmem>>, vector<1x16xf32>,
          %get3A_361 = vector.shape_cast %get3A_360 : vector<1x16xf32> to vector<16xf32>
          %add3A_362 = arith.addf %add3A_357, %get3A_361 : vector<16xf32>
          %max3A = arith.constant 0.000000e+00 : f32
          %max3A_363 = vector.broadcast %max3A : f32 to vector<16xf32>
          %max3A_364 = arith.maximumf %add3A_362, %max3A_363 : vector<16xf32>
          %swap3A = arith.index_cast %scan3A_349 : i32 to index
          %swap3A_365 = arith.constant 0 : index
          %swap3A_366 = tpu.vector_load %arg14[%swap3A, %swap3A_365] {strides = array<i32>} : memref<64x128xf32, #tpu.memory_space<vmem>>, vector<1x16xf32>,
          %swap3A_367 = vector.shape_cast %swap3A_366 : vector<1x16xf32> to vector<16xf32>
          %swap3A_368 = vector.shape_cast %max3A_364 : vector<16xf32> to vector<1x16xf32>
          tpu.vector_store %arg14[%swap3A, %swap3A_365], %swap3A_368 {strides = array<i32>} : memref<64x128xf32, #tpu.memory_space<vmem>>, vector<1x16xf32>,
          %get3A_369 = arith.index_cast %scan3A_349 : i32 to index
          %get3A_370 = arith.constant 16 : index
          %get3A_371 = tpu.vector_load %arg14[%get3A_369, %get3A_370] {strides = array<i32>} : memref<64x128xf32, #tpu.memory_space<vmem>>, vector<1x16xf32>,
          %get3A_372 = vector.shape_cast %get3A_371 : vector<1x16xf32> to vector<16xf32>
          %get3A_373 = arith.index_cast %scan3A_349 : i32 to index
          %get3A_374 = arith.constant 16 : index
          %get3A_375 = tpu.vector_load %arg15[%get3A_373, %get3A_374] {strides = array<i32>} : memref<64x128xf32, #tpu.memory_space<vmem>>, vector<1x16xf32>,
          %get3A_376 = vector.shape_cast %get3A_375 : vector<1x16xf32> to vector<16xf32>
          %add3A_377 = arith.addf %get3A_372, %get3A_376 : vector<16xf32>
          %get3A_378 = arith.index_cast %scan3A_349 : i32 to index
          %get3A_379 = arith.constant 16 : index
          %get3A_380 = tpu.vector_load %arg16[%get3A_378, %get3A_379] {strides = array<i32>} : memref<64x128xf32, #tpu.memory_space<vmem>>, vector<1x16xf32>,
          %get3A_381 = vector.shape_cast %get3A_380 : vector<1x16xf32> to vector<16xf32>
          %add3A_382 = arith.addf %add3A_377, %get3A_381 : vector<16xf32>
          %max3A_383 = arith.constant 0.000000e+00 : f32
          %max3A_384 = vector.broadcast %max3A_383 : f32 to vector<16xf32>
          %max3A_385 = arith.maximumf %add3A_382, %max3A_384 : vector<16xf32>
          %swap3A_386 = arith.index_cast %scan3A_349 : i32 to index
          %swap3A_387 = arith.constant 16 : index
          %swap3A_388 = tpu.vector_load %arg14[%swap3A_386, %swap3A_387] {strides = array<i32>} : memref<64x128xf32, #tpu.memory_space<vmem>>, vector<1x16xf32>,
          %swap3A_389 = vector.shape_cast %swap3A_388 : vector<1x16xf32> to vector<16xf32>
          %swap3A_390 = vector.shape_cast %max3A_385 : vector<16xf32> to vector<1x16xf32>
          tpu.vector_store %arg14[%swap3A_386, %swap3A_387], %swap3A_390 {strides = array<i32>} : memref<64x128xf32, #tpu.memory_space<vmem>>, vector<1x16xf32>,
          %get3A_391 = arith.index_cast %scan3A_349 : i32 to index
          %get3A_392 = arith.constant 32 : index
          %get3A_393 = tpu.vector_load %arg14[%get3A_391, %get3A_392] {strides = array<i32>} : memref<64x128xf32, #tpu.memory_space<vmem>>, vector<1x16xf32>,
          %get3A_394 = vector.shape_cast %get3A_393 : vector<1x16xf32> to vector<16xf32>
          %get3A_395 = arith.index_cast %scan3A_349 : i32 to index
          %get3A_396 = arith.constant 32 : index
          %get3A_397 = tpu.vector_load %arg15[%get3A_395, %get3A_396] {strides = array<i32>} : memref<64x128xf32, #tpu.memory_space<vmem>>, vector<1x16xf32>,
          %get3A_398 = vector.shape_cast %get3A_397 : vector<1x16xf32> to vector<16xf32>
          %add3A_399 = arith.addf %get3A_394, %get3A_398 : vector<16xf32>
          %get3A_400 = arith.index_cast %scan3A_349 : i32 to index
          %get3A_401 = arith.constant 32 : index
          %get3A_402 = tpu.vector_load %arg16[%get3A_400, %get3A_401] {strides = array<i32>} : memref<64x128xf32, #tpu.memory_space<vmem>>, vector<1x16xf32>,
          %get3A_403 = vector.shape_cast %get3A_402 : vector<1x16xf32> to vector<16xf32>
          %add3A_404 = arith.addf %add3A_399, %get3A_403 : vector<16xf32>
          %max3A_405 = arith.constant 0.000000e+00 : f32
          %max3A_406 = vector.broadcast %max3A_405 : f32 to vector<16xf32>
          %max3A_407 = arith.maximumf %add3A_404, %max3A_406 : vector<16xf32>
          %swap3A_408 = arith.index_cast %scan3A_349 : i32 to index
          %swap3A_409 = arith.constant 32 : index
          %swap3A_410 = tpu.vector_load %arg14[%swap3A_408, %swap3A_409] {strides = array<i32>} : memref<64x128xf32, #tpu.memory_space<vmem>>, vector<1x16xf32>,
          %swap3A_411 = vector.shape_cast %swap3A_410 : vector<1x16xf32> to vector<16xf32>
          %swap3A_412 = vector.shape_cast %max3A_407 : vector<16xf32> to vector<1x16xf32>
          tpu.vector_store %arg14[%swap3A_408, %swap3A_409], %swap3A_412 {strides = array<i32>} : memref<64x128xf32, #tpu.memory_space<vmem>>, vector<1x16xf32>,
          %get3A_413 = arith.index_cast %scan3A_349 : i32 to index
          %get3A_414 = arith.constant 48 : index
          %get3A_415 = tpu.vector_load %arg14[%get3A_413, %get3A_414] {strides = array<i32>} : memref<64x128xf32, #tpu.memory_space<vmem>>, vector<1x16xf32>,
          %get3A_416 = vector.shape_cast %get3A_415 : vector<1x16xf32> to vector<16xf32>
          %get3A_417 = arith.index_cast %scan3A_349 : i32 to index
          %get3A_418 = arith.constant 48 : index
          %get3A_419 = tpu.vector_load %arg15[%get3A_417, %get3A_418] {strides = array<i32>} : memref<64x128xf32, #tpu.memory_space<vmem>>, vector<1x16xf32>,
          %get3A_420 = vector.shape_cast %get3A_419 : vector<1x16xf32> to vector<16xf32>
          %add3A_421 = arith.addf %get3A_416, %get3A_420 : vector<16xf32>
          %get3A_422 = arith.index_cast %scan3A_349 : i32 to index
          %get3A_423 = arith.constant 48 : index
          %get3A_424 = tpu.vector_load %arg16[%get3A_422, %get3A_423] {strides = array<i32>} : memref<64x128xf32, #tpu.memory_space<vmem>>, vector<1x16xf32>,
          %get3A_425 = vector.shape_cast %get3A_424 : vector<1x16xf32> to vector<16xf32>
          %add3A_426 = arith.addf %add3A_421, %get3A_425 : vector<16xf32>
          %max3A_427 = arith.constant 0.000000e+00 : f32
          %max3A_428 = vector.broadcast %max3A_427 : f32 to vector<16xf32>
          %max3A_429 = arith.maximumf %add3A_426, %max3A_428 : vector<16xf32>
          %swap3A_430 = arith.index_cast %scan3A_349 : i32 to index
          %swap3A_431 = arith.constant 48 : index
          %swap3A_432 = tpu.vector_load %arg14[%swap3A_430, %swap3A_431] {strides = array<i32>} : memref<64x128xf32, #tpu.memory_space<vmem>>, vector<1x16xf32>,
          %swap3A_433 = vector.shape_cast %swap3A_432 : vector<1x16xf32> to vector<16xf32>
          %swap3A_434 = vector.shape_cast %max3A_429 : vector<16xf32> to vector<1x16xf32>
          tpu.vector_store %arg14[%swap3A_430, %swap3A_431], %swap3A_434 {strides = array<i32>} : memref<64x128xf32, #tpu.memory_space<vmem>>, vector<1x16xf32>,
          %get3A_435 = arith.index_cast %scan3A_349 : i32 to index
          %get3A_436 = arith.constant 64 : index
          %get3A_437 = tpu.vector_load %arg14[%get3A_435, %get3A_436] {strides = array<i32>} : memref<64x128xf32, #tpu.memory_space<vmem>>, vector<1x16xf32>,
          %get3A_438 = vector.shape_cast %get3A_437 : vector<1x16xf32> to vector<16xf32>
          %get3A_439 = arith.index_cast %scan3A_349 : i32 to index
          %get3A_440 = arith.constant 64 : index
          %get3A_441 = tpu.vector_load %arg15[%get3A_439, %get3A_440] {strides = array<i32>} : memref<64x128xf32, #tpu.memory_space<vmem>>, vector<1x16xf32>,
          %get3A_442 = vector.shape_cast %get3A_441 : vector<1x16xf32> to vector<16xf32>
          %add3A_443 = arith.addf %get3A_438, %get3A_442 : vector<16xf32>
          %get3A_444 = arith.index_cast %scan3A_349 : i32 to index
          %get3A_445 = arith.constant 64 : index
          %get3A_446 = tpu.vector_load %arg16[%get3A_444, %get3A_445] {strides = array<i32>} : memref<64x128xf32, #tpu.memory_space<vmem>>, vector<1x16xf32>,
          %get3A_447 = vector.shape_cast %get3A_446 : vector<1x16xf32> to vector<16xf32>
          %add3A_448 = arith.addf %add3A_443, %get3A_447 : vector<16xf32>
          %max3A_449 = arith.constant 0.000000e+00 : f32
          %max3A_450 = vector.broadcast %max3A_449 : f32 to vector<16xf32>
          %max3A_451 = arith.maximumf %add3A_448, %max3A_450 : vector<16xf32>
          %swap3A_452 = arith.index_cast %scan3A_349 : i32 to index
          %swap3A_453 = arith.constant 64 : index
          %swap3A_454 = tpu.vector_load %arg14[%swap3A_452, %swap3A_453] {strides = array<i32>} : memref<64x128xf32, #tpu.memory_space<vmem>>, vector<1x16xf32>,
          %swap3A_455 = vector.shape_cast %swap3A_454 : vector<1x16xf32> to vector<16xf32>
          %swap3A_456 = vector.shape_cast %max3A_451 : vector<16xf32> to vector<1x16xf32>
          tpu.vector_store %arg14[%swap3A_452, %swap3A_453], %swap3A_456 {strides = array<i32>} : memref<64x128xf32, #tpu.memory_space<vmem>>, vector<1x16xf32>,
          %get3A_457 = arith.index_cast %scan3A_349 : i32 to index
          %get3A_458 = arith.constant 80 : index
          %get3A_459 = tpu.vector_load %arg14[%get3A_457, %get3A_458] {strides = array<i32>} : memref<64x128xf32, #tpu.memory_space<vmem>>, vector<1x16xf32>,
          %get3A_460 = vector.shape_cast %get3A_459 : vector<1x16xf32> to vector<16xf32>
          %get3A_461 = arith.index_cast %scan3A_349 : i32 to index
          %get3A_462 = arith.constant 80 : index
          %get3A_463 = tpu.vector_load %arg15[%get3A_461, %get3A_462] {strides = array<i32>} : memref<64x128xf32, #tpu.memory_space<vmem>>, vector<1x16xf32>,
          %get3A_464 = vector.shape_cast %get3A_463 : vector<1x16xf32> to vector<16xf32>
          %add3A_465 = arith.addf %get3A_460, %get3A_464 : vector<16xf32>
          %get3A_466 = arith.index_cast %scan3A_349 : i32 to index
          %get3A_467 = arith.constant 80 : index
          %get3A_468 = tpu.vector_load %arg16[%get3A_466, %get3A_467] {strides = array<i32>} : memref<64x128xf32, #tpu.memory_space<vmem>>, vector<1x16xf32>,
          %get3A_469 = vector.shape_cast %get3A_468 : vector<1x16xf32> to vector<16xf32>
          %add3A_470 = arith.addf %add3A_465, %get3A_469 : vector<16xf32>
          %max3A_471 = arith.constant 0.000000e+00 : f32
          %max3A_472 = vector.broadcast %max3A_471 : f32 to vector<16xf32>
          %max3A_473 = arith.maximumf %add3A_470, %max3A_472 : vector<16xf32>
          %swap3A_474 = arith.index_cast %scan3A_349 : i32 to index
          %swap3A_475 = arith.constant 80 : index
          %swap3A_476 = tpu.vector_load %arg14[%swap3A_474, %swap3A_475] {strides = array<i32>} : memref<64x128xf32, #tpu.memory_space<vmem>>, vector<1x16xf32>,
          %swap3A_477 = vector.shape_cast %swap3A_476 : vector<1x16xf32> to vector<16xf32>
          %swap3A_478 = vector.shape_cast %max3A_473 : vector<16xf32> to vector<1x16xf32>
          tpu.vector_store %arg14[%swap3A_474, %swap3A_475], %swap3A_478 {strides = array<i32>} : memref<64x128xf32, #tpu.memory_space<vmem>>, vector<1x16xf32>,
          %get3A_479 = arith.index_cast %scan3A_349 : i32 to index
          %get3A_480 = arith.constant 96 : index
          %get3A_481 = tpu.vector_load %arg14[%get3A_479, %get3A_480] {strides = array<i32>} : memref<64x128xf32, #tpu.memory_space<vmem>>, vector<1x16xf32>,
          %get3A_482 = vector.shape_cast %get3A_481 : vector<1x16xf32> to vector<16xf32>
          %get3A_483 = arith.index_cast %scan3A_349 : i32 to index
          %get3A_484 = arith.constant 96 : index
          %get3A_485 = tpu.vector_load %arg15[%get3A_483, %get3A_484] {strides = array<i32>} : memref<64x128xf32, #tpu.memory_space<vmem>>, vector<1x16xf32>,
          %get3A_486 = vector.shape_cast %get3A_485 : vector<1x16xf32> to vector<16xf32>
          %add3A_487 = arith.addf %get3A_482, %get3A_486 : vector<16xf32>
          %get3A_488 = arith.index_cast %scan3A_349 : i32 to index
          %get3A_489 = arith.constant 96 : index
          %get3A_490 = tpu.vector_load %arg16[%get3A_488, %get3A_489] {strides = array<i32>} : memref<64x128xf32, #tpu.memory_space<vmem>>, vector<1x16xf32>,
          %get3A_491 = vector.shape_cast %get3A_490 : vector<1x16xf32> to vector<16xf32>
          %add3A_492 = arith.addf %add3A_487, %get3A_491 : vector<16xf32>
          %max3A_493 = arith.constant 0.000000e+00 : f32
          %max3A_494 = vector.broadcast %max3A_493 : f32 to vector<16xf32>
          %max3A_495 = arith.maximumf %add3A_492, %max3A_494 : vector<16xf32>
          %swap3A_496 = arith.index_cast %scan3A_349 : i32 to index
          %swap3A_497 = arith.constant 96 : index
          %swap3A_498 = tpu.vector_load %arg14[%swap3A_496, %swap3A_497] {strides = array<i32>} : memref<64x128xf32, #tpu.memory_space<vmem>>, vector<1x16xf32>,
          %swap3A_499 = vector.shape_cast %swap3A_498 : vector<1x16xf32> to vector<16xf32>
          %swap3A_500 = vector.shape_cast %max3A_495 : vector<16xf32> to vector<1x16xf32>
          tpu.vector_store %arg14[%swap3A_496, %swap3A_497], %swap3A_500 {strides = array<i32>} : memref<64x128xf32, #tpu.memory_space<vmem>>, vector<1x16xf32>,
          %get3A_501 = arith.index_cast %scan3A_349 : i32 to index
          %get3A_502 = arith.constant 112 : index
          %get3A_503 = tpu.vector_load %arg14[%get3A_501, %get3A_502] {strides = array<i32>} : memref<64x128xf32, #tpu.memory_space<vmem>>, vector<1x16xf32>,
          %get3A_504 = vector.shape_cast %get3A_503 : vector<1x16xf32> to vector<16xf32>
          %get3A_505 = arith.index_cast %scan3A_349 : i32 to index
          %get3A_506 = arith.constant 112 : index
          %get3A_507 = tpu.vector_load %arg15[%get3A_505, %get3A_506] {strides = array<i32>} : memref<64x128xf32, #tpu.memory_space<vmem>>, vector<1x16xf32>,
          %get3A_508 = vector.shape_cast %get3A_507 : vector<1x16xf32> to vector<16xf32>
          %add3A_509 = arith.addf %get3A_504, %get3A_508 : vector<16xf32>
          %get3A_510 = arith.index_cast %scan3A_349 : i32 to index
          %get3A_511 = arith.constant 112 : index
          %get3A_512 = tpu.vector_load %arg16[%get3A_510, %get3A_511] {strides = array<i32>} : memref<64x128xf32, #tpu.memory_space<vmem>>, vector<1x16xf32>,
          %get3A_513 = vector.shape_cast %get3A_512 : vector<1x16xf32> to vector<16xf32>
          %add3A_514 = arith.addf %add3A_509, %get3A_513 : vector<16xf32>
          %max3A_515 = arith.constant 0.000000e+00 : f32
          %max3A_516 = vector.broadcast %max3A_515 : f32 to vector<16xf32>
          %max3A_517 = arith.maximumf %add3A_514, %max3A_516 : vector<16xf32>
          %swap3A_518 = arith.index_cast %scan3A_349 : i32 to index
          %swap3A_519 = arith.constant 112 : index
          %swap3A_520 = tpu.vector_load %arg14[%swap3A_518, %swap3A_519] {strides = array<i32>} : memref<64x128xf32, #tpu.memory_space<vmem>>, vector<1x16xf32>,
          %swap3A_521 = vector.shape_cast %swap3A_520 : vector<1x16xf32> to vector<16xf32>
          %swap3A_522 = vector.shape_cast %max3A_517 : vector<16xf32> to vector<1x16xf32>
          tpu.vector_store %arg14[%swap3A_518, %swap3A_519], %swap3A_522 {strides = array<i32>} : memref<64x128xf32, #tpu.memory_space<vmem>>, vector<1x16xf32>,
        }
        %scan3A_348 = arith.constant 64 : i32
        "tpu.region"() ({
          %run_scoped3A = tpu.sem_alloc : memref<!tpu.dma_semaphore, #tpu.memory_space<semaphore_mem>>
          %dma_start3A_349 = arith.constant 0 : i32
          %dma_start3A_350 = tpu.memref_slice %arg8[%add3A_322, %dma_start3A_349] : memref<320000x128xf32, #tpu.memory_space<hbm>> -> memref<64x128xf32, #tpu.memory_space<hbm>>
          %dma_start3A_351 = arith.constant 0 : i32
          %dma_start3A_352 = tpu.memref_slice %arg8[%add3A_322, %dma_start3A_351] : memref<320000x128xf32, #tpu.memory_space<hbm>> -> memref<64x128xf32, #tpu.memory_space<hbm>>
          tpu.enqueue_dma source(%arg14 : memref<64x128xf32, #tpu.memory_space<vmem>>) target(%dma_start3A_352 : memref<64x128xf32, #tpu.memory_space<hbm>>) target_semaphore(%run_scoped3A : memref<!tpu.dma_semaphore, #tpu.memory_space<semaphore_mem>>)
          %dma_wait3A_353 = arith.constant 0 : i32
          %dma_wait3A_354 = tpu.memref_slice %arg8[%add3A_322, %dma_wait3A_353] : memref<320000x128xf32, #tpu.memory_space<hbm>> -> memref<64x128xf32, #tpu.memory_space<hbm>>
          %dma_wait3A_355 = arith.constant 0 : i32
          %dma_wait3A_356 = tpu.memref_slice %arg8[%add3A_322, %dma_wait3A_355] : memref<320000x128xf32, #tpu.memory_space<hbm>> -> memref<64x128xf32, #tpu.memory_space<hbm>>
          tpu.wait_dma2 semaphore(%run_scoped3A : memref<!tpu.dma_semaphore, #tpu.memory_space<semaphore_mem>>) src(%arg14 : memref<64x128xf32, #tpu.memory_space<vmem>>) dst(%dma_wait3A_356 : memref<64x128xf32, #tpu.memory_space<hbm>>)
          tpu.yield
        }) : () -> ()
        "tpu.region"() ({
          %run_scoped3A = tpu.sem_alloc : memref<!tpu.dma_semaphore, #tpu.memory_space<semaphore_mem>>
          %dma_start3A_349 = arith.constant 0 : i32
          %dma_start3A_350 = arith.constant 0 : i32
          %dma_start3A_351 = tpu.memref_slice %arg10[%dma_start3A_349, %dma_start3A_350] : memref<5008x128xf32, #tpu.memory_space<vmem_shared>> -> memref<5008x128xf32, #tpu.memory_space<vmem_shared>>
          tpu.enqueue_indirect_dma source(%arg14 : memref<64x128xf32, #tpu.memory_space<vmem>>) target(%dma_start3A_351 : memref<5008x128xf32, #tpu.memory_space<vmem_shared>>) offsets(%arg13 : memref<64xi32, #tpu.memory_space<vmem>>) semaphore(%run_scoped3A : memref<!tpu.dma_semaphore, #tpu.memory_space<semaphore_mem>>) {add = true}
          %dma_wait3A_352 = arith.constant 0 : i32
          %dma_wait3A_353 = arith.constant 0 : i32
          %dma_wait3A_354 = tpu.memref_slice %arg10[%dma_wait3A_352, %dma_wait3A_353] : memref<5008x128xf32, #tpu.memory_space<vmem_shared>> -> memref<5008x128xf32, #tpu.memory_space<vmem_shared>>
          tpu.wait_indirect_dma semaphore(%run_scoped3A : memref<!tpu.dma_semaphore, #tpu.memory_space<semaphore_mem>>) src(%arg14 : memref<64x128xf32, #tpu.memory_space<vmem>>) dst(%dma_wait3A_354 : memref<5008x128xf32, #tpu.memory_space<vmem_shared>>)
          tpu.yield
        }) : () -> ()
      } else {
      }
    }
    %scan3A_77 = arith.constant 157 : i32
    %barrier3A_78 = arith.constant 0 : index
    tpu.barrier barrier_id(%barrier3A_78)
    %mul3A_79 = arith.constant 8 : i32
    %mul3A_80 = arith.muli %arg1, %mul3A_79 : i32
    %add3A_81 = arith.constant 0 : i32
    %add3A_82 = arith.addi %mul3A_80, %add3A_81 : i32
    %lt3A_83 = arith.constant 125 : i32
    %lt3A_84 = arith.cmpi slt, %add3A_82, %lt3A_83 : i32
    %convert_element_type3A_85 = arith.extui %lt3A_84 : i1 to i32
    %cond3A_86 = arith.constant 0 : i32
    %cond3A_87 = arith.cmpi ne, %convert_element_type3A_85, %cond3A_86 : i32
    scf.if %cond3A_87 {
      %mul3A_309 = arith.constant 40 : i32
      %mul3A_310 = arith.muli %add3A_82, %mul3A_309 : i32
      %mul3A_311 = arith.constant 10000 : i32
      %mul3A_312 = arith.muli %arg0, %mul3A_311 : i32
      %add3A_313 = arith.constant 0 : i32
      %add3A_314 = arith.addi %mul3A_312, %add3A_313 : i32
      %mul3A_315 = arith.constant 40 : i32
      %mul3A_316 = arith.muli %add3A_82, %mul3A_315 : i32
      %add3A_317 = arith.addi %add3A_314, %mul3A_316 : i32
      "tpu.region"() ({
        %run_scoped3A = tpu.sem_alloc : memref<!tpu.dma_semaphore, #tpu.memory_space<semaphore_mem>>
        %dma_start3A = arith.constant 0 : i32
        %dma_start3A_318 = tpu.memref_slice %arg9[%add3A_317, %dma_start3A] : memref<20000x128xf32, #tpu.memory_space<hbm>> -> memref<40x128xf32, #tpu.memory_space<hbm>>
        %dma_start3A_319 = arith.constant 0 : i32
        %dma_start3A_320 = tpu.memref_slice %arg10[%mul3A_310, %dma_start3A_319] : memref<5008x128xf32, #tpu.memory_space<vmem_shared>> -> memref<40x128xf32, #tpu.memory_space<vmem_shared>>
        tpu.enqueue_dma source(%dma_start3A_320 : memref<40x128xf32, #tpu.memory_space<vmem_shared>>) target(%dma_start3A_318 : memref<40x128xf32, #tpu.memory_space<hbm>>) target_semaphore(%run_scoped3A : memref<!tpu.dma_semaphore, #tpu.memory_space<semaphore_mem>>)
        %dma_wait3A = arith.constant 0 : i32
        %dma_wait3A_321 = tpu.memref_slice %arg9[%add3A_317, %dma_wait3A] : memref<20000x128xf32, #tpu.memory_space<hbm>> -> memref<40x128xf32, #tpu.memory_space<hbm>>
        %dma_wait3A_322 = arith.constant 0 : i32
        %dma_wait3A_323 = tpu.memref_slice %arg10[%mul3A_310, %dma_wait3A_322] : memref<5008x128xf32, #tpu.memory_space<vmem_shared>> -> memref<40x128xf32, #tpu.memory_space<vmem_shared>>
        tpu.wait_dma2 semaphore(%run_scoped3A : memref<!tpu.dma_semaphore, #tpu.memory_space<semaphore_mem>>) src(%dma_wait3A_323 : memref<40x128xf32, #tpu.memory_space<vmem_shared>>) dst(%dma_wait3A_321 : memref<40x128xf32, #tpu.memory_space<hbm>>)
        tpu.yield
      }) : () -> ()
    } else {
    }
    %mul3A_88 = arith.constant 8 : i32
    %mul3A_89 = arith.muli %arg1, %mul3A_88 : i32
    %add3A_90 = arith.constant 1 : i32
    %add3A_91 = arith.addi %mul3A_89, %add3A_90 : i32
    %lt3A_92 = arith.constant 125 : i32
    %lt3A_93 = arith.cmpi slt, %add3A_91, %lt3A_92 : i32
    %convert_element_type3A_94 = arith.extui %lt3A_93 : i1 to i32
    %cond3A_95 = arith.constant 0 : i32
    %cond3A_96 = arith.cmpi ne, %convert_element_type3A_94, %cond3A_95 : i32
    scf.if %cond3A_96 {
      %mul3A_309 = arith.constant 40 : i32
      %mul3A_310 = arith.muli %add3A_91, %mul3A_309 : i32
      %mul3A_311 = arith.constant 10000 : i32
      %mul3A_312 = arith.muli %arg0, %mul3A_311 : i32
      %add3A_313 = arith.constant 0 : i32
      %add3A_314 = arith.addi %mul3A_312, %add3A_313 : i32
      %mul3A_315 = arith.constant 40 : i32
      %mul3A_316 = arith.muli %add3A_91, %mul3A_315 : i32
      %add3A_317 = arith.addi %add3A_314, %mul3A_316 : i32
      "tpu.region"() ({
        %run_scoped3A = tpu.sem_alloc : memref<!tpu.dma_semaphore, #tpu.memory_space<semaphore_mem>>
        %dma_start3A = arith.constant 0 : i32
        %dma_start3A_318 = tpu.memref_slice %arg9[%add3A_317, %dma_start3A] : memref<20000x128xf32, #tpu.memory_space<hbm>> -> memref<40x128xf32, #tpu.memory_space<hbm>>
        %dma_start3A_319 = arith.constant 0 : i32
        %dma_start3A_320 = tpu.memref_slice %arg10[%mul3A_310, %dma_start3A_319] : memref<5008x128xf32, #tpu.memory_space<vmem_shared>> -> memref<40x128xf32, #tpu.memory_space<vmem_shared>>
        tpu.enqueue_dma source(%dma_start3A_320 : memref<40x128xf32, #tpu.memory_space<vmem_shared>>) target(%dma_start3A_318 : memref<40x128xf32, #tpu.memory_space<hbm>>) target_semaphore(%run_scoped3A : memref<!tpu.dma_semaphore, #tpu.memory_space<semaphore_mem>>)
        %dma_wait3A = arith.constant 0 : i32
        %dma_wait3A_321 = tpu.memref_slice %arg9[%add3A_317, %dma_wait3A] : memref<20000x128xf32, #tpu.memory_space<hbm>> -> memref<40x128xf32, #tpu.memory_space<hbm>>
        %dma_wait3A_322 = arith.constant 0 : i32
        %dma_wait3A_323 = tpu.memref_slice %arg10[%mul3A_310, %dma_wait3A_322] : memref<5008x128xf32, #tpu.memory_space<vmem_shared>> -> memref<40x128xf32, #tpu.memory_space<vmem_shared>>
        tpu.wait_dma2 semaphore(%run_scoped3A : memref<!tpu.dma_semaphore, #tpu.memory_space<semaphore_mem>>) src(%dma_wait3A_323 : memref<40x128xf32, #tpu.memory_space<vmem_shared>>) dst(%dma_wait3A_321 : memref<40x128xf32, #tpu.memory_space<hbm>>)
        tpu.yield
      }) : () -> ()
    } else {
    }
    %mul3A_97 = arith.constant 8 : i32
    %mul3A_98 = arith.muli %arg1, %mul3A_97 : i32
    %add3A_99 = arith.constant 2 : i32
    %add3A_100 = arith.addi %mul3A_98, %add3A_99 : i32
    %lt3A_101 = arith.constant 125 : i32
    %lt3A_102 = arith.cmpi slt, %add3A_100, %lt3A_101 : i32
    %convert_element_type3A_103 = arith.extui %lt3A_102 : i1 to i32
    %cond3A_104 = arith.constant 0 : i32
    %cond3A_105 = arith.cmpi ne, %convert_element_type3A_103, %cond3A_104 : i32
    scf.if %cond3A_105 {
      %mul3A_309 = arith.constant 40 : i32
      %mul3A_310 = arith.muli %add3A_100, %mul3A_309 : i32
      %mul3A_311 = arith.constant 10000 : i32
      %mul3A_312 = arith.muli %arg0, %mul3A_311 : i32
      %add3A_313 = arith.constant 0 : i32
      %add3A_314 = arith.addi %mul3A_312, %add3A_313 : i32
      %mul3A_315 = arith.constant 40 : i32
      %mul3A_316 = arith.muli %add3A_100, %mul3A_315 : i32
      %add3A_317 = arith.addi %add3A_314, %mul3A_316 : i32
      "tpu.region"() ({
        %run_scoped3A = tpu.sem_alloc : memref<!tpu.dma_semaphore, #tpu.memory_space<semaphore_mem>>
        %dma_start3A = arith.constant 0 : i32
        %dma_start3A_318 = tpu.memref_slice %arg9[%add3A_317, %dma_start3A] : memref<20000x128xf32, #tpu.memory_space<hbm>> -> memref<40x128xf32, #tpu.memory_space<hbm>>
        %dma_start3A_319 = arith.constant 0 : i32
        %dma_start3A_320 = tpu.memref_slice %arg10[%mul3A_310, %dma_start3A_319] : memref<5008x128xf32, #tpu.memory_space<vmem_shared>> -> memref<40x128xf32, #tpu.memory_space<vmem_shared>>
        tpu.enqueue_dma source(%dma_start3A_320 : memref<40x128xf32, #tpu.memory_space<vmem_shared>>) target(%dma_start3A_318 : memref<40x128xf32, #tpu.memory_space<hbm>>) target_semaphore(%run_scoped3A : memref<!tpu.dma_semaphore, #tpu.memory_space<semaphore_mem>>)
        %dma_wait3A = arith.constant 0 : i32
        %dma_wait3A_321 = tpu.memref_slice %arg9[%add3A_317, %dma_wait3A] : memref<20000x128xf32, #tpu.memory_space<hbm>> -> memref<40x128xf32, #tpu.memory_space<hbm>>
        %dma_wait3A_322 = arith.constant 0 : i32
        %dma_wait3A_323 = tpu.memref_slice %arg10[%mul3A_310, %dma_wait3A_322] : memref<5008x128xf32, #tpu.memory_space<vmem_shared>> -> memref<40x128xf32, #tpu.memory_space<vmem_shared>>
        tpu.wait_dma2 semaphore(%run_scoped3A : memref<!tpu.dma_semaphore, #tpu.memory_space<semaphore_mem>>) src(%dma_wait3A_323 : memref<40x128xf32, #tpu.memory_space<vmem_shared>>) dst(%dma_wait3A_321 : memref<40x128xf32, #tpu.memory_space<hbm>>)
        tpu.yield
      }) : () -> ()
    } else {
    }
    %mul3A_106 = arith.constant 8 : i32
    %mul3A_107 = arith.muli %arg1, %mul3A_106 : i32
    %add3A_108 = arith.constant 3 : i32
    %add3A_109 = arith.addi %mul3A_107, %add3A_108 : i32
    %lt3A_110 = arith.constant 125 : i32
    %lt3A_111 = arith.cmpi slt, %add3A_109, %lt3A_110 : i32
    %convert_element_type3A_112 = arith.extui %lt3A_111 : i1 to i32
    %cond3A_113 = arith.constant 0 : i32
    %cond3A_114 = arith.cmpi ne, %convert_element_type3A_112, %cond3A_113 : i32
    scf.if %cond3A_114 {
      %mul3A_309 = arith.constant 40 : i32
      %mul3A_310 = arith.muli %add3A_109, %mul3A_309 : i32
      %mul3A_311 = arith.constant 10000 : i32
      %mul3A_312 = arith.muli %arg0, %mul3A_311 : i32
      %add3A_313 = arith.constant 0 : i32
      %add3A_314 = arith.addi %mul3A_312, %add3A_313 : i32
      %mul3A_315 = arith.constant 40 : i32
      %mul3A_316 = arith.muli %add3A_109, %mul3A_315 : i32
      %add3A_317 = arith.addi %add3A_314, %mul3A_316 : i32
      "tpu.region"() ({
        %run_scoped3A = tpu.sem_alloc : memref<!tpu.dma_semaphore, #tpu.memory_space<semaphore_mem>>
        %dma_start3A = arith.constant 0 : i32
        %dma_start3A_318 = tpu.memref_slice %arg9[%add3A_317, %dma_start3A] : memref<20000x128xf32, #tpu.memory_space<hbm>> -> memref<40x128xf32, #tpu.memory_space<hbm>>
        %dma_start3A_319 = arith.constant 0 : i32
        %dma_start3A_320 = tpu.memref_slice %arg10[%mul3A_310, %dma_start3A_319] : memref<5008x128xf32, #tpu.memory_space<vmem_shared>> -> memref<40x128xf32, #tpu.memory_space<vmem_shared>>
        tpu.enqueue_dma source(%dma_start3A_320 : memref<40x128xf32, #tpu.memory_space<vmem_shared>>) target(%dma_start3A_318 : memref<40x128xf32, #tpu.memory_space<hbm>>) target_semaphore(%run_scoped3A : memref<!tpu.dma_semaphore, #tpu.memory_space<semaphore_mem>>)
        %dma_wait3A = arith.constant 0 : i32
        %dma_wait3A_321 = tpu.memref_slice %arg9[%add3A_317, %dma_wait3A] : memref<20000x128xf32, #tpu.memory_space<hbm>> -> memref<40x128xf32, #tpu.memory_space<hbm>>
        %dma_wait3A_322 = arith.constant 0 : i32
        %dma_wait3A_323 = tpu.memref_slice %arg10[%mul3A_310, %dma_wait3A_322] : memref<5008x128xf32, #tpu.memory_space<vmem_shared>> -> memref<40x128xf32, #tpu.memory_space<vmem_shared>>
        tpu.wait_dma2 semaphore(%run_scoped3A : memref<!tpu.dma_semaphore, #tpu.memory_space<semaphore_mem>>) src(%dma_wait3A_323 : memref<40x128xf32, #tpu.memory_space<vmem_shared>>) dst(%dma_wait3A_321 : memref<40x128xf32, #tpu.memory_space<hbm>>)
        tpu.yield
      }) : () -> ()
    } else {
    }
    %mul3A_115 = arith.constant 8 : i32
    %mul3A_116 = arith.muli %arg1, %mul3A_115 : i32
    %add3A_117 = arith.constant 4 : i32
    %add3A_118 = arith.addi %mul3A_116, %add3A_117 : i32
    %lt3A_119 = arith.constant 125 : i32
    %lt3A_120 = arith.cmpi slt, %add3A_118, %lt3A_119 : i32
    %convert_element_type3A_121 = arith.extui %lt3A_120 : i1 to i32
    %cond3A_122 = arith.constant 0 : i32
    %cond3A_123 = arith.cmpi ne, %convert_element_type3A_121, %cond3A_122 : i32
    scf.if %cond3A_123 {
      %mul3A_309 = arith.constant 40 : i32
      %mul3A_310 = arith.muli %add3A_118, %mul3A_309 : i32
      %mul3A_311 = arith.constant 10000 : i32
      %mul3A_312 = arith.muli %arg0, %mul3A_311 : i32
      %add3A_313 = arith.constant 0 : i32
      %add3A_314 = arith.addi %mul3A_312, %add3A_313 : i32
      %mul3A_315 = arith.constant 40 : i32
      %mul3A_316 = arith.muli %add3A_118, %mul3A_315 : i32
      %add3A_317 = arith.addi %add3A_314, %mul3A_316 : i32
      "tpu.region"() ({
        %run_scoped3A = tpu.sem_alloc : memref<!tpu.dma_semaphore, #tpu.memory_space<semaphore_mem>>
        %dma_start3A = arith.constant 0 : i32
        %dma_start3A_318 = tpu.memref_slice %arg9[%add3A_317, %dma_start3A] : memref<20000x128xf32, #tpu.memory_space<hbm>> -> memref<40x128xf32, #tpu.memory_space<hbm>>
        %dma_start3A_319 = arith.constant 0 : i32
        %dma_start3A_320 = tpu.memref_slice %arg10[%mul3A_310, %dma_start3A_319] : memref<5008x128xf32, #tpu.memory_space<vmem_shared>> -> memref<40x128xf32, #tpu.memory_space<vmem_shared>>
        tpu.enqueue_dma source(%dma_start3A_320 : memref<40x128xf32, #tpu.memory_space<vmem_shared>>) target(%dma_start3A_318 : memref<40x128xf32, #tpu.memory_space<hbm>>) target_semaphore(%run_scoped3A : memref<!tpu.dma_semaphore, #tpu.memory_space<semaphore_mem>>)
        %dma_wait3A = arith.constant 0 : i32
        %dma_wait3A_321 = tpu.memref_slice %arg9[%add3A_317, %dma_wait3A] : memref<20000x128xf32, #tpu.memory_space<hbm>> -> memref<40x128xf32, #tpu.memory_space<hbm>>
        %dma_wait3A_322 = arith.constant 0 : i32
        %dma_wait3A_323 = tpu.memref_slice %arg10[%mul3A_310, %dma_wait3A_322] : memref<5008x128xf32, #tpu.memory_space<vmem_shared>> -> memref<40x128xf32, #tpu.memory_space<vmem_shared>>
        tpu.wait_dma2 semaphore(%run_scoped3A : memref<!tpu.dma_semaphore, #tpu.memory_space<semaphore_mem>>) src(%dma_wait3A_323 : memref<40x128xf32, #tpu.memory_space<vmem_shared>>) dst(%dma_wait3A_321 : memref<40x128xf32, #tpu.memory_space<hbm>>)
        tpu.yield
      }) : () -> ()
    } else {
    }
    %mul3A_124 = arith.constant 8 : i32
    %mul3A_125 = arith.muli %arg1, %mul3A_124 : i32
    %add3A_126 = arith.constant 5 : i32
    %add3A_127 = arith.addi %mul3A_125, %add3A_126 : i32
    %lt3A_128 = arith.constant 125 : i32
    %lt3A_129 = arith.cmpi slt, %add3A_127, %lt3A_128 : i32
    %convert_element_type3A_130 = arith.extui %lt3A_129 : i1 to i32
    %cond3A_131 = arith.constant 0 : i32
    %cond3A_132 = arith.cmpi ne, %convert_element_type3A_130, %cond3A_131 : i32
    scf.if %cond3A_132 {
      %mul3A_309 = arith.constant 40 : i32
      %mul3A_310 = arith.muli %add3A_127, %mul3A_309 : i32
      %mul3A_311 = arith.constant 10000 : i32
      %mul3A_312 = arith.muli %arg0, %mul3A_311 : i32
      %add3A_313 = arith.constant 0 : i32
      %add3A_314 = arith.addi %mul3A_312, %add3A_313 : i32
      %mul3A_315 = arith.constant 40 : i32
      %mul3A_316 = arith.muli %add3A_127, %mul3A_315 : i32
      %add3A_317 = arith.addi %add3A_314, %mul3A_316 : i32
      "tpu.region"() ({
        %run_scoped3A = tpu.sem_alloc : memref<!tpu.dma_semaphore, #tpu.memory_space<semaphore_mem>>
        %dma_start3A = arith.constant 0 : i32
        %dma_start3A_318 = tpu.memref_slice %arg9[%add3A_317, %dma_start3A] : memref<20000x128xf32, #tpu.memory_space<hbm>> -> memref<40x128xf32, #tpu.memory_space<hbm>>
        %dma_start3A_319 = arith.constant 0 : i32
        %dma_start3A_320 = tpu.memref_slice %arg10[%mul3A_310, %dma_start3A_319] : memref<5008x128xf32, #tpu.memory_space<vmem_shared>> -> memref<40x128xf32, #tpu.memory_space<vmem_shared>>
        tpu.enqueue_dma source(%dma_start3A_320 : memref<40x128xf32, #tpu.memory_space<vmem_shared>>) target(%dma_start3A_318 : memref<40x128xf32, #tpu.memory_space<hbm>>) target_semaphore(%run_scoped3A : memref<!tpu.dma_semaphore, #tpu.memory_space<semaphore_mem>>)
        %dma_wait3A = arith.constant 0 : i32
        %dma_wait3A_321 = tpu.memref_slice %arg9[%add3A_317, %dma_wait3A] : memref<20000x128xf32, #tpu.memory_space<hbm>> -> memref<40x128xf32, #tpu.memory_space<hbm>>
        %dma_wait3A_322 = arith.constant 0 : i32
        %dma_wait3A_323 = tpu.memref_slice %arg10[%mul3A_310, %dma_wait3A_322] : memref<5008x128xf32, #tpu.memory_space<vmem_shared>> -> memref<40x128xf32, #tpu.memory_space<vmem_shared>>
        tpu.wait_dma2 semaphore(%run_scoped3A : memref<!tpu.dma_semaphore, #tpu.memory_space<semaphore_mem>>) src(%dma_wait3A_323 : memref<40x128xf32, #tpu.memory_space<vmem_shared>>) dst(%dma_wait3A_321 : memref<40x128xf32, #tpu.memory_space<hbm>>)
        tpu.yield
      }) : () -> ()
    } else {
    }
    %mul3A_133 = arith.constant 8 : i32
    %mul3A_134 = arith.muli %arg1, %mul3A_133 : i32
    %add3A_135 = arith.constant 6 : i32
    %add3A_136 = arith.addi %mul3A_134, %add3A_135 : i32
    %lt3A_137 = arith.constant 125 : i32
    %lt3A_138 = arith.cmpi slt, %add3A_136, %lt3A_137 : i32
    %convert_element_type3A_139 = arith.extui %lt3A_138 : i1 to i32
    %cond3A_140 = arith.constant 0 : i32
    %cond3A_141 = arith.cmpi ne, %convert_element_type3A_139, %cond3A_140 : i32
    scf.if %cond3A_141 {
      %mul3A_309 = arith.constant 40 : i32
      %mul3A_310 = arith.muli %add3A_136, %mul3A_309 : i32
      %mul3A_311 = arith.constant 10000 : i32
      %mul3A_312 = arith.muli %arg0, %mul3A_311 : i32
      %add3A_313 = arith.constant 0 : i32
      %add3A_314 = arith.addi %mul3A_312, %add3A_313 : i32
      %mul3A_315 = arith.constant 40 : i32
      %mul3A_316 = arith.muli %add3A_136, %mul3A_315 : i32
      %add3A_317 = arith.addi %add3A_314, %mul3A_316 : i32
      "tpu.region"() ({
        %run_scoped3A = tpu.sem_alloc : memref<!tpu.dma_semaphore, #tpu.memory_space<semaphore_mem>>
        %dma_start3A = arith.constant 0 : i32
        %dma_start3A_318 = tpu.memref_slice %arg9[%add3A_317, %dma_start3A] : memref<20000x128xf32, #tpu.memory_space<hbm>> -> memref<40x128xf32, #tpu.memory_space<hbm>>
        %dma_start3A_319 = arith.constant 0 : i32
        %dma_start3A_320 = tpu.memref_slice %arg10[%mul3A_310, %dma_start3A_319] : memref<5008x128xf32, #tpu.memory_space<vmem_shared>> -> memref<40x128xf32, #tpu.memory_space<vmem_shared>>
        tpu.enqueue_dma source(%dma_start3A_320 : memref<40x128xf32, #tpu.memory_space<vmem_shared>>) target(%dma_start3A_318 : memref<40x128xf32, #tpu.memory_space<hbm>>) target_semaphore(%run_scoped3A : memref<!tpu.dma_semaphore, #tpu.memory_space<semaphore_mem>>)
        %dma_wait3A = arith.constant 0 : i32
        %dma_wait3A_321 = tpu.memref_slice %arg9[%add3A_317, %dma_wait3A] : memref<20000x128xf32, #tpu.memory_space<hbm>> -> memref<40x128xf32, #tpu.memory_space<hbm>>
        %dma_wait3A_322 = arith.constant 0 : i32
        %dma_wait3A_323 = tpu.memref_slice %arg10[%mul3A_310, %dma_wait3A_322] : memref<5008x128xf32, #tpu.memory_space<vmem_shared>> -> memref<40x128xf32, #tpu.memory_space<vmem_shared>>
        tpu.wait_dma2 semaphore(%run_scoped3A : memref<!tpu.dma_semaphore, #tpu.memory_space<semaphore_mem>>) src(%dma_wait3A_323 : memref<40x128xf32, #tpu.memory_space<vmem_shared>>) dst(%dma_wait3A_321 : memref<40x128xf32, #tpu.memory_space<hbm>>)
        tpu.yield
      }) : () -> ()
    } else {
    }
    %mul3A_142 = arith.constant 8 : i32
    %mul3A_143 = arith.muli %arg1, %mul3A_142 : i32
    %add3A_144 = arith.constant 7 : i32
    %add3A_145 = arith.addi %mul3A_143, %add3A_144 : i32
    %lt3A_146 = arith.constant 125 : i32
    %lt3A_147 = arith.cmpi slt, %add3A_145, %lt3A_146 : i32
    %convert_element_type3A_148 = arith.extui %lt3A_147 : i1 to i32
    %cond3A_149 = arith.constant 0 : i32
    %cond3A_150 = arith.cmpi ne, %convert_element_type3A_148, %cond3A_149 : i32
    scf.if %cond3A_150 {
      %mul3A_309 = arith.constant 40 : i32
      %mul3A_310 = arith.muli %add3A_145, %mul3A_309 : i32
      %mul3A_311 = arith.constant 10000 : i32
      %mul3A_312 = arith.muli %arg0, %mul3A_311 : i32
      %add3A_313 = arith.constant 0 : i32
      %add3A_314 = arith.addi %mul3A_312, %add3A_313 : i32
      %mul3A_315 = arith.constant 40 : i32
      %mul3A_316 = arith.muli %add3A_145, %mul3A_315 : i32
      %add3A_317 = arith.addi %add3A_314, %mul3A_316 : i32
      "tpu.region"() ({
        %run_scoped3A = tpu.sem_alloc : memref<!tpu.dma_semaphore, #tpu.memory_space<semaphore_mem>>
        %dma_start3A = arith.constant 0 : i32
        %dma_start3A_318 = tpu.memref_slice %arg9[%add3A_317, %dma_start3A] : memref<20000x128xf32, #tpu.memory_space<hbm>> -> memref<40x128xf32, #tpu.memory_space<hbm>>
        %dma_start3A_319 = arith.constant 0 : i32
        %dma_start3A_320 = tpu.memref_slice %arg10[%mul3A_310, %dma_start3A_319] : memref<5008x128xf32, #tpu.memory_space<vmem_shared>> -> memref<40x128xf32, #tpu.memory_space<vmem_shared>>
        tpu.enqueue_dma source(%dma_start3A_320 : memref<40x128xf32, #tpu.memory_space<vmem_shared>>) target(%dma_start3A_318 : memref<40x128xf32, #tpu.memory_space<hbm>>) target_semaphore(%run_scoped3A : memref<!tpu.dma_semaphore, #tpu.memory_space<semaphore_mem>>)
        %dma_wait3A = arith.constant 0 : i32
        %dma_wait3A_321 = tpu.memref_slice %arg9[%add3A_317, %dma_wait3A] : memref<20000x128xf32, #tpu.memory_space<hbm>> -> memref<40x128xf32, #tpu.memory_space<hbm>>
        %dma_wait3A_322 = arith.constant 0 : i32
        %dma_wait3A_323 = tpu.memref_slice %arg10[%mul3A_310, %dma_wait3A_322] : memref<5008x128xf32, #tpu.memory_space<vmem_shared>> -> memref<40x128xf32, #tpu.memory_space<vmem_shared>>
        tpu.wait_dma2 semaphore(%run_scoped3A : memref<!tpu.dma_semaphore, #tpu.memory_space<semaphore_mem>>) src(%dma_wait3A_323 : memref<40x128xf32, #tpu.memory_space<vmem_shared>>) dst(%dma_wait3A_321 : memref<40x128xf32, #tpu.memory_space<hbm>>)
        tpu.yield
      }) : () -> ()
    } else {
    }
    %scan3A_151 = arith.constant 0 : i32
    %scan3A_152 = arith.constant 0 : i32
    %scan3A_153 = arith.constant 40 : i32
    %scan3A_154 = arith.addi %scan3A_152, %scan3A_153 : i32
    %scan3A_155 = arith.constant 1 : i32
    scf.for %scan3A_309 = %scan3A_152 to %scan3A_154 step %scan3A_155  : i32 {
      %broadcast_in_dim3A = arith.constant 0.000000e+00 : f32
      %broadcast_in_dim3A_310 = vector.broadcast %broadcast_in_dim3A : f32 to vector<16xf32>
      %swap3A = arith.index_cast %scan3A_309 : i32 to index
      %swap3A_311 = arith.constant 0 : index
      %swap3A_312 = tpu.vector_load %arg14[%swap3A, %swap3A_311] {strides = array<i32>} : memref<64x128xf32, #tpu.memory_space<vmem>>, vector<1x16xf32>,
      %swap3A_313 = vector.shape_cast %swap3A_312 : vector<1x16xf32> to vector<16xf32>
      %swap3A_314 = vector.shape_cast %broadcast_in_dim3A_310 : vector<16xf32> to vector<1x16xf32>
      tpu.vector_store %arg14[%swap3A, %swap3A_311], %swap3A_314 {strides = array<i32>} : memref<64x128xf32, #tpu.memory_space<vmem>>, vector<1x16xf32>,
      %broadcast_in_dim3A_315 = arith.constant 0.000000e+00 : f32
      %broadcast_in_dim3A_316 = vector.broadcast %broadcast_in_dim3A_315 : f32 to vector<16xf32>
      %swap3A_317 = arith.index_cast %scan3A_309 : i32 to index
      %swap3A_318 = arith.constant 16 : index
      %swap3A_319 = tpu.vector_load %arg14[%swap3A_317, %swap3A_318] {strides = array<i32>} : memref<64x128xf32, #tpu.memory_space<vmem>>, vector<1x16xf32>,
      %swap3A_320 = vector.shape_cast %swap3A_319 : vector<1x16xf32> to vector<16xf32>
      %swap3A_321 = vector.shape_cast %broadcast_in_dim3A_316 : vector<16xf32> to vector<1x16xf32>
      tpu.vector_store %arg14[%swap3A_317, %swap3A_318], %swap3A_321 {strides = array<i32>} : memref<64x128xf32, #tpu.memory_space<vmem>>, vector<1x16xf32>,
      %broadcast_in_dim3A_322 = arith.constant 0.000000e+00 : f32
      %broadcast_in_dim3A_323 = vector.broadcast %broadcast_in_dim3A_322 : f32 to vector<16xf32>
      %swap3A_324 = arith.index_cast %scan3A_309 : i32 to index
      %swap3A_325 = arith.constant 32 : index
      %swap3A_326 = tpu.vector_load %arg14[%swap3A_324, %swap3A_325] {strides = array<i32>} : memref<64x128xf32, #tpu.memory_space<vmem>>, vector<1x16xf32>,
      %swap3A_327 = vector.shape_cast %swap3A_326 : vector<1x16xf32> to vector<16xf32>
      %swap3A_328 = vector.shape_cast %broadcast_in_dim3A_323 : vector<16xf32> to vector<1x16xf32>
      tpu.vector_store %arg14[%swap3A_324, %swap3A_325], %swap3A_328 {strides = array<i32>} : memref<64x128xf32, #tpu.memory_space<vmem>>, vector<1x16xf32>,
      %broadcast_in_dim3A_329 = arith.constant 0.000000e+00 : f32
      %broadcast_in_dim3A_330 = vector.broadcast %broadcast_in_dim3A_329 : f32 to vector<16xf32>
      %swap3A_331 = arith.index_cast %scan3A_309 : i32 to index
      %swap3A_332 = arith.constant 48 : index
      %swap3A_333 = tpu.vector_load %arg14[%swap3A_331, %swap3A_332] {strides = array<i32>} : memref<64x128xf32, #tpu.memory_space<vmem>>, vector<1x16xf32>,
      %swap3A_334 = vector.shape_cast %swap3A_333 : vector<1x16xf32> to vector<16xf32>
      %swap3A_335 = vector.shape_cast %broadcast_in_dim3A_330 : vector<16xf32> to vector<1x16xf32>
      tpu.vector_store %arg14[%swap3A_331, %swap3A_332], %swap3A_335 {strides = array<i32>} : memref<64x128xf32, #tpu.memory_space<vmem>>, vector<1x16xf32>,
      %broadcast_in_dim3A_336 = arith.constant 0.000000e+00 : f32
      %broadcast_in_dim3A_337 = vector.broadcast %broadcast_in_dim3A_336 : f32 to vector<16xf32>
      %swap3A_338 = arith.index_cast %scan3A_309 : i32 to index
      %swap3A_339 = arith.constant 64 : index
      %swap3A_340 = tpu.vector_load %arg14[%swap3A_338, %swap3A_339] {strides = array<i32>} : memref<64x128xf32, #tpu.memory_space<vmem>>, vector<1x16xf32>,
      %swap3A_341 = vector.shape_cast %swap3A_340 : vector<1x16xf32> to vector<16xf32>
      %swap3A_342 = vector.shape_cast %broadcast_in_dim3A_337 : vector<16xf32> to vector<1x16xf32>
      tpu.vector_store %arg14[%swap3A_338, %swap3A_339], %swap3A_342 {strides = array<i32>} : memref<64x128xf32, #tpu.memory_space<vmem>>, vector<1x16xf32>,
      %broadcast_in_dim3A_343 = arith.constant 0.000000e+00 : f32
      %broadcast_in_dim3A_344 = vector.broadcast %broadcast_in_dim3A_343 : f32 to vector<16xf32>
      %swap3A_345 = arith.index_cast %scan3A_309 : i32 to index
      %swap3A_346 = arith.constant 80 : index
      %swap3A_347 = tpu.vector_load %arg14[%swap3A_345, %swap3A_346] {strides = array<i32>} : memref<64x128xf32, #tpu.memory_space<vmem>>, vector<1x16xf32>,
      %swap3A_348 = vector.shape_cast %swap3A_347 : vector<1x16xf32> to vector<16xf32>
      %swap3A_349 = vector.shape_cast %broadcast_in_dim3A_344 : vector<16xf32> to vector<1x16xf32>
      tpu.vector_store %arg14[%swap3A_345, %swap3A_346], %swap3A_349 {strides = array<i32>} : memref<64x128xf32, #tpu.memory_space<vmem>>, vector<1x16xf32>,
      %broadcast_in_dim3A_350 = arith.constant 0.000000e+00 : f32
      %broadcast_in_dim3A_351 = vector.broadcast %broadcast_in_dim3A_350 : f32 to vector<16xf32>
      %swap3A_352 = arith.index_cast %scan3A_309 : i32 to index
      %swap3A_353 = arith.constant 96 : index
      %swap3A_354 = tpu.vector_load %arg14[%swap3A_352, %swap3A_353] {strides = array<i32>} : memref<64x128xf32, #tpu.memory_space<vmem>>, vector<1x16xf32>,
      %swap3A_355 = vector.shape_cast %swap3A_354 : vector<1x16xf32> to vector<16xf32>
      %swap3A_356 = vector.shape_cast %broadcast_in_dim3A_351 : vector<16xf32> to vector<1x16xf32>
      tpu.vector_store %arg14[%swap3A_352, %swap3A_353], %swap3A_356 {strides = array<i32>} : memref<64x128xf32, #tpu.memory_space<vmem>>, vector<1x16xf32>,
      %broadcast_in_dim3A_357 = arith.constant 0.000000e+00 : f32
      %broadcast_in_dim3A_358 = vector.broadcast %broadcast_in_dim3A_357 : f32 to vector<16xf32>
      %swap3A_359 = arith.index_cast %scan3A_309 : i32 to index
      %swap3A_360 = arith.constant 112 : index
      %swap3A_361 = tpu.vector_load %arg14[%swap3A_359, %swap3A_360] {strides = array<i32>} : memref<64x128xf32, #tpu.memory_space<vmem>>, vector<1x16xf32>,
      %swap3A_362 = vector.shape_cast %swap3A_361 : vector<1x16xf32> to vector<16xf32>
      %swap3A_363 = vector.shape_cast %broadcast_in_dim3A_358 : vector<16xf32> to vector<1x16xf32>
      tpu.vector_store %arg14[%swap3A_359, %swap3A_360], %swap3A_363 {strides = array<i32>} : memref<64x128xf32, #tpu.memory_space<vmem>>, vector<1x16xf32>,
    }
    %scan3A_156 = arith.constant 40 : i32
    %mul3A_157 = arith.constant 8 : i32
    %mul3A_158 = arith.muli %arg1, %mul3A_157 : i32
    %add3A_159 = arith.constant 0 : i32
    %add3A_160 = arith.addi %mul3A_158, %add3A_159 : i32
    %lt3A_161 = arith.constant 125 : i32
    %lt3A_162 = arith.cmpi slt, %add3A_160, %lt3A_161 : i32
    %convert_element_type3A_163 = arith.extui %lt3A_162 : i1 to i32
    %cond3A_164 = arith.constant 0 : i32
    %cond3A_165 = arith.cmpi ne, %convert_element_type3A_163, %cond3A_164 : i32
    scf.if %cond3A_165 {
      %mul3A_309 = arith.constant 40 : i32
      %mul3A_310 = arith.muli %add3A_160, %mul3A_309 : i32
      "tpu.region"() ({
        %run_scoped3A = tpu.sem_alloc : memref<!tpu.dma_semaphore, #tpu.memory_space<semaphore_mem>>
        %dma_start3A = arith.constant 0 : i32
        %dma_start3A_311 = arith.constant 0 : i32
        %dma_start3A_312 = tpu.memref_slice %arg14[%dma_start3A, %dma_start3A_311] : memref<64x128xf32, #tpu.memory_space<vmem>> -> memref<40x128xf32, #tpu.memory_space<vmem>>
        %dma_start3A_313 = arith.constant 0 : i32
        %dma_start3A_314 = tpu.memref_slice %arg10[%mul3A_310, %dma_start3A_313] : memref<5008x128xf32, #tpu.memory_space<vmem_shared>> -> memref<40x128xf32, #tpu.memory_space<vmem_shared>>
        %dma_start3A_315 = arith.constant 0 : i32
        %dma_start3A_316 = tpu.memref_slice %arg10[%mul3A_310, %dma_start3A_315] : memref<5008x128xf32, #tpu.memory_space<vmem_shared>> -> memref<40x128xf32, #tpu.memory_space<vmem_shared>>
        %dma_start3A_317 = arith.constant 0 : i32
        %dma_start3A_318 = arith.constant 0 : i32
        %dma_start3A_319 = tpu.memref_slice %arg14[%dma_start3A_317, %dma_start3A_318] : memref<64x128xf32, #tpu.memory_space<vmem>> -> memref<40x128xf32, #tpu.memory_space<vmem>>
        tpu.enqueue_dma source(%dma_start3A_319 : memref<40x128xf32, #tpu.memory_space<vmem>>) target(%dma_start3A_316 : memref<40x128xf32, #tpu.memory_space<vmem_shared>>) target_semaphore(%run_scoped3A : memref<!tpu.dma_semaphore, #tpu.memory_space<semaphore_mem>>)
        %dma_wait3A = arith.constant 0 : i32
        %dma_wait3A_320 = arith.constant 0 : i32
        %dma_wait3A_321 = tpu.memref_slice %arg14[%dma_wait3A, %dma_wait3A_320] : memref<64x128xf32, #tpu.memory_space<vmem>> -> memref<40x128xf32, #tpu.memory_space<vmem>>
        %dma_wait3A_322 = arith.constant 0 : i32
        %dma_wait3A_323 = tpu.memref_slice %arg10[%mul3A_310, %dma_wait3A_322] : memref<5008x128xf32, #tpu.memory_space<vmem_shared>> -> memref<40x128xf32, #tpu.memory_space<vmem_shared>>
        %dma_wait3A_324 = arith.constant 0 : i32
        %dma_wait3A_325 = tpu.memref_slice %arg10[%mul3A_310, %dma_wait3A_324] : memref<5008x128xf32, #tpu.memory_space<vmem_shared>> -> memref<40x128xf32, #tpu.memory_space<vmem_shared>>
        %dma_wait3A_326 = arith.constant 0 : i32
        %dma_wait3A_327 = arith.constant 0 : i32
        %dma_wait3A_328 = tpu.memref_slice %arg14[%dma_wait3A_326, %dma_wait3A_327] : memref<64x128xf32, #tpu.memory_space<vmem>> -> memref<40x128xf32, #tpu.memory_space<vmem>>
        tpu.wait_dma2 semaphore(%run_scoped3A : memref<!tpu.dma_semaphore, #tpu.memory_space<semaphore_mem>>) src(%dma_wait3A_328 : memref<40x128xf32, #tpu.memory_space<vmem>>) dst(%dma_wait3A_325 : memref<40x128xf32, #tpu.memory_space<vmem_shared>>)
        tpu.yield
      }) : () -> ()
    } else {
    }
    %mul3A_166 = arith.constant 8 : i32
    %mul3A_167 = arith.muli %arg1, %mul3A_166 : i32
    %add3A_168 = arith.constant 1 : i32
    %add3A_169 = arith.addi %mul3A_167, %add3A_168 : i32
    %lt3A_170 = arith.constant 125 : i32
    %lt3A_171 = arith.cmpi slt, %add3A_169, %lt3A_170 : i32
    %convert_element_type3A_172 = arith.extui %lt3A_171 : i1 to i32
    %cond3A_173 = arith.constant 0 : i32
    %cond3A_174 = arith.cmpi ne, %convert_element_type3A_172, %cond3A_173 : i32
    scf.if %cond3A_174 {
      %mul3A_309 = arith.constant 40 : i32
      %mul3A_310 = arith.muli %add3A_169, %mul3A_309 : i32
      "tpu.region"() ({
        %run_scoped3A = tpu.sem_alloc : memref<!tpu.dma_semaphore, #tpu.memory_space<semaphore_mem>>
        %dma_start3A = arith.constant 0 : i32
        %dma_start3A_311 = arith.constant 0 : i32
        %dma_start3A_312 = tpu.memref_slice %arg14[%dma_start3A, %dma_start3A_311] : memref<64x128xf32, #tpu.memory_space<vmem>> -> memref<40x128xf32, #tpu.memory_space<vmem>>
        %dma_start3A_313 = arith.constant 0 : i32
        %dma_start3A_314 = tpu.memref_slice %arg10[%mul3A_310, %dma_start3A_313] : memref<5008x128xf32, #tpu.memory_space<vmem_shared>> -> memref<40x128xf32, #tpu.memory_space<vmem_shared>>
        %dma_start3A_315 = arith.constant 0 : i32
        %dma_start3A_316 = tpu.memref_slice %arg10[%mul3A_310, %dma_start3A_315] : memref<5008x128xf32, #tpu.memory_space<vmem_shared>> -> memref<40x128xf32, #tpu.memory_space<vmem_shared>>
        %dma_start3A_317 = arith.constant 0 : i32
        %dma_start3A_318 = arith.constant 0 : i32
        %dma_start3A_319 = tpu.memref_slice %arg14[%dma_start3A_317, %dma_start3A_318] : memref<64x128xf32, #tpu.memory_space<vmem>> -> memref<40x128xf32, #tpu.memory_space<vmem>>
        tpu.enqueue_dma source(%dma_start3A_319 : memref<40x128xf32, #tpu.memory_space<vmem>>) target(%dma_start3A_316 : memref<40x128xf32, #tpu.memory_space<vmem_shared>>) target_semaphore(%run_scoped3A : memref<!tpu.dma_semaphore, #tpu.memory_space<semaphore_mem>>)
        %dma_wait3A = arith.constant 0 : i32
        %dma_wait3A_320 = arith.constant 0 : i32
        %dma_wait3A_321 = tpu.memref_slice %arg14[%dma_wait3A, %dma_wait3A_320] : memref<64x128xf32, #tpu.memory_space<vmem>> -> memref<40x128xf32, #tpu.memory_space<vmem>>
        %dma_wait3A_322 = arith.constant 0 : i32
        %dma_wait3A_323 = tpu.memref_slice %arg10[%mul3A_310, %dma_wait3A_322] : memref<5008x128xf32, #tpu.memory_space<vmem_shared>> -> memref<40x128xf32, #tpu.memory_space<vmem_shared>>
        %dma_wait3A_324 = arith.constant 0 : i32
        %dma_wait3A_325 = tpu.memref_slice %arg10[%mul3A_310, %dma_wait3A_324] : memref<5008x128xf32, #tpu.memory_space<vmem_shared>> -> memref<40x128xf32, #tpu.memory_space<vmem_shared>>
        %dma_wait3A_326 = arith.constant 0 : i32
        %dma_wait3A_327 = arith.constant 0 : i32
        %dma_wait3A_328 = tpu.memref_slice %arg14[%dma_wait3A_326, %dma_wait3A_327] : memref<64x128xf32, #tpu.memory_space<vmem>> -> memref<40x128xf32, #tpu.memory_space<vmem>>
        tpu.wait_dma2 semaphore(%run_scoped3A : memref<!tpu.dma_semaphore, #tpu.memory_space<semaphore_mem>>) src(%dma_wait3A_328 : memref<40x128xf32, #tpu.memory_space<vmem>>) dst(%dma_wait3A_325 : memref<40x128xf32, #tpu.memory_space<vmem_shared>>)
        tpu.yield
      }) : () -> ()
    } else {
    }
    %mul3A_175 = arith.constant 8 : i32
    %mul3A_176 = arith.muli %arg1, %mul3A_175 : i32
    %add3A_177 = arith.constant 2 : i32
    %add3A_178 = arith.addi %mul3A_176, %add3A_177 : i32
    %lt3A_179 = arith.constant 125 : i32
    %lt3A_180 = arith.cmpi slt, %add3A_178, %lt3A_179 : i32
    %convert_element_type3A_181 = arith.extui %lt3A_180 : i1 to i32
    %cond3A_182 = arith.constant 0 : i32
    %cond3A_183 = arith.cmpi ne, %convert_element_type3A_181, %cond3A_182 : i32
    scf.if %cond3A_183 {
      %mul3A_309 = arith.constant 40 : i32
      %mul3A_310 = arith.muli %add3A_178, %mul3A_309 : i32
      "tpu.region"() ({
        %run_scoped3A = tpu.sem_alloc : memref<!tpu.dma_semaphore, #tpu.memory_space<semaphore_mem>>
        %dma_start3A = arith.constant 0 : i32
        %dma_start3A_311 = arith.constant 0 : i32
        %dma_start3A_312 = tpu.memref_slice %arg14[%dma_start3A, %dma_start3A_311] : memref<64x128xf32, #tpu.memory_space<vmem>> -> memref<40x128xf32, #tpu.memory_space<vmem>>
        %dma_start3A_313 = arith.constant 0 : i32
        %dma_start3A_314 = tpu.memref_slice %arg10[%mul3A_310, %dma_start3A_313] : memref<5008x128xf32, #tpu.memory_space<vmem_shared>> -> memref<40x128xf32, #tpu.memory_space<vmem_shared>>
        %dma_start3A_315 = arith.constant 0 : i32
        %dma_start3A_316 = tpu.memref_slice %arg10[%mul3A_310, %dma_start3A_315] : memref<5008x128xf32, #tpu.memory_space<vmem_shared>> -> memref<40x128xf32, #tpu.memory_space<vmem_shared>>
        %dma_start3A_317 = arith.constant 0 : i32
        %dma_start3A_318 = arith.constant 0 : i32
        %dma_start3A_319 = tpu.memref_slice %arg14[%dma_start3A_317, %dma_start3A_318] : memref<64x128xf32, #tpu.memory_space<vmem>> -> memref<40x128xf32, #tpu.memory_space<vmem>>
        tpu.enqueue_dma source(%dma_start3A_319 : memref<40x128xf32, #tpu.memory_space<vmem>>) target(%dma_start3A_316 : memref<40x128xf32, #tpu.memory_space<vmem_shared>>) target_semaphore(%run_scoped3A : memref<!tpu.dma_semaphore, #tpu.memory_space<semaphore_mem>>)
        %dma_wait3A = arith.constant 0 : i32
        %dma_wait3A_320 = arith.constant 0 : i32
        %dma_wait3A_321 = tpu.memref_slice %arg14[%dma_wait3A, %dma_wait3A_320] : memref<64x128xf32, #tpu.memory_space<vmem>> -> memref<40x128xf32, #tpu.memory_space<vmem>>
        %dma_wait3A_322 = arith.constant 0 : i32
        %dma_wait3A_323 = tpu.memref_slice %arg10[%mul3A_310, %dma_wait3A_322] : memref<5008x128xf32, #tpu.memory_space<vmem_shared>> -> memref<40x128xf32, #tpu.memory_space<vmem_shared>>
        %dma_wait3A_324 = arith.constant 0 : i32
        %dma_wait3A_325 = tpu.memref_slice %arg10[%mul3A_310, %dma_wait3A_324] : memref<5008x128xf32, #tpu.memory_space<vmem_shared>> -> memref<40x128xf32, #tpu.memory_space<vmem_shared>>
        %dma_wait3A_326 = arith.constant 0 : i32
        %dma_wait3A_327 = arith.constant 0 : i32
        %dma_wait3A_328 = tpu.memref_slice %arg14[%dma_wait3A_326, %dma_wait3A_327] : memref<64x128xf32, #tpu.memory_space<vmem>> -> memref<40x128xf32, #tpu.memory_space<vmem>>
        tpu.wait_dma2 semaphore(%run_scoped3A : memref<!tpu.dma_semaphore, #tpu.memory_space<semaphore_mem>>) src(%dma_wait3A_328 : memref<40x128xf32, #tpu.memory_space<vmem>>) dst(%dma_wait3A_325 : memref<40x128xf32, #tpu.memory_space<vmem_shared>>)
        tpu.yield
      }) : () -> ()
    } else {
    }
    %mul3A_184 = arith.constant 8 : i32
    %mul3A_185 = arith.muli %arg1, %mul3A_184 : i32
    %add3A_186 = arith.constant 3 : i32
    %add3A_187 = arith.addi %mul3A_185, %add3A_186 : i32
    %lt3A_188 = arith.constant 125 : i32
    %lt3A_189 = arith.cmpi slt, %add3A_187, %lt3A_188 : i32
    %convert_element_type3A_190 = arith.extui %lt3A_189 : i1 to i32
    %cond3A_191 = arith.constant 0 : i32
    %cond3A_192 = arith.cmpi ne, %convert_element_type3A_190, %cond3A_191 : i32
    scf.if %cond3A_192 {
      %mul3A_309 = arith.constant 40 : i32
      %mul3A_310 = arith.muli %add3A_187, %mul3A_309 : i32
      "tpu.region"() ({
        %run_scoped3A = tpu.sem_alloc : memref<!tpu.dma_semaphore, #tpu.memory_space<semaphore_mem>>
        %dma_start3A = arith.constant 0 : i32
        %dma_start3A_311 = arith.constant 0 : i32
        %dma_start3A_312 = tpu.memref_slice %arg14[%dma_start3A, %dma_start3A_311] : memref<64x128xf32, #tpu.memory_space<vmem>> -> memref<40x128xf32, #tpu.memory_space<vmem>>
        %dma_start3A_313 = arith.constant 0 : i32
        %dma_start3A_314 = tpu.memref_slice %arg10[%mul3A_310, %dma_start3A_313] : memref<5008x128xf32, #tpu.memory_space<vmem_shared>> -> memref<40x128xf32, #tpu.memory_space<vmem_shared>>
        %dma_start3A_315 = arith.constant 0 : i32
        %dma_start3A_316 = tpu.memref_slice %arg10[%mul3A_310, %dma_start3A_315] : memref<5008x128xf32, #tpu.memory_space<vmem_shared>> -> memref<40x128xf32, #tpu.memory_space<vmem_shared>>
        %dma_start3A_317 = arith.constant 0 : i32
        %dma_start3A_318 = arith.constant 0 : i32
        %dma_start3A_319 = tpu.memref_slice %arg14[%dma_start3A_317, %dma_start3A_318] : memref<64x128xf32, #tpu.memory_space<vmem>> -> memref<40x128xf32, #tpu.memory_space<vmem>>
        tpu.enqueue_dma source(%dma_start3A_319 : memref<40x128xf32, #tpu.memory_space<vmem>>) target(%dma_start3A_316 : memref<40x128xf32, #tpu.memory_space<vmem_shared>>) target_semaphore(%run_scoped3A : memref<!tpu.dma_semaphore, #tpu.memory_space<semaphore_mem>>)
        %dma_wait3A = arith.constant 0 : i32
        %dma_wait3A_320 = arith.constant 0 : i32
        %dma_wait3A_321 = tpu.memref_slice %arg14[%dma_wait3A, %dma_wait3A_320] : memref<64x128xf32, #tpu.memory_space<vmem>> -> memref<40x128xf32, #tpu.memory_space<vmem>>
        %dma_wait3A_322 = arith.constant 0 : i32
        %dma_wait3A_323 = tpu.memref_slice %arg10[%mul3A_310, %dma_wait3A_322] : memref<5008x128xf32, #tpu.memory_space<vmem_shared>> -> memref<40x128xf32, #tpu.memory_space<vmem_shared>>
        %dma_wait3A_324 = arith.constant 0 : i32
        %dma_wait3A_325 = tpu.memref_slice %arg10[%mul3A_310, %dma_wait3A_324] : memref<5008x128xf32, #tpu.memory_space<vmem_shared>> -> memref<40x128xf32, #tpu.memory_space<vmem_shared>>
        %dma_wait3A_326 = arith.constant 0 : i32
        %dma_wait3A_327 = arith.constant 0 : i32
        %dma_wait3A_328 = tpu.memref_slice %arg14[%dma_wait3A_326, %dma_wait3A_327] : memref<64x128xf32, #tpu.memory_space<vmem>> -> memref<40x128xf32, #tpu.memory_space<vmem>>
        tpu.wait_dma2 semaphore(%run_scoped3A : memref<!tpu.dma_semaphore, #tpu.memory_space<semaphore_mem>>) src(%dma_wait3A_328 : memref<40x128xf32, #tpu.memory_space<vmem>>) dst(%dma_wait3A_325 : memref<40x128xf32, #tpu.memory_space<vmem_shared>>)
        tpu.yield
      }) : () -> ()
    } else {
    }
    %mul3A_193 = arith.constant 8 : i32
    %mul3A_194 = arith.muli %arg1, %mul3A_193 : i32
    %add3A_195 = arith.constant 4 : i32
    %add3A_196 = arith.addi %mul3A_194, %add3A_195 : i32
    %lt3A_197 = arith.constant 125 : i32
    %lt3A_198 = arith.cmpi slt, %add3A_196, %lt3A_197 : i32
    %convert_element_type3A_199 = arith.extui %lt3A_198 : i1 to i32
    %cond3A_200 = arith.constant 0 : i32
    %cond3A_201 = arith.cmpi ne, %convert_element_type3A_199, %cond3A_200 : i32
    scf.if %cond3A_201 {
      %mul3A_309 = arith.constant 40 : i32
      %mul3A_310 = arith.muli %add3A_196, %mul3A_309 : i32
      "tpu.region"() ({
        %run_scoped3A = tpu.sem_alloc : memref<!tpu.dma_semaphore, #tpu.memory_space<semaphore_mem>>
        %dma_start3A = arith.constant 0 : i32
        %dma_start3A_311 = arith.constant 0 : i32
        %dma_start3A_312 = tpu.memref_slice %arg14[%dma_start3A, %dma_start3A_311] : memref<64x128xf32, #tpu.memory_space<vmem>> -> memref<40x128xf32, #tpu.memory_space<vmem>>
        %dma_start3A_313 = arith.constant 0 : i32
        %dma_start3A_314 = tpu.memref_slice %arg10[%mul3A_310, %dma_start3A_313] : memref<5008x128xf32, #tpu.memory_space<vmem_shared>> -> memref<40x128xf32, #tpu.memory_space<vmem_shared>>
        %dma_start3A_315 = arith.constant 0 : i32
        %dma_start3A_316 = tpu.memref_slice %arg10[%mul3A_310, %dma_start3A_315] : memref<5008x128xf32, #tpu.memory_space<vmem_shared>> -> memref<40x128xf32, #tpu.memory_space<vmem_shared>>
        %dma_start3A_317 = arith.constant 0 : i32
        %dma_start3A_318 = arith.constant 0 : i32
        %dma_start3A_319 = tpu.memref_slice %arg14[%dma_start3A_317, %dma_start3A_318] : memref<64x128xf32, #tpu.memory_space<vmem>> -> memref<40x128xf32, #tpu.memory_space<vmem>>
        tpu.enqueue_dma source(%dma_start3A_319 : memref<40x128xf32, #tpu.memory_space<vmem>>) target(%dma_start3A_316 : memref<40x128xf32, #tpu.memory_space<vmem_shared>>) target_semaphore(%run_scoped3A : memref<!tpu.dma_semaphore, #tpu.memory_space<semaphore_mem>>)
        %dma_wait3A = arith.constant 0 : i32
        %dma_wait3A_320 = arith.constant 0 : i32
        %dma_wait3A_321 = tpu.memref_slice %arg14[%dma_wait3A, %dma_wait3A_320] : memref<64x128xf32, #tpu.memory_space<vmem>> -> memref<40x128xf32, #tpu.memory_space<vmem>>
        %dma_wait3A_322 = arith.constant 0 : i32
        %dma_wait3A_323 = tpu.memref_slice %arg10[%mul3A_310, %dma_wait3A_322] : memref<5008x128xf32, #tpu.memory_space<vmem_shared>> -> memref<40x128xf32, #tpu.memory_space<vmem_shared>>
        %dma_wait3A_324 = arith.constant 0 : i32
        %dma_wait3A_325 = tpu.memref_slice %arg10[%mul3A_310, %dma_wait3A_324] : memref<5008x128xf32, #tpu.memory_space<vmem_shared>> -> memref<40x128xf32, #tpu.memory_space<vmem_shared>>
        %dma_wait3A_326 = arith.constant 0 : i32
        %dma_wait3A_327 = arith.constant 0 : i32
        %dma_wait3A_328 = tpu.memref_slice %arg14[%dma_wait3A_326, %dma_wait3A_327] : memref<64x128xf32, #tpu.memory_space<vmem>> -> memref<40x128xf32, #tpu.memory_space<vmem>>
        tpu.wait_dma2 semaphore(%run_scoped3A : memref<!tpu.dma_semaphore, #tpu.memory_space<semaphore_mem>>) src(%dma_wait3A_328 : memref<40x128xf32, #tpu.memory_space<vmem>>) dst(%dma_wait3A_325 : memref<40x128xf32, #tpu.memory_space<vmem_shared>>)
        tpu.yield
      }) : () -> ()
    } else {
    }
    %mul3A_202 = arith.constant 8 : i32
    %mul3A_203 = arith.muli %arg1, %mul3A_202 : i32
    %add3A_204 = arith.constant 5 : i32
    %add3A_205 = arith.addi %mul3A_203, %add3A_204 : i32
    %lt3A_206 = arith.constant 125 : i32
    %lt3A_207 = arith.cmpi slt, %add3A_205, %lt3A_206 : i32
    %convert_element_type3A_208 = arith.extui %lt3A_207 : i1 to i32
    %cond3A_209 = arith.constant 0 : i32
    %cond3A_210 = arith.cmpi ne, %convert_element_type3A_208, %cond3A_209 : i32
    scf.if %cond3A_210 {
      %mul3A_309 = arith.constant 40 : i32
      %mul3A_310 = arith.muli %add3A_205, %mul3A_309 : i32
      "tpu.region"() ({
        %run_scoped3A = tpu.sem_alloc : memref<!tpu.dma_semaphore, #tpu.memory_space<semaphore_mem>>
        %dma_start3A = arith.constant 0 : i32
        %dma_start3A_311 = arith.constant 0 : i32
        %dma_start3A_312 = tpu.memref_slice %arg14[%dma_start3A, %dma_start3A_311] : memref<64x128xf32, #tpu.memory_space<vmem>> -> memref<40x128xf32, #tpu.memory_space<vmem>>
        %dma_start3A_313 = arith.constant 0 : i32
        %dma_start3A_314 = tpu.memref_slice %arg10[%mul3A_310, %dma_start3A_313] : memref<5008x128xf32, #tpu.memory_space<vmem_shared>> -> memref<40x128xf32, #tpu.memory_space<vmem_shared>>
        %dma_start3A_315 = arith.constant 0 : i32
        %dma_start3A_316 = tpu.memref_slice %arg10[%mul3A_310, %dma_start3A_315] : memref<5008x128xf32, #tpu.memory_space<vmem_shared>> -> memref<40x128xf32, #tpu.memory_space<vmem_shared>>
        %dma_start3A_317 = arith.constant 0 : i32
        %dma_start3A_318 = arith.constant 0 : i32
        %dma_start3A_319 = tpu.memref_slice %arg14[%dma_start3A_317, %dma_start3A_318] : memref<64x128xf32, #tpu.memory_space<vmem>> -> memref<40x128xf32, #tpu.memory_space<vmem>>
        tpu.enqueue_dma source(%dma_start3A_319 : memref<40x128xf32, #tpu.memory_space<vmem>>) target(%dma_start3A_316 : memref<40x128xf32, #tpu.memory_space<vmem_shared>>) target_semaphore(%run_scoped3A : memref<!tpu.dma_semaphore, #tpu.memory_space<semaphore_mem>>)
        %dma_wait3A = arith.constant 0 : i32
        %dma_wait3A_320 = arith.constant 0 : i32
        %dma_wait3A_321 = tpu.memref_slice %arg14[%dma_wait3A, %dma_wait3A_320] : memref<64x128xf32, #tpu.memory_space<vmem>> -> memref<40x128xf32, #tpu.memory_space<vmem>>
        %dma_wait3A_322 = arith.constant 0 : i32
        %dma_wait3A_323 = tpu.memref_slice %arg10[%mul3A_310, %dma_wait3A_322] : memref<5008x128xf32, #tpu.memory_space<vmem_shared>> -> memref<40x128xf32, #tpu.memory_space<vmem_shared>>
        %dma_wait3A_324 = arith.constant 0 : i32
        %dma_wait3A_325 = tpu.memref_slice %arg10[%mul3A_310, %dma_wait3A_324] : memref<5008x128xf32, #tpu.memory_space<vmem_shared>> -> memref<40x128xf32, #tpu.memory_space<vmem_shared>>
        %dma_wait3A_326 = arith.constant 0 : i32
        %dma_wait3A_327 = arith.constant 0 : i32
        %dma_wait3A_328 = tpu.memref_slice %arg14[%dma_wait3A_326, %dma_wait3A_327] : memref<64x128xf32, #tpu.memory_space<vmem>> -> memref<40x128xf32, #tpu.memory_space<vmem>>
        tpu.wait_dma2 semaphore(%run_scoped3A : memref<!tpu.dma_semaphore, #tpu.memory_space<semaphore_mem>>) src(%dma_wait3A_328 : memref<40x128xf32, #tpu.memory_space<vmem>>) dst(%dma_wait3A_325 : memref<40x128xf32, #tpu.memory_space<vmem_shared>>)
        tpu.yield
      }) : () -> ()
    } else {
    }
    %mul3A_211 = arith.constant 8 : i32
    %mul3A_212 = arith.muli %arg1, %mul3A_211 : i32
    %add3A_213 = arith.constant 6 : i32
    %add3A_214 = arith.addi %mul3A_212, %add3A_213 : i32
    %lt3A_215 = arith.constant 125 : i32
    %lt3A_216 = arith.cmpi slt, %add3A_214, %lt3A_215 : i32
    %convert_element_type3A_217 = arith.extui %lt3A_216 : i1 to i32
    %cond3A_218 = arith.constant 0 : i32
    %cond3A_219 = arith.cmpi ne, %convert_element_type3A_217, %cond3A_218 : i32
    scf.if %cond3A_219 {
      %mul3A_309 = arith.constant 40 : i32
      %mul3A_310 = arith.muli %add3A_214, %mul3A_309 : i32
      "tpu.region"() ({
        %run_scoped3A = tpu.sem_alloc : memref<!tpu.dma_semaphore, #tpu.memory_space<semaphore_mem>>
        %dma_start3A = arith.constant 0 : i32
        %dma_start3A_311 = arith.constant 0 : i32
        %dma_start3A_312 = tpu.memref_slice %arg14[%dma_start3A, %dma_start3A_311] : memref<64x128xf32, #tpu.memory_space<vmem>> -> memref<40x128xf32, #tpu.memory_space<vmem>>
        %dma_start3A_313 = arith.constant 0 : i32
        %dma_start3A_314 = tpu.memref_slice %arg10[%mul3A_310, %dma_start3A_313] : memref<5008x128xf32, #tpu.memory_space<vmem_shared>> -> memref<40x128xf32, #tpu.memory_space<vmem_shared>>
        %dma_start3A_315 = arith.constant 0 : i32
        %dma_start3A_316 = tpu.memref_slice %arg10[%mul3A_310, %dma_start3A_315] : memref<5008x128xf32, #tpu.memory_space<vmem_shared>> -> memref<40x128xf32, #tpu.memory_space<vmem_shared>>
        %dma_start3A_317 = arith.constant 0 : i32
        %dma_start3A_318 = arith.constant 0 : i32
        %dma_start3A_319 = tpu.memref_slice %arg14[%dma_start3A_317, %dma_start3A_318] : memref<64x128xf32, #tpu.memory_space<vmem>> -> memref<40x128xf32, #tpu.memory_space<vmem>>
        tpu.enqueue_dma source(%dma_start3A_319 : memref<40x128xf32, #tpu.memory_space<vmem>>) target(%dma_start3A_316 : memref<40x128xf32, #tpu.memory_space<vmem_shared>>) target_semaphore(%run_scoped3A : memref<!tpu.dma_semaphore, #tpu.memory_space<semaphore_mem>>)
        %dma_wait3A = arith.constant 0 : i32
        %dma_wait3A_320 = arith.constant 0 : i32
        %dma_wait3A_321 = tpu.memref_slice %arg14[%dma_wait3A, %dma_wait3A_320] : memref<64x128xf32, #tpu.memory_space<vmem>> -> memref<40x128xf32, #tpu.memory_space<vmem>>
        %dma_wait3A_322 = arith.constant 0 : i32
        %dma_wait3A_323 = tpu.memref_slice %arg10[%mul3A_310, %dma_wait3A_322] : memref<5008x128xf32, #tpu.memory_space<vmem_shared>> -> memref<40x128xf32, #tpu.memory_space<vmem_shared>>
        %dma_wait3A_324 = arith.constant 0 : i32
        %dma_wait3A_325 = tpu.memref_slice %arg10[%mul3A_310, %dma_wait3A_324] : memref<5008x128xf32, #tpu.memory_space<vmem_shared>> -> memref<40x128xf32, #tpu.memory_space<vmem_shared>>
        %dma_wait3A_326 = arith.constant 0 : i32
        %dma_wait3A_327 = arith.constant 0 : i32
        %dma_wait3A_328 = tpu.memref_slice %arg14[%dma_wait3A_326, %dma_wait3A_327] : memref<64x128xf32, #tpu.memory_space<vmem>> -> memref<40x128xf32, #tpu.memory_space<vmem>>
        tpu.wait_dma2 semaphore(%run_scoped3A : memref<!tpu.dma_semaphore, #tpu.memory_space<semaphore_mem>>) src(%dma_wait3A_328 : memref<40x128xf32, #tpu.memory_space<vmem>>) dst(%dma_wait3A_325 : memref<40x128xf32, #tpu.memory_space<vmem_shared>>)
        tpu.yield
      }) : () -> ()
    } else {
    }
    %mul3A_220 = arith.constant 8 : i32
    %mul3A_221 = arith.muli %arg1, %mul3A_220 : i32
    %add3A_222 = arith.constant 7 : i32
    %add3A_223 = arith.addi %mul3A_221, %add3A_222 : i32
    %lt3A_224 = arith.constant 125 : i32
    %lt3A_225 = arith.cmpi slt, %add3A_223, %lt3A_224 : i32
    %convert_element_type3A_226 = arith.extui %lt3A_225 : i1 to i32
    %cond3A_227 = arith.constant 0 : i32
    %cond3A_228 = arith.cmpi ne, %convert_element_type3A_226, %cond3A_227 : i32
    scf.if %cond3A_228 {
      %mul3A_309 = arith.constant 40 : i32
      %mul3A_310 = arith.muli %add3A_223, %mul3A_309 : i32
      "tpu.region"() ({
        %run_scoped3A = tpu.sem_alloc : memref<!tpu.dma_semaphore, #tpu.memory_space<semaphore_mem>>
        %dma_start3A = arith.constant 0 : i32
        %dma_start3A_311 = arith.constant 0 : i32
        %dma_start3A_312 = tpu.memref_slice %arg14[%dma_start3A, %dma_start3A_311] : memref<64x128xf32, #tpu.memory_space<vmem>> -> memref<40x128xf32, #tpu.memory_space<vmem>>
        %dma_start3A_313 = arith.constant 0 : i32
        %dma_start3A_314 = tpu.memref_slice %arg10[%mul3A_310, %dma_start3A_313] : memref<5008x128xf32, #tpu.memory_space<vmem_shared>> -> memref<40x128xf32, #tpu.memory_space<vmem_shared>>
        %dma_start3A_315 = arith.constant 0 : i32
        %dma_start3A_316 = tpu.memref_slice %arg10[%mul3A_310, %dma_start3A_315] : memref<5008x128xf32, #tpu.memory_space<vmem_shared>> -> memref<40x128xf32, #tpu.memory_space<vmem_shared>>
        %dma_start3A_317 = arith.constant 0 : i32
        %dma_start3A_318 = arith.constant 0 : i32
        %dma_start3A_319 = tpu.memref_slice %arg14[%dma_start3A_317, %dma_start3A_318] : memref<64x128xf32, #tpu.memory_space<vmem>> -> memref<40x128xf32, #tpu.memory_space<vmem>>
        tpu.enqueue_dma source(%dma_start3A_319 : memref<40x128xf32, #tpu.memory_space<vmem>>) target(%dma_start3A_316 : memref<40x128xf32, #tpu.memory_space<vmem_shared>>) target_semaphore(%run_scoped3A : memref<!tpu.dma_semaphore, #tpu.memory_space<semaphore_mem>>)
        %dma_wait3A = arith.constant 0 : i32
        %dma_wait3A_320 = arith.constant 0 : i32
        %dma_wait3A_321 = tpu.memref_slice %arg14[%dma_wait3A, %dma_wait3A_320] : memref<64x128xf32, #tpu.memory_space<vmem>> -> memref<40x128xf32, #tpu.memory_space<vmem>>
        %dma_wait3A_322 = arith.constant 0 : i32
        %dma_wait3A_323 = tpu.memref_slice %arg10[%mul3A_310, %dma_wait3A_322] : memref<5008x128xf32, #tpu.memory_space<vmem_shared>> -> memref<40x128xf32, #tpu.memory_space<vmem_shared>>
        %dma_wait3A_324 = arith.constant 0 : i32
        %dma_wait3A_325 = tpu.memref_slice %arg10[%mul3A_310, %dma_wait3A_324] : memref<5008x128xf32, #tpu.memory_space<vmem_shared>> -> memref<40x128xf32, #tpu.memory_space<vmem_shared>>
        %dma_wait3A_326 = arith.constant 0 : i32
        %dma_wait3A_327 = arith.constant 0 : i32
        %dma_wait3A_328 = tpu.memref_slice %arg14[%dma_wait3A_326, %dma_wait3A_327] : memref<64x128xf32, #tpu.memory_space<vmem>> -> memref<40x128xf32, #tpu.memory_space<vmem>>
        tpu.wait_dma2 semaphore(%run_scoped3A : memref<!tpu.dma_semaphore, #tpu.memory_space<semaphore_mem>>) src(%dma_wait3A_328 : memref<40x128xf32, #tpu.memory_space<vmem>>) dst(%dma_wait3A_325 : memref<40x128xf32, #tpu.memory_space<vmem_shared>>)
        tpu.yield
      }) : () -> ()
    } else {
    }
    %barrier3A_229 = arith.constant 0 : index
    tpu.barrier barrier_id(%barrier3A_229)
    %scan3A_230 = arith.constant 0 : i32
    %scan3A_231 = arith.constant 0 : i32
    %scan3A_232 = arith.constant 157 : i32
    %scan3A_233 = arith.addi %scan3A_231, %scan3A_232 : i32
    %scan3A_234 = arith.constant 1 : i32
    scf.for %scan3A_309 = %scan3A_231 to %scan3A_233 step %scan3A_234  : i32 {
      %mul3A_310 = arith.constant 157 : i32
      %mul3A_311 = arith.muli %arg1, %mul3A_310 : i32
      %add3A_312 = arith.addi %mul3A_311, %scan3A_309 : i32
      %lt3A_313 = arith.constant 2500 : i32
      %lt3A_314 = arith.cmpi slt, %add3A_312, %lt3A_313 : i32
      %convert_element_type3A_315 = arith.extui %lt3A_314 : i1 to i32
      %cond3A_316 = arith.constant 0 : i32
      %cond3A_317 = arith.cmpi ne, %convert_element_type3A_315, %cond3A_316 : i32
      scf.if %cond3A_317 {
        %mul3A_318 = arith.constant 160000 : i32
        %mul3A_319 = arith.muli %arg0, %mul3A_318 : i32
        %mul3A_320 = arith.constant 64 : i32
        %mul3A_321 = arith.muli %add3A_312, %mul3A_320 : i32
        %add3A_322 = arith.addi %mul3A_319, %mul3A_321 : i32
        %add3A_323 = arith.constant 320000 : i32
        %add3A_324 = arith.addi %add3A_323, %add3A_322 : i32
        "tpu.region"() ({
          %run_scoped3A = tpu.sem_alloc : memref<!tpu.dma_semaphore, #tpu.memory_space<semaphore_mem>>
          %dma_start3A = tpu.memref_slice %arg7[%add3A_324] : memref<640000xi32, #tpu.memory_space<hbm>> -> memref<64xi32, #tpu.memory_space<hbm>>
          %dma_start3A_325 = tpu.memref_slice %arg7[%add3A_324] : memref<640000xi32, #tpu.memory_space<hbm>> -> memref<64xi32, #tpu.memory_space<hbm>>
          tpu.enqueue_dma source(%dma_start3A_325 : memref<64xi32, #tpu.memory_space<hbm>>) target(%arg13 : memref<64xi32, #tpu.memory_space<vmem>>) target_semaphore(%run_scoped3A : memref<!tpu.dma_semaphore, #tpu.memory_space<semaphore_mem>>)
          %dma_wait3A = tpu.memref_slice %arg7[%add3A_324] : memref<640000xi32, #tpu.memory_space<hbm>> -> memref<64xi32, #tpu.memory_space<hbm>>
          %dma_wait3A_326 = tpu.memref_slice %arg7[%add3A_324] : memref<640000xi32, #tpu.memory_space<hbm>> -> memref<64xi32, #tpu.memory_space<hbm>>
          tpu.wait_dma2 semaphore(%run_scoped3A : memref<!tpu.dma_semaphore, #tpu.memory_space<semaphore_mem>>) src(%dma_wait3A_326 : memref<64xi32, #tpu.memory_space<hbm>>) dst(%arg13 : memref<64xi32, #tpu.memory_space<vmem>>)
          tpu.yield
        }) : () -> ()
        "tpu.region"() ({
          %run_scoped3A = tpu.sem_alloc : memref<!tpu.dma_semaphore, #tpu.memory_space<semaphore_mem>>
          %dma_start3A = arith.constant 0 : i32
          %dma_start3A_325 = tpu.memref_slice %arg8[%add3A_322, %dma_start3A] : memref<320000x128xf32, #tpu.memory_space<hbm>> -> memref<64x128xf32, #tpu.memory_space<hbm>>
          %dma_start3A_326 = arith.constant 0 : i32
          %dma_start3A_327 = tpu.memref_slice %arg8[%add3A_322, %dma_start3A_326] : memref<320000x128xf32, #tpu.memory_space<hbm>> -> memref<64x128xf32, #tpu.memory_space<hbm>>
          tpu.enqueue_dma source(%dma_start3A_327 : memref<64x128xf32, #tpu.memory_space<hbm>>) target(%arg14 : memref<64x128xf32, #tpu.memory_space<vmem>>) target_semaphore(%run_scoped3A : memref<!tpu.dma_semaphore, #tpu.memory_space<semaphore_mem>>)
          %dma_wait3A = arith.constant 0 : i32
          %dma_wait3A_328 = tpu.memref_slice %arg8[%add3A_322, %dma_wait3A] : memref<320000x128xf32, #tpu.memory_space<hbm>> -> memref<64x128xf32, #tpu.memory_space<hbm>>
          %dma_wait3A_329 = arith.constant 0 : i32
          %dma_wait3A_330 = tpu.memref_slice %arg8[%add3A_322, %dma_wait3A_329] : memref<320000x128xf32, #tpu.memory_space<hbm>> -> memref<64x128xf32, #tpu.memory_space<hbm>>
          tpu.wait_dma2 semaphore(%run_scoped3A : memref<!tpu.dma_semaphore, #tpu.memory_space<semaphore_mem>>) src(%dma_wait3A_330 : memref<64x128xf32, #tpu.memory_space<hbm>>) dst(%arg14 : memref<64x128xf32, #tpu.memory_space<vmem>>)
          tpu.yield
        }) : () -> ()
        "tpu.region"() ({
          %run_scoped3A = tpu.sem_alloc : memref<!tpu.dma_semaphore, #tpu.memory_space<semaphore_mem>>
          %dma_start3A = arith.constant 0 : i32
          %dma_start3A_325 = arith.constant 0 : i32
          %dma_start3A_326 = tpu.memref_slice %arg10[%dma_start3A, %dma_start3A_325] : memref<5008x128xf32, #tpu.memory_space<vmem_shared>> -> memref<5008x128xf32, #tpu.memory_space<vmem_shared>>
          tpu.enqueue_indirect_dma source(%arg14 : memref<64x128xf32, #tpu.memory_space<vmem>>) target(%dma_start3A_326 : memref<5008x128xf32, #tpu.memory_space<vmem_shared>>) offsets(%arg13 : memref<64xi32, #tpu.memory_space<vmem>>) semaphore(%run_scoped3A : memref<!tpu.dma_semaphore, #tpu.memory_space<semaphore_mem>>) {add = true}
          %dma_wait3A = arith.constant 0 : i32
          %dma_wait3A_327 = arith.constant 0 : i32
          %dma_wait3A_328 = tpu.memref_slice %arg10[%dma_wait3A, %dma_wait3A_327] : memref<5008x128xf32, #tpu.memory_space<vmem_shared>> -> memref<5008x128xf32, #tpu.memory_space<vmem_shared>>
          tpu.wait_indirect_dma semaphore(%run_scoped3A : memref<!tpu.dma_semaphore, #tpu.memory_space<semaphore_mem>>) src(%arg14 : memref<64x128xf32, #tpu.memory_space<vmem>>) dst(%dma_wait3A_328 : memref<5008x128xf32, #tpu.memory_space<vmem_shared>>)
          tpu.yield
        }) : () -> ()
      } else {
      }
    }
    %scan3A_235 = arith.constant 157 : i32
    %barrier3A_236 = arith.constant 0 : index
    tpu.barrier barrier_id(%barrier3A_236)
    %mul3A_237 = arith.constant 8 : i32
    %mul3A_238 = arith.muli %arg1, %mul3A_237 : i32
    %add3A_239 = arith.constant 0 : i32
    %add3A_240 = arith.addi %mul3A_238, %add3A_239 : i32
    %lt3A_241 = arith.constant 125 : i32
    %lt3A_242 = arith.cmpi slt, %add3A_240, %lt3A_241 : i32
    %convert_element_type3A_243 = arith.extui %lt3A_242 : i1 to i32
    %cond3A_244 = arith.constant 0 : i32
    %cond3A_245 = arith.cmpi ne, %convert_element_type3A_243, %cond3A_244 : i32
    scf.if %cond3A_245 {
      %mul3A_309 = arith.constant 40 : i32
      %mul3A_310 = arith.muli %add3A_240, %mul3A_309 : i32
      %mul3A_311 = arith.constant 10000 : i32
      %mul3A_312 = arith.muli %arg0, %mul3A_311 : i32
      %add3A_313 = arith.constant 5000 : i32
      %add3A_314 = arith.addi %mul3A_312, %add3A_313 : i32
      %mul3A_315 = arith.constant 40 : i32
      %mul3A_316 = arith.muli %add3A_240, %mul3A_315 : i32
      %add3A_317 = arith.addi %add3A_314, %mul3A_316 : i32
      "tpu.region"() ({
        %run_scoped3A = tpu.sem_alloc : memref<!tpu.dma_semaphore, #tpu.memory_space<semaphore_mem>>
        %dma_start3A = arith.constant 0 : i32
        %dma_start3A_318 = tpu.memref_slice %arg9[%add3A_317, %dma_start3A] : memref<20000x128xf32, #tpu.memory_space<hbm>> -> memref<40x128xf32, #tpu.memory_space<hbm>>
        %dma_start3A_319 = arith.constant 0 : i32
        %dma_start3A_320 = tpu.memref_slice %arg10[%mul3A_310, %dma_start3A_319] : memref<5008x128xf32, #tpu.memory_space<vmem_shared>> -> memref<40x128xf32, #tpu.memory_space<vmem_shared>>
        tpu.enqueue_dma source(%dma_start3A_320 : memref<40x128xf32, #tpu.memory_space<vmem_shared>>) target(%dma_start3A_318 : memref<40x128xf32, #tpu.memory_space<hbm>>) target_semaphore(%run_scoped3A : memref<!tpu.dma_semaphore, #tpu.memory_space<semaphore_mem>>)
        %dma_wait3A = arith.constant 0 : i32
        %dma_wait3A_321 = tpu.memref_slice %arg9[%add3A_317, %dma_wait3A] : memref<20000x128xf32, #tpu.memory_space<hbm>> -> memref<40x128xf32, #tpu.memory_space<hbm>>
        %dma_wait3A_322 = arith.constant 0 : i32
        %dma_wait3A_323 = tpu.memref_slice %arg10[%mul3A_310, %dma_wait3A_322] : memref<5008x128xf32, #tpu.memory_space<vmem_shared>> -> memref<40x128xf32, #tpu.memory_space<vmem_shared>>
        tpu.wait_dma2 semaphore(%run_scoped3A : memref<!tpu.dma_semaphore, #tpu.memory_space<semaphore_mem>>) src(%dma_wait3A_323 : memref<40x128xf32, #tpu.memory_space<vmem_shared>>) dst(%dma_wait3A_321 : memref<40x128xf32, #tpu.memory_space<hbm>>)
        tpu.yield
      }) : () -> ()
    } else {
    }
    %mul3A_246 = arith.constant 8 : i32
    %mul3A_247 = arith.muli %arg1, %mul3A_246 : i32
    %add3A_248 = arith.constant 1 : i32
    %add3A_249 = arith.addi %mul3A_247, %add3A_248 : i32
    %lt3A_250 = arith.constant 125 : i32
    %lt3A_251 = arith.cmpi slt, %add3A_249, %lt3A_250 : i32
    %convert_element_type3A_252 = arith.extui %lt3A_251 : i1 to i32
    %cond3A_253 = arith.constant 0 : i32
    %cond3A_254 = arith.cmpi ne, %convert_element_type3A_252, %cond3A_253 : i32
    scf.if %cond3A_254 {
      %mul3A_309 = arith.constant 40 : i32
      %mul3A_310 = arith.muli %add3A_249, %mul3A_309 : i32
      %mul3A_311 = arith.constant 10000 : i32
      %mul3A_312 = arith.muli %arg0, %mul3A_311 : i32
      %add3A_313 = arith.constant 5000 : i32
      %add3A_314 = arith.addi %mul3A_312, %add3A_313 : i32
      %mul3A_315 = arith.constant 40 : i32
      %mul3A_316 = arith.muli %add3A_249, %mul3A_315 : i32
      %add3A_317 = arith.addi %add3A_314, %mul3A_316 : i32
      "tpu.region"() ({
        %run_scoped3A = tpu.sem_alloc : memref<!tpu.dma_semaphore, #tpu.memory_space<semaphore_mem>>
        %dma_start3A = arith.constant 0 : i32
        %dma_start3A_318 = tpu.memref_slice %arg9[%add3A_317, %dma_start3A] : memref<20000x128xf32, #tpu.memory_space<hbm>> -> memref<40x128xf32, #tpu.memory_space<hbm>>
        %dma_start3A_319 = arith.constant 0 : i32
        %dma_start3A_320 = tpu.memref_slice %arg10[%mul3A_310, %dma_start3A_319] : memref<5008x128xf32, #tpu.memory_space<vmem_shared>> -> memref<40x128xf32, #tpu.memory_space<vmem_shared>>
        tpu.enqueue_dma source(%dma_start3A_320 : memref<40x128xf32, #tpu.memory_space<vmem_shared>>) target(%dma_start3A_318 : memref<40x128xf32, #tpu.memory_space<hbm>>) target_semaphore(%run_scoped3A : memref<!tpu.dma_semaphore, #tpu.memory_space<semaphore_mem>>)
        %dma_wait3A = arith.constant 0 : i32
        %dma_wait3A_321 = tpu.memref_slice %arg9[%add3A_317, %dma_wait3A] : memref<20000x128xf32, #tpu.memory_space<hbm>> -> memref<40x128xf32, #tpu.memory_space<hbm>>
        %dma_wait3A_322 = arith.constant 0 : i32
        %dma_wait3A_323 = tpu.memref_slice %arg10[%mul3A_310, %dma_wait3A_322] : memref<5008x128xf32, #tpu.memory_space<vmem_shared>> -> memref<40x128xf32, #tpu.memory_space<vmem_shared>>
        tpu.wait_dma2 semaphore(%run_scoped3A : memref<!tpu.dma_semaphore, #tpu.memory_space<semaphore_mem>>) src(%dma_wait3A_323 : memref<40x128xf32, #tpu.memory_space<vmem_shared>>) dst(%dma_wait3A_321 : memref<40x128xf32, #tpu.memory_space<hbm>>)
        tpu.yield
      }) : () -> ()
    } else {
    }
    %mul3A_255 = arith.constant 8 : i32
    %mul3A_256 = arith.muli %arg1, %mul3A_255 : i32
    %add3A_257 = arith.constant 2 : i32
    %add3A_258 = arith.addi %mul3A_256, %add3A_257 : i32
    %lt3A_259 = arith.constant 125 : i32
    %lt3A_260 = arith.cmpi slt, %add3A_258, %lt3A_259 : i32
    %convert_element_type3A_261 = arith.extui %lt3A_260 : i1 to i32
    %cond3A_262 = arith.constant 0 : i32
    %cond3A_263 = arith.cmpi ne, %convert_element_type3A_261, %cond3A_262 : i32
    scf.if %cond3A_263 {
      %mul3A_309 = arith.constant 40 : i32
      %mul3A_310 = arith.muli %add3A_258, %mul3A_309 : i32
      %mul3A_311 = arith.constant 10000 : i32
      %mul3A_312 = arith.muli %arg0, %mul3A_311 : i32
      %add3A_313 = arith.constant 5000 : i32
      %add3A_314 = arith.addi %mul3A_312, %add3A_313 : i32
      %mul3A_315 = arith.constant 40 : i32
      %mul3A_316 = arith.muli %add3A_258, %mul3A_315 : i32
      %add3A_317 = arith.addi %add3A_314, %mul3A_316 : i32
      "tpu.region"() ({
        %run_scoped3A = tpu.sem_alloc : memref<!tpu.dma_semaphore, #tpu.memory_space<semaphore_mem>>
        %dma_start3A = arith.constant 0 : i32
        %dma_start3A_318 = tpu.memref_slice %arg9[%add3A_317, %dma_start3A] : memref<20000x128xf32, #tpu.memory_space<hbm>> -> memref<40x128xf32, #tpu.memory_space<hbm>>
        %dma_start3A_319 = arith.constant 0 : i32
        %dma_start3A_320 = tpu.memref_slice %arg10[%mul3A_310, %dma_start3A_319] : memref<5008x128xf32, #tpu.memory_space<vmem_shared>> -> memref<40x128xf32, #tpu.memory_space<vmem_shared>>
        tpu.enqueue_dma source(%dma_start3A_320 : memref<40x128xf32, #tpu.memory_space<vmem_shared>>) target(%dma_start3A_318 : memref<40x128xf32, #tpu.memory_space<hbm>>) target_semaphore(%run_scoped3A : memref<!tpu.dma_semaphore, #tpu.memory_space<semaphore_mem>>)
        %dma_wait3A = arith.constant 0 : i32
        %dma_wait3A_321 = tpu.memref_slice %arg9[%add3A_317, %dma_wait3A] : memref<20000x128xf32, #tpu.memory_space<hbm>> -> memref<40x128xf32, #tpu.memory_space<hbm>>
        %dma_wait3A_322 = arith.constant 0 : i32
        %dma_wait3A_323 = tpu.memref_slice %arg10[%mul3A_310, %dma_wait3A_322] : memref<5008x128xf32, #tpu.memory_space<vmem_shared>> -> memref<40x128xf32, #tpu.memory_space<vmem_shared>>
        tpu.wait_dma2 semaphore(%run_scoped3A : memref<!tpu.dma_semaphore, #tpu.memory_space<semaphore_mem>>) src(%dma_wait3A_323 : memref<40x128xf32, #tpu.memory_space<vmem_shared>>) dst(%dma_wait3A_321 : memref<40x128xf32, #tpu.memory_space<hbm>>)
        tpu.yield
      }) : () -> ()
    } else {
    }
    %mul3A_264 = arith.constant 8 : i32
    %mul3A_265 = arith.muli %arg1, %mul3A_264 : i32
    %add3A_266 = arith.constant 3 : i32
    %add3A_267 = arith.addi %mul3A_265, %add3A_266 : i32
    %lt3A_268 = arith.constant 125 : i32
    %lt3A_269 = arith.cmpi slt, %add3A_267, %lt3A_268 : i32
    %convert_element_type3A_270 = arith.extui %lt3A_269 : i1 to i32
    %cond3A_271 = arith.constant 0 : i32
    %cond3A_272 = arith.cmpi ne, %convert_element_type3A_270, %cond3A_271 : i32
    scf.if %cond3A_272 {
      %mul3A_309 = arith.constant 40 : i32
      %mul3A_310 = arith.muli %add3A_267, %mul3A_309 : i32
      %mul3A_311 = arith.constant 10000 : i32
      %mul3A_312 = arith.muli %arg0, %mul3A_311 : i32
      %add3A_313 = arith.constant 5000 : i32
      %add3A_314 = arith.addi %mul3A_312, %add3A_313 : i32
      %mul3A_315 = arith.constant 40 : i32
      %mul3A_316 = arith.muli %add3A_267, %mul3A_315 : i32
      %add3A_317 = arith.addi %add3A_314, %mul3A_316 : i32
      "tpu.region"() ({
        %run_scoped3A = tpu.sem_alloc : memref<!tpu.dma_semaphore, #tpu.memory_space<semaphore_mem>>
        %dma_start3A = arith.constant 0 : i32
        %dma_start3A_318 = tpu.memref_slice %arg9[%add3A_317, %dma_start3A] : memref<20000x128xf32, #tpu.memory_space<hbm>> -> memref<40x128xf32, #tpu.memory_space<hbm>>
        %dma_start3A_319 = arith.constant 0 : i32
        %dma_start3A_320 = tpu.memref_slice %arg10[%mul3A_310, %dma_start3A_319] : memref<5008x128xf32, #tpu.memory_space<vmem_shared>> -> memref<40x128xf32, #tpu.memory_space<vmem_shared>>
        tpu.enqueue_dma source(%dma_start3A_320 : memref<40x128xf32, #tpu.memory_space<vmem_shared>>) target(%dma_start3A_318 : memref<40x128xf32, #tpu.memory_space<hbm>>) target_semaphore(%run_scoped3A : memref<!tpu.dma_semaphore, #tpu.memory_space<semaphore_mem>>)
        %dma_wait3A = arith.constant 0 : i32
        %dma_wait3A_321 = tpu.memref_slice %arg9[%add3A_317, %dma_wait3A] : memref<20000x128xf32, #tpu.memory_space<hbm>> -> memref<40x128xf32, #tpu.memory_space<hbm>>
        %dma_wait3A_322 = arith.constant 0 : i32
        %dma_wait3A_323 = tpu.memref_slice %arg10[%mul3A_310, %dma_wait3A_322] : memref<5008x128xf32, #tpu.memory_space<vmem_shared>> -> memref<40x128xf32, #tpu.memory_space<vmem_shared>>
        tpu.wait_dma2 semaphore(%run_scoped3A : memref<!tpu.dma_semaphore, #tpu.memory_space<semaphore_mem>>) src(%dma_wait3A_323 : memref<40x128xf32, #tpu.memory_space<vmem_shared>>) dst(%dma_wait3A_321 : memref<40x128xf32, #tpu.memory_space<hbm>>)
        tpu.yield
      }) : () -> ()
    } else {
    }
    %mul3A_273 = arith.constant 8 : i32
    %mul3A_274 = arith.muli %arg1, %mul3A_273 : i32
    %add3A_275 = arith.constant 4 : i32
    %add3A_276 = arith.addi %mul3A_274, %add3A_275 : i32
    %lt3A_277 = arith.constant 125 : i32
    %lt3A_278 = arith.cmpi slt, %add3A_276, %lt3A_277 : i32
    %convert_element_type3A_279 = arith.extui %lt3A_278 : i1 to i32
    %cond3A_280 = arith.constant 0 : i32
    %cond3A_281 = arith.cmpi ne, %convert_element_type3A_279, %cond3A_280 : i32
    scf.if %cond3A_281 {
      %mul3A_309 = arith.constant 40 : i32
      %mul3A_310 = arith.muli %add3A_276, %mul3A_309 : i32
      %mul3A_311 = arith.constant 10000 : i32
      %mul3A_312 = arith.muli %arg0, %mul3A_311 : i32
      %add3A_313 = arith.constant 5000 : i32
      %add3A_314 = arith.addi %mul3A_312, %add3A_313 : i32
      %mul3A_315 = arith.constant 40 : i32
      %mul3A_316 = arith.muli %add3A_276, %mul3A_315 : i32
      %add3A_317 = arith.addi %add3A_314, %mul3A_316 : i32
      "tpu.region"() ({
        %run_scoped3A = tpu.sem_alloc : memref<!tpu.dma_semaphore, #tpu.memory_space<semaphore_mem>>
        %dma_start3A = arith.constant 0 : i32
        %dma_start3A_318 = tpu.memref_slice %arg9[%add3A_317, %dma_start3A] : memref<20000x128xf32, #tpu.memory_space<hbm>> -> memref<40x128xf32, #tpu.memory_space<hbm>>
        %dma_start3A_319 = arith.constant 0 : i32
        %dma_start3A_320 = tpu.memref_slice %arg10[%mul3A_310, %dma_start3A_319] : memref<5008x128xf32, #tpu.memory_space<vmem_shared>> -> memref<40x128xf32, #tpu.memory_space<vmem_shared>>
        tpu.enqueue_dma source(%dma_start3A_320 : memref<40x128xf32, #tpu.memory_space<vmem_shared>>) target(%dma_start3A_318 : memref<40x128xf32, #tpu.memory_space<hbm>>) target_semaphore(%run_scoped3A : memref<!tpu.dma_semaphore, #tpu.memory_space<semaphore_mem>>)
        %dma_wait3A = arith.constant 0 : i32
        %dma_wait3A_321 = tpu.memref_slice %arg9[%add3A_317, %dma_wait3A] : memref<20000x128xf32, #tpu.memory_space<hbm>> -> memref<40x128xf32, #tpu.memory_space<hbm>>
        %dma_wait3A_322 = arith.constant 0 : i32
        %dma_wait3A_323 = tpu.memref_slice %arg10[%mul3A_310, %dma_wait3A_322] : memref<5008x128xf32, #tpu.memory_space<vmem_shared>> -> memref<40x128xf32, #tpu.memory_space<vmem_shared>>
        tpu.wait_dma2 semaphore(%run_scoped3A : memref<!tpu.dma_semaphore, #tpu.memory_space<semaphore_mem>>) src(%dma_wait3A_323 : memref<40x128xf32, #tpu.memory_space<vmem_shared>>) dst(%dma_wait3A_321 : memref<40x128xf32, #tpu.memory_space<hbm>>)
        tpu.yield
      }) : () -> ()
    } else {
    }
    %mul3A_282 = arith.constant 8 : i32
    %mul3A_283 = arith.muli %arg1, %mul3A_282 : i32
    %add3A_284 = arith.constant 5 : i32
    %add3A_285 = arith.addi %mul3A_283, %add3A_284 : i32
    %lt3A_286 = arith.constant 125 : i32
    %lt3A_287 = arith.cmpi slt, %add3A_285, %lt3A_286 : i32
    %convert_element_type3A_288 = arith.extui %lt3A_287 : i1 to i32
    %cond3A_289 = arith.constant 0 : i32
    %cond3A_290 = arith.cmpi ne, %convert_element_type3A_288, %cond3A_289 : i32
    scf.if %cond3A_290 {
      %mul3A_309 = arith.constant 40 : i32
      %mul3A_310 = arith.muli %add3A_285, %mul3A_309 : i32
      %mul3A_311 = arith.constant 10000 : i32
      %mul3A_312 = arith.muli %arg0, %mul3A_311 : i32
      %add3A_313 = arith.constant 5000 : i32
      %add3A_314 = arith.addi %mul3A_312, %add3A_313 : i32
      %mul3A_315 = arith.constant 40 : i32
      %mul3A_316 = arith.muli %add3A_285, %mul3A_315 : i32
      %add3A_317 = arith.addi %add3A_314, %mul3A_316 : i32
      "tpu.region"() ({
        %run_scoped3A = tpu.sem_alloc : memref<!tpu.dma_semaphore, #tpu.memory_space<semaphore_mem>>
        %dma_start3A = arith.constant 0 : i32
        %dma_start3A_318 = tpu.memref_slice %arg9[%add3A_317, %dma_start3A] : memref<20000x128xf32, #tpu.memory_space<hbm>> -> memref<40x128xf32, #tpu.memory_space<hbm>>
        %dma_start3A_319 = arith.constant 0 : i32
        %dma_start3A_320 = tpu.memref_slice %arg10[%mul3A_310, %dma_start3A_319] : memref<5008x128xf32, #tpu.memory_space<vmem_shared>> -> memref<40x128xf32, #tpu.memory_space<vmem_shared>>
        tpu.enqueue_dma source(%dma_start3A_320 : memref<40x128xf32, #tpu.memory_space<vmem_shared>>) target(%dma_start3A_318 : memref<40x128xf32, #tpu.memory_space<hbm>>) target_semaphore(%run_scoped3A : memref<!tpu.dma_semaphore, #tpu.memory_space<semaphore_mem>>)
        %dma_wait3A = arith.constant 0 : i32
        %dma_wait3A_321 = tpu.memref_slice %arg9[%add3A_317, %dma_wait3A] : memref<20000x128xf32, #tpu.memory_space<hbm>> -> memref<40x128xf32, #tpu.memory_space<hbm>>
        %dma_wait3A_322 = arith.constant 0 : i32
        %dma_wait3A_323 = tpu.memref_slice %arg10[%mul3A_310, %dma_wait3A_322] : memref<5008x128xf32, #tpu.memory_space<vmem_shared>> -> memref<40x128xf32, #tpu.memory_space<vmem_shared>>
        tpu.wait_dma2 semaphore(%run_scoped3A : memref<!tpu.dma_semaphore, #tpu.memory_space<semaphore_mem>>) src(%dma_wait3A_323 : memref<40x128xf32, #tpu.memory_space<vmem_shared>>) dst(%dma_wait3A_321 : memref<40x128xf32, #tpu.memory_space<hbm>>)
        tpu.yield
      }) : () -> ()
    } else {
    }
    %mul3A_291 = arith.constant 8 : i32
    %mul3A_292 = arith.muli %arg1, %mul3A_291 : i32
    %add3A_293 = arith.constant 6 : i32
    %add3A_294 = arith.addi %mul3A_292, %add3A_293 : i32
    %lt3A_295 = arith.constant 125 : i32
    %lt3A_296 = arith.cmpi slt, %add3A_294, %lt3A_295 : i32
    %convert_element_type3A_297 = arith.extui %lt3A_296 : i1 to i32
    %cond3A_298 = arith.constant 0 : i32
    %cond3A_299 = arith.cmpi ne, %convert_element_type3A_297, %cond3A_298 : i32
    scf.if %cond3A_299 {
      %mul3A_309 = arith.constant 40 : i32
      %mul3A_310 = arith.muli %add3A_294, %mul3A_309 : i32
      %mul3A_311 = arith.constant 10000 : i32
      %mul3A_312 = arith.muli %arg0, %mul3A_311 : i32
      %add3A_313 = arith.constant 5000 : i32
      %add3A_314 = arith.addi %mul3A_312, %add3A_313 : i32
      %mul3A_315 = arith.constant 40 : i32
      %mul3A_316 = arith.muli %add3A_294, %mul3A_315 : i32
      %add3A_317 = arith.addi %add3A_314, %mul3A_316 : i32
      "tpu.region"() ({
        %run_scoped3A = tpu.sem_alloc : memref<!tpu.dma_semaphore, #tpu.memory_space<semaphore_mem>>
        %dma_start3A = arith.constant 0 : i32
        %dma_start3A_318 = tpu.memref_slice %arg9[%add3A_317, %dma_start3A] : memref<20000x128xf32, #tpu.memory_space<hbm>> -> memref<40x128xf32, #tpu.memory_space<hbm>>
        %dma_start3A_319 = arith.constant 0 : i32
        %dma_start3A_320 = tpu.memref_slice %arg10[%mul3A_310, %dma_start3A_319] : memref<5008x128xf32, #tpu.memory_space<vmem_shared>> -> memref<40x128xf32, #tpu.memory_space<vmem_shared>>
        tpu.enqueue_dma source(%dma_start3A_320 : memref<40x128xf32, #tpu.memory_space<vmem_shared>>) target(%dma_start3A_318 : memref<40x128xf32, #tpu.memory_space<hbm>>) target_semaphore(%run_scoped3A : memref<!tpu.dma_semaphore, #tpu.memory_space<semaphore_mem>>)
        %dma_wait3A = arith.constant 0 : i32
        %dma_wait3A_321 = tpu.memref_slice %arg9[%add3A_317, %dma_wait3A] : memref<20000x128xf32, #tpu.memory_space<hbm>> -> memref<40x128xf32, #tpu.memory_space<hbm>>
        %dma_wait3A_322 = arith.constant 0 : i32
        %dma_wait3A_323 = tpu.memref_slice %arg10[%mul3A_310, %dma_wait3A_322] : memref<5008x128xf32, #tpu.memory_space<vmem_shared>> -> memref<40x128xf32, #tpu.memory_space<vmem_shared>>
        tpu.wait_dma2 semaphore(%run_scoped3A : memref<!tpu.dma_semaphore, #tpu.memory_space<semaphore_mem>>) src(%dma_wait3A_323 : memref<40x128xf32, #tpu.memory_space<vmem_shared>>) dst(%dma_wait3A_321 : memref<40x128xf32, #tpu.memory_space<hbm>>)
        tpu.yield
      }) : () -> ()
    } else {
    }
    %mul3A_300 = arith.constant 8 : i32
    %mul3A_301 = arith.muli %arg1, %mul3A_300 : i32
    %add3A_302 = arith.constant 7 : i32
    %add3A_303 = arith.addi %mul3A_301, %add3A_302 : i32
    %lt3A_304 = arith.constant 125 : i32
    %lt3A_305 = arith.cmpi slt, %add3A_303, %lt3A_304 : i32
    %convert_element_type3A_306 = arith.extui %lt3A_305 : i1 to i32
    %cond3A_307 = arith.constant 0 : i32
    %cond3A_308 = arith.cmpi ne, %convert_element_type3A_306, %cond3A_307 : i32
    scf.if %cond3A_308 {
      %mul3A_309 = arith.constant 40 : i32
      %mul3A_310 = arith.muli %add3A_303, %mul3A_309 : i32
      %mul3A_311 = arith.constant 10000 : i32
      %mul3A_312 = arith.muli %arg0, %mul3A_311 : i32
      %add3A_313 = arith.constant 5000 : i32
      %add3A_314 = arith.addi %mul3A_312, %add3A_313 : i32
      %mul3A_315 = arith.constant 40 : i32
      %mul3A_316 = arith.muli %add3A_303, %mul3A_315 : i32
      %add3A_317 = arith.addi %add3A_314, %mul3A_316 : i32
      "tpu.region"() ({
        %run_scoped3A = tpu.sem_alloc : memref<!tpu.dma_semaphore, #tpu.memory_space<semaphore_mem>>
        %dma_start3A = arith.constant 0 : i32
        %dma_start3A_318 = tpu.memref_slice %arg9[%add3A_317, %dma_start3A] : memref<20000x128xf32, #tpu.memory_space<hbm>> -> memref<40x128xf32, #tpu.memory_space<hbm>>
        %dma_start3A_319 = arith.constant 0 : i32
        %dma_start3A_320 = tpu.memref_slice %arg10[%mul3A_310, %dma_start3A_319] : memref<5008x128xf32, #tpu.memory_space<vmem_shared>> -> memref<40x128xf32, #tpu.memory_space<vmem_shared>>
        tpu.enqueue_dma source(%dma_start3A_320 : memref<40x128xf32, #tpu.memory_space<vmem_shared>>) target(%dma_start3A_318 : memref<40x128xf32, #tpu.memory_space<hbm>>) target_semaphore(%run_scoped3A : memref<!tpu.dma_semaphore, #tpu.memory_space<semaphore_mem>>)
        %dma_wait3A = arith.constant 0 : i32
        %dma_wait3A_321 = tpu.memref_slice %arg9[%add3A_317, %dma_wait3A] : memref<20000x128xf32, #tpu.memory_space<hbm>> -> memref<40x128xf32, #tpu.memory_space<hbm>>
        %dma_wait3A_322 = arith.constant 0 : i32
        %dma_wait3A_323 = tpu.memref_slice %arg10[%mul3A_310, %dma_wait3A_322] : memref<5008x128xf32, #tpu.memory_space<vmem_shared>> -> memref<40x128xf32, #tpu.memory_space<vmem_shared>>
        tpu.wait_dma2 semaphore(%run_scoped3A : memref<!tpu.dma_semaphore, #tpu.memory_space<semaphore_mem>>) src(%dma_wait3A_323 : memref<40x128xf32, #tpu.memory_space<vmem_shared>>) dst(%dma_wait3A_321 : memref<40x128xf32, #tpu.memory_space<hbm>>)
        tpu.yield
      }) : () -> ()
    } else {
    }
    return
  }
}

#map = affine_map<(d0, d1) -> (0, 0)>
#map1 = affine_map<(d0, d1) -> (0)>
module attributes {stable_mosaic.version = 14 : i64} {
  func.func @_sc_pass1(%arg0: i32, %arg1: i32, %arg2: memref<640000x128xf32, #tpu.memory_space<hbm>>, %arg3: memref<20000x128xf32, #tpu.memory_space<hbm>>, %arg4: memref<20000x128xf32, #tpu.memory_space<hbm>>, %arg5: memref<640000xi32, #tpu.memory_space<hbm>>, %arg6: memref<640000xi32, #tpu.memory_space<hbm>>, %arg7: memref<640000xi32, #tpu.memory_space<hbm>>, %arg8: memref<640000x128xf32, #tpu.memory_space<hbm>>, %arg9: memref<20000x128xf32, #tpu.memory_space<hbm>>, %arg10: memref<5008x128xf32, #tpu.memory_space<vmem_shared>>, %arg11: memref<64xi32, #tpu.memory_space<vmem>>, %arg12: memref<64xi32, #tpu.memory_space<vmem>>, %arg13: memref<64xi32, #tpu.memory_space<vmem>>, %arg14: memref<64x128xf32, #tpu.memory_space<vmem>>, %arg15: memref<64x128xf32, #tpu.memory_space<vmem>>, %arg16: memref<64x128xf32, #tpu.memory_space<vmem>>, %arg17: memref<!tpu.dma_semaphore, #tpu.memory_space<semaphore_mem>>, %arg18: memref<!tpu.dma_semaphore, #tpu.memory_space<semaphore_mem>>, %arg19: memref<!tpu.dma_semaphore, #tpu.memory_space<semaphore_mem>>) attributes {dimension_semantics = [#tpu.dimension_semantics<core_parallel>, #tpu.dimension_semantics<subcore_parallel>], iteration_bounds = array<i64: 2, 16>, scalar_prefetch = 0 : i64, scratch_operands = 10 : i64, tpu.core_type = #tpu.core_type<sc_vector_subcore>, window_params = [{transform_indices = #map}, {transform_indices = #map}, {transform_indices = #map}, {transform_indices = #map1}, {transform_indices = #map1}, {transform_indices = #map1}, {transform_indices = #map}, {transform_indices = #map}]} {
    %scan3A = arith.constant 0 : i32
    %scan3A_0 = arith.constant 0 : i32
    %scan3A_1 = arith.constant 40 : i32
    %scan3A_2 = arith.addi %scan3A_0, %scan3A_1 : i32
    %scan3A_3 = arith.constant 1 : i32
    scf.for %scan3A_309 = %scan3A_0 to %scan3A_2 step %scan3A_3  : i32 {
      %broadcast_in_dim3A = arith.constant 0.000000e+00 : f32
      %broadcast_in_dim3A_310 = vector.broadcast %broadcast_in_dim3A : f32 to vector<16xf32>
      %swap3A = arith.index_cast %scan3A_309 : i32 to index
      %swap3A_311 = arith.constant 0 : index
      %swap3A_312 = tpu.vector_load %arg14[%swap3A, %swap3A_311] {strides = array<i32>} : memref<64x128xf32, #tpu.memory_space<vmem>>, vector<1x16xf32>,
      %swap3A_313 = vector.shape_cast %swap3A_312 : vector<1x16xf32> to vector<16xf32>
      %swap3A_314 = vector.shape_cast %broadcast_in_dim3A_310 : vector<16xf32> to vector<1x16xf32>
      tpu.vector_store %arg14[%swap3A, %swap3A_311], %swap3A_314 {strides = array<i32>} : memref<64x128xf32, #tpu.memory_space<vmem>>, vector<1x16xf32>,
      %broadcast_in_dim3A_315 = arith.constant 0.000000e+00 : f32
      %broadcast_in_dim3A_316 = vector.broadcast %broadcast_in_dim3A_315 : f32 to vector<16xf32>
      %swap3A_317 = arith.index_cast %scan3A_309 : i32 to index
      %swap3A_318 = arith.constant 16 : index
      %swap3A_319 = tpu.vector_load %arg14[%swap3A_317, %swap3A_318] {strides = array<i32>} : memref<64x128xf32, #tpu.memory_space<vmem>>, vector<1x16xf32>,
      %swap3A_320 = vector.shape_cast %swap3A_319 : vector<1x16xf32> to vector<16xf32>
      %swap3A_321 = vector.shape_cast %broadcast_in_dim3A_316 : vector<16xf32> to vector<1x16xf32>
      tpu.vector_store %arg14[%swap3A_317, %swap3A_318], %swap3A_321 {strides = array<i32>} : memref<64x128xf32, #tpu.memory_space<vmem>>, vector<1x16xf32>,
      %broadcast_in_dim3A_322 = arith.constant 0.000000e+00 : f32
      %broadcast_in_dim3A_323 = vector.broadcast %broadcast_in_dim3A_322 : f32 to vector<16xf32>
      %swap3A_324 = arith.index_cast %scan3A_309 : i32 to index
      %swap3A_325 = arith.constant 32 : index
      %swap3A_326 = tpu.vector_load %arg14[%swap3A_324, %swap3A_325] {strides = array<i32>} : memref<64x128xf32, #tpu.memory_space<vmem>>, vector<1x16xf32>,
      %swap3A_327 = vector.shape_cast %swap3A_326 : vector<1x16xf32> to vector<16xf32>
      %swap3A_328 = vector.shape_cast %broadcast_in_dim3A_323 : vector<16xf32> to vector<1x16xf32>
      tpu.vector_store %arg14[%swap3A_324, %swap3A_325], %swap3A_328 {strides = array<i32>} : memref<64x128xf32, #tpu.memory_space<vmem>>, vector<1x16xf32>,
      %broadcast_in_dim3A_329 = arith.constant 0.000000e+00 : f32
      %broadcast_in_dim3A_330 = vector.broadcast %broadcast_in_dim3A_329 : f32 to vector<16xf32>
      %swap3A_331 = arith.index_cast %scan3A_309 : i32 to index
      %swap3A_332 = arith.constant 48 : index
      %swap3A_333 = tpu.vector_load %arg14[%swap3A_331, %swap3A_332] {strides = array<i32>} : memref<64x128xf32, #tpu.memory_space<vmem>>, vector<1x16xf32>,
      %swap3A_334 = vector.shape_cast %swap3A_333 : vector<1x16xf32> to vector<16xf32>
      %swap3A_335 = vector.shape_cast %broadcast_in_dim3A_330 : vector<16xf32> to vector<1x16xf32>
      tpu.vector_store %arg14[%swap3A_331, %swap3A_332], %swap3A_335 {strides = array<i32>} : memref<64x128xf32, #tpu.memory_space<vmem>>, vector<1x16xf32>,
      %broadcast_in_dim3A_336 = arith.constant 0.000000e+00 : f32
      %broadcast_in_dim3A_337 = vector.broadcast %broadcast_in_dim3A_336 : f32 to vector<16xf32>
      %swap3A_338 = arith.index_cast %scan3A_309 : i32 to index
      %swap3A_339 = arith.constant 64 : index
      %swap3A_340 = tpu.vector_load %arg14[%swap3A_338, %swap3A_339] {strides = array<i32>} : memref<64x128xf32, #tpu.memory_space<vmem>>, vector<1x16xf32>,
      %swap3A_341 = vector.shape_cast %swap3A_340 : vector<1x16xf32> to vector<16xf32>
      %swap3A_342 = vector.shape_cast %broadcast_in_dim3A_337 : vector<16xf32> to vector<1x16xf32>
      tpu.vector_store %arg14[%swap3A_338, %swap3A_339], %swap3A_342 {strides = array<i32>} : memref<64x128xf32, #tpu.memory_space<vmem>>, vector<1x16xf32>,
      %broadcast_in_dim3A_343 = arith.constant 0.000000e+00 : f32
      %broadcast_in_dim3A_344 = vector.broadcast %broadcast_in_dim3A_343 : f32 to vector<16xf32>
      %swap3A_345 = arith.index_cast %scan3A_309 : i32 to index
      %swap3A_346 = arith.constant 80 : index
      %swap3A_347 = tpu.vector_load %arg14[%swap3A_345, %swap3A_346] {strides = array<i32>} : memref<64x128xf32, #tpu.memory_space<vmem>>, vector<1x16xf32>,
      %swap3A_348 = vector.shape_cast %swap3A_347 : vector<1x16xf32> to vector<16xf32>
      %swap3A_349 = vector.shape_cast %broadcast_in_dim3A_344 : vector<16xf32> to vector<1x16xf32>
      tpu.vector_store %arg14[%swap3A_345, %swap3A_346], %swap3A_349 {strides = array<i32>} : memref<64x128xf32, #tpu.memory_space<vmem>>, vector<1x16xf32>,
      %broadcast_in_dim3A_350 = arith.constant 0.000000e+00 : f32
      %broadcast_in_dim3A_351 = vector.broadcast %broadcast_in_dim3A_350 : f32 to vector<16xf32>
      %swap3A_352 = arith.index_cast %scan3A_309 : i32 to index
      %swap3A_353 = arith.constant 96 : index
      %swap3A_354 = tpu.vector_load %arg14[%swap3A_352, %swap3A_353] {strides = array<i32>} : memref<64x128xf32, #tpu.memory_space<vmem>>, vector<1x16xf32>,
      %swap3A_355 = vector.shape_cast %swap3A_354 : vector<1x16xf32> to vector<16xf32>
      %swap3A_356 = vector.shape_cast %broadcast_in_dim3A_351 : vector<16xf32> to vector<1x16xf32>
      tpu.vector_store %arg14[%swap3A_352, %swap3A_353], %swap3A_356 {strides = array<i32>} : memref<64x128xf32, #tpu.memory_space<vmem>>, vector<1x16xf32>,
      %broadcast_in_dim3A_357 = arith.constant 0.000000e+00 : f32
      %broadcast_in_dim3A_358 = vector.broadcast %broadcast_in_dim3A_357 : f32 to vector<16xf32>
      %swap3A_359 = arith.index_cast %scan3A_309 : i32 to index
      %swap3A_360 = arith.constant 112 : index
      %swap3A_361 = tpu.vector_load %arg14[%swap3A_359, %swap3A_360] {strides = array<i32>} : memref<64x128xf32, #tpu.memory_space<vmem>>, vector<1x16xf32>,
      %swap3A_362 = vector.shape_cast %swap3A_361 : vector<1x16xf32> to vector<16xf32>
      %swap3A_363 = vector.shape_cast %broadcast_in_dim3A_358 : vector<16xf32> to vector<1x16xf32>
      tpu.vector_store %arg14[%swap3A_359, %swap3A_360], %swap3A_363 {strides = array<i32>} : memref<64x128xf32, #tpu.memory_space<vmem>>, vector<1x16xf32>,
    }
    %scan3A_4 = arith.constant 40 : i32
    %mul3A = arith.constant 8 : i32
    %mul3A_5 = arith.muli %arg1, %mul3A : i32
    %add3A = arith.constant 0 : i32
    %add3A_6 = arith.addi %mul3A_5, %add3A : i32
    %lt3A = arith.constant 125 : i32
    %lt3A_7 = arith.cmpi slt, %add3A_6, %lt3A : i32
    %convert_element_type3A = arith.extui %lt3A_7 : i1 to i32
    %cond3A = arith.constant 0 : i32
    %cond3A_8 = arith.cmpi ne, %convert_element_type3A, %cond3A : i32
    scf.if %cond3A_8 {
      %mul3A_309 = arith.constant 40 : i32
      %mul3A_310 = arith.muli %add3A_6, %mul3A_309 : i32
      "tpu.region"() ({
        %run_scoped3A = tpu.sem_alloc : memref<!tpu.dma_semaphore, #tpu.memory_space<semaphore_mem>>
        %dma_start3A = arith.constant 0 : i32
        %dma_start3A_311 = arith.constant 0 : i32
        %dma_start3A_312 = tpu.memref_slice %arg14[%dma_start3A, %dma_start3A_311] : memref<64x128xf32, #tpu.memory_space<vmem>> -> memref<40x128xf32, #tpu.memory_space<vmem>>
        %dma_start3A_313 = arith.constant 0 : i32
        %dma_start3A_314 = tpu.memref_slice %arg10[%mul3A_310, %dma_start3A_313] : memref<5008x128xf32, #tpu.memory_space<vmem_shared>> -> memref<40x128xf32, #tpu.memory_space<vmem_shared>>
        %dma_start3A_315 = arith.constant 0 : i32
        %dma_start3A_316 = tpu.memref_slice %arg10[%mul3A_310, %dma_start3A_315] : memref<5008x128xf32, #tpu.memory_space<vmem_shared>> -> memref<40x128xf32, #tpu.memory_space<vmem_shared>>
        %dma_start3A_317 = arith.constant 0 : i32
        %dma_start3A_318 = arith.constant 0 : i32
        %dma_start3A_319 = tpu.memref_slice %arg14[%dma_start3A_317, %dma_start3A_318] : memref<64x128xf32, #tpu.memory_space<vmem>> -> memref<40x128xf32, #tpu.memory_space<vmem>>
        tpu.enqueue_dma source(%dma_start3A_319 : memref<40x128xf32, #tpu.memory_space<vmem>>) target(%dma_start3A_316 : memref<40x128xf32, #tpu.memory_space<vmem_shared>>) target_semaphore(%run_scoped3A : memref<!tpu.dma_semaphore, #tpu.memory_space<semaphore_mem>>)
        %dma_wait3A = arith.constant 0 : i32
        %dma_wait3A_320 = arith.constant 0 : i32
        %dma_wait3A_321 = tpu.memref_slice %arg14[%dma_wait3A, %dma_wait3A_320] : memref<64x128xf32, #tpu.memory_space<vmem>> -> memref<40x128xf32, #tpu.memory_space<vmem>>
        %dma_wait3A_322 = arith.constant 0 : i32
        %dma_wait3A_323 = tpu.memref_slice %arg10[%mul3A_310, %dma_wait3A_322] : memref<5008x128xf32, #tpu.memory_space<vmem_shared>> -> memref<40x128xf32, #tpu.memory_space<vmem_shared>>
        %dma_wait3A_324 = arith.constant 0 : i32
        %dma_wait3A_325 = tpu.memref_slice %arg10[%mul3A_310, %dma_wait3A_324] : memref<5008x128xf32, #tpu.memory_space<vmem_shared>> -> memref<40x128xf32, #tpu.memory_space<vmem_shared>>
        %dma_wait3A_326 = arith.constant 0 : i32
        %dma_wait3A_327 = arith.constant 0 : i32
        %dma_wait3A_328 = tpu.memref_slice %arg14[%dma_wait3A_326, %dma_wait3A_327] : memref<64x128xf32, #tpu.memory_space<vmem>> -> memref<40x128xf32, #tpu.memory_space<vmem>>
        tpu.wait_dma2 semaphore(%run_scoped3A : memref<!tpu.dma_semaphore, #tpu.memory_space<semaphore_mem>>) src(%dma_wait3A_328 : memref<40x128xf32, #tpu.memory_space<vmem>>) dst(%dma_wait3A_325 : memref<40x128xf32, #tpu.memory_space<vmem_shared>>)
        tpu.yield
      }) : () -> ()
    } else {
    }
    %mul3A_9 = arith.constant 8 : i32
    %mul3A_10 = arith.muli %arg1, %mul3A_9 : i32
    %add3A_11 = arith.constant 1 : i32
    %add3A_12 = arith.addi %mul3A_10, %add3A_11 : i32
    %lt3A_13 = arith.constant 125 : i32
    %lt3A_14 = arith.cmpi slt, %add3A_12, %lt3A_13 : i32
    %convert_element_type3A_15 = arith.extui %lt3A_14 : i1 to i32
    %cond3A_16 = arith.constant 0 : i32
    %cond3A_17 = arith.cmpi ne, %convert_element_type3A_15, %cond3A_16 : i32
    scf.if %cond3A_17 {
      %mul3A_309 = arith.constant 40 : i32
      %mul3A_310 = arith.muli %add3A_12, %mul3A_309 : i32
      "tpu.region"() ({
        %run_scoped3A = tpu.sem_alloc : memref<!tpu.dma_semaphore, #tpu.memory_space<semaphore_mem>>
        %dma_start3A = arith.constant 0 : i32
        %dma_start3A_311 = arith.constant 0 : i32
        %dma_start3A_312 = tpu.memref_slice %arg14[%dma_start3A, %dma_start3A_311] : memref<64x128xf32, #tpu.memory_space<vmem>> -> memref<40x128xf32, #tpu.memory_space<vmem>>
        %dma_start3A_313 = arith.constant 0 : i32
        %dma_start3A_314 = tpu.memref_slice %arg10[%mul3A_310, %dma_start3A_313] : memref<5008x128xf32, #tpu.memory_space<vmem_shared>> -> memref<40x128xf32, #tpu.memory_space<vmem_shared>>
        %dma_start3A_315 = arith.constant 0 : i32
        %dma_start3A_316 = tpu.memref_slice %arg10[%mul3A_310, %dma_start3A_315] : memref<5008x128xf32, #tpu.memory_space<vmem_shared>> -> memref<40x128xf32, #tpu.memory_space<vmem_shared>>
        %dma_start3A_317 = arith.constant 0 : i32
        %dma_start3A_318 = arith.constant 0 : i32
        %dma_start3A_319 = tpu.memref_slice %arg14[%dma_start3A_317, %dma_start3A_318] : memref<64x128xf32, #tpu.memory_space<vmem>> -> memref<40x128xf32, #tpu.memory_space<vmem>>
        tpu.enqueue_dma source(%dma_start3A_319 : memref<40x128xf32, #tpu.memory_space<vmem>>) target(%dma_start3A_316 : memref<40x128xf32, #tpu.memory_space<vmem_shared>>) target_semaphore(%run_scoped3A : memref<!tpu.dma_semaphore, #tpu.memory_space<semaphore_mem>>)
        %dma_wait3A = arith.constant 0 : i32
        %dma_wait3A_320 = arith.constant 0 : i32
        %dma_wait3A_321 = tpu.memref_slice %arg14[%dma_wait3A, %dma_wait3A_320] : memref<64x128xf32, #tpu.memory_space<vmem>> -> memref<40x128xf32, #tpu.memory_space<vmem>>
        %dma_wait3A_322 = arith.constant 0 : i32
        %dma_wait3A_323 = tpu.memref_slice %arg10[%mul3A_310, %dma_wait3A_322] : memref<5008x128xf32, #tpu.memory_space<vmem_shared>> -> memref<40x128xf32, #tpu.memory_space<vmem_shared>>
        %dma_wait3A_324 = arith.constant 0 : i32
        %dma_wait3A_325 = tpu.memref_slice %arg10[%mul3A_310, %dma_wait3A_324] : memref<5008x128xf32, #tpu.memory_space<vmem_shared>> -> memref<40x128xf32, #tpu.memory_space<vmem_shared>>
        %dma_wait3A_326 = arith.constant 0 : i32
        %dma_wait3A_327 = arith.constant 0 : i32
        %dma_wait3A_328 = tpu.memref_slice %arg14[%dma_wait3A_326, %dma_wait3A_327] : memref<64x128xf32, #tpu.memory_space<vmem>> -> memref<40x128xf32, #tpu.memory_space<vmem>>
        tpu.wait_dma2 semaphore(%run_scoped3A : memref<!tpu.dma_semaphore, #tpu.memory_space<semaphore_mem>>) src(%dma_wait3A_328 : memref<40x128xf32, #tpu.memory_space<vmem>>) dst(%dma_wait3A_325 : memref<40x128xf32, #tpu.memory_space<vmem_shared>>)
        tpu.yield
      }) : () -> ()
    } else {
    }
    %mul3A_18 = arith.constant 8 : i32
    %mul3A_19 = arith.muli %arg1, %mul3A_18 : i32
    %add3A_20 = arith.constant 2 : i32
    %add3A_21 = arith.addi %mul3A_19, %add3A_20 : i32
    %lt3A_22 = arith.constant 125 : i32
    %lt3A_23 = arith.cmpi slt, %add3A_21, %lt3A_22 : i32
    %convert_element_type3A_24 = arith.extui %lt3A_23 : i1 to i32
    %cond3A_25 = arith.constant 0 : i32
    %cond3A_26 = arith.cmpi ne, %convert_element_type3A_24, %cond3A_25 : i32
    scf.if %cond3A_26 {
      %mul3A_309 = arith.constant 40 : i32
      %mul3A_310 = arith.muli %add3A_21, %mul3A_309 : i32
      "tpu.region"() ({
        %run_scoped3A = tpu.sem_alloc : memref<!tpu.dma_semaphore, #tpu.memory_space<semaphore_mem>>
        %dma_start3A = arith.constant 0 : i32
        %dma_start3A_311 = arith.constant 0 : i32
        %dma_start3A_312 = tpu.memref_slice %arg14[%dma_start3A, %dma_start3A_311] : memref<64x128xf32, #tpu.memory_space<vmem>> -> memref<40x128xf32, #tpu.memory_space<vmem>>
        %dma_start3A_313 = arith.constant 0 : i32
        %dma_start3A_314 = tpu.memref_slice %arg10[%mul3A_310, %dma_start3A_313] : memref<5008x128xf32, #tpu.memory_space<vmem_shared>> -> memref<40x128xf32, #tpu.memory_space<vmem_shared>>
        %dma_start3A_315 = arith.constant 0 : i32
        %dma_start3A_316 = tpu.memref_slice %arg10[%mul3A_310, %dma_start3A_315] : memref<5008x128xf32, #tpu.memory_space<vmem_shared>> -> memref<40x128xf32, #tpu.memory_space<vmem_shared>>
        %dma_start3A_317 = arith.constant 0 : i32
        %dma_start3A_318 = arith.constant 0 : i32
        %dma_start3A_319 = tpu.memref_slice %arg14[%dma_start3A_317, %dma_start3A_318] : memref<64x128xf32, #tpu.memory_space<vmem>> -> memref<40x128xf32, #tpu.memory_space<vmem>>
        tpu.enqueue_dma source(%dma_start3A_319 : memref<40x128xf32, #tpu.memory_space<vmem>>) target(%dma_start3A_316 : memref<40x128xf32, #tpu.memory_space<vmem_shared>>) target_semaphore(%run_scoped3A : memref<!tpu.dma_semaphore, #tpu.memory_space<semaphore_mem>>)
        %dma_wait3A = arith.constant 0 : i32
        %dma_wait3A_320 = arith.constant 0 : i32
        %dma_wait3A_321 = tpu.memref_slice %arg14[%dma_wait3A, %dma_wait3A_320] : memref<64x128xf32, #tpu.memory_space<vmem>> -> memref<40x128xf32, #tpu.memory_space<vmem>>
        %dma_wait3A_322 = arith.constant 0 : i32
        %dma_wait3A_323 = tpu.memref_slice %arg10[%mul3A_310, %dma_wait3A_322] : memref<5008x128xf32, #tpu.memory_space<vmem_shared>> -> memref<40x128xf32, #tpu.memory_space<vmem_shared>>
        %dma_wait3A_324 = arith.constant 0 : i32
        %dma_wait3A_325 = tpu.memref_slice %arg10[%mul3A_310, %dma_wait3A_324] : memref<5008x128xf32, #tpu.memory_space<vmem_shared>> -> memref<40x128xf32, #tpu.memory_space<vmem_shared>>
        %dma_wait3A_326 = arith.constant 0 : i32
        %dma_wait3A_327 = arith.constant 0 : i32
        %dma_wait3A_328 = tpu.memref_slice %arg14[%dma_wait3A_326, %dma_wait3A_327] : memref<64x128xf32, #tpu.memory_space<vmem>> -> memref<40x128xf32, #tpu.memory_space<vmem>>
        tpu.wait_dma2 semaphore(%run_scoped3A : memref<!tpu.dma_semaphore, #tpu.memory_space<semaphore_mem>>) src(%dma_wait3A_328 : memref<40x128xf32, #tpu.memory_space<vmem>>) dst(%dma_wait3A_325 : memref<40x128xf32, #tpu.memory_space<vmem_shared>>)
        tpu.yield
      }) : () -> ()
    } else {
    }
    %mul3A_27 = arith.constant 8 : i32
    %mul3A_28 = arith.muli %arg1, %mul3A_27 : i32
    %add3A_29 = arith.constant 3 : i32
    %add3A_30 = arith.addi %mul3A_28, %add3A_29 : i32
    %lt3A_31 = arith.constant 125 : i32
    %lt3A_32 = arith.cmpi slt, %add3A_30, %lt3A_31 : i32
    %convert_element_type3A_33 = arith.extui %lt3A_32 : i1 to i32
    %cond3A_34 = arith.constant 0 : i32
    %cond3A_35 = arith.cmpi ne, %convert_element_type3A_33, %cond3A_34 : i32
    scf.if %cond3A_35 {
      %mul3A_309 = arith.constant 40 : i32
      %mul3A_310 = arith.muli %add3A_30, %mul3A_309 : i32
      "tpu.region"() ({
        %run_scoped3A = tpu.sem_alloc : memref<!tpu.dma_semaphore, #tpu.memory_space<semaphore_mem>>
        %dma_start3A = arith.constant 0 : i32
        %dma_start3A_311 = arith.constant 0 : i32
        %dma_start3A_312 = tpu.memref_slice %arg14[%dma_start3A, %dma_start3A_311] : memref<64x128xf32, #tpu.memory_space<vmem>> -> memref<40x128xf32, #tpu.memory_space<vmem>>
        %dma_start3A_313 = arith.constant 0 : i32
        %dma_start3A_314 = tpu.memref_slice %arg10[%mul3A_310, %dma_start3A_313] : memref<5008x128xf32, #tpu.memory_space<vmem_shared>> -> memref<40x128xf32, #tpu.memory_space<vmem_shared>>
        %dma_start3A_315 = arith.constant 0 : i32
        %dma_start3A_316 = tpu.memref_slice %arg10[%mul3A_310, %dma_start3A_315] : memref<5008x128xf32, #tpu.memory_space<vmem_shared>> -> memref<40x128xf32, #tpu.memory_space<vmem_shared>>
        %dma_start3A_317 = arith.constant 0 : i32
        %dma_start3A_318 = arith.constant 0 : i32
        %dma_start3A_319 = tpu.memref_slice %arg14[%dma_start3A_317, %dma_start3A_318] : memref<64x128xf32, #tpu.memory_space<vmem>> -> memref<40x128xf32, #tpu.memory_space<vmem>>
        tpu.enqueue_dma source(%dma_start3A_319 : memref<40x128xf32, #tpu.memory_space<vmem>>) target(%dma_start3A_316 : memref<40x128xf32, #tpu.memory_space<vmem_shared>>) target_semaphore(%run_scoped3A : memref<!tpu.dma_semaphore, #tpu.memory_space<semaphore_mem>>)
        %dma_wait3A = arith.constant 0 : i32
        %dma_wait3A_320 = arith.constant 0 : i32
        %dma_wait3A_321 = tpu.memref_slice %arg14[%dma_wait3A, %dma_wait3A_320] : memref<64x128xf32, #tpu.memory_space<vmem>> -> memref<40x128xf32, #tpu.memory_space<vmem>>
        %dma_wait3A_322 = arith.constant 0 : i32
        %dma_wait3A_323 = tpu.memref_slice %arg10[%mul3A_310, %dma_wait3A_322] : memref<5008x128xf32, #tpu.memory_space<vmem_shared>> -> memref<40x128xf32, #tpu.memory_space<vmem_shared>>
        %dma_wait3A_324 = arith.constant 0 : i32
        %dma_wait3A_325 = tpu.memref_slice %arg10[%mul3A_310, %dma_wait3A_324] : memref<5008x128xf32, #tpu.memory_space<vmem_shared>> -> memref<40x128xf32, #tpu.memory_space<vmem_shared>>
        %dma_wait3A_326 = arith.constant 0 : i32
        %dma_wait3A_327 = arith.constant 0 : i32
        %dma_wait3A_328 = tpu.memref_slice %arg14[%dma_wait3A_326, %dma_wait3A_327] : memref<64x128xf32, #tpu.memory_space<vmem>> -> memref<40x128xf32, #tpu.memory_space<vmem>>
        tpu.wait_dma2 semaphore(%run_scoped3A : memref<!tpu.dma_semaphore, #tpu.memory_space<semaphore_mem>>) src(%dma_wait3A_328 : memref<40x128xf32, #tpu.memory_space<vmem>>) dst(%dma_wait3A_325 : memref<40x128xf32, #tpu.memory_space<vmem_shared>>)
        tpu.yield
      }) : () -> ()
    } else {
    }
    %mul3A_36 = arith.constant 8 : i32
    %mul3A_37 = arith.muli %arg1, %mul3A_36 : i32
    %add3A_38 = arith.constant 4 : i32
    %add3A_39 = arith.addi %mul3A_37, %add3A_38 : i32
    %lt3A_40 = arith.constant 125 : i32
    %lt3A_41 = arith.cmpi slt, %add3A_39, %lt3A_40 : i32
    %convert_element_type3A_42 = arith.extui %lt3A_41 : i1 to i32
    %cond3A_43 = arith.constant 0 : i32
    %cond3A_44 = arith.cmpi ne, %convert_element_type3A_42, %cond3A_43 : i32
    scf.if %cond3A_44 {
      %mul3A_309 = arith.constant 40 : i32
      %mul3A_310 = arith.muli %add3A_39, %mul3A_309 : i32
      "tpu.region"() ({
        %run_scoped3A = tpu.sem_alloc : memref<!tpu.dma_semaphore, #tpu.memory_space<semaphore_mem>>
        %dma_start3A = arith.constant 0 : i32
        %dma_start3A_311 = arith.constant 0 : i32
        %dma_start3A_312 = tpu.memref_slice %arg14[%dma_start3A, %dma_start3A_311] : memref<64x128xf32, #tpu.memory_space<vmem>> -> memref<40x128xf32, #tpu.memory_space<vmem>>
        %dma_start3A_313 = arith.constant 0 : i32
        %dma_start3A_314 = tpu.memref_slice %arg10[%mul3A_310, %dma_start3A_313] : memref<5008x128xf32, #tpu.memory_space<vmem_shared>> -> memref<40x128xf32, #tpu.memory_space<vmem_shared>>
        %dma_start3A_315 = arith.constant 0 : i32
        %dma_start3A_316 = tpu.memref_slice %arg10[%mul3A_310, %dma_start3A_315] : memref<5008x128xf32, #tpu.memory_space<vmem_shared>> -> memref<40x128xf32, #tpu.memory_space<vmem_shared>>
        %dma_start3A_317 = arith.constant 0 : i32
        %dma_start3A_318 = arith.constant 0 : i32
        %dma_start3A_319 = tpu.memref_slice %arg14[%dma_start3A_317, %dma_start3A_318] : memref<64x128xf32, #tpu.memory_space<vmem>> -> memref<40x128xf32, #tpu.memory_space<vmem>>
        tpu.enqueue_dma source(%dma_start3A_319 : memref<40x128xf32, #tpu.memory_space<vmem>>) target(%dma_start3A_316 : memref<40x128xf32, #tpu.memory_space<vmem_shared>>) target_semaphore(%run_scoped3A : memref<!tpu.dma_semaphore, #tpu.memory_space<semaphore_mem>>)
        %dma_wait3A = arith.constant 0 : i32
        %dma_wait3A_320 = arith.constant 0 : i32
        %dma_wait3A_321 = tpu.memref_slice %arg14[%dma_wait3A, %dma_wait3A_320] : memref<64x128xf32, #tpu.memory_space<vmem>> -> memref<40x128xf32, #tpu.memory_space<vmem>>
        %dma_wait3A_322 = arith.constant 0 : i32
        %dma_wait3A_323 = tpu.memref_slice %arg10[%mul3A_310, %dma_wait3A_322] : memref<5008x128xf32, #tpu.memory_space<vmem_shared>> -> memref<40x128xf32, #tpu.memory_space<vmem_shared>>
        %dma_wait3A_324 = arith.constant 0 : i32
        %dma_wait3A_325 = tpu.memref_slice %arg10[%mul3A_310, %dma_wait3A_324] : memref<5008x128xf32, #tpu.memory_space<vmem_shared>> -> memref<40x128xf32, #tpu.memory_space<vmem_shared>>
        %dma_wait3A_326 = arith.constant 0 : i32
        %dma_wait3A_327 = arith.constant 0 : i32
        %dma_wait3A_328 = tpu.memref_slice %arg14[%dma_wait3A_326, %dma_wait3A_327] : memref<64x128xf32, #tpu.memory_space<vmem>> -> memref<40x128xf32, #tpu.memory_space<vmem>>
        tpu.wait_dma2 semaphore(%run_scoped3A : memref<!tpu.dma_semaphore, #tpu.memory_space<semaphore_mem>>) src(%dma_wait3A_328 : memref<40x128xf32, #tpu.memory_space<vmem>>) dst(%dma_wait3A_325 : memref<40x128xf32, #tpu.memory_space<vmem_shared>>)
        tpu.yield
      }) : () -> ()
    } else {
    }
    %mul3A_45 = arith.constant 8 : i32
    %mul3A_46 = arith.muli %arg1, %mul3A_45 : i32
    %add3A_47 = arith.constant 5 : i32
    %add3A_48 = arith.addi %mul3A_46, %add3A_47 : i32
    %lt3A_49 = arith.constant 125 : i32
    %lt3A_50 = arith.cmpi slt, %add3A_48, %lt3A_49 : i32
    %convert_element_type3A_51 = arith.extui %lt3A_50 : i1 to i32
    %cond3A_52 = arith.constant 0 : i32
    %cond3A_53 = arith.cmpi ne, %convert_element_type3A_51, %cond3A_52 : i32
    scf.if %cond3A_53 {
      %mul3A_309 = arith.constant 40 : i32
      %mul3A_310 = arith.muli %add3A_48, %mul3A_309 : i32
      "tpu.region"() ({
        %run_scoped3A = tpu.sem_alloc : memref<!tpu.dma_semaphore, #tpu.memory_space<semaphore_mem>>
        %dma_start3A = arith.constant 0 : i32
        %dma_start3A_311 = arith.constant 0 : i32
        %dma_start3A_312 = tpu.memref_slice %arg14[%dma_start3A, %dma_start3A_311] : memref<64x128xf32, #tpu.memory_space<vmem>> -> memref<40x128xf32, #tpu.memory_space<vmem>>
        %dma_start3A_313 = arith.constant 0 : i32
        %dma_start3A_314 = tpu.memref_slice %arg10[%mul3A_310, %dma_start3A_313] : memref<5008x128xf32, #tpu.memory_space<vmem_shared>> -> memref<40x128xf32, #tpu.memory_space<vmem_shared>>
        %dma_start3A_315 = arith.constant 0 : i32
        %dma_start3A_316 = tpu.memref_slice %arg10[%mul3A_310, %dma_start3A_315] : memref<5008x128xf32, #tpu.memory_space<vmem_shared>> -> memref<40x128xf32, #tpu.memory_space<vmem_shared>>
        %dma_start3A_317 = arith.constant 0 : i32
        %dma_start3A_318 = arith.constant 0 : i32
        %dma_start3A_319 = tpu.memref_slice %arg14[%dma_start3A_317, %dma_start3A_318] : memref<64x128xf32, #tpu.memory_space<vmem>> -> memref<40x128xf32, #tpu.memory_space<vmem>>
        tpu.enqueue_dma source(%dma_start3A_319 : memref<40x128xf32, #tpu.memory_space<vmem>>) target(%dma_start3A_316 : memref<40x128xf32, #tpu.memory_space<vmem_shared>>) target_semaphore(%run_scoped3A : memref<!tpu.dma_semaphore, #tpu.memory_space<semaphore_mem>>)
        %dma_wait3A = arith.constant 0 : i32
        %dma_wait3A_320 = arith.constant 0 : i32
        %dma_wait3A_321 = tpu.memref_slice %arg14[%dma_wait3A, %dma_wait3A_320] : memref<64x128xf32, #tpu.memory_space<vmem>> -> memref<40x128xf32, #tpu.memory_space<vmem>>
        %dma_wait3A_322 = arith.constant 0 : i32
        %dma_wait3A_323 = tpu.memref_slice %arg10[%mul3A_310, %dma_wait3A_322] : memref<5008x128xf32, #tpu.memory_space<vmem_shared>> -> memref<40x128xf32, #tpu.memory_space<vmem_shared>>
        %dma_wait3A_324 = arith.constant 0 : i32
        %dma_wait3A_325 = tpu.memref_slice %arg10[%mul3A_310, %dma_wait3A_324] : memref<5008x128xf32, #tpu.memory_space<vmem_shared>> -> memref<40x128xf32, #tpu.memory_space<vmem_shared>>
        %dma_wait3A_326 = arith.constant 0 : i32
        %dma_wait3A_327 = arith.constant 0 : i32
        %dma_wait3A_328 = tpu.memref_slice %arg14[%dma_wait3A_326, %dma_wait3A_327] : memref<64x128xf32, #tpu.memory_space<vmem>> -> memref<40x128xf32, #tpu.memory_space<vmem>>
        tpu.wait_dma2 semaphore(%run_scoped3A : memref<!tpu.dma_semaphore, #tpu.memory_space<semaphore_mem>>) src(%dma_wait3A_328 : memref<40x128xf32, #tpu.memory_space<vmem>>) dst(%dma_wait3A_325 : memref<40x128xf32, #tpu.memory_space<vmem_shared>>)
        tpu.yield
      }) : () -> ()
    } else {
    }
    %mul3A_54 = arith.constant 8 : i32
    %mul3A_55 = arith.muli %arg1, %mul3A_54 : i32
    %add3A_56 = arith.constant 6 : i32
    %add3A_57 = arith.addi %mul3A_55, %add3A_56 : i32
    %lt3A_58 = arith.constant 125 : i32
    %lt3A_59 = arith.cmpi slt, %add3A_57, %lt3A_58 : i32
    %convert_element_type3A_60 = arith.extui %lt3A_59 : i1 to i32
    %cond3A_61 = arith.constant 0 : i32
    %cond3A_62 = arith.cmpi ne, %convert_element_type3A_60, %cond3A_61 : i32
    scf.if %cond3A_62 {
      %mul3A_309 = arith.constant 40 : i32
      %mul3A_310 = arith.muli %add3A_57, %mul3A_309 : i32
      "tpu.region"() ({
        %run_scoped3A = tpu.sem_alloc : memref<!tpu.dma_semaphore, #tpu.memory_space<semaphore_mem>>
        %dma_start3A = arith.constant 0 : i32
        %dma_start3A_311 = arith.constant 0 : i32
        %dma_start3A_312 = tpu.memref_slice %arg14[%dma_start3A, %dma_start3A_311] : memref<64x128xf32, #tpu.memory_space<vmem>> -> memref<40x128xf32, #tpu.memory_space<vmem>>
        %dma_start3A_313 = arith.constant 0 : i32
        %dma_start3A_314 = tpu.memref_slice %arg10[%mul3A_310, %dma_start3A_313] : memref<5008x128xf32, #tpu.memory_space<vmem_shared>> -> memref<40x128xf32, #tpu.memory_space<vmem_shared>>
        %dma_start3A_315 = arith.constant 0 : i32
        %dma_start3A_316 = tpu.memref_slice %arg10[%mul3A_310, %dma_start3A_315] : memref<5008x128xf32, #tpu.memory_space<vmem_shared>> -> memref<40x128xf32, #tpu.memory_space<vmem_shared>>
        %dma_start3A_317 = arith.constant 0 : i32
        %dma_start3A_318 = arith.constant 0 : i32
        %dma_start3A_319 = tpu.memref_slice %arg14[%dma_start3A_317, %dma_start3A_318] : memref<64x128xf32, #tpu.memory_space<vmem>> -> memref<40x128xf32, #tpu.memory_space<vmem>>
        tpu.enqueue_dma source(%dma_start3A_319 : memref<40x128xf32, #tpu.memory_space<vmem>>) target(%dma_start3A_316 : memref<40x128xf32, #tpu.memory_space<vmem_shared>>) target_semaphore(%run_scoped3A : memref<!tpu.dma_semaphore, #tpu.memory_space<semaphore_mem>>)
        %dma_wait3A = arith.constant 0 : i32
        %dma_wait3A_320 = arith.constant 0 : i32
        %dma_wait3A_321 = tpu.memref_slice %arg14[%dma_wait3A, %dma_wait3A_320] : memref<64x128xf32, #tpu.memory_space<vmem>> -> memref<40x128xf32, #tpu.memory_space<vmem>>
        %dma_wait3A_322 = arith.constant 0 : i32
        %dma_wait3A_323 = tpu.memref_slice %arg10[%mul3A_310, %dma_wait3A_322] : memref<5008x128xf32, #tpu.memory_space<vmem_shared>> -> memref<40x128xf32, #tpu.memory_space<vmem_shared>>
        %dma_wait3A_324 = arith.constant 0 : i32
        %dma_wait3A_325 = tpu.memref_slice %arg10[%mul3A_310, %dma_wait3A_324] : memref<5008x128xf32, #tpu.memory_space<vmem_shared>> -> memref<40x128xf32, #tpu.memory_space<vmem_shared>>
        %dma_wait3A_326 = arith.constant 0 : i32
        %dma_wait3A_327 = arith.constant 0 : i32
        %dma_wait3A_328 = tpu.memref_slice %arg14[%dma_wait3A_326, %dma_wait3A_327] : memref<64x128xf32, #tpu.memory_space<vmem>> -> memref<40x128xf32, #tpu.memory_space<vmem>>
        tpu.wait_dma2 semaphore(%run_scoped3A : memref<!tpu.dma_semaphore, #tpu.memory_space<semaphore_mem>>) src(%dma_wait3A_328 : memref<40x128xf32, #tpu.memory_space<vmem>>) dst(%dma_wait3A_325 : memref<40x128xf32, #tpu.memory_space<vmem_shared>>)
        tpu.yield
      }) : () -> ()
    } else {
    }
    %mul3A_63 = arith.constant 8 : i32
    %mul3A_64 = arith.muli %arg1, %mul3A_63 : i32
    %add3A_65 = arith.constant 7 : i32
    %add3A_66 = arith.addi %mul3A_64, %add3A_65 : i32
    %lt3A_67 = arith.constant 125 : i32
    %lt3A_68 = arith.cmpi slt, %add3A_66, %lt3A_67 : i32
    %convert_element_type3A_69 = arith.extui %lt3A_68 : i1 to i32
    %cond3A_70 = arith.constant 0 : i32
    %cond3A_71 = arith.cmpi ne, %convert_element_type3A_69, %cond3A_70 : i32
    scf.if %cond3A_71 {
      %mul3A_309 = arith.constant 40 : i32
      %mul3A_310 = arith.muli %add3A_66, %mul3A_309 : i32
      "tpu.region"() ({
        %run_scoped3A = tpu.sem_alloc : memref<!tpu.dma_semaphore, #tpu.memory_space<semaphore_mem>>
        %dma_start3A = arith.constant 0 : i32
        %dma_start3A_311 = arith.constant 0 : i32
        %dma_start3A_312 = tpu.memref_slice %arg14[%dma_start3A, %dma_start3A_311] : memref<64x128xf32, #tpu.memory_space<vmem>> -> memref<40x128xf32, #tpu.memory_space<vmem>>
        %dma_start3A_313 = arith.constant 0 : i32
        %dma_start3A_314 = tpu.memref_slice %arg10[%mul3A_310, %dma_start3A_313] : memref<5008x128xf32, #tpu.memory_space<vmem_shared>> -> memref<40x128xf32, #tpu.memory_space<vmem_shared>>
        %dma_start3A_315 = arith.constant 0 : i32
        %dma_start3A_316 = tpu.memref_slice %arg10[%mul3A_310, %dma_start3A_315] : memref<5008x128xf32, #tpu.memory_space<vmem_shared>> -> memref<40x128xf32, #tpu.memory_space<vmem_shared>>
        %dma_start3A_317 = arith.constant 0 : i32
        %dma_start3A_318 = arith.constant 0 : i32
        %dma_start3A_319 = tpu.memref_slice %arg14[%dma_start3A_317, %dma_start3A_318] : memref<64x128xf32, #tpu.memory_space<vmem>> -> memref<40x128xf32, #tpu.memory_space<vmem>>
        tpu.enqueue_dma source(%dma_start3A_319 : memref<40x128xf32, #tpu.memory_space<vmem>>) target(%dma_start3A_316 : memref<40x128xf32, #tpu.memory_space<vmem_shared>>) target_semaphore(%run_scoped3A : memref<!tpu.dma_semaphore, #tpu.memory_space<semaphore_mem>>)
        %dma_wait3A = arith.constant 0 : i32
        %dma_wait3A_320 = arith.constant 0 : i32
        %dma_wait3A_321 = tpu.memref_slice %arg14[%dma_wait3A, %dma_wait3A_320] : memref<64x128xf32, #tpu.memory_space<vmem>> -> memref<40x128xf32, #tpu.memory_space<vmem>>
        %dma_wait3A_322 = arith.constant 0 : i32
        %dma_wait3A_323 = tpu.memref_slice %arg10[%mul3A_310, %dma_wait3A_322] : memref<5008x128xf32, #tpu.memory_space<vmem_shared>> -> memref<40x128xf32, #tpu.memory_space<vmem_shared>>
        %dma_wait3A_324 = arith.constant 0 : i32
        %dma_wait3A_325 = tpu.memref_slice %arg10[%mul3A_310, %dma_wait3A_324] : memref<5008x128xf32, #tpu.memory_space<vmem_shared>> -> memref<40x128xf32, #tpu.memory_space<vmem_shared>>
        %dma_wait3A_326 = arith.constant 0 : i32
        %dma_wait3A_327 = arith.constant 0 : i32
        %dma_wait3A_328 = tpu.memref_slice %arg14[%dma_wait3A_326, %dma_wait3A_327] : memref<64x128xf32, #tpu.memory_space<vmem>> -> memref<40x128xf32, #tpu.memory_space<vmem>>
        tpu.wait_dma2 semaphore(%run_scoped3A : memref<!tpu.dma_semaphore, #tpu.memory_space<semaphore_mem>>) src(%dma_wait3A_328 : memref<40x128xf32, #tpu.memory_space<vmem>>) dst(%dma_wait3A_325 : memref<40x128xf32, #tpu.memory_space<vmem_shared>>)
        tpu.yield
      }) : () -> ()
    } else {
    }
    %barrier3A = arith.constant 0 : index
    tpu.barrier barrier_id(%barrier3A)
    %scan3A_72 = arith.constant 0 : i32
    %scan3A_73 = arith.constant 0 : i32
    %scan3A_74 = arith.constant 313 : i32
    %scan3A_75 = arith.addi %scan3A_73, %scan3A_74 : i32
    %scan3A_76 = arith.constant 1 : i32
    scf.for %scan3A_309 = %scan3A_73 to %scan3A_75 step %scan3A_76  : i32 {
      %mul3A_310 = arith.constant 313 : i32
      %mul3A_311 = arith.muli %arg1, %mul3A_310 : i32
      %add3A_312 = arith.addi %mul3A_311, %scan3A_309 : i32
      %lt3A_313 = arith.constant 5000 : i32
      %lt3A_314 = arith.cmpi slt, %add3A_312, %lt3A_313 : i32
      %convert_element_type3A_315 = arith.extui %lt3A_314 : i1 to i32
      %cond3A_316 = arith.constant 0 : i32
      %cond3A_317 = arith.cmpi ne, %convert_element_type3A_315, %cond3A_316 : i32
      scf.if %cond3A_317 {
        %mul3A_318 = arith.constant 64 : i32
        %mul3A_319 = arith.muli %add3A_312, %mul3A_318 : i32
        %add3A_320 = arith.constant 0 : i32
        %add3A_321 = arith.addi %add3A_320, %mul3A_319 : i32
        "tpu.region"() ({
          %run_scoped3A = tpu.sem_alloc : memref<!tpu.dma_semaphore, #tpu.memory_space<semaphore_mem>>
          %dma_start3A_358 = tpu.memref_slice %arg7[%add3A_321] : memref<640000xi32, #tpu.memory_space<hbm>> -> memref<64xi32, #tpu.memory_space<hbm>>
          %dma_start3A_359 = tpu.memref_slice %arg7[%add3A_321] : memref<640000xi32, #tpu.memory_space<hbm>> -> memref<64xi32, #tpu.memory_space<hbm>>
          tpu.enqueue_dma source(%dma_start3A_359 : memref<64xi32, #tpu.memory_space<hbm>>) target(%arg13 : memref<64xi32, #tpu.memory_space<vmem>>) target_semaphore(%run_scoped3A : memref<!tpu.dma_semaphore, #tpu.memory_space<semaphore_mem>>)
          %dma_wait3A_360 = tpu.memref_slice %arg7[%add3A_321] : memref<640000xi32, #tpu.memory_space<hbm>> -> memref<64xi32, #tpu.memory_space<hbm>>
          %dma_wait3A_361 = tpu.memref_slice %arg7[%add3A_321] : memref<640000xi32, #tpu.memory_space<hbm>> -> memref<64xi32, #tpu.memory_space<hbm>>
          tpu.wait_dma2 semaphore(%run_scoped3A : memref<!tpu.dma_semaphore, #tpu.memory_space<semaphore_mem>>) src(%dma_wait3A_361 : memref<64xi32, #tpu.memory_space<hbm>>) dst(%arg13 : memref<64xi32, #tpu.memory_space<vmem>>)
          tpu.yield
        }) : () -> ()
        %mul3A_322 = arith.constant 320000 : i32
        %mul3A_323 = arith.muli %arg0, %mul3A_322 : i32
        %add3A_324 = arith.addi %mul3A_323, %mul3A_319 : i32
        "tpu.region"() ({
          %run_scoped3A = tpu.sem_alloc : memref<!tpu.dma_semaphore, #tpu.memory_space<semaphore_mem>>
          %dma_start3A_358 = tpu.memref_slice %arg5[%add3A_324] : memref<640000xi32, #tpu.memory_space<hbm>> -> memref<64xi32, #tpu.memory_space<hbm>>
          %dma_start3A_359 = tpu.memref_slice %arg5[%add3A_324] : memref<640000xi32, #tpu.memory_space<hbm>> -> memref<64xi32, #tpu.memory_space<hbm>>
          tpu.enqueue_dma source(%dma_start3A_359 : memref<64xi32, #tpu.memory_space<hbm>>) target(%arg11 : memref<64xi32, #tpu.memory_space<vmem>>) target_semaphore(%run_scoped3A : memref<!tpu.dma_semaphore, #tpu.memory_space<semaphore_mem>>)
          %dma_wait3A_360 = tpu.memref_slice %arg5[%add3A_324] : memref<640000xi32, #tpu.memory_space<hbm>> -> memref<64xi32, #tpu.memory_space<hbm>>
          %dma_wait3A_361 = tpu.memref_slice %arg5[%add3A_324] : memref<640000xi32, #tpu.memory_space<hbm>> -> memref<64xi32, #tpu.memory_space<hbm>>
          tpu.wait_dma2 semaphore(%run_scoped3A : memref<!tpu.dma_semaphore, #tpu.memory_space<semaphore_mem>>) src(%dma_wait3A_361 : memref<64xi32, #tpu.memory_space<hbm>>) dst(%arg11 : memref<64xi32, #tpu.memory_space<vmem>>)
          tpu.yield
        }) : () -> ()
        %mul3A_325 = arith.constant 320000 : i32
        %mul3A_326 = arith.muli %arg0, %mul3A_325 : i32
        %add3A_327 = arith.addi %mul3A_326, %mul3A_319 : i32
        "tpu.region"() ({
          %run_scoped3A = tpu.sem_alloc : memref<!tpu.dma_semaphore, #tpu.memory_space<semaphore_mem>>
          %dma_start3A_358 = tpu.memref_slice %arg6[%add3A_327] : memref<640000xi32, #tpu.memory_space<hbm>> -> memref<64xi32, #tpu.memory_space<hbm>>
          %dma_start3A_359 = tpu.memref_slice %arg6[%add3A_327] : memref<640000xi32, #tpu.memory_space<hbm>> -> memref<64xi32, #tpu.memory_space<hbm>>
          tpu.enqueue_dma source(%dma_start3A_359 : memref<64xi32, #tpu.memory_space<hbm>>) target(%arg12 : memref<64xi32, #tpu.memory_space<vmem>>) target_semaphore(%run_scoped3A : memref<!tpu.dma_semaphore, #tpu.memory_space<semaphore_mem>>)
          %dma_wait3A_360 = tpu.memref_slice %arg6[%add3A_327] : memref<640000xi32, #tpu.memory_space<hbm>> -> memref<64xi32, #tpu.memory_space<hbm>>
          %dma_wait3A_361 = tpu.memref_slice %arg6[%add3A_327] : memref<640000xi32, #tpu.memory_space<hbm>> -> memref<64xi32, #tpu.memory_space<hbm>>
          tpu.wait_dma2 semaphore(%run_scoped3A : memref<!tpu.dma_semaphore, #tpu.memory_space<semaphore_mem>>) src(%dma_wait3A_361 : memref<64xi32, #tpu.memory_space<hbm>>) dst(%arg12 : memref<64xi32, #tpu.memory_space<vmem>>)
          tpu.yield
        }) : () -> ()
        %dma_start3A = arith.constant 0 : i32
        %dma_start3A_328 = arith.constant 0 : i32
        %dma_start3A_329 = tpu.memref_slice %arg3[%dma_start3A, %dma_start3A_328] : memref<20000x128xf32, #tpu.memory_space<hbm>> -> memref<20000x128xf32, #tpu.memory_space<hbm>>
        tpu.enqueue_indirect_dma source(%dma_start3A_329 : memref<20000x128xf32, #tpu.memory_space<hbm>>) target(%arg15 : memref<64x128xf32, #tpu.memory_space<vmem>>) offsets(%arg11 : memref<64xi32, #tpu.memory_space<vmem>>) semaphore(%arg17 : memref<!tpu.dma_semaphore, #tpu.memory_space<semaphore_mem>>)
        %dma_start3A_330 = arith.constant 0 : i32
        %dma_start3A_331 = arith.constant 0 : i32
        %dma_start3A_332 = tpu.memref_slice %arg4[%dma_start3A_330, %dma_start3A_331] : memref<20000x128xf32, #tpu.memory_space<hbm>> -> memref<20000x128xf32, #tpu.memory_space<hbm>>
        tpu.enqueue_indirect_dma source(%dma_start3A_332 : memref<20000x128xf32, #tpu.memory_space<hbm>>) target(%arg16 : memref<64x128xf32, #tpu.memory_space<vmem>>) offsets(%arg12 : memref<64xi32, #tpu.memory_space<vmem>>) semaphore(%arg18 : memref<!tpu.dma_semaphore, #tpu.memory_space<semaphore_mem>>)
        %mul3A_333 = arith.constant 320000 : i32
        %mul3A_334 = arith.muli %arg0, %mul3A_333 : i32
        %add3A_335 = arith.addi %mul3A_334, %mul3A_319 : i32
        %dma_start3A_336 = arith.constant 0 : i32
        %dma_start3A_337 = tpu.memref_slice %arg2[%add3A_335, %dma_start3A_336] : memref<640000x128xf32, #tpu.memory_space<hbm>> -> memref<64x128xf32, #tpu.memory_space<hbm>>
        %dma_start3A_338 = arith.constant 0 : i32
        %dma_start3A_339 = tpu.memref_slice %arg2[%add3A_335, %dma_start3A_338] : memref<640000x128xf32, #tpu.memory_space<hbm>> -> memref<64x128xf32, #tpu.memory_space<hbm>>
        tpu.enqueue_dma source(%dma_start3A_339 : memref<64x128xf32, #tpu.memory_space<hbm>>) target(%arg14 : memref<64x128xf32, #tpu.memory_space<vmem>>) target_semaphore(%arg19 : memref<!tpu.dma_semaphore, #tpu.memory_space<semaphore_mem>>)
        %dma_wait3A = arith.constant 0 : i32
        %dma_wait3A_340 = arith.constant 0 : i32
        %dma_wait3A_341 = tpu.memref_slice %arg3[%dma_wait3A, %dma_wait3A_340] : memref<20000x128xf32, #tpu.memory_space<hbm>> -> memref<20000x128xf32, #tpu.memory_space<hbm>>
        tpu.wait_indirect_dma semaphore(%arg17 : memref<!tpu.dma_semaphore, #tpu.memory_space<semaphore_mem>>) src(%dma_wait3A_341 : memref<20000x128xf32, #tpu.memory_space<hbm>>) dst(%arg15 : memref<64x128xf32, #tpu.memory_space<vmem>>)
        %dma_wait3A_342 = arith.constant 0 : i32
        %dma_wait3A_343 = arith.constant 0 : i32
        %dma_wait3A_344 = tpu.memref_slice %arg4[%dma_wait3A_342, %dma_wait3A_343] : memref<20000x128xf32, #tpu.memory_space<hbm>> -> memref<20000x128xf32, #tpu.memory_space<hbm>>
        tpu.wait_indirect_dma semaphore(%arg18 : memref<!tpu.dma_semaphore, #tpu.memory_space<semaphore_mem>>) src(%dma_wait3A_344 : memref<20000x128xf32, #tpu.memory_space<hbm>>) dst(%arg16 : memref<64x128xf32, #tpu.memory_space<vmem>>)
        %dma_wait3A_345 = arith.constant 0 : i32
        %dma_wait3A_346 = tpu.memref_slice %arg2[%add3A_335, %dma_wait3A_345] : memref<640000x128xf32, #tpu.memory_space<hbm>> -> memref<64x128xf32, #tpu.memory_space<hbm>>
        %dma_wait3A_347 = arith.constant 0 : i32
        %dma_wait3A_348 = tpu.memref_slice %arg2[%add3A_335, %dma_wait3A_347] : memref<640000x128xf32, #tpu.memory_space<hbm>> -> memref<64x128xf32, #tpu.memory_space<hbm>>
        tpu.wait_dma2 semaphore(%arg19 : memref<!tpu.dma_semaphore, #tpu.memory_space<semaphore_mem>>) src(%dma_wait3A_348 : memref<64x128xf32, #tpu.memory_space<hbm>>) dst(%arg14 : memref<64x128xf32, #tpu.memory_space<vmem>>)
        %scan3A_349 = arith.constant 0 : i32
        %scan3A_350 = arith.constant 0 : i32
        %scan3A_351 = arith.constant 64 : i32
        %scan3A_352 = arith.addi %scan3A_350, %scan3A_351 : i32
        %scan3A_353 = arith.constant 1 : i32
        scf.for %scan3A_358 = %scan3A_350 to %scan3A_352 step %scan3A_353  : i32 {
          %get3A = arith.index_cast %scan3A_358 : i32 to index
          %get3A_359 = arith.constant 0 : index
          %get3A_360 = tpu.vector_load %arg14[%get3A, %get3A_359] {strides = array<i32>} : memref<64x128xf32, #tpu.memory_space<vmem>>, vector<1x16xf32>,
          %get3A_361 = vector.shape_cast %get3A_360 : vector<1x16xf32> to vector<16xf32>
          %get3A_362 = arith.index_cast %scan3A_358 : i32 to index
          %get3A_363 = arith.constant 0 : index
          %get3A_364 = tpu.vector_load %arg15[%get3A_362, %get3A_363] {strides = array<i32>} : memref<64x128xf32, #tpu.memory_space<vmem>>, vector<1x16xf32>,
          %get3A_365 = vector.shape_cast %get3A_364 : vector<1x16xf32> to vector<16xf32>
          %add3A_366 = arith.addf %get3A_361, %get3A_365 : vector<16xf32>
          %get3A_367 = arith.index_cast %scan3A_358 : i32 to index
          %get3A_368 = arith.constant 0 : index
          %get3A_369 = tpu.vector_load %arg16[%get3A_367, %get3A_368] {strides = array<i32>} : memref<64x128xf32, #tpu.memory_space<vmem>>, vector<1x16xf32>,
          %get3A_370 = vector.shape_cast %get3A_369 : vector<1x16xf32> to vector<16xf32>
          %add3A_371 = arith.addf %add3A_366, %get3A_370 : vector<16xf32>
          %max3A = arith.constant 0.000000e+00 : f32
          %max3A_372 = vector.broadcast %max3A : f32 to vector<16xf32>
          %max3A_373 = arith.maximumf %add3A_371, %max3A_372 : vector<16xf32>
          %swap3A = arith.index_cast %scan3A_358 : i32 to index
          %swap3A_374 = arith.constant 0 : index
          %swap3A_375 = tpu.vector_load %arg14[%swap3A, %swap3A_374] {strides = array<i32>} : memref<64x128xf32, #tpu.memory_space<vmem>>, vector<1x16xf32>,
          %swap3A_376 = vector.shape_cast %swap3A_375 : vector<1x16xf32> to vector<16xf32>
          %swap3A_377 = vector.shape_cast %max3A_373 : vector<16xf32> to vector<1x16xf32>
          tpu.vector_store %arg14[%swap3A, %swap3A_374], %swap3A_377 {strides = array<i32>} : memref<64x128xf32, #tpu.memory_space<vmem>>, vector<1x16xf32>,
          %get3A_378 = arith.index_cast %scan3A_358 : i32 to index
          %get3A_379 = arith.constant 16 : index
          %get3A_380 = tpu.vector_load %arg14[%get3A_378, %get3A_379] {strides = array<i32>} : memref<64x128xf32, #tpu.memory_space<vmem>>, vector<1x16xf32>,
          %get3A_381 = vector.shape_cast %get3A_380 : vector<1x16xf32> to vector<16xf32>
          %get3A_382 = arith.index_cast %scan3A_358 : i32 to index
          %get3A_383 = arith.constant 16 : index
          %get3A_384 = tpu.vector_load %arg15[%get3A_382, %get3A_383] {strides = array<i32>} : memref<64x128xf32, #tpu.memory_space<vmem>>, vector<1x16xf32>,
          %get3A_385 = vector.shape_cast %get3A_384 : vector<1x16xf32> to vector<16xf32>
          %add3A_386 = arith.addf %get3A_381, %get3A_385 : vector<16xf32>
          %get3A_387 = arith.index_cast %scan3A_358 : i32 to index
          %get3A_388 = arith.constant 16 : index
          %get3A_389 = tpu.vector_load %arg16[%get3A_387, %get3A_388] {strides = array<i32>} : memref<64x128xf32, #tpu.memory_space<vmem>>, vector<1x16xf32>,
          %get3A_390 = vector.shape_cast %get3A_389 : vector<1x16xf32> to vector<16xf32>
          %add3A_391 = arith.addf %add3A_386, %get3A_390 : vector<16xf32>
          %max3A_392 = arith.constant 0.000000e+00 : f32
          %max3A_393 = vector.broadcast %max3A_392 : f32 to vector<16xf32>
          %max3A_394 = arith.maximumf %add3A_391, %max3A_393 : vector<16xf32>
          %swap3A_395 = arith.index_cast %scan3A_358 : i32 to index
          %swap3A_396 = arith.constant 16 : index
          %swap3A_397 = tpu.vector_load %arg14[%swap3A_395, %swap3A_396] {strides = array<i32>} : memref<64x128xf32, #tpu.memory_space<vmem>>, vector<1x16xf32>,
          %swap3A_398 = vector.shape_cast %swap3A_397 : vector<1x16xf32> to vector<16xf32>
          %swap3A_399 = vector.shape_cast %max3A_394 : vector<16xf32> to vector<1x16xf32>
          tpu.vector_store %arg14[%swap3A_395, %swap3A_396], %swap3A_399 {strides = array<i32>} : memref<64x128xf32, #tpu.memory_space<vmem>>, vector<1x16xf32>,
          %get3A_400 = arith.index_cast %scan3A_358 : i32 to index
          %get3A_401 = arith.constant 32 : index
          %get3A_402 = tpu.vector_load %arg14[%get3A_400, %get3A_401] {strides = array<i32>} : memref<64x128xf32, #tpu.memory_space<vmem>>, vector<1x16xf32>,
          %get3A_403 = vector.shape_cast %get3A_402 : vector<1x16xf32> to vector<16xf32>
          %get3A_404 = arith.index_cast %scan3A_358 : i32 to index
          %get3A_405 = arith.constant 32 : index
          %get3A_406 = tpu.vector_load %arg15[%get3A_404, %get3A_405] {strides = array<i32>} : memref<64x128xf32, #tpu.memory_space<vmem>>, vector<1x16xf32>,
          %get3A_407 = vector.shape_cast %get3A_406 : vector<1x16xf32> to vector<16xf32>
          %add3A_408 = arith.addf %get3A_403, %get3A_407 : vector<16xf32>
          %get3A_409 = arith.index_cast %scan3A_358 : i32 to index
          %get3A_410 = arith.constant 32 : index
          %get3A_411 = tpu.vector_load %arg16[%get3A_409, %get3A_410] {strides = array<i32>} : memref<64x128xf32, #tpu.memory_space<vmem>>, vector<1x16xf32>,
          %get3A_412 = vector.shape_cast %get3A_411 : vector<1x16xf32> to vector<16xf32>
          %add3A_413 = arith.addf %add3A_408, %get3A_412 : vector<16xf32>
          %max3A_414 = arith.constant 0.000000e+00 : f32
          %max3A_415 = vector.broadcast %max3A_414 : f32 to vector<16xf32>
          %max3A_416 = arith.maximumf %add3A_413, %max3A_415 : vector<16xf32>
          %swap3A_417 = arith.index_cast %scan3A_358 : i32 to index
          %swap3A_418 = arith.constant 32 : index
          %swap3A_419 = tpu.vector_load %arg14[%swap3A_417, %swap3A_418] {strides = array<i32>} : memref<64x128xf32, #tpu.memory_space<vmem>>, vector<1x16xf32>,
          %swap3A_420 = vector.shape_cast %swap3A_419 : vector<1x16xf32> to vector<16xf32>
          %swap3A_421 = vector.shape_cast %max3A_416 : vector<16xf32> to vector<1x16xf32>
          tpu.vector_store %arg14[%swap3A_417, %swap3A_418], %swap3A_421 {strides = array<i32>} : memref<64x128xf32, #tpu.memory_space<vmem>>, vector<1x16xf32>,
          %get3A_422 = arith.index_cast %scan3A_358 : i32 to index
          %get3A_423 = arith.constant 48 : index
          %get3A_424 = tpu.vector_load %arg14[%get3A_422, %get3A_423] {strides = array<i32>} : memref<64x128xf32, #tpu.memory_space<vmem>>, vector<1x16xf32>,
          %get3A_425 = vector.shape_cast %get3A_424 : vector<1x16xf32> to vector<16xf32>
          %get3A_426 = arith.index_cast %scan3A_358 : i32 to index
          %get3A_427 = arith.constant 48 : index
          %get3A_428 = tpu.vector_load %arg15[%get3A_426, %get3A_427] {strides = array<i32>} : memref<64x128xf32, #tpu.memory_space<vmem>>, vector<1x16xf32>,
          %get3A_429 = vector.shape_cast %get3A_428 : vector<1x16xf32> to vector<16xf32>
          %add3A_430 = arith.addf %get3A_425, %get3A_429 : vector<16xf32>
          %get3A_431 = arith.index_cast %scan3A_358 : i32 to index
          %get3A_432 = arith.constant 48 : index
          %get3A_433 = tpu.vector_load %arg16[%get3A_431, %get3A_432] {strides = array<i32>} : memref<64x128xf32, #tpu.memory_space<vmem>>, vector<1x16xf32>,
          %get3A_434 = vector.shape_cast %get3A_433 : vector<1x16xf32> to vector<16xf32>
          %add3A_435 = arith.addf %add3A_430, %get3A_434 : vector<16xf32>
          %max3A_436 = arith.constant 0.000000e+00 : f32
          %max3A_437 = vector.broadcast %max3A_436 : f32 to vector<16xf32>
          %max3A_438 = arith.maximumf %add3A_435, %max3A_437 : vector<16xf32>
          %swap3A_439 = arith.index_cast %scan3A_358 : i32 to index
          %swap3A_440 = arith.constant 48 : index
          %swap3A_441 = tpu.vector_load %arg14[%swap3A_439, %swap3A_440] {strides = array<i32>} : memref<64x128xf32, #tpu.memory_space<vmem>>, vector<1x16xf32>,
          %swap3A_442 = vector.shape_cast %swap3A_441 : vector<1x16xf32> to vector<16xf32>
          %swap3A_443 = vector.shape_cast %max3A_438 : vector<16xf32> to vector<1x16xf32>
          tpu.vector_store %arg14[%swap3A_439, %swap3A_440], %swap3A_443 {strides = array<i32>} : memref<64x128xf32, #tpu.memory_space<vmem>>, vector<1x16xf32>,
          %get3A_444 = arith.index_cast %scan3A_358 : i32 to index
          %get3A_445 = arith.constant 64 : index
          %get3A_446 = tpu.vector_load %arg14[%get3A_444, %get3A_445] {strides = array<i32>} : memref<64x128xf32, #tpu.memory_space<vmem>>, vector<1x16xf32>,
          %get3A_447 = vector.shape_cast %get3A_446 : vector<1x16xf32> to vector<16xf32>
          %get3A_448 = arith.index_cast %scan3A_358 : i32 to index
          %get3A_449 = arith.constant 64 : index
          %get3A_450 = tpu.vector_load %arg15[%get3A_448, %get3A_449] {strides = array<i32>} : memref<64x128xf32, #tpu.memory_space<vmem>>, vector<1x16xf32>,
          %get3A_451 = vector.shape_cast %get3A_450 : vector<1x16xf32> to vector<16xf32>
          %add3A_452 = arith.addf %get3A_447, %get3A_451 : vector<16xf32>
          %get3A_453 = arith.index_cast %scan3A_358 : i32 to index
          %get3A_454 = arith.constant 64 : index
          %get3A_455 = tpu.vector_load %arg16[%get3A_453, %get3A_454] {strides = array<i32>} : memref<64x128xf32, #tpu.memory_space<vmem>>, vector<1x16xf32>,
          %get3A_456 = vector.shape_cast %get3A_455 : vector<1x16xf32> to vector<16xf32>
          %add3A_457 = arith.addf %add3A_452, %get3A_456 : vector<16xf32>
          %max3A_458 = arith.constant 0.000000e+00 : f32
          %max3A_459 = vector.broadcast %max3A_458 : f32 to vector<16xf32>
          %max3A_460 = arith.maximumf %add3A_457, %max3A_459 : vector<16xf32>
          %swap3A_461 = arith.index_cast %scan3A_358 : i32 to index
          %swap3A_462 = arith.constant 64 : index
          %swap3A_463 = tpu.vector_load %arg14[%swap3A_461, %swap3A_462] {strides = array<i32>} : memref<64x128xf32, #tpu.memory_space<vmem>>, vector<1x16xf32>,
          %swap3A_464 = vector.shape_cast %swap3A_463 : vector<1x16xf32> to vector<16xf32>
          %swap3A_465 = vector.shape_cast %max3A_460 : vector<16xf32> to vector<1x16xf32>
          tpu.vector_store %arg14[%swap3A_461, %swap3A_462], %swap3A_465 {strides = array<i32>} : memref<64x128xf32, #tpu.memory_space<vmem>>, vector<1x16xf32>,
          %get3A_466 = arith.index_cast %scan3A_358 : i32 to index
          %get3A_467 = arith.constant 80 : index
          %get3A_468 = tpu.vector_load %arg14[%get3A_466, %get3A_467] {strides = array<i32>} : memref<64x128xf32, #tpu.memory_space<vmem>>, vector<1x16xf32>,
          %get3A_469 = vector.shape_cast %get3A_468 : vector<1x16xf32> to vector<16xf32>
          %get3A_470 = arith.index_cast %scan3A_358 : i32 to index
          %get3A_471 = arith.constant 80 : index
          %get3A_472 = tpu.vector_load %arg15[%get3A_470, %get3A_471] {strides = array<i32>} : memref<64x128xf32, #tpu.memory_space<vmem>>, vector<1x16xf32>,
          %get3A_473 = vector.shape_cast %get3A_472 : vector<1x16xf32> to vector<16xf32>
          %add3A_474 = arith.addf %get3A_469, %get3A_473 : vector<16xf32>
          %get3A_475 = arith.index_cast %scan3A_358 : i32 to index
          %get3A_476 = arith.constant 80 : index
          %get3A_477 = tpu.vector_load %arg16[%get3A_475, %get3A_476] {strides = array<i32>} : memref<64x128xf32, #tpu.memory_space<vmem>>, vector<1x16xf32>,
          %get3A_478 = vector.shape_cast %get3A_477 : vector<1x16xf32> to vector<16xf32>
          %add3A_479 = arith.addf %add3A_474, %get3A_478 : vector<16xf32>
          %max3A_480 = arith.constant 0.000000e+00 : f32
          %max3A_481 = vector.broadcast %max3A_480 : f32 to vector<16xf32>
          %max3A_482 = arith.maximumf %add3A_479, %max3A_481 : vector<16xf32>
          %swap3A_483 = arith.index_cast %scan3A_358 : i32 to index
          %swap3A_484 = arith.constant 80 : index
          %swap3A_485 = tpu.vector_load %arg14[%swap3A_483, %swap3A_484] {strides = array<i32>} : memref<64x128xf32, #tpu.memory_space<vmem>>, vector<1x16xf32>,
          %swap3A_486 = vector.shape_cast %swap3A_485 : vector<1x16xf32> to vector<16xf32>
          %swap3A_487 = vector.shape_cast %max3A_482 : vector<16xf32> to vector<1x16xf32>
          tpu.vector_store %arg14[%swap3A_483, %swap3A_484], %swap3A_487 {strides = array<i32>} : memref<64x128xf32, #tpu.memory_space<vmem>>, vector<1x16xf32>,
          %get3A_488 = arith.index_cast %scan3A_358 : i32 to index
          %get3A_489 = arith.constant 96 : index
          %get3A_490 = tpu.vector_load %arg14[%get3A_488, %get3A_489] {strides = array<i32>} : memref<64x128xf32, #tpu.memory_space<vmem>>, vector<1x16xf32>,
          %get3A_491 = vector.shape_cast %get3A_490 : vector<1x16xf32> to vector<16xf32>
          %get3A_492 = arith.index_cast %scan3A_358 : i32 to index
          %get3A_493 = arith.constant 96 : index
          %get3A_494 = tpu.vector_load %arg15[%get3A_492, %get3A_493] {strides = array<i32>} : memref<64x128xf32, #tpu.memory_space<vmem>>, vector<1x16xf32>,
          %get3A_495 = vector.shape_cast %get3A_494 : vector<1x16xf32> to vector<16xf32>
          %add3A_496 = arith.addf %get3A_491, %get3A_495 : vector<16xf32>
          %get3A_497 = arith.index_cast %scan3A_358 : i32 to index
          %get3A_498 = arith.constant 96 : index
          %get3A_499 = tpu.vector_load %arg16[%get3A_497, %get3A_498] {strides = array<i32>} : memref<64x128xf32, #tpu.memory_space<vmem>>, vector<1x16xf32>,
          %get3A_500 = vector.shape_cast %get3A_499 : vector<1x16xf32> to vector<16xf32>
          %add3A_501 = arith.addf %add3A_496, %get3A_500 : vector<16xf32>
          %max3A_502 = arith.constant 0.000000e+00 : f32
          %max3A_503 = vector.broadcast %max3A_502 : f32 to vector<16xf32>
          %max3A_504 = arith.maximumf %add3A_501, %max3A_503 : vector<16xf32>
          %swap3A_505 = arith.index_cast %scan3A_358 : i32 to index
          %swap3A_506 = arith.constant 96 : index
          %swap3A_507 = tpu.vector_load %arg14[%swap3A_505, %swap3A_506] {strides = array<i32>} : memref<64x128xf32, #tpu.memory_space<vmem>>, vector<1x16xf32>,
          %swap3A_508 = vector.shape_cast %swap3A_507 : vector<1x16xf32> to vector<16xf32>
          %swap3A_509 = vector.shape_cast %max3A_504 : vector<16xf32> to vector<1x16xf32>
          tpu.vector_store %arg14[%swap3A_505, %swap3A_506], %swap3A_509 {strides = array<i32>} : memref<64x128xf32, #tpu.memory_space<vmem>>, vector<1x16xf32>,
          %get3A_510 = arith.index_cast %scan3A_358 : i32 to index
          %get3A_511 = arith.constant 112 : index
          %get3A_512 = tpu.vector_load %arg14[%get3A_510, %get3A_511] {strides = array<i32>} : memref<64x128xf32, #tpu.memory_space<vmem>>, vector<1x16xf32>,
          %get3A_513 = vector.shape_cast %get3A_512 : vector<1x16xf32> to vector<16xf32>
          %get3A_514 = arith.index_cast %scan3A_358 : i32 to index
          %get3A_515 = arith.constant 112 : index
          %get3A_516 = tpu.vector_load %arg15[%get3A_514, %get3A_515] {strides = array<i32>} : memref<64x128xf32, #tpu.memory_space<vmem>>, vector<1x16xf32>,
          %get3A_517 = vector.shape_cast %get3A_516 : vector<1x16xf32> to vector<16xf32>
          %add3A_518 = arith.addf %get3A_513, %get3A_517 : vector<16xf32>
          %get3A_519 = arith.index_cast %scan3A_358 : i32 to index
          %get3A_520 = arith.constant 112 : index
          %get3A_521 = tpu.vector_load %arg16[%get3A_519, %get3A_520] {strides = array<i32>} : memref<64x128xf32, #tpu.memory_space<vmem>>, vector<1x16xf32>,
          %get3A_522 = vector.shape_cast %get3A_521 : vector<1x16xf32> to vector<16xf32>
          %add3A_523 = arith.addf %add3A_518, %get3A_522 : vector<16xf32>
          %max3A_524 = arith.constant 0.000000e+00 : f32
          %max3A_525 = vector.broadcast %max3A_524 : f32 to vector<16xf32>
          %max3A_526 = arith.maximumf %add3A_523, %max3A_525 : vector<16xf32>
          %swap3A_527 = arith.index_cast %scan3A_358 : i32 to index
          %swap3A_528 = arith.constant 112 : index
          %swap3A_529 = tpu.vector_load %arg14[%swap3A_527, %swap3A_528] {strides = array<i32>} : memref<64x128xf32, #tpu.memory_space<vmem>>, vector<1x16xf32>,
          %swap3A_530 = vector.shape_cast %swap3A_529 : vector<1x16xf32> to vector<16xf32>
          %swap3A_531 = vector.shape_cast %max3A_526 : vector<16xf32> to vector<1x16xf32>
          tpu.vector_store %arg14[%swap3A_527, %swap3A_528], %swap3A_531 {strides = array<i32>} : memref<64x128xf32, #tpu.memory_space<vmem>>, vector<1x16xf32>,
        }
        %scan3A_354 = arith.constant 64 : i32
        %mul3A_355 = arith.constant 320000 : i32
        %mul3A_356 = arith.muli %arg0, %mul3A_355 : i32
        %add3A_357 = arith.addi %mul3A_356, %mul3A_319 : i32
        "tpu.region"() ({
          %run_scoped3A = tpu.sem_alloc : memref<!tpu.dma_semaphore, #tpu.memory_space<semaphore_mem>>
          %dma_start3A_358 = arith.constant 0 : i32
          %dma_start3A_359 = tpu.memref_slice %arg8[%add3A_357, %dma_start3A_358] : memref<640000x128xf32, #tpu.memory_space<hbm>> -> memref<64x128xf32, #tpu.memory_space<hbm>>
          %dma_start3A_360 = arith.constant 0 : i32
          %dma_start3A_361 = tpu.memref_slice %arg8[%add3A_357, %dma_start3A_360] : memref<640000x128xf32, #tpu.memory_space<hbm>> -> memref<64x128xf32, #tpu.memory_space<hbm>>
          tpu.enqueue_dma source(%arg14 : memref<64x128xf32, #tpu.memory_space<vmem>>) target(%dma_start3A_361 : memref<64x128xf32, #tpu.memory_space<hbm>>) target_semaphore(%run_scoped3A : memref<!tpu.dma_semaphore, #tpu.memory_space<semaphore_mem>>)
          %dma_wait3A_362 = arith.constant 0 : i32
          %dma_wait3A_363 = tpu.memref_slice %arg8[%add3A_357, %dma_wait3A_362] : memref<640000x128xf32, #tpu.memory_space<hbm>> -> memref<64x128xf32, #tpu.memory_space<hbm>>
          %dma_wait3A_364 = arith.constant 0 : i32
          %dma_wait3A_365 = tpu.memref_slice %arg8[%add3A_357, %dma_wait3A_364] : memref<640000x128xf32, #tpu.memory_space<hbm>> -> memref<64x128xf32, #tpu.memory_space<hbm>>
          tpu.wait_dma2 semaphore(%run_scoped3A : memref<!tpu.dma_semaphore, #tpu.memory_space<semaphore_mem>>) src(%arg14 : memref<64x128xf32, #tpu.memory_space<vmem>>) dst(%dma_wait3A_365 : memref<64x128xf32, #tpu.memory_space<hbm>>)
          tpu.yield
        }) : () -> ()
        "tpu.region"() ({
          %run_scoped3A = tpu.sem_alloc : memref<!tpu.dma_semaphore, #tpu.memory_space<semaphore_mem>>
          %dma_start3A_358 = arith.constant 0 : i32
          %dma_start3A_359 = arith.constant 0 : i32
          %dma_start3A_360 = tpu.memref_slice %arg10[%dma_start3A_358, %dma_start3A_359] : memref<5008x128xf32, #tpu.memory_space<vmem_shared>> -> memref<5008x128xf32, #tpu.memory_space<vmem_shared>>
          tpu.enqueue_indirect_dma source(%arg14 : memref<64x128xf32, #tpu.memory_space<vmem>>) target(%dma_start3A_360 : memref<5008x128xf32, #tpu.memory_space<vmem_shared>>) offsets(%arg13 : memref<64xi32, #tpu.memory_space<vmem>>) semaphore(%run_scoped3A : memref<!tpu.dma_semaphore, #tpu.memory_space<semaphore_mem>>) {add = true}
          %dma_wait3A_361 = arith.constant 0 : i32
          %dma_wait3A_362 = arith.constant 0 : i32
          %dma_wait3A_363 = tpu.memref_slice %arg10[%dma_wait3A_361, %dma_wait3A_362] : memref<5008x128xf32, #tpu.memory_space<vmem_shared>> -> memref<5008x128xf32, #tpu.memory_space<vmem_shared>>
          tpu.wait_indirect_dma semaphore(%run_scoped3A : memref<!tpu.dma_semaphore, #tpu.memory_space<semaphore_mem>>) src(%arg14 : memref<64x128xf32, #tpu.memory_space<vmem>>) dst(%dma_wait3A_363 : memref<5008x128xf32, #tpu.memory_space<vmem_shared>>)
          tpu.yield
        }) : () -> ()
      } else {
      }
    }
    %scan3A_77 = arith.constant 313 : i32
    %barrier3A_78 = arith.constant 0 : index
    tpu.barrier barrier_id(%barrier3A_78)
    %mul3A_79 = arith.constant 8 : i32
    %mul3A_80 = arith.muli %arg1, %mul3A_79 : i32
    %add3A_81 = arith.constant 0 : i32
    %add3A_82 = arith.addi %mul3A_80, %add3A_81 : i32
    %lt3A_83 = arith.constant 125 : i32
    %lt3A_84 = arith.cmpi slt, %add3A_82, %lt3A_83 : i32
    %convert_element_type3A_85 = arith.extui %lt3A_84 : i1 to i32
    %cond3A_86 = arith.constant 0 : i32
    %cond3A_87 = arith.cmpi ne, %convert_element_type3A_85, %cond3A_86 : i32
    scf.if %cond3A_87 {
      %mul3A_309 = arith.constant 40 : i32
      %mul3A_310 = arith.muli %add3A_82, %mul3A_309 : i32
      %mul3A_311 = arith.constant 10000 : i32
      %mul3A_312 = arith.muli %arg0, %mul3A_311 : i32
      %add3A_313 = arith.constant 0 : i32
      %add3A_314 = arith.addi %mul3A_312, %add3A_313 : i32
      %mul3A_315 = arith.constant 40 : i32
      %mul3A_316 = arith.muli %add3A_82, %mul3A_315 : i32
      %add3A_317 = arith.addi %add3A_314, %mul3A_316 : i32
      "tpu.region"() ({
        %run_scoped3A = tpu.sem_alloc : memref<!tpu.dma_semaphore, #tpu.memory_space<semaphore_mem>>
        %dma_start3A = arith.constant 0 : i32
        %dma_start3A_318 = tpu.memref_slice %arg9[%add3A_317, %dma_start3A] : memref<20000x128xf32, #tpu.memory_space<hbm>> -> memref<40x128xf32, #tpu.memory_space<hbm>>
        %dma_start3A_319 = arith.constant 0 : i32
        %dma_start3A_320 = tpu.memref_slice %arg10[%mul3A_310, %dma_start3A_319] : memref<5008x128xf32, #tpu.memory_space<vmem_shared>> -> memref<40x128xf32, #tpu.memory_space<vmem_shared>>
        tpu.enqueue_dma source(%dma_start3A_320 : memref<40x128xf32, #tpu.memory_space<vmem_shared>>) target(%dma_start3A_318 : memref<40x128xf32, #tpu.memory_space<hbm>>) target_semaphore(%run_scoped3A : memref<!tpu.dma_semaphore, #tpu.memory_space<semaphore_mem>>)
        %dma_wait3A = arith.constant 0 : i32
        %dma_wait3A_321 = tpu.memref_slice %arg9[%add3A_317, %dma_wait3A] : memref<20000x128xf32, #tpu.memory_space<hbm>> -> memref<40x128xf32, #tpu.memory_space<hbm>>
        %dma_wait3A_322 = arith.constant 0 : i32
        %dma_wait3A_323 = tpu.memref_slice %arg10[%mul3A_310, %dma_wait3A_322] : memref<5008x128xf32, #tpu.memory_space<vmem_shared>> -> memref<40x128xf32, #tpu.memory_space<vmem_shared>>
        tpu.wait_dma2 semaphore(%run_scoped3A : memref<!tpu.dma_semaphore, #tpu.memory_space<semaphore_mem>>) src(%dma_wait3A_323 : memref<40x128xf32, #tpu.memory_space<vmem_shared>>) dst(%dma_wait3A_321 : memref<40x128xf32, #tpu.memory_space<hbm>>)
        tpu.yield
      }) : () -> ()
    } else {
    }
    %mul3A_88 = arith.constant 8 : i32
    %mul3A_89 = arith.muli %arg1, %mul3A_88 : i32
    %add3A_90 = arith.constant 1 : i32
    %add3A_91 = arith.addi %mul3A_89, %add3A_90 : i32
    %lt3A_92 = arith.constant 125 : i32
    %lt3A_93 = arith.cmpi slt, %add3A_91, %lt3A_92 : i32
    %convert_element_type3A_94 = arith.extui %lt3A_93 : i1 to i32
    %cond3A_95 = arith.constant 0 : i32
    %cond3A_96 = arith.cmpi ne, %convert_element_type3A_94, %cond3A_95 : i32
    scf.if %cond3A_96 {
      %mul3A_309 = arith.constant 40 : i32
      %mul3A_310 = arith.muli %add3A_91, %mul3A_309 : i32
      %mul3A_311 = arith.constant 10000 : i32
      %mul3A_312 = arith.muli %arg0, %mul3A_311 : i32
      %add3A_313 = arith.constant 0 : i32
      %add3A_314 = arith.addi %mul3A_312, %add3A_313 : i32
      %mul3A_315 = arith.constant 40 : i32
      %mul3A_316 = arith.muli %add3A_91, %mul3A_315 : i32
      %add3A_317 = arith.addi %add3A_314, %mul3A_316 : i32
      "tpu.region"() ({
        %run_scoped3A = tpu.sem_alloc : memref<!tpu.dma_semaphore, #tpu.memory_space<semaphore_mem>>
        %dma_start3A = arith.constant 0 : i32
        %dma_start3A_318 = tpu.memref_slice %arg9[%add3A_317, %dma_start3A] : memref<20000x128xf32, #tpu.memory_space<hbm>> -> memref<40x128xf32, #tpu.memory_space<hbm>>
        %dma_start3A_319 = arith.constant 0 : i32
        %dma_start3A_320 = tpu.memref_slice %arg10[%mul3A_310, %dma_start3A_319] : memref<5008x128xf32, #tpu.memory_space<vmem_shared>> -> memref<40x128xf32, #tpu.memory_space<vmem_shared>>
        tpu.enqueue_dma source(%dma_start3A_320 : memref<40x128xf32, #tpu.memory_space<vmem_shared>>) target(%dma_start3A_318 : memref<40x128xf32, #tpu.memory_space<hbm>>) target_semaphore(%run_scoped3A : memref<!tpu.dma_semaphore, #tpu.memory_space<semaphore_mem>>)
        %dma_wait3A = arith.constant 0 : i32
        %dma_wait3A_321 = tpu.memref_slice %arg9[%add3A_317, %dma_wait3A] : memref<20000x128xf32, #tpu.memory_space<hbm>> -> memref<40x128xf32, #tpu.memory_space<hbm>>
        %dma_wait3A_322 = arith.constant 0 : i32
        %dma_wait3A_323 = tpu.memref_slice %arg10[%mul3A_310, %dma_wait3A_322] : memref<5008x128xf32, #tpu.memory_space<vmem_shared>> -> memref<40x128xf32, #tpu.memory_space<vmem_shared>>
        tpu.wait_dma2 semaphore(%run_scoped3A : memref<!tpu.dma_semaphore, #tpu.memory_space<semaphore_mem>>) src(%dma_wait3A_323 : memref<40x128xf32, #tpu.memory_space<vmem_shared>>) dst(%dma_wait3A_321 : memref<40x128xf32, #tpu.memory_space<hbm>>)
        tpu.yield
      }) : () -> ()
    } else {
    }
    %mul3A_97 = arith.constant 8 : i32
    %mul3A_98 = arith.muli %arg1, %mul3A_97 : i32
    %add3A_99 = arith.constant 2 : i32
    %add3A_100 = arith.addi %mul3A_98, %add3A_99 : i32
    %lt3A_101 = arith.constant 125 : i32
    %lt3A_102 = arith.cmpi slt, %add3A_100, %lt3A_101 : i32
    %convert_element_type3A_103 = arith.extui %lt3A_102 : i1 to i32
    %cond3A_104 = arith.constant 0 : i32
    %cond3A_105 = arith.cmpi ne, %convert_element_type3A_103, %cond3A_104 : i32
    scf.if %cond3A_105 {
      %mul3A_309 = arith.constant 40 : i32
      %mul3A_310 = arith.muli %add3A_100, %mul3A_309 : i32
      %mul3A_311 = arith.constant 10000 : i32
      %mul3A_312 = arith.muli %arg0, %mul3A_311 : i32
      %add3A_313 = arith.constant 0 : i32
      %add3A_314 = arith.addi %mul3A_312, %add3A_313 : i32
      %mul3A_315 = arith.constant 40 : i32
      %mul3A_316 = arith.muli %add3A_100, %mul3A_315 : i32
      %add3A_317 = arith.addi %add3A_314, %mul3A_316 : i32
      "tpu.region"() ({
        %run_scoped3A = tpu.sem_alloc : memref<!tpu.dma_semaphore, #tpu.memory_space<semaphore_mem>>
        %dma_start3A = arith.constant 0 : i32
        %dma_start3A_318 = tpu.memref_slice %arg9[%add3A_317, %dma_start3A] : memref<20000x128xf32, #tpu.memory_space<hbm>> -> memref<40x128xf32, #tpu.memory_space<hbm>>
        %dma_start3A_319 = arith.constant 0 : i32
        %dma_start3A_320 = tpu.memref_slice %arg10[%mul3A_310, %dma_start3A_319] : memref<5008x128xf32, #tpu.memory_space<vmem_shared>> -> memref<40x128xf32, #tpu.memory_space<vmem_shared>>
        tpu.enqueue_dma source(%dma_start3A_320 : memref<40x128xf32, #tpu.memory_space<vmem_shared>>) target(%dma_start3A_318 : memref<40x128xf32, #tpu.memory_space<hbm>>) target_semaphore(%run_scoped3A : memref<!tpu.dma_semaphore, #tpu.memory_space<semaphore_mem>>)
        %dma_wait3A = arith.constant 0 : i32
        %dma_wait3A_321 = tpu.memref_slice %arg9[%add3A_317, %dma_wait3A] : memref<20000x128xf32, #tpu.memory_space<hbm>> -> memref<40x128xf32, #tpu.memory_space<hbm>>
        %dma_wait3A_322 = arith.constant 0 : i32
        %dma_wait3A_323 = tpu.memref_slice %arg10[%mul3A_310, %dma_wait3A_322] : memref<5008x128xf32, #tpu.memory_space<vmem_shared>> -> memref<40x128xf32, #tpu.memory_space<vmem_shared>>
        tpu.wait_dma2 semaphore(%run_scoped3A : memref<!tpu.dma_semaphore, #tpu.memory_space<semaphore_mem>>) src(%dma_wait3A_323 : memref<40x128xf32, #tpu.memory_space<vmem_shared>>) dst(%dma_wait3A_321 : memref<40x128xf32, #tpu.memory_space<hbm>>)
        tpu.yield
      }) : () -> ()
    } else {
    }
    %mul3A_106 = arith.constant 8 : i32
    %mul3A_107 = arith.muli %arg1, %mul3A_106 : i32
    %add3A_108 = arith.constant 3 : i32
    %add3A_109 = arith.addi %mul3A_107, %add3A_108 : i32
    %lt3A_110 = arith.constant 125 : i32
    %lt3A_111 = arith.cmpi slt, %add3A_109, %lt3A_110 : i32
    %convert_element_type3A_112 = arith.extui %lt3A_111 : i1 to i32
    %cond3A_113 = arith.constant 0 : i32
    %cond3A_114 = arith.cmpi ne, %convert_element_type3A_112, %cond3A_113 : i32
    scf.if %cond3A_114 {
      %mul3A_309 = arith.constant 40 : i32
      %mul3A_310 = arith.muli %add3A_109, %mul3A_309 : i32
      %mul3A_311 = arith.constant 10000 : i32
      %mul3A_312 = arith.muli %arg0, %mul3A_311 : i32
      %add3A_313 = arith.constant 0 : i32
      %add3A_314 = arith.addi %mul3A_312, %add3A_313 : i32
      %mul3A_315 = arith.constant 40 : i32
      %mul3A_316 = arith.muli %add3A_109, %mul3A_315 : i32
      %add3A_317 = arith.addi %add3A_314, %mul3A_316 : i32
      "tpu.region"() ({
        %run_scoped3A = tpu.sem_alloc : memref<!tpu.dma_semaphore, #tpu.memory_space<semaphore_mem>>
        %dma_start3A = arith.constant 0 : i32
        %dma_start3A_318 = tpu.memref_slice %arg9[%add3A_317, %dma_start3A] : memref<20000x128xf32, #tpu.memory_space<hbm>> -> memref<40x128xf32, #tpu.memory_space<hbm>>
        %dma_start3A_319 = arith.constant 0 : i32
        %dma_start3A_320 = tpu.memref_slice %arg10[%mul3A_310, %dma_start3A_319] : memref<5008x128xf32, #tpu.memory_space<vmem_shared>> -> memref<40x128xf32, #tpu.memory_space<vmem_shared>>
        tpu.enqueue_dma source(%dma_start3A_320 : memref<40x128xf32, #tpu.memory_space<vmem_shared>>) target(%dma_start3A_318 : memref<40x128xf32, #tpu.memory_space<hbm>>) target_semaphore(%run_scoped3A : memref<!tpu.dma_semaphore, #tpu.memory_space<semaphore_mem>>)
        %dma_wait3A = arith.constant 0 : i32
        %dma_wait3A_321 = tpu.memref_slice %arg9[%add3A_317, %dma_wait3A] : memref<20000x128xf32, #tpu.memory_space<hbm>> -> memref<40x128xf32, #tpu.memory_space<hbm>>
        %dma_wait3A_322 = arith.constant 0 : i32
        %dma_wait3A_323 = tpu.memref_slice %arg10[%mul3A_310, %dma_wait3A_322] : memref<5008x128xf32, #tpu.memory_space<vmem_shared>> -> memref<40x128xf32, #tpu.memory_space<vmem_shared>>
        tpu.wait_dma2 semaphore(%run_scoped3A : memref<!tpu.dma_semaphore, #tpu.memory_space<semaphore_mem>>) src(%dma_wait3A_323 : memref<40x128xf32, #tpu.memory_space<vmem_shared>>) dst(%dma_wait3A_321 : memref<40x128xf32, #tpu.memory_space<hbm>>)
        tpu.yield
      }) : () -> ()
    } else {
    }
    %mul3A_115 = arith.constant 8 : i32
    %mul3A_116 = arith.muli %arg1, %mul3A_115 : i32
    %add3A_117 = arith.constant 4 : i32
    %add3A_118 = arith.addi %mul3A_116, %add3A_117 : i32
    %lt3A_119 = arith.constant 125 : i32
    %lt3A_120 = arith.cmpi slt, %add3A_118, %lt3A_119 : i32
    %convert_element_type3A_121 = arith.extui %lt3A_120 : i1 to i32
    %cond3A_122 = arith.constant 0 : i32
    %cond3A_123 = arith.cmpi ne, %convert_element_type3A_121, %cond3A_122 : i32
    scf.if %cond3A_123 {
      %mul3A_309 = arith.constant 40 : i32
      %mul3A_310 = arith.muli %add3A_118, %mul3A_309 : i32
      %mul3A_311 = arith.constant 10000 : i32
      %mul3A_312 = arith.muli %arg0, %mul3A_311 : i32
      %add3A_313 = arith.constant 0 : i32
      %add3A_314 = arith.addi %mul3A_312, %add3A_313 : i32
      %mul3A_315 = arith.constant 40 : i32
      %mul3A_316 = arith.muli %add3A_118, %mul3A_315 : i32
      %add3A_317 = arith.addi %add3A_314, %mul3A_316 : i32
      "tpu.region"() ({
        %run_scoped3A = tpu.sem_alloc : memref<!tpu.dma_semaphore, #tpu.memory_space<semaphore_mem>>
        %dma_start3A = arith.constant 0 : i32
        %dma_start3A_318 = tpu.memref_slice %arg9[%add3A_317, %dma_start3A] : memref<20000x128xf32, #tpu.memory_space<hbm>> -> memref<40x128xf32, #tpu.memory_space<hbm>>
        %dma_start3A_319 = arith.constant 0 : i32
        %dma_start3A_320 = tpu.memref_slice %arg10[%mul3A_310, %dma_start3A_319] : memref<5008x128xf32, #tpu.memory_space<vmem_shared>> -> memref<40x128xf32, #tpu.memory_space<vmem_shared>>
        tpu.enqueue_dma source(%dma_start3A_320 : memref<40x128xf32, #tpu.memory_space<vmem_shared>>) target(%dma_start3A_318 : memref<40x128xf32, #tpu.memory_space<hbm>>) target_semaphore(%run_scoped3A : memref<!tpu.dma_semaphore, #tpu.memory_space<semaphore_mem>>)
        %dma_wait3A = arith.constant 0 : i32
        %dma_wait3A_321 = tpu.memref_slice %arg9[%add3A_317, %dma_wait3A] : memref<20000x128xf32, #tpu.memory_space<hbm>> -> memref<40x128xf32, #tpu.memory_space<hbm>>
        %dma_wait3A_322 = arith.constant 0 : i32
        %dma_wait3A_323 = tpu.memref_slice %arg10[%mul3A_310, %dma_wait3A_322] : memref<5008x128xf32, #tpu.memory_space<vmem_shared>> -> memref<40x128xf32, #tpu.memory_space<vmem_shared>>
        tpu.wait_dma2 semaphore(%run_scoped3A : memref<!tpu.dma_semaphore, #tpu.memory_space<semaphore_mem>>) src(%dma_wait3A_323 : memref<40x128xf32, #tpu.memory_space<vmem_shared>>) dst(%dma_wait3A_321 : memref<40x128xf32, #tpu.memory_space<hbm>>)
        tpu.yield
      }) : () -> ()
    } else {
    }
    %mul3A_124 = arith.constant 8 : i32
    %mul3A_125 = arith.muli %arg1, %mul3A_124 : i32
    %add3A_126 = arith.constant 5 : i32
    %add3A_127 = arith.addi %mul3A_125, %add3A_126 : i32
    %lt3A_128 = arith.constant 125 : i32
    %lt3A_129 = arith.cmpi slt, %add3A_127, %lt3A_128 : i32
    %convert_element_type3A_130 = arith.extui %lt3A_129 : i1 to i32
    %cond3A_131 = arith.constant 0 : i32
    %cond3A_132 = arith.cmpi ne, %convert_element_type3A_130, %cond3A_131 : i32
    scf.if %cond3A_132 {
      %mul3A_309 = arith.constant 40 : i32
      %mul3A_310 = arith.muli %add3A_127, %mul3A_309 : i32
      %mul3A_311 = arith.constant 10000 : i32
      %mul3A_312 = arith.muli %arg0, %mul3A_311 : i32
      %add3A_313 = arith.constant 0 : i32
      %add3A_314 = arith.addi %mul3A_312, %add3A_313 : i32
      %mul3A_315 = arith.constant 40 : i32
      %mul3A_316 = arith.muli %add3A_127, %mul3A_315 : i32
      %add3A_317 = arith.addi %add3A_314, %mul3A_316 : i32
      "tpu.region"() ({
        %run_scoped3A = tpu.sem_alloc : memref<!tpu.dma_semaphore, #tpu.memory_space<semaphore_mem>>
        %dma_start3A = arith.constant 0 : i32
        %dma_start3A_318 = tpu.memref_slice %arg9[%add3A_317, %dma_start3A] : memref<20000x128xf32, #tpu.memory_space<hbm>> -> memref<40x128xf32, #tpu.memory_space<hbm>>
        %dma_start3A_319 = arith.constant 0 : i32
        %dma_start3A_320 = tpu.memref_slice %arg10[%mul3A_310, %dma_start3A_319] : memref<5008x128xf32, #tpu.memory_space<vmem_shared>> -> memref<40x128xf32, #tpu.memory_space<vmem_shared>>
        tpu.enqueue_dma source(%dma_start3A_320 : memref<40x128xf32, #tpu.memory_space<vmem_shared>>) target(%dma_start3A_318 : memref<40x128xf32, #tpu.memory_space<hbm>>) target_semaphore(%run_scoped3A : memref<!tpu.dma_semaphore, #tpu.memory_space<semaphore_mem>>)
        %dma_wait3A = arith.constant 0 : i32
        %dma_wait3A_321 = tpu.memref_slice %arg9[%add3A_317, %dma_wait3A] : memref<20000x128xf32, #tpu.memory_space<hbm>> -> memref<40x128xf32, #tpu.memory_space<hbm>>
        %dma_wait3A_322 = arith.constant 0 : i32
        %dma_wait3A_323 = tpu.memref_slice %arg10[%mul3A_310, %dma_wait3A_322] : memref<5008x128xf32, #tpu.memory_space<vmem_shared>> -> memref<40x128xf32, #tpu.memory_space<vmem_shared>>
        tpu.wait_dma2 semaphore(%run_scoped3A : memref<!tpu.dma_semaphore, #tpu.memory_space<semaphore_mem>>) src(%dma_wait3A_323 : memref<40x128xf32, #tpu.memory_space<vmem_shared>>) dst(%dma_wait3A_321 : memref<40x128xf32, #tpu.memory_space<hbm>>)
        tpu.yield
      }) : () -> ()
    } else {
    }
    %mul3A_133 = arith.constant 8 : i32
    %mul3A_134 = arith.muli %arg1, %mul3A_133 : i32
    %add3A_135 = arith.constant 6 : i32
    %add3A_136 = arith.addi %mul3A_134, %add3A_135 : i32
    %lt3A_137 = arith.constant 125 : i32
    %lt3A_138 = arith.cmpi slt, %add3A_136, %lt3A_137 : i32
    %convert_element_type3A_139 = arith.extui %lt3A_138 : i1 to i32
    %cond3A_140 = arith.constant 0 : i32
    %cond3A_141 = arith.cmpi ne, %convert_element_type3A_139, %cond3A_140 : i32
    scf.if %cond3A_141 {
      %mul3A_309 = arith.constant 40 : i32
      %mul3A_310 = arith.muli %add3A_136, %mul3A_309 : i32
      %mul3A_311 = arith.constant 10000 : i32
      %mul3A_312 = arith.muli %arg0, %mul3A_311 : i32
      %add3A_313 = arith.constant 0 : i32
      %add3A_314 = arith.addi %mul3A_312, %add3A_313 : i32
      %mul3A_315 = arith.constant 40 : i32
      %mul3A_316 = arith.muli %add3A_136, %mul3A_315 : i32
      %add3A_317 = arith.addi %add3A_314, %mul3A_316 : i32
      "tpu.region"() ({
        %run_scoped3A = tpu.sem_alloc : memref<!tpu.dma_semaphore, #tpu.memory_space<semaphore_mem>>
        %dma_start3A = arith.constant 0 : i32
        %dma_start3A_318 = tpu.memref_slice %arg9[%add3A_317, %dma_start3A] : memref<20000x128xf32, #tpu.memory_space<hbm>> -> memref<40x128xf32, #tpu.memory_space<hbm>>
        %dma_start3A_319 = arith.constant 0 : i32
        %dma_start3A_320 = tpu.memref_slice %arg10[%mul3A_310, %dma_start3A_319] : memref<5008x128xf32, #tpu.memory_space<vmem_shared>> -> memref<40x128xf32, #tpu.memory_space<vmem_shared>>
        tpu.enqueue_dma source(%dma_start3A_320 : memref<40x128xf32, #tpu.memory_space<vmem_shared>>) target(%dma_start3A_318 : memref<40x128xf32, #tpu.memory_space<hbm>>) target_semaphore(%run_scoped3A : memref<!tpu.dma_semaphore, #tpu.memory_space<semaphore_mem>>)
        %dma_wait3A = arith.constant 0 : i32
        %dma_wait3A_321 = tpu.memref_slice %arg9[%add3A_317, %dma_wait3A] : memref<20000x128xf32, #tpu.memory_space<hbm>> -> memref<40x128xf32, #tpu.memory_space<hbm>>
        %dma_wait3A_322 = arith.constant 0 : i32
        %dma_wait3A_323 = tpu.memref_slice %arg10[%mul3A_310, %dma_wait3A_322] : memref<5008x128xf32, #tpu.memory_space<vmem_shared>> -> memref<40x128xf32, #tpu.memory_space<vmem_shared>>
        tpu.wait_dma2 semaphore(%run_scoped3A : memref<!tpu.dma_semaphore, #tpu.memory_space<semaphore_mem>>) src(%dma_wait3A_323 : memref<40x128xf32, #tpu.memory_space<vmem_shared>>) dst(%dma_wait3A_321 : memref<40x128xf32, #tpu.memory_space<hbm>>)
        tpu.yield
      }) : () -> ()
    } else {
    }
    %mul3A_142 = arith.constant 8 : i32
    %mul3A_143 = arith.muli %arg1, %mul3A_142 : i32
    %add3A_144 = arith.constant 7 : i32
    %add3A_145 = arith.addi %mul3A_143, %add3A_144 : i32
    %lt3A_146 = arith.constant 125 : i32
    %lt3A_147 = arith.cmpi slt, %add3A_145, %lt3A_146 : i32
    %convert_element_type3A_148 = arith.extui %lt3A_147 : i1 to i32
    %cond3A_149 = arith.constant 0 : i32
    %cond3A_150 = arith.cmpi ne, %convert_element_type3A_148, %cond3A_149 : i32
    scf.if %cond3A_150 {
      %mul3A_309 = arith.constant 40 : i32
      %mul3A_310 = arith.muli %add3A_145, %mul3A_309 : i32
      %mul3A_311 = arith.constant 10000 : i32
      %mul3A_312 = arith.muli %arg0, %mul3A_311 : i32
      %add3A_313 = arith.constant 0 : i32
      %add3A_314 = arith.addi %mul3A_312, %add3A_313 : i32
      %mul3A_315 = arith.constant 40 : i32
      %mul3A_316 = arith.muli %add3A_145, %mul3A_315 : i32
      %add3A_317 = arith.addi %add3A_314, %mul3A_316 : i32
      "tpu.region"() ({
        %run_scoped3A = tpu.sem_alloc : memref<!tpu.dma_semaphore, #tpu.memory_space<semaphore_mem>>
        %dma_start3A = arith.constant 0 : i32
        %dma_start3A_318 = tpu.memref_slice %arg9[%add3A_317, %dma_start3A] : memref<20000x128xf32, #tpu.memory_space<hbm>> -> memref<40x128xf32, #tpu.memory_space<hbm>>
        %dma_start3A_319 = arith.constant 0 : i32
        %dma_start3A_320 = tpu.memref_slice %arg10[%mul3A_310, %dma_start3A_319] : memref<5008x128xf32, #tpu.memory_space<vmem_shared>> -> memref<40x128xf32, #tpu.memory_space<vmem_shared>>
        tpu.enqueue_dma source(%dma_start3A_320 : memref<40x128xf32, #tpu.memory_space<vmem_shared>>) target(%dma_start3A_318 : memref<40x128xf32, #tpu.memory_space<hbm>>) target_semaphore(%run_scoped3A : memref<!tpu.dma_semaphore, #tpu.memory_space<semaphore_mem>>)
        %dma_wait3A = arith.constant 0 : i32
        %dma_wait3A_321 = tpu.memref_slice %arg9[%add3A_317, %dma_wait3A] : memref<20000x128xf32, #tpu.memory_space<hbm>> -> memref<40x128xf32, #tpu.memory_space<hbm>>
        %dma_wait3A_322 = arith.constant 0 : i32
        %dma_wait3A_323 = tpu.memref_slice %arg10[%mul3A_310, %dma_wait3A_322] : memref<5008x128xf32, #tpu.memory_space<vmem_shared>> -> memref<40x128xf32, #tpu.memory_space<vmem_shared>>
        tpu.wait_dma2 semaphore(%run_scoped3A : memref<!tpu.dma_semaphore, #tpu.memory_space<semaphore_mem>>) src(%dma_wait3A_323 : memref<40x128xf32, #tpu.memory_space<vmem_shared>>) dst(%dma_wait3A_321 : memref<40x128xf32, #tpu.memory_space<hbm>>)
        tpu.yield
      }) : () -> ()
    } else {
    }
    %scan3A_151 = arith.constant 0 : i32
    %scan3A_152 = arith.constant 0 : i32
    %scan3A_153 = arith.constant 40 : i32
    %scan3A_154 = arith.addi %scan3A_152, %scan3A_153 : i32
    %scan3A_155 = arith.constant 1 : i32
    scf.for %scan3A_309 = %scan3A_152 to %scan3A_154 step %scan3A_155  : i32 {
      %broadcast_in_dim3A = arith.constant 0.000000e+00 : f32
      %broadcast_in_dim3A_310 = vector.broadcast %broadcast_in_dim3A : f32 to vector<16xf32>
      %swap3A = arith.index_cast %scan3A_309 : i32 to index
      %swap3A_311 = arith.constant 0 : index
      %swap3A_312 = tpu.vector_load %arg14[%swap3A, %swap3A_311] {strides = array<i32>} : memref<64x128xf32, #tpu.memory_space<vmem>>, vector<1x16xf32>,
      %swap3A_313 = vector.shape_cast %swap3A_312 : vector<1x16xf32> to vector<16xf32>
      %swap3A_314 = vector.shape_cast %broadcast_in_dim3A_310 : vector<16xf32> to vector<1x16xf32>
      tpu.vector_store %arg14[%swap3A, %swap3A_311], %swap3A_314 {strides = array<i32>} : memref<64x128xf32, #tpu.memory_space<vmem>>, vector<1x16xf32>,
      %broadcast_in_dim3A_315 = arith.constant 0.000000e+00 : f32
      %broadcast_in_dim3A_316 = vector.broadcast %broadcast_in_dim3A_315 : f32 to vector<16xf32>
      %swap3A_317 = arith.index_cast %scan3A_309 : i32 to index
      %swap3A_318 = arith.constant 16 : index
      %swap3A_319 = tpu.vector_load %arg14[%swap3A_317, %swap3A_318] {strides = array<i32>} : memref<64x128xf32, #tpu.memory_space<vmem>>, vector<1x16xf32>,
      %swap3A_320 = vector.shape_cast %swap3A_319 : vector<1x16xf32> to vector<16xf32>
      %swap3A_321 = vector.shape_cast %broadcast_in_dim3A_316 : vector<16xf32> to vector<1x16xf32>
      tpu.vector_store %arg14[%swap3A_317, %swap3A_318], %swap3A_321 {strides = array<i32>} : memref<64x128xf32, #tpu.memory_space<vmem>>, vector<1x16xf32>,
      %broadcast_in_dim3A_322 = arith.constant 0.000000e+00 : f32
      %broadcast_in_dim3A_323 = vector.broadcast %broadcast_in_dim3A_322 : f32 to vector<16xf32>
      %swap3A_324 = arith.index_cast %scan3A_309 : i32 to index
      %swap3A_325 = arith.constant 32 : index
      %swap3A_326 = tpu.vector_load %arg14[%swap3A_324, %swap3A_325] {strides = array<i32>} : memref<64x128xf32, #tpu.memory_space<vmem>>, vector<1x16xf32>,
      %swap3A_327 = vector.shape_cast %swap3A_326 : vector<1x16xf32> to vector<16xf32>
      %swap3A_328 = vector.shape_cast %broadcast_in_dim3A_323 : vector<16xf32> to vector<1x16xf32>
      tpu.vector_store %arg14[%swap3A_324, %swap3A_325], %swap3A_328 {strides = array<i32>} : memref<64x128xf32, #tpu.memory_space<vmem>>, vector<1x16xf32>,
      %broadcast_in_dim3A_329 = arith.constant 0.000000e+00 : f32
      %broadcast_in_dim3A_330 = vector.broadcast %broadcast_in_dim3A_329 : f32 to vector<16xf32>
      %swap3A_331 = arith.index_cast %scan3A_309 : i32 to index
      %swap3A_332 = arith.constant 48 : index
      %swap3A_333 = tpu.vector_load %arg14[%swap3A_331, %swap3A_332] {strides = array<i32>} : memref<64x128xf32, #tpu.memory_space<vmem>>, vector<1x16xf32>,
      %swap3A_334 = vector.shape_cast %swap3A_333 : vector<1x16xf32> to vector<16xf32>
      %swap3A_335 = vector.shape_cast %broadcast_in_dim3A_330 : vector<16xf32> to vector<1x16xf32>
      tpu.vector_store %arg14[%swap3A_331, %swap3A_332], %swap3A_335 {strides = array<i32>} : memref<64x128xf32, #tpu.memory_space<vmem>>, vector<1x16xf32>,
      %broadcast_in_dim3A_336 = arith.constant 0.000000e+00 : f32
      %broadcast_in_dim3A_337 = vector.broadcast %broadcast_in_dim3A_336 : f32 to vector<16xf32>
      %swap3A_338 = arith.index_cast %scan3A_309 : i32 to index
      %swap3A_339 = arith.constant 64 : index
      %swap3A_340 = tpu.vector_load %arg14[%swap3A_338, %swap3A_339] {strides = array<i32>} : memref<64x128xf32, #tpu.memory_space<vmem>>, vector<1x16xf32>,
      %swap3A_341 = vector.shape_cast %swap3A_340 : vector<1x16xf32> to vector<16xf32>
      %swap3A_342 = vector.shape_cast %broadcast_in_dim3A_337 : vector<16xf32> to vector<1x16xf32>
      tpu.vector_store %arg14[%swap3A_338, %swap3A_339], %swap3A_342 {strides = array<i32>} : memref<64x128xf32, #tpu.memory_space<vmem>>, vector<1x16xf32>,
      %broadcast_in_dim3A_343 = arith.constant 0.000000e+00 : f32
      %broadcast_in_dim3A_344 = vector.broadcast %broadcast_in_dim3A_343 : f32 to vector<16xf32>
      %swap3A_345 = arith.index_cast %scan3A_309 : i32 to index
      %swap3A_346 = arith.constant 80 : index
      %swap3A_347 = tpu.vector_load %arg14[%swap3A_345, %swap3A_346] {strides = array<i32>} : memref<64x128xf32, #tpu.memory_space<vmem>>, vector<1x16xf32>,
      %swap3A_348 = vector.shape_cast %swap3A_347 : vector<1x16xf32> to vector<16xf32>
      %swap3A_349 = vector.shape_cast %broadcast_in_dim3A_344 : vector<16xf32> to vector<1x16xf32>
      tpu.vector_store %arg14[%swap3A_345, %swap3A_346], %swap3A_349 {strides = array<i32>} : memref<64x128xf32, #tpu.memory_space<vmem>>, vector<1x16xf32>,
      %broadcast_in_dim3A_350 = arith.constant 0.000000e+00 : f32
      %broadcast_in_dim3A_351 = vector.broadcast %broadcast_in_dim3A_350 : f32 to vector<16xf32>
      %swap3A_352 = arith.index_cast %scan3A_309 : i32 to index
      %swap3A_353 = arith.constant 96 : index
      %swap3A_354 = tpu.vector_load %arg14[%swap3A_352, %swap3A_353] {strides = array<i32>} : memref<64x128xf32, #tpu.memory_space<vmem>>, vector<1x16xf32>,
      %swap3A_355 = vector.shape_cast %swap3A_354 : vector<1x16xf32> to vector<16xf32>
      %swap3A_356 = vector.shape_cast %broadcast_in_dim3A_351 : vector<16xf32> to vector<1x16xf32>
      tpu.vector_store %arg14[%swap3A_352, %swap3A_353], %swap3A_356 {strides = array<i32>} : memref<64x128xf32, #tpu.memory_space<vmem>>, vector<1x16xf32>,
      %broadcast_in_dim3A_357 = arith.constant 0.000000e+00 : f32
      %broadcast_in_dim3A_358 = vector.broadcast %broadcast_in_dim3A_357 : f32 to vector<16xf32>
      %swap3A_359 = arith.index_cast %scan3A_309 : i32 to index
      %swap3A_360 = arith.constant 112 : index
      %swap3A_361 = tpu.vector_load %arg14[%swap3A_359, %swap3A_360] {strides = array<i32>} : memref<64x128xf32, #tpu.memory_space<vmem>>, vector<1x16xf32>,
      %swap3A_362 = vector.shape_cast %swap3A_361 : vector<1x16xf32> to vector<16xf32>
      %swap3A_363 = vector.shape_cast %broadcast_in_dim3A_358 : vector<16xf32> to vector<1x16xf32>
      tpu.vector_store %arg14[%swap3A_359, %swap3A_360], %swap3A_363 {strides = array<i32>} : memref<64x128xf32, #tpu.memory_space<vmem>>, vector<1x16xf32>,
    }
    %scan3A_156 = arith.constant 40 : i32
    %mul3A_157 = arith.constant 8 : i32
    %mul3A_158 = arith.muli %arg1, %mul3A_157 : i32
    %add3A_159 = arith.constant 0 : i32
    %add3A_160 = arith.addi %mul3A_158, %add3A_159 : i32
    %lt3A_161 = arith.constant 125 : i32
    %lt3A_162 = arith.cmpi slt, %add3A_160, %lt3A_161 : i32
    %convert_element_type3A_163 = arith.extui %lt3A_162 : i1 to i32
    %cond3A_164 = arith.constant 0 : i32
    %cond3A_165 = arith.cmpi ne, %convert_element_type3A_163, %cond3A_164 : i32
    scf.if %cond3A_165 {
      %mul3A_309 = arith.constant 40 : i32
      %mul3A_310 = arith.muli %add3A_160, %mul3A_309 : i32
      "tpu.region"() ({
        %run_scoped3A = tpu.sem_alloc : memref<!tpu.dma_semaphore, #tpu.memory_space<semaphore_mem>>
        %dma_start3A = arith.constant 0 : i32
        %dma_start3A_311 = arith.constant 0 : i32
        %dma_start3A_312 = tpu.memref_slice %arg14[%dma_start3A, %dma_start3A_311] : memref<64x128xf32, #tpu.memory_space<vmem>> -> memref<40x128xf32, #tpu.memory_space<vmem>>
        %dma_start3A_313 = arith.constant 0 : i32
        %dma_start3A_314 = tpu.memref_slice %arg10[%mul3A_310, %dma_start3A_313] : memref<5008x128xf32, #tpu.memory_space<vmem_shared>> -> memref<40x128xf32, #tpu.memory_space<vmem_shared>>
        %dma_start3A_315 = arith.constant 0 : i32
        %dma_start3A_316 = tpu.memref_slice %arg10[%mul3A_310, %dma_start3A_315] : memref<5008x128xf32, #tpu.memory_space<vmem_shared>> -> memref<40x128xf32, #tpu.memory_space<vmem_shared>>
        %dma_start3A_317 = arith.constant 0 : i32
        %dma_start3A_318 = arith.constant 0 : i32
        %dma_start3A_319 = tpu.memref_slice %arg14[%dma_start3A_317, %dma_start3A_318] : memref<64x128xf32, #tpu.memory_space<vmem>> -> memref<40x128xf32, #tpu.memory_space<vmem>>
        tpu.enqueue_dma source(%dma_start3A_319 : memref<40x128xf32, #tpu.memory_space<vmem>>) target(%dma_start3A_316 : memref<40x128xf32, #tpu.memory_space<vmem_shared>>) target_semaphore(%run_scoped3A : memref<!tpu.dma_semaphore, #tpu.memory_space<semaphore_mem>>)
        %dma_wait3A = arith.constant 0 : i32
        %dma_wait3A_320 = arith.constant 0 : i32
        %dma_wait3A_321 = tpu.memref_slice %arg14[%dma_wait3A, %dma_wait3A_320] : memref<64x128xf32, #tpu.memory_space<vmem>> -> memref<40x128xf32, #tpu.memory_space<vmem>>
        %dma_wait3A_322 = arith.constant 0 : i32
        %dma_wait3A_323 = tpu.memref_slice %arg10[%mul3A_310, %dma_wait3A_322] : memref<5008x128xf32, #tpu.memory_space<vmem_shared>> -> memref<40x128xf32, #tpu.memory_space<vmem_shared>>
        %dma_wait3A_324 = arith.constant 0 : i32
        %dma_wait3A_325 = tpu.memref_slice %arg10[%mul3A_310, %dma_wait3A_324] : memref<5008x128xf32, #tpu.memory_space<vmem_shared>> -> memref<40x128xf32, #tpu.memory_space<vmem_shared>>
        %dma_wait3A_326 = arith.constant 0 : i32
        %dma_wait3A_327 = arith.constant 0 : i32
        %dma_wait3A_328 = tpu.memref_slice %arg14[%dma_wait3A_326, %dma_wait3A_327] : memref<64x128xf32, #tpu.memory_space<vmem>> -> memref<40x128xf32, #tpu.memory_space<vmem>>
        tpu.wait_dma2 semaphore(%run_scoped3A : memref<!tpu.dma_semaphore, #tpu.memory_space<semaphore_mem>>) src(%dma_wait3A_328 : memref<40x128xf32, #tpu.memory_space<vmem>>) dst(%dma_wait3A_325 : memref<40x128xf32, #tpu.memory_space<vmem_shared>>)
        tpu.yield
      }) : () -> ()
    } else {
    }
    %mul3A_166 = arith.constant 8 : i32
    %mul3A_167 = arith.muli %arg1, %mul3A_166 : i32
    %add3A_168 = arith.constant 1 : i32
    %add3A_169 = arith.addi %mul3A_167, %add3A_168 : i32
    %lt3A_170 = arith.constant 125 : i32
    %lt3A_171 = arith.cmpi slt, %add3A_169, %lt3A_170 : i32
    %convert_element_type3A_172 = arith.extui %lt3A_171 : i1 to i32
    %cond3A_173 = arith.constant 0 : i32
    %cond3A_174 = arith.cmpi ne, %convert_element_type3A_172, %cond3A_173 : i32
    scf.if %cond3A_174 {
      %mul3A_309 = arith.constant 40 : i32
      %mul3A_310 = arith.muli %add3A_169, %mul3A_309 : i32
      "tpu.region"() ({
        %run_scoped3A = tpu.sem_alloc : memref<!tpu.dma_semaphore, #tpu.memory_space<semaphore_mem>>
        %dma_start3A = arith.constant 0 : i32
        %dma_start3A_311 = arith.constant 0 : i32
        %dma_start3A_312 = tpu.memref_slice %arg14[%dma_start3A, %dma_start3A_311] : memref<64x128xf32, #tpu.memory_space<vmem>> -> memref<40x128xf32, #tpu.memory_space<vmem>>
        %dma_start3A_313 = arith.constant 0 : i32
        %dma_start3A_314 = tpu.memref_slice %arg10[%mul3A_310, %dma_start3A_313] : memref<5008x128xf32, #tpu.memory_space<vmem_shared>> -> memref<40x128xf32, #tpu.memory_space<vmem_shared>>
        %dma_start3A_315 = arith.constant 0 : i32
        %dma_start3A_316 = tpu.memref_slice %arg10[%mul3A_310, %dma_start3A_315] : memref<5008x128xf32, #tpu.memory_space<vmem_shared>> -> memref<40x128xf32, #tpu.memory_space<vmem_shared>>
        %dma_start3A_317 = arith.constant 0 : i32
        %dma_start3A_318 = arith.constant 0 : i32
        %dma_start3A_319 = tpu.memref_slice %arg14[%dma_start3A_317, %dma_start3A_318] : memref<64x128xf32, #tpu.memory_space<vmem>> -> memref<40x128xf32, #tpu.memory_space<vmem>>
        tpu.enqueue_dma source(%dma_start3A_319 : memref<40x128xf32, #tpu.memory_space<vmem>>) target(%dma_start3A_316 : memref<40x128xf32, #tpu.memory_space<vmem_shared>>) target_semaphore(%run_scoped3A : memref<!tpu.dma_semaphore, #tpu.memory_space<semaphore_mem>>)
        %dma_wait3A = arith.constant 0 : i32
        %dma_wait3A_320 = arith.constant 0 : i32
        %dma_wait3A_321 = tpu.memref_slice %arg14[%dma_wait3A, %dma_wait3A_320] : memref<64x128xf32, #tpu.memory_space<vmem>> -> memref<40x128xf32, #tpu.memory_space<vmem>>
        %dma_wait3A_322 = arith.constant 0 : i32
        %dma_wait3A_323 = tpu.memref_slice %arg10[%mul3A_310, %dma_wait3A_322] : memref<5008x128xf32, #tpu.memory_space<vmem_shared>> -> memref<40x128xf32, #tpu.memory_space<vmem_shared>>
        %dma_wait3A_324 = arith.constant 0 : i32
        %dma_wait3A_325 = tpu.memref_slice %arg10[%mul3A_310, %dma_wait3A_324] : memref<5008x128xf32, #tpu.memory_space<vmem_shared>> -> memref<40x128xf32, #tpu.memory_space<vmem_shared>>
        %dma_wait3A_326 = arith.constant 0 : i32
        %dma_wait3A_327 = arith.constant 0 : i32
        %dma_wait3A_328 = tpu.memref_slice %arg14[%dma_wait3A_326, %dma_wait3A_327] : memref<64x128xf32, #tpu.memory_space<vmem>> -> memref<40x128xf32, #tpu.memory_space<vmem>>
        tpu.wait_dma2 semaphore(%run_scoped3A : memref<!tpu.dma_semaphore, #tpu.memory_space<semaphore_mem>>) src(%dma_wait3A_328 : memref<40x128xf32, #tpu.memory_space<vmem>>) dst(%dma_wait3A_325 : memref<40x128xf32, #tpu.memory_space<vmem_shared>>)
        tpu.yield
      }) : () -> ()
    } else {
    }
    %mul3A_175 = arith.constant 8 : i32
    %mul3A_176 = arith.muli %arg1, %mul3A_175 : i32
    %add3A_177 = arith.constant 2 : i32
    %add3A_178 = arith.addi %mul3A_176, %add3A_177 : i32
    %lt3A_179 = arith.constant 125 : i32
    %lt3A_180 = arith.cmpi slt, %add3A_178, %lt3A_179 : i32
    %convert_element_type3A_181 = arith.extui %lt3A_180 : i1 to i32
    %cond3A_182 = arith.constant 0 : i32
    %cond3A_183 = arith.cmpi ne, %convert_element_type3A_181, %cond3A_182 : i32
    scf.if %cond3A_183 {
      %mul3A_309 = arith.constant 40 : i32
      %mul3A_310 = arith.muli %add3A_178, %mul3A_309 : i32
      "tpu.region"() ({
        %run_scoped3A = tpu.sem_alloc : memref<!tpu.dma_semaphore, #tpu.memory_space<semaphore_mem>>
        %dma_start3A = arith.constant 0 : i32
        %dma_start3A_311 = arith.constant 0 : i32
        %dma_start3A_312 = tpu.memref_slice %arg14[%dma_start3A, %dma_start3A_311] : memref<64x128xf32, #tpu.memory_space<vmem>> -> memref<40x128xf32, #tpu.memory_space<vmem>>
        %dma_start3A_313 = arith.constant 0 : i32
        %dma_start3A_314 = tpu.memref_slice %arg10[%mul3A_310, %dma_start3A_313] : memref<5008x128xf32, #tpu.memory_space<vmem_shared>> -> memref<40x128xf32, #tpu.memory_space<vmem_shared>>
        %dma_start3A_315 = arith.constant 0 : i32
        %dma_start3A_316 = tpu.memref_slice %arg10[%mul3A_310, %dma_start3A_315] : memref<5008x128xf32, #tpu.memory_space<vmem_shared>> -> memref<40x128xf32, #tpu.memory_space<vmem_shared>>
        %dma_start3A_317 = arith.constant 0 : i32
        %dma_start3A_318 = arith.constant 0 : i32
        %dma_start3A_319 = tpu.memref_slice %arg14[%dma_start3A_317, %dma_start3A_318] : memref<64x128xf32, #tpu.memory_space<vmem>> -> memref<40x128xf32, #tpu.memory_space<vmem>>
        tpu.enqueue_dma source(%dma_start3A_319 : memref<40x128xf32, #tpu.memory_space<vmem>>) target(%dma_start3A_316 : memref<40x128xf32, #tpu.memory_space<vmem_shared>>) target_semaphore(%run_scoped3A : memref<!tpu.dma_semaphore, #tpu.memory_space<semaphore_mem>>)
        %dma_wait3A = arith.constant 0 : i32
        %dma_wait3A_320 = arith.constant 0 : i32
        %dma_wait3A_321 = tpu.memref_slice %arg14[%dma_wait3A, %dma_wait3A_320] : memref<64x128xf32, #tpu.memory_space<vmem>> -> memref<40x128xf32, #tpu.memory_space<vmem>>
        %dma_wait3A_322 = arith.constant 0 : i32
        %dma_wait3A_323 = tpu.memref_slice %arg10[%mul3A_310, %dma_wait3A_322] : memref<5008x128xf32, #tpu.memory_space<vmem_shared>> -> memref<40x128xf32, #tpu.memory_space<vmem_shared>>
        %dma_wait3A_324 = arith.constant 0 : i32
        %dma_wait3A_325 = tpu.memref_slice %arg10[%mul3A_310, %dma_wait3A_324] : memref<5008x128xf32, #tpu.memory_space<vmem_shared>> -> memref<40x128xf32, #tpu.memory_space<vmem_shared>>
        %dma_wait3A_326 = arith.constant 0 : i32
        %dma_wait3A_327 = arith.constant 0 : i32
        %dma_wait3A_328 = tpu.memref_slice %arg14[%dma_wait3A_326, %dma_wait3A_327] : memref<64x128xf32, #tpu.memory_space<vmem>> -> memref<40x128xf32, #tpu.memory_space<vmem>>
        tpu.wait_dma2 semaphore(%run_scoped3A : memref<!tpu.dma_semaphore, #tpu.memory_space<semaphore_mem>>) src(%dma_wait3A_328 : memref<40x128xf32, #tpu.memory_space<vmem>>) dst(%dma_wait3A_325 : memref<40x128xf32, #tpu.memory_space<vmem_shared>>)
        tpu.yield
      }) : () -> ()
    } else {
    }
    %mul3A_184 = arith.constant 8 : i32
    %mul3A_185 = arith.muli %arg1, %mul3A_184 : i32
    %add3A_186 = arith.constant 3 : i32
    %add3A_187 = arith.addi %mul3A_185, %add3A_186 : i32
    %lt3A_188 = arith.constant 125 : i32
    %lt3A_189 = arith.cmpi slt, %add3A_187, %lt3A_188 : i32
    %convert_element_type3A_190 = arith.extui %lt3A_189 : i1 to i32
    %cond3A_191 = arith.constant 0 : i32
    %cond3A_192 = arith.cmpi ne, %convert_element_type3A_190, %cond3A_191 : i32
    scf.if %cond3A_192 {
      %mul3A_309 = arith.constant 40 : i32
      %mul3A_310 = arith.muli %add3A_187, %mul3A_309 : i32
      "tpu.region"() ({
        %run_scoped3A = tpu.sem_alloc : memref<!tpu.dma_semaphore, #tpu.memory_space<semaphore_mem>>
        %dma_start3A = arith.constant 0 : i32
        %dma_start3A_311 = arith.constant 0 : i32
        %dma_start3A_312 = tpu.memref_slice %arg14[%dma_start3A, %dma_start3A_311] : memref<64x128xf32, #tpu.memory_space<vmem>> -> memref<40x128xf32, #tpu.memory_space<vmem>>
        %dma_start3A_313 = arith.constant 0 : i32
        %dma_start3A_314 = tpu.memref_slice %arg10[%mul3A_310, %dma_start3A_313] : memref<5008x128xf32, #tpu.memory_space<vmem_shared>> -> memref<40x128xf32, #tpu.memory_space<vmem_shared>>
        %dma_start3A_315 = arith.constant 0 : i32
        %dma_start3A_316 = tpu.memref_slice %arg10[%mul3A_310, %dma_start3A_315] : memref<5008x128xf32, #tpu.memory_space<vmem_shared>> -> memref<40x128xf32, #tpu.memory_space<vmem_shared>>
        %dma_start3A_317 = arith.constant 0 : i32
        %dma_start3A_318 = arith.constant 0 : i32
        %dma_start3A_319 = tpu.memref_slice %arg14[%dma_start3A_317, %dma_start3A_318] : memref<64x128xf32, #tpu.memory_space<vmem>> -> memref<40x128xf32, #tpu.memory_space<vmem>>
        tpu.enqueue_dma source(%dma_start3A_319 : memref<40x128xf32, #tpu.memory_space<vmem>>) target(%dma_start3A_316 : memref<40x128xf32, #tpu.memory_space<vmem_shared>>) target_semaphore(%run_scoped3A : memref<!tpu.dma_semaphore, #tpu.memory_space<semaphore_mem>>)
        %dma_wait3A = arith.constant 0 : i32
        %dma_wait3A_320 = arith.constant 0 : i32
        %dma_wait3A_321 = tpu.memref_slice %arg14[%dma_wait3A, %dma_wait3A_320] : memref<64x128xf32, #tpu.memory_space<vmem>> -> memref<40x128xf32, #tpu.memory_space<vmem>>
        %dma_wait3A_322 = arith.constant 0 : i32
        %dma_wait3A_323 = tpu.memref_slice %arg10[%mul3A_310, %dma_wait3A_322] : memref<5008x128xf32, #tpu.memory_space<vmem_shared>> -> memref<40x128xf32, #tpu.memory_space<vmem_shared>>
        %dma_wait3A_324 = arith.constant 0 : i32
        %dma_wait3A_325 = tpu.memref_slice %arg10[%mul3A_310, %dma_wait3A_324] : memref<5008x128xf32, #tpu.memory_space<vmem_shared>> -> memref<40x128xf32, #tpu.memory_space<vmem_shared>>
        %dma_wait3A_326 = arith.constant 0 : i32
        %dma_wait3A_327 = arith.constant 0 : i32
        %dma_wait3A_328 = tpu.memref_slice %arg14[%dma_wait3A_326, %dma_wait3A_327] : memref<64x128xf32, #tpu.memory_space<vmem>> -> memref<40x128xf32, #tpu.memory_space<vmem>>
        tpu.wait_dma2 semaphore(%run_scoped3A : memref<!tpu.dma_semaphore, #tpu.memory_space<semaphore_mem>>) src(%dma_wait3A_328 : memref<40x128xf32, #tpu.memory_space<vmem>>) dst(%dma_wait3A_325 : memref<40x128xf32, #tpu.memory_space<vmem_shared>>)
        tpu.yield
      }) : () -> ()
    } else {
    }
    %mul3A_193 = arith.constant 8 : i32
    %mul3A_194 = arith.muli %arg1, %mul3A_193 : i32
    %add3A_195 = arith.constant 4 : i32
    %add3A_196 = arith.addi %mul3A_194, %add3A_195 : i32
    %lt3A_197 = arith.constant 125 : i32
    %lt3A_198 = arith.cmpi slt, %add3A_196, %lt3A_197 : i32
    %convert_element_type3A_199 = arith.extui %lt3A_198 : i1 to i32
    %cond3A_200 = arith.constant 0 : i32
    %cond3A_201 = arith.cmpi ne, %convert_element_type3A_199, %cond3A_200 : i32
    scf.if %cond3A_201 {
      %mul3A_309 = arith.constant 40 : i32
      %mul3A_310 = arith.muli %add3A_196, %mul3A_309 : i32
      "tpu.region"() ({
        %run_scoped3A = tpu.sem_alloc : memref<!tpu.dma_semaphore, #tpu.memory_space<semaphore_mem>>
        %dma_start3A = arith.constant 0 : i32
        %dma_start3A_311 = arith.constant 0 : i32
        %dma_start3A_312 = tpu.memref_slice %arg14[%dma_start3A, %dma_start3A_311] : memref<64x128xf32, #tpu.memory_space<vmem>> -> memref<40x128xf32, #tpu.memory_space<vmem>>
        %dma_start3A_313 = arith.constant 0 : i32
        %dma_start3A_314 = tpu.memref_slice %arg10[%mul3A_310, %dma_start3A_313] : memref<5008x128xf32, #tpu.memory_space<vmem_shared>> -> memref<40x128xf32, #tpu.memory_space<vmem_shared>>
        %dma_start3A_315 = arith.constant 0 : i32
        %dma_start3A_316 = tpu.memref_slice %arg10[%mul3A_310, %dma_start3A_315] : memref<5008x128xf32, #tpu.memory_space<vmem_shared>> -> memref<40x128xf32, #tpu.memory_space<vmem_shared>>
        %dma_start3A_317 = arith.constant 0 : i32
        %dma_start3A_318 = arith.constant 0 : i32
        %dma_start3A_319 = tpu.memref_slice %arg14[%dma_start3A_317, %dma_start3A_318] : memref<64x128xf32, #tpu.memory_space<vmem>> -> memref<40x128xf32, #tpu.memory_space<vmem>>
        tpu.enqueue_dma source(%dma_start3A_319 : memref<40x128xf32, #tpu.memory_space<vmem>>) target(%dma_start3A_316 : memref<40x128xf32, #tpu.memory_space<vmem_shared>>) target_semaphore(%run_scoped3A : memref<!tpu.dma_semaphore, #tpu.memory_space<semaphore_mem>>)
        %dma_wait3A = arith.constant 0 : i32
        %dma_wait3A_320 = arith.constant 0 : i32
        %dma_wait3A_321 = tpu.memref_slice %arg14[%dma_wait3A, %dma_wait3A_320] : memref<64x128xf32, #tpu.memory_space<vmem>> -> memref<40x128xf32, #tpu.memory_space<vmem>>
        %dma_wait3A_322 = arith.constant 0 : i32
        %dma_wait3A_323 = tpu.memref_slice %arg10[%mul3A_310, %dma_wait3A_322] : memref<5008x128xf32, #tpu.memory_space<vmem_shared>> -> memref<40x128xf32, #tpu.memory_space<vmem_shared>>
        %dma_wait3A_324 = arith.constant 0 : i32
        %dma_wait3A_325 = tpu.memref_slice %arg10[%mul3A_310, %dma_wait3A_324] : memref<5008x128xf32, #tpu.memory_space<vmem_shared>> -> memref<40x128xf32, #tpu.memory_space<vmem_shared>>
        %dma_wait3A_326 = arith.constant 0 : i32
        %dma_wait3A_327 = arith.constant 0 : i32
        %dma_wait3A_328 = tpu.memref_slice %arg14[%dma_wait3A_326, %dma_wait3A_327] : memref<64x128xf32, #tpu.memory_space<vmem>> -> memref<40x128xf32, #tpu.memory_space<vmem>>
        tpu.wait_dma2 semaphore(%run_scoped3A : memref<!tpu.dma_semaphore, #tpu.memory_space<semaphore_mem>>) src(%dma_wait3A_328 : memref<40x128xf32, #tpu.memory_space<vmem>>) dst(%dma_wait3A_325 : memref<40x128xf32, #tpu.memory_space<vmem_shared>>)
        tpu.yield
      }) : () -> ()
    } else {
    }
    %mul3A_202 = arith.constant 8 : i32
    %mul3A_203 = arith.muli %arg1, %mul3A_202 : i32
    %add3A_204 = arith.constant 5 : i32
    %add3A_205 = arith.addi %mul3A_203, %add3A_204 : i32
    %lt3A_206 = arith.constant 125 : i32
    %lt3A_207 = arith.cmpi slt, %add3A_205, %lt3A_206 : i32
    %convert_element_type3A_208 = arith.extui %lt3A_207 : i1 to i32
    %cond3A_209 = arith.constant 0 : i32
    %cond3A_210 = arith.cmpi ne, %convert_element_type3A_208, %cond3A_209 : i32
    scf.if %cond3A_210 {
      %mul3A_309 = arith.constant 40 : i32
      %mul3A_310 = arith.muli %add3A_205, %mul3A_309 : i32
      "tpu.region"() ({
        %run_scoped3A = tpu.sem_alloc : memref<!tpu.dma_semaphore, #tpu.memory_space<semaphore_mem>>
        %dma_start3A = arith.constant 0 : i32
        %dma_start3A_311 = arith.constant 0 : i32
        %dma_start3A_312 = tpu.memref_slice %arg14[%dma_start3A, %dma_start3A_311] : memref<64x128xf32, #tpu.memory_space<vmem>> -> memref<40x128xf32, #tpu.memory_space<vmem>>
        %dma_start3A_313 = arith.constant 0 : i32
        %dma_start3A_314 = tpu.memref_slice %arg10[%mul3A_310, %dma_start3A_313] : memref<5008x128xf32, #tpu.memory_space<vmem_shared>> -> memref<40x128xf32, #tpu.memory_space<vmem_shared>>
        %dma_start3A_315 = arith.constant 0 : i32
        %dma_start3A_316 = tpu.memref_slice %arg10[%mul3A_310, %dma_start3A_315] : memref<5008x128xf32, #tpu.memory_space<vmem_shared>> -> memref<40x128xf32, #tpu.memory_space<vmem_shared>>
        %dma_start3A_317 = arith.constant 0 : i32
        %dma_start3A_318 = arith.constant 0 : i32
        %dma_start3A_319 = tpu.memref_slice %arg14[%dma_start3A_317, %dma_start3A_318] : memref<64x128xf32, #tpu.memory_space<vmem>> -> memref<40x128xf32, #tpu.memory_space<vmem>>
        tpu.enqueue_dma source(%dma_start3A_319 : memref<40x128xf32, #tpu.memory_space<vmem>>) target(%dma_start3A_316 : memref<40x128xf32, #tpu.memory_space<vmem_shared>>) target_semaphore(%run_scoped3A : memref<!tpu.dma_semaphore, #tpu.memory_space<semaphore_mem>>)
        %dma_wait3A = arith.constant 0 : i32
        %dma_wait3A_320 = arith.constant 0 : i32
        %dma_wait3A_321 = tpu.memref_slice %arg14[%dma_wait3A, %dma_wait3A_320] : memref<64x128xf32, #tpu.memory_space<vmem>> -> memref<40x128xf32, #tpu.memory_space<vmem>>
        %dma_wait3A_322 = arith.constant 0 : i32
        %dma_wait3A_323 = tpu.memref_slice %arg10[%mul3A_310, %dma_wait3A_322] : memref<5008x128xf32, #tpu.memory_space<vmem_shared>> -> memref<40x128xf32, #tpu.memory_space<vmem_shared>>
        %dma_wait3A_324 = arith.constant 0 : i32
        %dma_wait3A_325 = tpu.memref_slice %arg10[%mul3A_310, %dma_wait3A_324] : memref<5008x128xf32, #tpu.memory_space<vmem_shared>> -> memref<40x128xf32, #tpu.memory_space<vmem_shared>>
        %dma_wait3A_326 = arith.constant 0 : i32
        %dma_wait3A_327 = arith.constant 0 : i32
        %dma_wait3A_328 = tpu.memref_slice %arg14[%dma_wait3A_326, %dma_wait3A_327] : memref<64x128xf32, #tpu.memory_space<vmem>> -> memref<40x128xf32, #tpu.memory_space<vmem>>
        tpu.wait_dma2 semaphore(%run_scoped3A : memref<!tpu.dma_semaphore, #tpu.memory_space<semaphore_mem>>) src(%dma_wait3A_328 : memref<40x128xf32, #tpu.memory_space<vmem>>) dst(%dma_wait3A_325 : memref<40x128xf32, #tpu.memory_space<vmem_shared>>)
        tpu.yield
      }) : () -> ()
    } else {
    }
    %mul3A_211 = arith.constant 8 : i32
    %mul3A_212 = arith.muli %arg1, %mul3A_211 : i32
    %add3A_213 = arith.constant 6 : i32
    %add3A_214 = arith.addi %mul3A_212, %add3A_213 : i32
    %lt3A_215 = arith.constant 125 : i32
    %lt3A_216 = arith.cmpi slt, %add3A_214, %lt3A_215 : i32
    %convert_element_type3A_217 = arith.extui %lt3A_216 : i1 to i32
    %cond3A_218 = arith.constant 0 : i32
    %cond3A_219 = arith.cmpi ne, %convert_element_type3A_217, %cond3A_218 : i32
    scf.if %cond3A_219 {
      %mul3A_309 = arith.constant 40 : i32
      %mul3A_310 = arith.muli %add3A_214, %mul3A_309 : i32
      "tpu.region"() ({
        %run_scoped3A = tpu.sem_alloc : memref<!tpu.dma_semaphore, #tpu.memory_space<semaphore_mem>>
        %dma_start3A = arith.constant 0 : i32
        %dma_start3A_311 = arith.constant 0 : i32
        %dma_start3A_312 = tpu.memref_slice %arg14[%dma_start3A, %dma_start3A_311] : memref<64x128xf32, #tpu.memory_space<vmem>> -> memref<40x128xf32, #tpu.memory_space<vmem>>
        %dma_start3A_313 = arith.constant 0 : i32
        %dma_start3A_314 = tpu.memref_slice %arg10[%mul3A_310, %dma_start3A_313] : memref<5008x128xf32, #tpu.memory_space<vmem_shared>> -> memref<40x128xf32, #tpu.memory_space<vmem_shared>>
        %dma_start3A_315 = arith.constant 0 : i32
        %dma_start3A_316 = tpu.memref_slice %arg10[%mul3A_310, %dma_start3A_315] : memref<5008x128xf32, #tpu.memory_space<vmem_shared>> -> memref<40x128xf32, #tpu.memory_space<vmem_shared>>
        %dma_start3A_317 = arith.constant 0 : i32
        %dma_start3A_318 = arith.constant 0 : i32
        %dma_start3A_319 = tpu.memref_slice %arg14[%dma_start3A_317, %dma_start3A_318] : memref<64x128xf32, #tpu.memory_space<vmem>> -> memref<40x128xf32, #tpu.memory_space<vmem>>
        tpu.enqueue_dma source(%dma_start3A_319 : memref<40x128xf32, #tpu.memory_space<vmem>>) target(%dma_start3A_316 : memref<40x128xf32, #tpu.memory_space<vmem_shared>>) target_semaphore(%run_scoped3A : memref<!tpu.dma_semaphore, #tpu.memory_space<semaphore_mem>>)
        %dma_wait3A = arith.constant 0 : i32
        %dma_wait3A_320 = arith.constant 0 : i32
        %dma_wait3A_321 = tpu.memref_slice %arg14[%dma_wait3A, %dma_wait3A_320] : memref<64x128xf32, #tpu.memory_space<vmem>> -> memref<40x128xf32, #tpu.memory_space<vmem>>
        %dma_wait3A_322 = arith.constant 0 : i32
        %dma_wait3A_323 = tpu.memref_slice %arg10[%mul3A_310, %dma_wait3A_322] : memref<5008x128xf32, #tpu.memory_space<vmem_shared>> -> memref<40x128xf32, #tpu.memory_space<vmem_shared>>
        %dma_wait3A_324 = arith.constant 0 : i32
        %dma_wait3A_325 = tpu.memref_slice %arg10[%mul3A_310, %dma_wait3A_324] : memref<5008x128xf32, #tpu.memory_space<vmem_shared>> -> memref<40x128xf32, #tpu.memory_space<vmem_shared>>
        %dma_wait3A_326 = arith.constant 0 : i32
        %dma_wait3A_327 = arith.constant 0 : i32
        %dma_wait3A_328 = tpu.memref_slice %arg14[%dma_wait3A_326, %dma_wait3A_327] : memref<64x128xf32, #tpu.memory_space<vmem>> -> memref<40x128xf32, #tpu.memory_space<vmem>>
        tpu.wait_dma2 semaphore(%run_scoped3A : memref<!tpu.dma_semaphore, #tpu.memory_space<semaphore_mem>>) src(%dma_wait3A_328 : memref<40x128xf32, #tpu.memory_space<vmem>>) dst(%dma_wait3A_325 : memref<40x128xf32, #tpu.memory_space<vmem_shared>>)
        tpu.yield
      }) : () -> ()
    } else {
    }
    %mul3A_220 = arith.constant 8 : i32
    %mul3A_221 = arith.muli %arg1, %mul3A_220 : i32
    %add3A_222 = arith.constant 7 : i32
    %add3A_223 = arith.addi %mul3A_221, %add3A_222 : i32
    %lt3A_224 = arith.constant 125 : i32
    %lt3A_225 = arith.cmpi slt, %add3A_223, %lt3A_224 : i32
    %convert_element_type3A_226 = arith.extui %lt3A_225 : i1 to i32
    %cond3A_227 = arith.constant 0 : i32
    %cond3A_228 = arith.cmpi ne, %convert_element_type3A_226, %cond3A_227 : i32
    scf.if %cond3A_228 {
      %mul3A_309 = arith.constant 40 : i32
      %mul3A_310 = arith.muli %add3A_223, %mul3A_309 : i32
      "tpu.region"() ({
        %run_scoped3A = tpu.sem_alloc : memref<!tpu.dma_semaphore, #tpu.memory_space<semaphore_mem>>
        %dma_start3A = arith.constant 0 : i32
        %dma_start3A_311 = arith.constant 0 : i32
        %dma_start3A_312 = tpu.memref_slice %arg14[%dma_start3A, %dma_start3A_311] : memref<64x128xf32, #tpu.memory_space<vmem>> -> memref<40x128xf32, #tpu.memory_space<vmem>>
        %dma_start3A_313 = arith.constant 0 : i32
        %dma_start3A_314 = tpu.memref_slice %arg10[%mul3A_310, %dma_start3A_313] : memref<5008x128xf32, #tpu.memory_space<vmem_shared>> -> memref<40x128xf32, #tpu.memory_space<vmem_shared>>
        %dma_start3A_315 = arith.constant 0 : i32
        %dma_start3A_316 = tpu.memref_slice %arg10[%mul3A_310, %dma_start3A_315] : memref<5008x128xf32, #tpu.memory_space<vmem_shared>> -> memref<40x128xf32, #tpu.memory_space<vmem_shared>>
        %dma_start3A_317 = arith.constant 0 : i32
        %dma_start3A_318 = arith.constant 0 : i32
        %dma_start3A_319 = tpu.memref_slice %arg14[%dma_start3A_317, %dma_start3A_318] : memref<64x128xf32, #tpu.memory_space<vmem>> -> memref<40x128xf32, #tpu.memory_space<vmem>>
        tpu.enqueue_dma source(%dma_start3A_319 : memref<40x128xf32, #tpu.memory_space<vmem>>) target(%dma_start3A_316 : memref<40x128xf32, #tpu.memory_space<vmem_shared>>) target_semaphore(%run_scoped3A : memref<!tpu.dma_semaphore, #tpu.memory_space<semaphore_mem>>)
        %dma_wait3A = arith.constant 0 : i32
        %dma_wait3A_320 = arith.constant 0 : i32
        %dma_wait3A_321 = tpu.memref_slice %arg14[%dma_wait3A, %dma_wait3A_320] : memref<64x128xf32, #tpu.memory_space<vmem>> -> memref<40x128xf32, #tpu.memory_space<vmem>>
        %dma_wait3A_322 = arith.constant 0 : i32
        %dma_wait3A_323 = tpu.memref_slice %arg10[%mul3A_310, %dma_wait3A_322] : memref<5008x128xf32, #tpu.memory_space<vmem_shared>> -> memref<40x128xf32, #tpu.memory_space<vmem_shared>>
        %dma_wait3A_324 = arith.constant 0 : i32
        %dma_wait3A_325 = tpu.memref_slice %arg10[%mul3A_310, %dma_wait3A_324] : memref<5008x128xf32, #tpu.memory_space<vmem_shared>> -> memref<40x128xf32, #tpu.memory_space<vmem_shared>>
        %dma_wait3A_326 = arith.constant 0 : i32
        %dma_wait3A_327 = arith.constant 0 : i32
        %dma_wait3A_328 = tpu.memref_slice %arg14[%dma_wait3A_326, %dma_wait3A_327] : memref<64x128xf32, #tpu.memory_space<vmem>> -> memref<40x128xf32, #tpu.memory_space<vmem>>
        tpu.wait_dma2 semaphore(%run_scoped3A : memref<!tpu.dma_semaphore, #tpu.memory_space<semaphore_mem>>) src(%dma_wait3A_328 : memref<40x128xf32, #tpu.memory_space<vmem>>) dst(%dma_wait3A_325 : memref<40x128xf32, #tpu.memory_space<vmem_shared>>)
        tpu.yield
      }) : () -> ()
    } else {
    }
    %barrier3A_229 = arith.constant 0 : index
    tpu.barrier barrier_id(%barrier3A_229)
    %scan3A_230 = arith.constant 0 : i32
    %scan3A_231 = arith.constant 0 : i32
    %scan3A_232 = arith.constant 313 : i32
    %scan3A_233 = arith.addi %scan3A_231, %scan3A_232 : i32
    %scan3A_234 = arith.constant 1 : i32
    scf.for %scan3A_309 = %scan3A_231 to %scan3A_233 step %scan3A_234  : i32 {
      %mul3A_310 = arith.constant 313 : i32
      %mul3A_311 = arith.muli %arg1, %mul3A_310 : i32
      %add3A_312 = arith.addi %mul3A_311, %scan3A_309 : i32
      %lt3A_313 = arith.constant 5000 : i32
      %lt3A_314 = arith.cmpi slt, %add3A_312, %lt3A_313 : i32
      %convert_element_type3A_315 = arith.extui %lt3A_314 : i1 to i32
      %cond3A_316 = arith.constant 0 : i32
      %cond3A_317 = arith.cmpi ne, %convert_element_type3A_315, %cond3A_316 : i32
      scf.if %cond3A_317 {
        %mul3A_318 = arith.constant 64 : i32
        %mul3A_319 = arith.muli %add3A_312, %mul3A_318 : i32
        %add3A_320 = arith.constant 320000 : i32
        %add3A_321 = arith.addi %add3A_320, %mul3A_319 : i32
        "tpu.region"() ({
          %run_scoped3A = tpu.sem_alloc : memref<!tpu.dma_semaphore, #tpu.memory_space<semaphore_mem>>
          %dma_start3A = tpu.memref_slice %arg7[%add3A_321] : memref<640000xi32, #tpu.memory_space<hbm>> -> memref<64xi32, #tpu.memory_space<hbm>>
          %dma_start3A_325 = tpu.memref_slice %arg7[%add3A_321] : memref<640000xi32, #tpu.memory_space<hbm>> -> memref<64xi32, #tpu.memory_space<hbm>>
          tpu.enqueue_dma source(%dma_start3A_325 : memref<64xi32, #tpu.memory_space<hbm>>) target(%arg13 : memref<64xi32, #tpu.memory_space<vmem>>) target_semaphore(%run_scoped3A : memref<!tpu.dma_semaphore, #tpu.memory_space<semaphore_mem>>)
          %dma_wait3A = tpu.memref_slice %arg7[%add3A_321] : memref<640000xi32, #tpu.memory_space<hbm>> -> memref<64xi32, #tpu.memory_space<hbm>>
          %dma_wait3A_326 = tpu.memref_slice %arg7[%add3A_321] : memref<640000xi32, #tpu.memory_space<hbm>> -> memref<64xi32, #tpu.memory_space<hbm>>
          tpu.wait_dma2 semaphore(%run_scoped3A : memref<!tpu.dma_semaphore, #tpu.memory_space<semaphore_mem>>) src(%dma_wait3A_326 : memref<64xi32, #tpu.memory_space<hbm>>) dst(%arg13 : memref<64xi32, #tpu.memory_space<vmem>>)
          tpu.yield
        }) : () -> ()
        %mul3A_322 = arith.constant 320000 : i32
        %mul3A_323 = arith.muli %arg0, %mul3A_322 : i32
        %add3A_324 = arith.addi %mul3A_323, %mul3A_319 : i32
        "tpu.region"() ({
          %run_scoped3A = tpu.sem_alloc : memref<!tpu.dma_semaphore, #tpu.memory_space<semaphore_mem>>
          %dma_start3A = arith.constant 0 : i32
          %dma_start3A_325 = tpu.memref_slice %arg8[%add3A_324, %dma_start3A] : memref<640000x128xf32, #tpu.memory_space<hbm>> -> memref<64x128xf32, #tpu.memory_space<hbm>>
          %dma_start3A_326 = arith.constant 0 : i32
          %dma_start3A_327 = tpu.memref_slice %arg8[%add3A_324, %dma_start3A_326] : memref<640000x128xf32, #tpu.memory_space<hbm>> -> memref<64x128xf32, #tpu.memory_space<hbm>>
          tpu.enqueue_dma source(%dma_start3A_327 : memref<64x128xf32, #tpu.memory_space<hbm>>) target(%arg14 : memref<64x128xf32, #tpu.memory_space<vmem>>) target_semaphore(%run_scoped3A : memref<!tpu.dma_semaphore, #tpu.memory_space<semaphore_mem>>)
          %dma_wait3A = arith.constant 0 : i32
          %dma_wait3A_328 = tpu.memref_slice %arg8[%add3A_324, %dma_wait3A] : memref<640000x128xf32, #tpu.memory_space<hbm>> -> memref<64x128xf32, #tpu.memory_space<hbm>>
          %dma_wait3A_329 = arith.constant 0 : i32
          %dma_wait3A_330 = tpu.memref_slice %arg8[%add3A_324, %dma_wait3A_329] : memref<640000x128xf32, #tpu.memory_space<hbm>> -> memref<64x128xf32, #tpu.memory_space<hbm>>
          tpu.wait_dma2 semaphore(%run_scoped3A : memref<!tpu.dma_semaphore, #tpu.memory_space<semaphore_mem>>) src(%dma_wait3A_330 : memref<64x128xf32, #tpu.memory_space<hbm>>) dst(%arg14 : memref<64x128xf32, #tpu.memory_space<vmem>>)
          tpu.yield
        }) : () -> ()
        "tpu.region"() ({
          %run_scoped3A = tpu.sem_alloc : memref<!tpu.dma_semaphore, #tpu.memory_space<semaphore_mem>>
          %dma_start3A = arith.constant 0 : i32
          %dma_start3A_325 = arith.constant 0 : i32
          %dma_start3A_326 = tpu.memref_slice %arg10[%dma_start3A, %dma_start3A_325] : memref<5008x128xf32, #tpu.memory_space<vmem_shared>> -> memref<5008x128xf32, #tpu.memory_space<vmem_shared>>
          tpu.enqueue_indirect_dma source(%arg14 : memref<64x128xf32, #tpu.memory_space<vmem>>) target(%dma_start3A_326 : memref<5008x128xf32, #tpu.memory_space<vmem_shared>>) offsets(%arg13 : memref<64xi32, #tpu.memory_space<vmem>>) semaphore(%run_scoped3A : memref<!tpu.dma_semaphore, #tpu.memory_space<semaphore_mem>>) {add = true}
          %dma_wait3A = arith.constant 0 : i32
          %dma_wait3A_327 = arith.constant 0 : i32
          %dma_wait3A_328 = tpu.memref_slice %arg10[%dma_wait3A, %dma_wait3A_327] : memref<5008x128xf32, #tpu.memory_space<vmem_shared>> -> memref<5008x128xf32, #tpu.memory_space<vmem_shared>>
          tpu.wait_indirect_dma semaphore(%run_scoped3A : memref<!tpu.dma_semaphore, #tpu.memory_space<semaphore_mem>>) src(%arg14 : memref<64x128xf32, #tpu.memory_space<vmem>>) dst(%dma_wait3A_328 : memref<5008x128xf32, #tpu.memory_space<vmem_shared>>)
          tpu.yield
        }) : () -> ()
      } else {
      }
    }
    %scan3A_235 = arith.constant 313 : i32
    %barrier3A_236 = arith.constant 0 : index
    tpu.barrier barrier_id(%barrier3A_236)
    %mul3A_237 = arith.constant 8 : i32
    %mul3A_238 = arith.muli %arg1, %mul3A_237 : i32
    %add3A_239 = arith.constant 0 : i32
    %add3A_240 = arith.addi %mul3A_238, %add3A_239 : i32
    %lt3A_241 = arith.constant 125 : i32
    %lt3A_242 = arith.cmpi slt, %add3A_240, %lt3A_241 : i32
    %convert_element_type3A_243 = arith.extui %lt3A_242 : i1 to i32
    %cond3A_244 = arith.constant 0 : i32
    %cond3A_245 = arith.cmpi ne, %convert_element_type3A_243, %cond3A_244 : i32
    scf.if %cond3A_245 {
      %mul3A_309 = arith.constant 40 : i32
      %mul3A_310 = arith.muli %add3A_240, %mul3A_309 : i32
      %mul3A_311 = arith.constant 10000 : i32
      %mul3A_312 = arith.muli %arg0, %mul3A_311 : i32
      %add3A_313 = arith.constant 5000 : i32
      %add3A_314 = arith.addi %mul3A_312, %add3A_313 : i32
      %mul3A_315 = arith.constant 40 : i32
      %mul3A_316 = arith.muli %add3A_240, %mul3A_315 : i32
      %add3A_317 = arith.addi %add3A_314, %mul3A_316 : i32
      "tpu.region"() ({
        %run_scoped3A = tpu.sem_alloc : memref<!tpu.dma_semaphore, #tpu.memory_space<semaphore_mem>>
        %dma_start3A = arith.constant 0 : i32
        %dma_start3A_318 = tpu.memref_slice %arg9[%add3A_317, %dma_start3A] : memref<20000x128xf32, #tpu.memory_space<hbm>> -> memref<40x128xf32, #tpu.memory_space<hbm>>
        %dma_start3A_319 = arith.constant 0 : i32
        %dma_start3A_320 = tpu.memref_slice %arg10[%mul3A_310, %dma_start3A_319] : memref<5008x128xf32, #tpu.memory_space<vmem_shared>> -> memref<40x128xf32, #tpu.memory_space<vmem_shared>>
        tpu.enqueue_dma source(%dma_start3A_320 : memref<40x128xf32, #tpu.memory_space<vmem_shared>>) target(%dma_start3A_318 : memref<40x128xf32, #tpu.memory_space<hbm>>) target_semaphore(%run_scoped3A : memref<!tpu.dma_semaphore, #tpu.memory_space<semaphore_mem>>)
        %dma_wait3A = arith.constant 0 : i32
        %dma_wait3A_321 = tpu.memref_slice %arg9[%add3A_317, %dma_wait3A] : memref<20000x128xf32, #tpu.memory_space<hbm>> -> memref<40x128xf32, #tpu.memory_space<hbm>>
        %dma_wait3A_322 = arith.constant 0 : i32
        %dma_wait3A_323 = tpu.memref_slice %arg10[%mul3A_310, %dma_wait3A_322] : memref<5008x128xf32, #tpu.memory_space<vmem_shared>> -> memref<40x128xf32, #tpu.memory_space<vmem_shared>>
        tpu.wait_dma2 semaphore(%run_scoped3A : memref<!tpu.dma_semaphore, #tpu.memory_space<semaphore_mem>>) src(%dma_wait3A_323 : memref<40x128xf32, #tpu.memory_space<vmem_shared>>) dst(%dma_wait3A_321 : memref<40x128xf32, #tpu.memory_space<hbm>>)
        tpu.yield
      }) : () -> ()
    } else {
    }
    %mul3A_246 = arith.constant 8 : i32
    %mul3A_247 = arith.muli %arg1, %mul3A_246 : i32
    %add3A_248 = arith.constant 1 : i32
    %add3A_249 = arith.addi %mul3A_247, %add3A_248 : i32
    %lt3A_250 = arith.constant 125 : i32
    %lt3A_251 = arith.cmpi slt, %add3A_249, %lt3A_250 : i32
    %convert_element_type3A_252 = arith.extui %lt3A_251 : i1 to i32
    %cond3A_253 = arith.constant 0 : i32
    %cond3A_254 = arith.cmpi ne, %convert_element_type3A_252, %cond3A_253 : i32
    scf.if %cond3A_254 {
      %mul3A_309 = arith.constant 40 : i32
      %mul3A_310 = arith.muli %add3A_249, %mul3A_309 : i32
      %mul3A_311 = arith.constant 10000 : i32
      %mul3A_312 = arith.muli %arg0, %mul3A_311 : i32
      %add3A_313 = arith.constant 5000 : i32
      %add3A_314 = arith.addi %mul3A_312, %add3A_313 : i32
      %mul3A_315 = arith.constant 40 : i32
      %mul3A_316 = arith.muli %add3A_249, %mul3A_315 : i32
      %add3A_317 = arith.addi %add3A_314, %mul3A_316 : i32
      "tpu.region"() ({
        %run_scoped3A = tpu.sem_alloc : memref<!tpu.dma_semaphore, #tpu.memory_space<semaphore_mem>>
        %dma_start3A = arith.constant 0 : i32
        %dma_start3A_318 = tpu.memref_slice %arg9[%add3A_317, %dma_start3A] : memref<20000x128xf32, #tpu.memory_space<hbm>> -> memref<40x128xf32, #tpu.memory_space<hbm>>
        %dma_start3A_319 = arith.constant 0 : i32
        %dma_start3A_320 = tpu.memref_slice %arg10[%mul3A_310, %dma_start3A_319] : memref<5008x128xf32, #tpu.memory_space<vmem_shared>> -> memref<40x128xf32, #tpu.memory_space<vmem_shared>>
        tpu.enqueue_dma source(%dma_start3A_320 : memref<40x128xf32, #tpu.memory_space<vmem_shared>>) target(%dma_start3A_318 : memref<40x128xf32, #tpu.memory_space<hbm>>) target_semaphore(%run_scoped3A : memref<!tpu.dma_semaphore, #tpu.memory_space<semaphore_mem>>)
        %dma_wait3A = arith.constant 0 : i32
        %dma_wait3A_321 = tpu.memref_slice %arg9[%add3A_317, %dma_wait3A] : memref<20000x128xf32, #tpu.memory_space<hbm>> -> memref<40x128xf32, #tpu.memory_space<hbm>>
        %dma_wait3A_322 = arith.constant 0 : i32
        %dma_wait3A_323 = tpu.memref_slice %arg10[%mul3A_310, %dma_wait3A_322] : memref<5008x128xf32, #tpu.memory_space<vmem_shared>> -> memref<40x128xf32, #tpu.memory_space<vmem_shared>>
        tpu.wait_dma2 semaphore(%run_scoped3A : memref<!tpu.dma_semaphore, #tpu.memory_space<semaphore_mem>>) src(%dma_wait3A_323 : memref<40x128xf32, #tpu.memory_space<vmem_shared>>) dst(%dma_wait3A_321 : memref<40x128xf32, #tpu.memory_space<hbm>>)
        tpu.yield
      }) : () -> ()
    } else {
    }
    %mul3A_255 = arith.constant 8 : i32
    %mul3A_256 = arith.muli %arg1, %mul3A_255 : i32
    %add3A_257 = arith.constant 2 : i32
    %add3A_258 = arith.addi %mul3A_256, %add3A_257 : i32
    %lt3A_259 = arith.constant 125 : i32
    %lt3A_260 = arith.cmpi slt, %add3A_258, %lt3A_259 : i32
    %convert_element_type3A_261 = arith.extui %lt3A_260 : i1 to i32
    %cond3A_262 = arith.constant 0 : i32
    %cond3A_263 = arith.cmpi ne, %convert_element_type3A_261, %cond3A_262 : i32
    scf.if %cond3A_263 {
      %mul3A_309 = arith.constant 40 : i32
      %mul3A_310 = arith.muli %add3A_258, %mul3A_309 : i32
      %mul3A_311 = arith.constant 10000 : i32
      %mul3A_312 = arith.muli %arg0, %mul3A_311 : i32
      %add3A_313 = arith.constant 5000 : i32
      %add3A_314 = arith.addi %mul3A_312, %add3A_313 : i32
      %mul3A_315 = arith.constant 40 : i32
      %mul3A_316 = arith.muli %add3A_258, %mul3A_315 : i32
      %add3A_317 = arith.addi %add3A_314, %mul3A_316 : i32
      "tpu.region"() ({
        %run_scoped3A = tpu.sem_alloc : memref<!tpu.dma_semaphore, #tpu.memory_space<semaphore_mem>>
        %dma_start3A = arith.constant 0 : i32
        %dma_start3A_318 = tpu.memref_slice %arg9[%add3A_317, %dma_start3A] : memref<20000x128xf32, #tpu.memory_space<hbm>> -> memref<40x128xf32, #tpu.memory_space<hbm>>
        %dma_start3A_319 = arith.constant 0 : i32
        %dma_start3A_320 = tpu.memref_slice %arg10[%mul3A_310, %dma_start3A_319] : memref<5008x128xf32, #tpu.memory_space<vmem_shared>> -> memref<40x128xf32, #tpu.memory_space<vmem_shared>>
        tpu.enqueue_dma source(%dma_start3A_320 : memref<40x128xf32, #tpu.memory_space<vmem_shared>>) target(%dma_start3A_318 : memref<40x128xf32, #tpu.memory_space<hbm>>) target_semaphore(%run_scoped3A : memref<!tpu.dma_semaphore, #tpu.memory_space<semaphore_mem>>)
        %dma_wait3A = arith.constant 0 : i32
        %dma_wait3A_321 = tpu.memref_slice %arg9[%add3A_317, %dma_wait3A] : memref<20000x128xf32, #tpu.memory_space<hbm>> -> memref<40x128xf32, #tpu.memory_space<hbm>>
        %dma_wait3A_322 = arith.constant 0 : i32
        %dma_wait3A_323 = tpu.memref_slice %arg10[%mul3A_310, %dma_wait3A_322] : memref<5008x128xf32, #tpu.memory_space<vmem_shared>> -> memref<40x128xf32, #tpu.memory_space<vmem_shared>>
        tpu.wait_dma2 semaphore(%run_scoped3A : memref<!tpu.dma_semaphore, #tpu.memory_space<semaphore_mem>>) src(%dma_wait3A_323 : memref<40x128xf32, #tpu.memory_space<vmem_shared>>) dst(%dma_wait3A_321 : memref<40x128xf32, #tpu.memory_space<hbm>>)
        tpu.yield
      }) : () -> ()
    } else {
    }
    %mul3A_264 = arith.constant 8 : i32
    %mul3A_265 = arith.muli %arg1, %mul3A_264 : i32
    %add3A_266 = arith.constant 3 : i32
    %add3A_267 = arith.addi %mul3A_265, %add3A_266 : i32
    %lt3A_268 = arith.constant 125 : i32
    %lt3A_269 = arith.cmpi slt, %add3A_267, %lt3A_268 : i32
    %convert_element_type3A_270 = arith.extui %lt3A_269 : i1 to i32
    %cond3A_271 = arith.constant 0 : i32
    %cond3A_272 = arith.cmpi ne, %convert_element_type3A_270, %cond3A_271 : i32
    scf.if %cond3A_272 {
      %mul3A_309 = arith.constant 40 : i32
      %mul3A_310 = arith.muli %add3A_267, %mul3A_309 : i32
      %mul3A_311 = arith.constant 10000 : i32
      %mul3A_312 = arith.muli %arg0, %mul3A_311 : i32
      %add3A_313 = arith.constant 5000 : i32
      %add3A_314 = arith.addi %mul3A_312, %add3A_313 : i32
      %mul3A_315 = arith.constant 40 : i32
      %mul3A_316 = arith.muli %add3A_267, %mul3A_315 : i32
      %add3A_317 = arith.addi %add3A_314, %mul3A_316 : i32
      "tpu.region"() ({
        %run_scoped3A = tpu.sem_alloc : memref<!tpu.dma_semaphore, #tpu.memory_space<semaphore_mem>>
        %dma_start3A = arith.constant 0 : i32
        %dma_start3A_318 = tpu.memref_slice %arg9[%add3A_317, %dma_start3A] : memref<20000x128xf32, #tpu.memory_space<hbm>> -> memref<40x128xf32, #tpu.memory_space<hbm>>
        %dma_start3A_319 = arith.constant 0 : i32
        %dma_start3A_320 = tpu.memref_slice %arg10[%mul3A_310, %dma_start3A_319] : memref<5008x128xf32, #tpu.memory_space<vmem_shared>> -> memref<40x128xf32, #tpu.memory_space<vmem_shared>>
        tpu.enqueue_dma source(%dma_start3A_320 : memref<40x128xf32, #tpu.memory_space<vmem_shared>>) target(%dma_start3A_318 : memref<40x128xf32, #tpu.memory_space<hbm>>) target_semaphore(%run_scoped3A : memref<!tpu.dma_semaphore, #tpu.memory_space<semaphore_mem>>)
        %dma_wait3A = arith.constant 0 : i32
        %dma_wait3A_321 = tpu.memref_slice %arg9[%add3A_317, %dma_wait3A] : memref<20000x128xf32, #tpu.memory_space<hbm>> -> memref<40x128xf32, #tpu.memory_space<hbm>>
        %dma_wait3A_322 = arith.constant 0 : i32
        %dma_wait3A_323 = tpu.memref_slice %arg10[%mul3A_310, %dma_wait3A_322] : memref<5008x128xf32, #tpu.memory_space<vmem_shared>> -> memref<40x128xf32, #tpu.memory_space<vmem_shared>>
        tpu.wait_dma2 semaphore(%run_scoped3A : memref<!tpu.dma_semaphore, #tpu.memory_space<semaphore_mem>>) src(%dma_wait3A_323 : memref<40x128xf32, #tpu.memory_space<vmem_shared>>) dst(%dma_wait3A_321 : memref<40x128xf32, #tpu.memory_space<hbm>>)
        tpu.yield
      }) : () -> ()
    } else {
    }
    %mul3A_273 = arith.constant 8 : i32
    %mul3A_274 = arith.muli %arg1, %mul3A_273 : i32
    %add3A_275 = arith.constant 4 : i32
    %add3A_276 = arith.addi %mul3A_274, %add3A_275 : i32
    %lt3A_277 = arith.constant 125 : i32
    %lt3A_278 = arith.cmpi slt, %add3A_276, %lt3A_277 : i32
    %convert_element_type3A_279 = arith.extui %lt3A_278 : i1 to i32
    %cond3A_280 = arith.constant 0 : i32
    %cond3A_281 = arith.cmpi ne, %convert_element_type3A_279, %cond3A_280 : i32
    scf.if %cond3A_281 {
      %mul3A_309 = arith.constant 40 : i32
      %mul3A_310 = arith.muli %add3A_276, %mul3A_309 : i32
      %mul3A_311 = arith.constant 10000 : i32
      %mul3A_312 = arith.muli %arg0, %mul3A_311 : i32
      %add3A_313 = arith.constant 5000 : i32
      %add3A_314 = arith.addi %mul3A_312, %add3A_313 : i32
      %mul3A_315 = arith.constant 40 : i32
      %mul3A_316 = arith.muli %add3A_276, %mul3A_315 : i32
      %add3A_317 = arith.addi %add3A_314, %mul3A_316 : i32
      "tpu.region"() ({
        %run_scoped3A = tpu.sem_alloc : memref<!tpu.dma_semaphore, #tpu.memory_space<semaphore_mem>>
        %dma_start3A = arith.constant 0 : i32
        %dma_start3A_318 = tpu.memref_slice %arg9[%add3A_317, %dma_start3A] : memref<20000x128xf32, #tpu.memory_space<hbm>> -> memref<40x128xf32, #tpu.memory_space<hbm>>
        %dma_start3A_319 = arith.constant 0 : i32
        %dma_start3A_320 = tpu.memref_slice %arg10[%mul3A_310, %dma_start3A_319] : memref<5008x128xf32, #tpu.memory_space<vmem_shared>> -> memref<40x128xf32, #tpu.memory_space<vmem_shared>>
        tpu.enqueue_dma source(%dma_start3A_320 : memref<40x128xf32, #tpu.memory_space<vmem_shared>>) target(%dma_start3A_318 : memref<40x128xf32, #tpu.memory_space<hbm>>) target_semaphore(%run_scoped3A : memref<!tpu.dma_semaphore, #tpu.memory_space<semaphore_mem>>)
        %dma_wait3A = arith.constant 0 : i32
        %dma_wait3A_321 = tpu.memref_slice %arg9[%add3A_317, %dma_wait3A] : memref<20000x128xf32, #tpu.memory_space<hbm>> -> memref<40x128xf32, #tpu.memory_space<hbm>>
        %dma_wait3A_322 = arith.constant 0 : i32
        %dma_wait3A_323 = tpu.memref_slice %arg10[%mul3A_310, %dma_wait3A_322] : memref<5008x128xf32, #tpu.memory_space<vmem_shared>> -> memref<40x128xf32, #tpu.memory_space<vmem_shared>>
        tpu.wait_dma2 semaphore(%run_scoped3A : memref<!tpu.dma_semaphore, #tpu.memory_space<semaphore_mem>>) src(%dma_wait3A_323 : memref<40x128xf32, #tpu.memory_space<vmem_shared>>) dst(%dma_wait3A_321 : memref<40x128xf32, #tpu.memory_space<hbm>>)
        tpu.yield
      }) : () -> ()
    } else {
    }
    %mul3A_282 = arith.constant 8 : i32
    %mul3A_283 = arith.muli %arg1, %mul3A_282 : i32
    %add3A_284 = arith.constant 5 : i32
    %add3A_285 = arith.addi %mul3A_283, %add3A_284 : i32
    %lt3A_286 = arith.constant 125 : i32
    %lt3A_287 = arith.cmpi slt, %add3A_285, %lt3A_286 : i32
    %convert_element_type3A_288 = arith.extui %lt3A_287 : i1 to i32
    %cond3A_289 = arith.constant 0 : i32
    %cond3A_290 = arith.cmpi ne, %convert_element_type3A_288, %cond3A_289 : i32
    scf.if %cond3A_290 {
      %mul3A_309 = arith.constant 40 : i32
      %mul3A_310 = arith.muli %add3A_285, %mul3A_309 : i32
      %mul3A_311 = arith.constant 10000 : i32
      %mul3A_312 = arith.muli %arg0, %mul3A_311 : i32
      %add3A_313 = arith.constant 5000 : i32
      %add3A_314 = arith.addi %mul3A_312, %add3A_313 : i32
      %mul3A_315 = arith.constant 40 : i32
      %mul3A_316 = arith.muli %add3A_285, %mul3A_315 : i32
      %add3A_317 = arith.addi %add3A_314, %mul3A_316 : i32
      "tpu.region"() ({
        %run_scoped3A = tpu.sem_alloc : memref<!tpu.dma_semaphore, #tpu.memory_space<semaphore_mem>>
        %dma_start3A = arith.constant 0 : i32
        %dma_start3A_318 = tpu.memref_slice %arg9[%add3A_317, %dma_start3A] : memref<20000x128xf32, #tpu.memory_space<hbm>> -> memref<40x128xf32, #tpu.memory_space<hbm>>
        %dma_start3A_319 = arith.constant 0 : i32
        %dma_start3A_320 = tpu.memref_slice %arg10[%mul3A_310, %dma_start3A_319] : memref<5008x128xf32, #tpu.memory_space<vmem_shared>> -> memref<40x128xf32, #tpu.memory_space<vmem_shared>>
        tpu.enqueue_dma source(%dma_start3A_320 : memref<40x128xf32, #tpu.memory_space<vmem_shared>>) target(%dma_start3A_318 : memref<40x128xf32, #tpu.memory_space<hbm>>) target_semaphore(%run_scoped3A : memref<!tpu.dma_semaphore, #tpu.memory_space<semaphore_mem>>)
        %dma_wait3A = arith.constant 0 : i32
        %dma_wait3A_321 = tpu.memref_slice %arg9[%add3A_317, %dma_wait3A] : memref<20000x128xf32, #tpu.memory_space<hbm>> -> memref<40x128xf32, #tpu.memory_space<hbm>>
        %dma_wait3A_322 = arith.constant 0 : i32
        %dma_wait3A_323 = tpu.memref_slice %arg10[%mul3A_310, %dma_wait3A_322] : memref<5008x128xf32, #tpu.memory_space<vmem_shared>> -> memref<40x128xf32, #tpu.memory_space<vmem_shared>>
        tpu.wait_dma2 semaphore(%run_scoped3A : memref<!tpu.dma_semaphore, #tpu.memory_space<semaphore_mem>>) src(%dma_wait3A_323 : memref<40x128xf32, #tpu.memory_space<vmem_shared>>) dst(%dma_wait3A_321 : memref<40x128xf32, #tpu.memory_space<hbm>>)
        tpu.yield
      }) : () -> ()
    } else {
    }
    %mul3A_291 = arith.constant 8 : i32
    %mul3A_292 = arith.muli %arg1, %mul3A_291 : i32
    %add3A_293 = arith.constant 6 : i32
    %add3A_294 = arith.addi %mul3A_292, %add3A_293 : i32
    %lt3A_295 = arith.constant 125 : i32
    %lt3A_296 = arith.cmpi slt, %add3A_294, %lt3A_295 : i32
    %convert_element_type3A_297 = arith.extui %lt3A_296 : i1 to i32
    %cond3A_298 = arith.constant 0 : i32
    %cond3A_299 = arith.cmpi ne, %convert_element_type3A_297, %cond3A_298 : i32
    scf.if %cond3A_299 {
      %mul3A_309 = arith.constant 40 : i32
      %mul3A_310 = arith.muli %add3A_294, %mul3A_309 : i32
      %mul3A_311 = arith.constant 10000 : i32
      %mul3A_312 = arith.muli %arg0, %mul3A_311 : i32
      %add3A_313 = arith.constant 5000 : i32
      %add3A_314 = arith.addi %mul3A_312, %add3A_313 : i32
      %mul3A_315 = arith.constant 40 : i32
      %mul3A_316 = arith.muli %add3A_294, %mul3A_315 : i32
      %add3A_317 = arith.addi %add3A_314, %mul3A_316 : i32
      "tpu.region"() ({
        %run_scoped3A = tpu.sem_alloc : memref<!tpu.dma_semaphore, #tpu.memory_space<semaphore_mem>>
        %dma_start3A = arith.constant 0 : i32
        %dma_start3A_318 = tpu.memref_slice %arg9[%add3A_317, %dma_start3A] : memref<20000x128xf32, #tpu.memory_space<hbm>> -> memref<40x128xf32, #tpu.memory_space<hbm>>
        %dma_start3A_319 = arith.constant 0 : i32
        %dma_start3A_320 = tpu.memref_slice %arg10[%mul3A_310, %dma_start3A_319] : memref<5008x128xf32, #tpu.memory_space<vmem_shared>> -> memref<40x128xf32, #tpu.memory_space<vmem_shared>>
        tpu.enqueue_dma source(%dma_start3A_320 : memref<40x128xf32, #tpu.memory_space<vmem_shared>>) target(%dma_start3A_318 : memref<40x128xf32, #tpu.memory_space<hbm>>) target_semaphore(%run_scoped3A : memref<!tpu.dma_semaphore, #tpu.memory_space<semaphore_mem>>)
        %dma_wait3A = arith.constant 0 : i32
        %dma_wait3A_321 = tpu.memref_slice %arg9[%add3A_317, %dma_wait3A] : memref<20000x128xf32, #tpu.memory_space<hbm>> -> memref<40x128xf32, #tpu.memory_space<hbm>>
        %dma_wait3A_322 = arith.constant 0 : i32
        %dma_wait3A_323 = tpu.memref_slice %arg10[%mul3A_310, %dma_wait3A_322] : memref<5008x128xf32, #tpu.memory_space<vmem_shared>> -> memref<40x128xf32, #tpu.memory_space<vmem_shared>>
        tpu.wait_dma2 semaphore(%run_scoped3A : memref<!tpu.dma_semaphore, #tpu.memory_space<semaphore_mem>>) src(%dma_wait3A_323 : memref<40x128xf32, #tpu.memory_space<vmem_shared>>) dst(%dma_wait3A_321 : memref<40x128xf32, #tpu.memory_space<hbm>>)
        tpu.yield
      }) : () -> ()
    } else {
    }
    %mul3A_300 = arith.constant 8 : i32
    %mul3A_301 = arith.muli %arg1, %mul3A_300 : i32
    %add3A_302 = arith.constant 7 : i32
    %add3A_303 = arith.addi %mul3A_301, %add3A_302 : i32
    %lt3A_304 = arith.constant 125 : i32
    %lt3A_305 = arith.cmpi slt, %add3A_303, %lt3A_304 : i32
    %convert_element_type3A_306 = arith.extui %lt3A_305 : i1 to i32
    %cond3A_307 = arith.constant 0 : i32
    %cond3A_308 = arith.cmpi ne, %convert_element_type3A_306, %cond3A_307 : i32
    scf.if %cond3A_308 {
      %mul3A_309 = arith.constant 40 : i32
      %mul3A_310 = arith.muli %add3A_303, %mul3A_309 : i32
      %mul3A_311 = arith.constant 10000 : i32
      %mul3A_312 = arith.muli %arg0, %mul3A_311 : i32
      %add3A_313 = arith.constant 5000 : i32
      %add3A_314 = arith.addi %mul3A_312, %add3A_313 : i32
      %mul3A_315 = arith.constant 40 : i32
      %mul3A_316 = arith.muli %add3A_303, %mul3A_315 : i32
      %add3A_317 = arith.addi %add3A_314, %mul3A_316 : i32
      "tpu.region"() ({
        %run_scoped3A = tpu.sem_alloc : memref<!tpu.dma_semaphore, #tpu.memory_space<semaphore_mem>>
        %dma_start3A = arith.constant 0 : i32
        %dma_start3A_318 = tpu.memref_slice %arg9[%add3A_317, %dma_start3A] : memref<20000x128xf32, #tpu.memory_space<hbm>> -> memref<40x128xf32, #tpu.memory_space<hbm>>
        %dma_start3A_319 = arith.constant 0 : i32
        %dma_start3A_320 = tpu.memref_slice %arg10[%mul3A_310, %dma_start3A_319] : memref<5008x128xf32, #tpu.memory_space<vmem_shared>> -> memref<40x128xf32, #tpu.memory_space<vmem_shared>>
        tpu.enqueue_dma source(%dma_start3A_320 : memref<40x128xf32, #tpu.memory_space<vmem_shared>>) target(%dma_start3A_318 : memref<40x128xf32, #tpu.memory_space<hbm>>) target_semaphore(%run_scoped3A : memref<!tpu.dma_semaphore, #tpu.memory_space<semaphore_mem>>)
        %dma_wait3A = arith.constant 0 : i32
        %dma_wait3A_321 = tpu.memref_slice %arg9[%add3A_317, %dma_wait3A] : memref<20000x128xf32, #tpu.memory_space<hbm>> -> memref<40x128xf32, #tpu.memory_space<hbm>>
        %dma_wait3A_322 = arith.constant 0 : i32
        %dma_wait3A_323 = tpu.memref_slice %arg10[%mul3A_310, %dma_wait3A_322] : memref<5008x128xf32, #tpu.memory_space<vmem_shared>> -> memref<40x128xf32, #tpu.memory_space<vmem_shared>>
        tpu.wait_dma2 semaphore(%run_scoped3A : memref<!tpu.dma_semaphore, #tpu.memory_space<semaphore_mem>>) src(%dma_wait3A_323 : memref<40x128xf32, #tpu.memory_space<vmem_shared>>) dst(%dma_wait3A_321 : memref<40x128xf32, #tpu.memory_space<hbm>>)
        tpu.yield
      }) : () -> ()
    } else {
    }
    return
  }
}

#map = affine_map<(d0, d1) -> (0)>
#map1 = affine_map<(d0, d1) -> (0, 0)>
module attributes {stable_mosaic.version = 14 : i64} {
  func.func @_sc_cnt(%arg0: i32, %arg1: i32, %arg2: memref<640000xi32, #tpu.memory_space<hbm>>, %arg3: memref<10000x128xf32, #tpu.memory_space<hbm>>, %arg4: memref<5008x128xf32, #tpu.memory_space<vmem_shared>>, %arg5: memref<64xi32, #tpu.memory_space<vmem>>, %arg6: memref<64x128xf32, #tpu.memory_space<vmem>>, %arg7: memref<!tpu.dma_semaphore, #tpu.memory_space<semaphore_mem>>) attributes {dimension_semantics = [#tpu.dimension_semantics<core_parallel>, #tpu.dimension_semantics<subcore_parallel>], iteration_bounds = array<i64: 2, 16>, scalar_prefetch = 0 : i64, scratch_operands = 4 : i64, tpu.core_type = #tpu.core_type<sc_vector_subcore>, window_params = [{transform_indices = #map}, {transform_indices = #map1}]} {
    %scan3A = arith.constant 0 : i32
    %scan3A_0 = arith.constant 0 : i32
    %scan3A_1 = arith.constant 40 : i32
    %scan3A_2 = arith.addi %scan3A_0, %scan3A_1 : i32
    %scan3A_3 = arith.constant 1 : i32
    scf.for %scan3A_157 = %scan3A_0 to %scan3A_2 step %scan3A_3  : i32 {
      %broadcast_in_dim3A = arith.constant 0.000000e+00 : f32
      %broadcast_in_dim3A_158 = vector.broadcast %broadcast_in_dim3A : f32 to vector<16xf32>
      %swap3A = arith.index_cast %scan3A_157 : i32 to index
      %swap3A_159 = arith.constant 0 : index
      %swap3A_160 = tpu.vector_load %arg6[%swap3A, %swap3A_159] {strides = array<i32>} : memref<64x128xf32, #tpu.memory_space<vmem>>, vector<1x16xf32>,
      %swap3A_161 = vector.shape_cast %swap3A_160 : vector<1x16xf32> to vector<16xf32>
      %swap3A_162 = vector.shape_cast %broadcast_in_dim3A_158 : vector<16xf32> to vector<1x16xf32>
      tpu.vector_store %arg6[%swap3A, %swap3A_159], %swap3A_162 {strides = array<i32>} : memref<64x128xf32, #tpu.memory_space<vmem>>, vector<1x16xf32>,
      %broadcast_in_dim3A_163 = arith.constant 0.000000e+00 : f32
      %broadcast_in_dim3A_164 = vector.broadcast %broadcast_in_dim3A_163 : f32 to vector<16xf32>
      %swap3A_165 = arith.index_cast %scan3A_157 : i32 to index
      %swap3A_166 = arith.constant 16 : index
      %swap3A_167 = tpu.vector_load %arg6[%swap3A_165, %swap3A_166] {strides = array<i32>} : memref<64x128xf32, #tpu.memory_space<vmem>>, vector<1x16xf32>,
      %swap3A_168 = vector.shape_cast %swap3A_167 : vector<1x16xf32> to vector<16xf32>
      %swap3A_169 = vector.shape_cast %broadcast_in_dim3A_164 : vector<16xf32> to vector<1x16xf32>
      tpu.vector_store %arg6[%swap3A_165, %swap3A_166], %swap3A_169 {strides = array<i32>} : memref<64x128xf32, #tpu.memory_space<vmem>>, vector<1x16xf32>,
      %broadcast_in_dim3A_170 = arith.constant 0.000000e+00 : f32
      %broadcast_in_dim3A_171 = vector.broadcast %broadcast_in_dim3A_170 : f32 to vector<16xf32>
      %swap3A_172 = arith.index_cast %scan3A_157 : i32 to index
      %swap3A_173 = arith.constant 32 : index
      %swap3A_174 = tpu.vector_load %arg6[%swap3A_172, %swap3A_173] {strides = array<i32>} : memref<64x128xf32, #tpu.memory_space<vmem>>, vector<1x16xf32>,
      %swap3A_175 = vector.shape_cast %swap3A_174 : vector<1x16xf32> to vector<16xf32>
      %swap3A_176 = vector.shape_cast %broadcast_in_dim3A_171 : vector<16xf32> to vector<1x16xf32>
      tpu.vector_store %arg6[%swap3A_172, %swap3A_173], %swap3A_176 {strides = array<i32>} : memref<64x128xf32, #tpu.memory_space<vmem>>, vector<1x16xf32>,
      %broadcast_in_dim3A_177 = arith.constant 0.000000e+00 : f32
      %broadcast_in_dim3A_178 = vector.broadcast %broadcast_in_dim3A_177 : f32 to vector<16xf32>
      %swap3A_179 = arith.index_cast %scan3A_157 : i32 to index
      %swap3A_180 = arith.constant 48 : index
      %swap3A_181 = tpu.vector_load %arg6[%swap3A_179, %swap3A_180] {strides = array<i32>} : memref<64x128xf32, #tpu.memory_space<vmem>>, vector<1x16xf32>,
      %swap3A_182 = vector.shape_cast %swap3A_181 : vector<1x16xf32> to vector<16xf32>
      %swap3A_183 = vector.shape_cast %broadcast_in_dim3A_178 : vector<16xf32> to vector<1x16xf32>
      tpu.vector_store %arg6[%swap3A_179, %swap3A_180], %swap3A_183 {strides = array<i32>} : memref<64x128xf32, #tpu.memory_space<vmem>>, vector<1x16xf32>,
      %broadcast_in_dim3A_184 = arith.constant 0.000000e+00 : f32
      %broadcast_in_dim3A_185 = vector.broadcast %broadcast_in_dim3A_184 : f32 to vector<16xf32>
      %swap3A_186 = arith.index_cast %scan3A_157 : i32 to index
      %swap3A_187 = arith.constant 64 : index
      %swap3A_188 = tpu.vector_load %arg6[%swap3A_186, %swap3A_187] {strides = array<i32>} : memref<64x128xf32, #tpu.memory_space<vmem>>, vector<1x16xf32>,
      %swap3A_189 = vector.shape_cast %swap3A_188 : vector<1x16xf32> to vector<16xf32>
      %swap3A_190 = vector.shape_cast %broadcast_in_dim3A_185 : vector<16xf32> to vector<1x16xf32>
      tpu.vector_store %arg6[%swap3A_186, %swap3A_187], %swap3A_190 {strides = array<i32>} : memref<64x128xf32, #tpu.memory_space<vmem>>, vector<1x16xf32>,
      %broadcast_in_dim3A_191 = arith.constant 0.000000e+00 : f32
      %broadcast_in_dim3A_192 = vector.broadcast %broadcast_in_dim3A_191 : f32 to vector<16xf32>
      %swap3A_193 = arith.index_cast %scan3A_157 : i32 to index
      %swap3A_194 = arith.constant 80 : index
      %swap3A_195 = tpu.vector_load %arg6[%swap3A_193, %swap3A_194] {strides = array<i32>} : memref<64x128xf32, #tpu.memory_space<vmem>>, vector<1x16xf32>,
      %swap3A_196 = vector.shape_cast %swap3A_195 : vector<1x16xf32> to vector<16xf32>
      %swap3A_197 = vector.shape_cast %broadcast_in_dim3A_192 : vector<16xf32> to vector<1x16xf32>
      tpu.vector_store %arg6[%swap3A_193, %swap3A_194], %swap3A_197 {strides = array<i32>} : memref<64x128xf32, #tpu.memory_space<vmem>>, vector<1x16xf32>,
      %broadcast_in_dim3A_198 = arith.constant 0.000000e+00 : f32
      %broadcast_in_dim3A_199 = vector.broadcast %broadcast_in_dim3A_198 : f32 to vector<16xf32>
      %swap3A_200 = arith.index_cast %scan3A_157 : i32 to index
      %swap3A_201 = arith.constant 96 : index
      %swap3A_202 = tpu.vector_load %arg6[%swap3A_200, %swap3A_201] {strides = array<i32>} : memref<64x128xf32, #tpu.memory_space<vmem>>, vector<1x16xf32>,
      %swap3A_203 = vector.shape_cast %swap3A_202 : vector<1x16xf32> to vector<16xf32>
      %swap3A_204 = vector.shape_cast %broadcast_in_dim3A_199 : vector<16xf32> to vector<1x16xf32>
      tpu.vector_store %arg6[%swap3A_200, %swap3A_201], %swap3A_204 {strides = array<i32>} : memref<64x128xf32, #tpu.memory_space<vmem>>, vector<1x16xf32>,
      %broadcast_in_dim3A_205 = arith.constant 0.000000e+00 : f32
      %broadcast_in_dim3A_206 = vector.broadcast %broadcast_in_dim3A_205 : f32 to vector<16xf32>
      %swap3A_207 = arith.index_cast %scan3A_157 : i32 to index
      %swap3A_208 = arith.constant 112 : index
      %swap3A_209 = tpu.vector_load %arg6[%swap3A_207, %swap3A_208] {strides = array<i32>} : memref<64x128xf32, #tpu.memory_space<vmem>>, vector<1x16xf32>,
      %swap3A_210 = vector.shape_cast %swap3A_209 : vector<1x16xf32> to vector<16xf32>
      %swap3A_211 = vector.shape_cast %broadcast_in_dim3A_206 : vector<16xf32> to vector<1x16xf32>
      tpu.vector_store %arg6[%swap3A_207, %swap3A_208], %swap3A_211 {strides = array<i32>} : memref<64x128xf32, #tpu.memory_space<vmem>>, vector<1x16xf32>,
    }
    %scan3A_4 = arith.constant 40 : i32
    %mul3A = arith.constant 8 : i32
    %mul3A_5 = arith.muli %arg1, %mul3A : i32
    %add3A = arith.constant 0 : i32
    %add3A_6 = arith.addi %mul3A_5, %add3A : i32
    %lt3A = arith.constant 125 : i32
    %lt3A_7 = arith.cmpi slt, %add3A_6, %lt3A : i32
    %convert_element_type3A = arith.extui %lt3A_7 : i1 to i32
    %cond3A = arith.constant 0 : i32
    %cond3A_8 = arith.cmpi ne, %convert_element_type3A, %cond3A : i32
    scf.if %cond3A_8 {
      %mul3A_157 = arith.constant 40 : i32
      %mul3A_158 = arith.muli %add3A_6, %mul3A_157 : i32
      "tpu.region"() ({
        %run_scoped3A = tpu.sem_alloc : memref<!tpu.dma_semaphore, #tpu.memory_space<semaphore_mem>>
        %dma_start3A = arith.constant 0 : i32
        %dma_start3A_159 = arith.constant 0 : i32
        %dma_start3A_160 = tpu.memref_slice %arg6[%dma_start3A, %dma_start3A_159] : memref<64x128xf32, #tpu.memory_space<vmem>> -> memref<40x128xf32, #tpu.memory_space<vmem>>
        %dma_start3A_161 = arith.constant 0 : i32
        %dma_start3A_162 = tpu.memref_slice %arg4[%mul3A_158, %dma_start3A_161] : memref<5008x128xf32, #tpu.memory_space<vmem_shared>> -> memref<40x128xf32, #tpu.memory_space<vmem_shared>>
        %dma_start3A_163 = arith.constant 0 : i32
        %dma_start3A_164 = tpu.memref_slice %arg4[%mul3A_158, %dma_start3A_163] : memref<5008x128xf32, #tpu.memory_space<vmem_shared>> -> memref<40x128xf32, #tpu.memory_space<vmem_shared>>
        %dma_start3A_165 = arith.constant 0 : i32
        %dma_start3A_166 = arith.constant 0 : i32
        %dma_start3A_167 = tpu.memref_slice %arg6[%dma_start3A_165, %dma_start3A_166] : memref<64x128xf32, #tpu.memory_space<vmem>> -> memref<40x128xf32, #tpu.memory_space<vmem>>
        tpu.enqueue_dma source(%dma_start3A_167 : memref<40x128xf32, #tpu.memory_space<vmem>>) target(%dma_start3A_164 : memref<40x128xf32, #tpu.memory_space<vmem_shared>>) target_semaphore(%run_scoped3A : memref<!tpu.dma_semaphore, #tpu.memory_space<semaphore_mem>>)
        %dma_wait3A = arith.constant 0 : i32
        %dma_wait3A_168 = arith.constant 0 : i32
        %dma_wait3A_169 = tpu.memref_slice %arg6[%dma_wait3A, %dma_wait3A_168] : memref<64x128xf32, #tpu.memory_space<vmem>> -> memref<40x128xf32, #tpu.memory_space<vmem>>
        %dma_wait3A_170 = arith.constant 0 : i32
        %dma_wait3A_171 = tpu.memref_slice %arg4[%mul3A_158, %dma_wait3A_170] : memref<5008x128xf32, #tpu.memory_space<vmem_shared>> -> memref<40x128xf32, #tpu.memory_space<vmem_shared>>
        %dma_wait3A_172 = arith.constant 0 : i32
        %dma_wait3A_173 = tpu.memref_slice %arg4[%mul3A_158, %dma_wait3A_172] : memref<5008x128xf32, #tpu.memory_space<vmem_shared>> -> memref<40x128xf32, #tpu.memory_space<vmem_shared>>
        %dma_wait3A_174 = arith.constant 0 : i32
        %dma_wait3A_175 = arith.constant 0 : i32
        %dma_wait3A_176 = tpu.memref_slice %arg6[%dma_wait3A_174, %dma_wait3A_175] : memref<64x128xf32, #tpu.memory_space<vmem>> -> memref<40x128xf32, #tpu.memory_space<vmem>>
        tpu.wait_dma2 semaphore(%run_scoped3A : memref<!tpu.dma_semaphore, #tpu.memory_space<semaphore_mem>>) src(%dma_wait3A_176 : memref<40x128xf32, #tpu.memory_space<vmem>>) dst(%dma_wait3A_173 : memref<40x128xf32, #tpu.memory_space<vmem_shared>>)
        tpu.yield
      }) : () -> ()
    } else {
    }
    %mul3A_9 = arith.constant 8 : i32
    %mul3A_10 = arith.muli %arg1, %mul3A_9 : i32
    %add3A_11 = arith.constant 1 : i32
    %add3A_12 = arith.addi %mul3A_10, %add3A_11 : i32
    %lt3A_13 = arith.constant 125 : i32
    %lt3A_14 = arith.cmpi slt, %add3A_12, %lt3A_13 : i32
    %convert_element_type3A_15 = arith.extui %lt3A_14 : i1 to i32
    %cond3A_16 = arith.constant 0 : i32
    %cond3A_17 = arith.cmpi ne, %convert_element_type3A_15, %cond3A_16 : i32
    scf.if %cond3A_17 {
      %mul3A_157 = arith.constant 40 : i32
      %mul3A_158 = arith.muli %add3A_12, %mul3A_157 : i32
      "tpu.region"() ({
        %run_scoped3A = tpu.sem_alloc : memref<!tpu.dma_semaphore, #tpu.memory_space<semaphore_mem>>
        %dma_start3A = arith.constant 0 : i32
        %dma_start3A_159 = arith.constant 0 : i32
        %dma_start3A_160 = tpu.memref_slice %arg6[%dma_start3A, %dma_start3A_159] : memref<64x128xf32, #tpu.memory_space<vmem>> -> memref<40x128xf32, #tpu.memory_space<vmem>>
        %dma_start3A_161 = arith.constant 0 : i32
        %dma_start3A_162 = tpu.memref_slice %arg4[%mul3A_158, %dma_start3A_161] : memref<5008x128xf32, #tpu.memory_space<vmem_shared>> -> memref<40x128xf32, #tpu.memory_space<vmem_shared>>
        %dma_start3A_163 = arith.constant 0 : i32
        %dma_start3A_164 = tpu.memref_slice %arg4[%mul3A_158, %dma_start3A_163] : memref<5008x128xf32, #tpu.memory_space<vmem_shared>> -> memref<40x128xf32, #tpu.memory_space<vmem_shared>>
        %dma_start3A_165 = arith.constant 0 : i32
        %dma_start3A_166 = arith.constant 0 : i32
        %dma_start3A_167 = tpu.memref_slice %arg6[%dma_start3A_165, %dma_start3A_166] : memref<64x128xf32, #tpu.memory_space<vmem>> -> memref<40x128xf32, #tpu.memory_space<vmem>>
        tpu.enqueue_dma source(%dma_start3A_167 : memref<40x128xf32, #tpu.memory_space<vmem>>) target(%dma_start3A_164 : memref<40x128xf32, #tpu.memory_space<vmem_shared>>) target_semaphore(%run_scoped3A : memref<!tpu.dma_semaphore, #tpu.memory_space<semaphore_mem>>)
        %dma_wait3A = arith.constant 0 : i32
        %dma_wait3A_168 = arith.constant 0 : i32
        %dma_wait3A_169 = tpu.memref_slice %arg6[%dma_wait3A, %dma_wait3A_168] : memref<64x128xf32, #tpu.memory_space<vmem>> -> memref<40x128xf32, #tpu.memory_space<vmem>>
        %dma_wait3A_170 = arith.constant 0 : i32
        %dma_wait3A_171 = tpu.memref_slice %arg4[%mul3A_158, %dma_wait3A_170] : memref<5008x128xf32, #tpu.memory_space<vmem_shared>> -> memref<40x128xf32, #tpu.memory_space<vmem_shared>>
        %dma_wait3A_172 = arith.constant 0 : i32
        %dma_wait3A_173 = tpu.memref_slice %arg4[%mul3A_158, %dma_wait3A_172] : memref<5008x128xf32, #tpu.memory_space<vmem_shared>> -> memref<40x128xf32, #tpu.memory_space<vmem_shared>>
        %dma_wait3A_174 = arith.constant 0 : i32
        %dma_wait3A_175 = arith.constant 0 : i32
        %dma_wait3A_176 = tpu.memref_slice %arg6[%dma_wait3A_174, %dma_wait3A_175] : memref<64x128xf32, #tpu.memory_space<vmem>> -> memref<40x128xf32, #tpu.memory_space<vmem>>
        tpu.wait_dma2 semaphore(%run_scoped3A : memref<!tpu.dma_semaphore, #tpu.memory_space<semaphore_mem>>) src(%dma_wait3A_176 : memref<40x128xf32, #tpu.memory_space<vmem>>) dst(%dma_wait3A_173 : memref<40x128xf32, #tpu.memory_space<vmem_shared>>)
        tpu.yield
      }) : () -> ()
    } else {
    }
    %mul3A_18 = arith.constant 8 : i32
    %mul3A_19 = arith.muli %arg1, %mul3A_18 : i32
    %add3A_20 = arith.constant 2 : i32
    %add3A_21 = arith.addi %mul3A_19, %add3A_20 : i32
    %lt3A_22 = arith.constant 125 : i32
    %lt3A_23 = arith.cmpi slt, %add3A_21, %lt3A_22 : i32
    %convert_element_type3A_24 = arith.extui %lt3A_23 : i1 to i32
    %cond3A_25 = arith.constant 0 : i32
    %cond3A_26 = arith.cmpi ne, %convert_element_type3A_24, %cond3A_25 : i32
    scf.if %cond3A_26 {
      %mul3A_157 = arith.constant 40 : i32
      %mul3A_158 = arith.muli %add3A_21, %mul3A_157 : i32
      "tpu.region"() ({
        %run_scoped3A = tpu.sem_alloc : memref<!tpu.dma_semaphore, #tpu.memory_space<semaphore_mem>>
        %dma_start3A = arith.constant 0 : i32
        %dma_start3A_159 = arith.constant 0 : i32
        %dma_start3A_160 = tpu.memref_slice %arg6[%dma_start3A, %dma_start3A_159] : memref<64x128xf32, #tpu.memory_space<vmem>> -> memref<40x128xf32, #tpu.memory_space<vmem>>
        %dma_start3A_161 = arith.constant 0 : i32
        %dma_start3A_162 = tpu.memref_slice %arg4[%mul3A_158, %dma_start3A_161] : memref<5008x128xf32, #tpu.memory_space<vmem_shared>> -> memref<40x128xf32, #tpu.memory_space<vmem_shared>>
        %dma_start3A_163 = arith.constant 0 : i32
        %dma_start3A_164 = tpu.memref_slice %arg4[%mul3A_158, %dma_start3A_163] : memref<5008x128xf32, #tpu.memory_space<vmem_shared>> -> memref<40x128xf32, #tpu.memory_space<vmem_shared>>
        %dma_start3A_165 = arith.constant 0 : i32
        %dma_start3A_166 = arith.constant 0 : i32
        %dma_start3A_167 = tpu.memref_slice %arg6[%dma_start3A_165, %dma_start3A_166] : memref<64x128xf32, #tpu.memory_space<vmem>> -> memref<40x128xf32, #tpu.memory_space<vmem>>
        tpu.enqueue_dma source(%dma_start3A_167 : memref<40x128xf32, #tpu.memory_space<vmem>>) target(%dma_start3A_164 : memref<40x128xf32, #tpu.memory_space<vmem_shared>>) target_semaphore(%run_scoped3A : memref<!tpu.dma_semaphore, #tpu.memory_space<semaphore_mem>>)
        %dma_wait3A = arith.constant 0 : i32
        %dma_wait3A_168 = arith.constant 0 : i32
        %dma_wait3A_169 = tpu.memref_slice %arg6[%dma_wait3A, %dma_wait3A_168] : memref<64x128xf32, #tpu.memory_space<vmem>> -> memref<40x128xf32, #tpu.memory_space<vmem>>
        %dma_wait3A_170 = arith.constant 0 : i32
        %dma_wait3A_171 = tpu.memref_slice %arg4[%mul3A_158, %dma_wait3A_170] : memref<5008x128xf32, #tpu.memory_space<vmem_shared>> -> memref<40x128xf32, #tpu.memory_space<vmem_shared>>
        %dma_wait3A_172 = arith.constant 0 : i32
        %dma_wait3A_173 = tpu.memref_slice %arg4[%mul3A_158, %dma_wait3A_172] : memref<5008x128xf32, #tpu.memory_space<vmem_shared>> -> memref<40x128xf32, #tpu.memory_space<vmem_shared>>
        %dma_wait3A_174 = arith.constant 0 : i32
        %dma_wait3A_175 = arith.constant 0 : i32
        %dma_wait3A_176 = tpu.memref_slice %arg6[%dma_wait3A_174, %dma_wait3A_175] : memref<64x128xf32, #tpu.memory_space<vmem>> -> memref<40x128xf32, #tpu.memory_space<vmem>>
        tpu.wait_dma2 semaphore(%run_scoped3A : memref<!tpu.dma_semaphore, #tpu.memory_space<semaphore_mem>>) src(%dma_wait3A_176 : memref<40x128xf32, #tpu.memory_space<vmem>>) dst(%dma_wait3A_173 : memref<40x128xf32, #tpu.memory_space<vmem_shared>>)
        tpu.yield
      }) : () -> ()
    } else {
    }
    %mul3A_27 = arith.constant 8 : i32
    %mul3A_28 = arith.muli %arg1, %mul3A_27 : i32
    %add3A_29 = arith.constant 3 : i32
    %add3A_30 = arith.addi %mul3A_28, %add3A_29 : i32
    %lt3A_31 = arith.constant 125 : i32
    %lt3A_32 = arith.cmpi slt, %add3A_30, %lt3A_31 : i32
    %convert_element_type3A_33 = arith.extui %lt3A_32 : i1 to i32
    %cond3A_34 = arith.constant 0 : i32
    %cond3A_35 = arith.cmpi ne, %convert_element_type3A_33, %cond3A_34 : i32
    scf.if %cond3A_35 {
      %mul3A_157 = arith.constant 40 : i32
      %mul3A_158 = arith.muli %add3A_30, %mul3A_157 : i32
      "tpu.region"() ({
        %run_scoped3A = tpu.sem_alloc : memref<!tpu.dma_semaphore, #tpu.memory_space<semaphore_mem>>
        %dma_start3A = arith.constant 0 : i32
        %dma_start3A_159 = arith.constant 0 : i32
        %dma_start3A_160 = tpu.memref_slice %arg6[%dma_start3A, %dma_start3A_159] : memref<64x128xf32, #tpu.memory_space<vmem>> -> memref<40x128xf32, #tpu.memory_space<vmem>>
        %dma_start3A_161 = arith.constant 0 : i32
        %dma_start3A_162 = tpu.memref_slice %arg4[%mul3A_158, %dma_start3A_161] : memref<5008x128xf32, #tpu.memory_space<vmem_shared>> -> memref<40x128xf32, #tpu.memory_space<vmem_shared>>
        %dma_start3A_163 = arith.constant 0 : i32
        %dma_start3A_164 = tpu.memref_slice %arg4[%mul3A_158, %dma_start3A_163] : memref<5008x128xf32, #tpu.memory_space<vmem_shared>> -> memref<40x128xf32, #tpu.memory_space<vmem_shared>>
        %dma_start3A_165 = arith.constant 0 : i32
        %dma_start3A_166 = arith.constant 0 : i32
        %dma_start3A_167 = tpu.memref_slice %arg6[%dma_start3A_165, %dma_start3A_166] : memref<64x128xf32, #tpu.memory_space<vmem>> -> memref<40x128xf32, #tpu.memory_space<vmem>>
        tpu.enqueue_dma source(%dma_start3A_167 : memref<40x128xf32, #tpu.memory_space<vmem>>) target(%dma_start3A_164 : memref<40x128xf32, #tpu.memory_space<vmem_shared>>) target_semaphore(%run_scoped3A : memref<!tpu.dma_semaphore, #tpu.memory_space<semaphore_mem>>)
        %dma_wait3A = arith.constant 0 : i32
        %dma_wait3A_168 = arith.constant 0 : i32
        %dma_wait3A_169 = tpu.memref_slice %arg6[%dma_wait3A, %dma_wait3A_168] : memref<64x128xf32, #tpu.memory_space<vmem>> -> memref<40x128xf32, #tpu.memory_space<vmem>>
        %dma_wait3A_170 = arith.constant 0 : i32
        %dma_wait3A_171 = tpu.memref_slice %arg4[%mul3A_158, %dma_wait3A_170] : memref<5008x128xf32, #tpu.memory_space<vmem_shared>> -> memref<40x128xf32, #tpu.memory_space<vmem_shared>>
        %dma_wait3A_172 = arith.constant 0 : i32
        %dma_wait3A_173 = tpu.memref_slice %arg4[%mul3A_158, %dma_wait3A_172] : memref<5008x128xf32, #tpu.memory_space<vmem_shared>> -> memref<40x128xf32, #tpu.memory_space<vmem_shared>>
        %dma_wait3A_174 = arith.constant 0 : i32
        %dma_wait3A_175 = arith.constant 0 : i32
        %dma_wait3A_176 = tpu.memref_slice %arg6[%dma_wait3A_174, %dma_wait3A_175] : memref<64x128xf32, #tpu.memory_space<vmem>> -> memref<40x128xf32, #tpu.memory_space<vmem>>
        tpu.wait_dma2 semaphore(%run_scoped3A : memref<!tpu.dma_semaphore, #tpu.memory_space<semaphore_mem>>) src(%dma_wait3A_176 : memref<40x128xf32, #tpu.memory_space<vmem>>) dst(%dma_wait3A_173 : memref<40x128xf32, #tpu.memory_space<vmem_shared>>)
        tpu.yield
      }) : () -> ()
    } else {
    }
    %mul3A_36 = arith.constant 8 : i32
    %mul3A_37 = arith.muli %arg1, %mul3A_36 : i32
    %add3A_38 = arith.constant 4 : i32
    %add3A_39 = arith.addi %mul3A_37, %add3A_38 : i32
    %lt3A_40 = arith.constant 125 : i32
    %lt3A_41 = arith.cmpi slt, %add3A_39, %lt3A_40 : i32
    %convert_element_type3A_42 = arith.extui %lt3A_41 : i1 to i32
    %cond3A_43 = arith.constant 0 : i32
    %cond3A_44 = arith.cmpi ne, %convert_element_type3A_42, %cond3A_43 : i32
    scf.if %cond3A_44 {
      %mul3A_157 = arith.constant 40 : i32
      %mul3A_158 = arith.muli %add3A_39, %mul3A_157 : i32
      "tpu.region"() ({
        %run_scoped3A = tpu.sem_alloc : memref<!tpu.dma_semaphore, #tpu.memory_space<semaphore_mem>>
        %dma_start3A = arith.constant 0 : i32
        %dma_start3A_159 = arith.constant 0 : i32
        %dma_start3A_160 = tpu.memref_slice %arg6[%dma_start3A, %dma_start3A_159] : memref<64x128xf32, #tpu.memory_space<vmem>> -> memref<40x128xf32, #tpu.memory_space<vmem>>
        %dma_start3A_161 = arith.constant 0 : i32
        %dma_start3A_162 = tpu.memref_slice %arg4[%mul3A_158, %dma_start3A_161] : memref<5008x128xf32, #tpu.memory_space<vmem_shared>> -> memref<40x128xf32, #tpu.memory_space<vmem_shared>>
        %dma_start3A_163 = arith.constant 0 : i32
        %dma_start3A_164 = tpu.memref_slice %arg4[%mul3A_158, %dma_start3A_163] : memref<5008x128xf32, #tpu.memory_space<vmem_shared>> -> memref<40x128xf32, #tpu.memory_space<vmem_shared>>
        %dma_start3A_165 = arith.constant 0 : i32
        %dma_start3A_166 = arith.constant 0 : i32
        %dma_start3A_167 = tpu.memref_slice %arg6[%dma_start3A_165, %dma_start3A_166] : memref<64x128xf32, #tpu.memory_space<vmem>> -> memref<40x128xf32, #tpu.memory_space<vmem>>
        tpu.enqueue_dma source(%dma_start3A_167 : memref<40x128xf32, #tpu.memory_space<vmem>>) target(%dma_start3A_164 : memref<40x128xf32, #tpu.memory_space<vmem_shared>>) target_semaphore(%run_scoped3A : memref<!tpu.dma_semaphore, #tpu.memory_space<semaphore_mem>>)
        %dma_wait3A = arith.constant 0 : i32
        %dma_wait3A_168 = arith.constant 0 : i32
        %dma_wait3A_169 = tpu.memref_slice %arg6[%dma_wait3A, %dma_wait3A_168] : memref<64x128xf32, #tpu.memory_space<vmem>> -> memref<40x128xf32, #tpu.memory_space<vmem>>
        %dma_wait3A_170 = arith.constant 0 : i32
        %dma_wait3A_171 = tpu.memref_slice %arg4[%mul3A_158, %dma_wait3A_170] : memref<5008x128xf32, #tpu.memory_space<vmem_shared>> -> memref<40x128xf32, #tpu.memory_space<vmem_shared>>
        %dma_wait3A_172 = arith.constant 0 : i32
        %dma_wait3A_173 = tpu.memref_slice %arg4[%mul3A_158, %dma_wait3A_172] : memref<5008x128xf32, #tpu.memory_space<vmem_shared>> -> memref<40x128xf32, #tpu.memory_space<vmem_shared>>
        %dma_wait3A_174 = arith.constant 0 : i32
        %dma_wait3A_175 = arith.constant 0 : i32
        %dma_wait3A_176 = tpu.memref_slice %arg6[%dma_wait3A_174, %dma_wait3A_175] : memref<64x128xf32, #tpu.memory_space<vmem>> -> memref<40x128xf32, #tpu.memory_space<vmem>>
        tpu.wait_dma2 semaphore(%run_scoped3A : memref<!tpu.dma_semaphore, #tpu.memory_space<semaphore_mem>>) src(%dma_wait3A_176 : memref<40x128xf32, #tpu.memory_space<vmem>>) dst(%dma_wait3A_173 : memref<40x128xf32, #tpu.memory_space<vmem_shared>>)
        tpu.yield
      }) : () -> ()
    } else {
    }
    %mul3A_45 = arith.constant 8 : i32
    %mul3A_46 = arith.muli %arg1, %mul3A_45 : i32
    %add3A_47 = arith.constant 5 : i32
    %add3A_48 = arith.addi %mul3A_46, %add3A_47 : i32
    %lt3A_49 = arith.constant 125 : i32
    %lt3A_50 = arith.cmpi slt, %add3A_48, %lt3A_49 : i32
    %convert_element_type3A_51 = arith.extui %lt3A_50 : i1 to i32
    %cond3A_52 = arith.constant 0 : i32
    %cond3A_53 = arith.cmpi ne, %convert_element_type3A_51, %cond3A_52 : i32
    scf.if %cond3A_53 {
      %mul3A_157 = arith.constant 40 : i32
      %mul3A_158 = arith.muli %add3A_48, %mul3A_157 : i32
      "tpu.region"() ({
        %run_scoped3A = tpu.sem_alloc : memref<!tpu.dma_semaphore, #tpu.memory_space<semaphore_mem>>
        %dma_start3A = arith.constant 0 : i32
        %dma_start3A_159 = arith.constant 0 : i32
        %dma_start3A_160 = tpu.memref_slice %arg6[%dma_start3A, %dma_start3A_159] : memref<64x128xf32, #tpu.memory_space<vmem>> -> memref<40x128xf32, #tpu.memory_space<vmem>>
        %dma_start3A_161 = arith.constant 0 : i32
        %dma_start3A_162 = tpu.memref_slice %arg4[%mul3A_158, %dma_start3A_161] : memref<5008x128xf32, #tpu.memory_space<vmem_shared>> -> memref<40x128xf32, #tpu.memory_space<vmem_shared>>
        %dma_start3A_163 = arith.constant 0 : i32
        %dma_start3A_164 = tpu.memref_slice %arg4[%mul3A_158, %dma_start3A_163] : memref<5008x128xf32, #tpu.memory_space<vmem_shared>> -> memref<40x128xf32, #tpu.memory_space<vmem_shared>>
        %dma_start3A_165 = arith.constant 0 : i32
        %dma_start3A_166 = arith.constant 0 : i32
        %dma_start3A_167 = tpu.memref_slice %arg6[%dma_start3A_165, %dma_start3A_166] : memref<64x128xf32, #tpu.memory_space<vmem>> -> memref<40x128xf32, #tpu.memory_space<vmem>>
        tpu.enqueue_dma source(%dma_start3A_167 : memref<40x128xf32, #tpu.memory_space<vmem>>) target(%dma_start3A_164 : memref<40x128xf32, #tpu.memory_space<vmem_shared>>) target_semaphore(%run_scoped3A : memref<!tpu.dma_semaphore, #tpu.memory_space<semaphore_mem>>)
        %dma_wait3A = arith.constant 0 : i32
        %dma_wait3A_168 = arith.constant 0 : i32
        %dma_wait3A_169 = tpu.memref_slice %arg6[%dma_wait3A, %dma_wait3A_168] : memref<64x128xf32, #tpu.memory_space<vmem>> -> memref<40x128xf32, #tpu.memory_space<vmem>>
        %dma_wait3A_170 = arith.constant 0 : i32
        %dma_wait3A_171 = tpu.memref_slice %arg4[%mul3A_158, %dma_wait3A_170] : memref<5008x128xf32, #tpu.memory_space<vmem_shared>> -> memref<40x128xf32, #tpu.memory_space<vmem_shared>>
        %dma_wait3A_172 = arith.constant 0 : i32
        %dma_wait3A_173 = tpu.memref_slice %arg4[%mul3A_158, %dma_wait3A_172] : memref<5008x128xf32, #tpu.memory_space<vmem_shared>> -> memref<40x128xf32, #tpu.memory_space<vmem_shared>>
        %dma_wait3A_174 = arith.constant 0 : i32
        %dma_wait3A_175 = arith.constant 0 : i32
        %dma_wait3A_176 = tpu.memref_slice %arg6[%dma_wait3A_174, %dma_wait3A_175] : memref<64x128xf32, #tpu.memory_space<vmem>> -> memref<40x128xf32, #tpu.memory_space<vmem>>
        tpu.wait_dma2 semaphore(%run_scoped3A : memref<!tpu.dma_semaphore, #tpu.memory_space<semaphore_mem>>) src(%dma_wait3A_176 : memref<40x128xf32, #tpu.memory_space<vmem>>) dst(%dma_wait3A_173 : memref<40x128xf32, #tpu.memory_space<vmem_shared>>)
        tpu.yield
      }) : () -> ()
    } else {
    }
    %mul3A_54 = arith.constant 8 : i32
    %mul3A_55 = arith.muli %arg1, %mul3A_54 : i32
    %add3A_56 = arith.constant 6 : i32
    %add3A_57 = arith.addi %mul3A_55, %add3A_56 : i32
    %lt3A_58 = arith.constant 125 : i32
    %lt3A_59 = arith.cmpi slt, %add3A_57, %lt3A_58 : i32
    %convert_element_type3A_60 = arith.extui %lt3A_59 : i1 to i32
    %cond3A_61 = arith.constant 0 : i32
    %cond3A_62 = arith.cmpi ne, %convert_element_type3A_60, %cond3A_61 : i32
    scf.if %cond3A_62 {
      %mul3A_157 = arith.constant 40 : i32
      %mul3A_158 = arith.muli %add3A_57, %mul3A_157 : i32
      "tpu.region"() ({
        %run_scoped3A = tpu.sem_alloc : memref<!tpu.dma_semaphore, #tpu.memory_space<semaphore_mem>>
        %dma_start3A = arith.constant 0 : i32
        %dma_start3A_159 = arith.constant 0 : i32
        %dma_start3A_160 = tpu.memref_slice %arg6[%dma_start3A, %dma_start3A_159] : memref<64x128xf32, #tpu.memory_space<vmem>> -> memref<40x128xf32, #tpu.memory_space<vmem>>
        %dma_start3A_161 = arith.constant 0 : i32
        %dma_start3A_162 = tpu.memref_slice %arg4[%mul3A_158, %dma_start3A_161] : memref<5008x128xf32, #tpu.memory_space<vmem_shared>> -> memref<40x128xf32, #tpu.memory_space<vmem_shared>>
        %dma_start3A_163 = arith.constant 0 : i32
        %dma_start3A_164 = tpu.memref_slice %arg4[%mul3A_158, %dma_start3A_163] : memref<5008x128xf32, #tpu.memory_space<vmem_shared>> -> memref<40x128xf32, #tpu.memory_space<vmem_shared>>
        %dma_start3A_165 = arith.constant 0 : i32
        %dma_start3A_166 = arith.constant 0 : i32
        %dma_start3A_167 = tpu.memref_slice %arg6[%dma_start3A_165, %dma_start3A_166] : memref<64x128xf32, #tpu.memory_space<vmem>> -> memref<40x128xf32, #tpu.memory_space<vmem>>
        tpu.enqueue_dma source(%dma_start3A_167 : memref<40x128xf32, #tpu.memory_space<vmem>>) target(%dma_start3A_164 : memref<40x128xf32, #tpu.memory_space<vmem_shared>>) target_semaphore(%run_scoped3A : memref<!tpu.dma_semaphore, #tpu.memory_space<semaphore_mem>>)
        %dma_wait3A = arith.constant 0 : i32
        %dma_wait3A_168 = arith.constant 0 : i32
        %dma_wait3A_169 = tpu.memref_slice %arg6[%dma_wait3A, %dma_wait3A_168] : memref<64x128xf32, #tpu.memory_space<vmem>> -> memref<40x128xf32, #tpu.memory_space<vmem>>
        %dma_wait3A_170 = arith.constant 0 : i32
        %dma_wait3A_171 = tpu.memref_slice %arg4[%mul3A_158, %dma_wait3A_170] : memref<5008x128xf32, #tpu.memory_space<vmem_shared>> -> memref<40x128xf32, #tpu.memory_space<vmem_shared>>
        %dma_wait3A_172 = arith.constant 0 : i32
        %dma_wait3A_173 = tpu.memref_slice %arg4[%mul3A_158, %dma_wait3A_172] : memref<5008x128xf32, #tpu.memory_space<vmem_shared>> -> memref<40x128xf32, #tpu.memory_space<vmem_shared>>
        %dma_wait3A_174 = arith.constant 0 : i32
        %dma_wait3A_175 = arith.constant 0 : i32
        %dma_wait3A_176 = tpu.memref_slice %arg6[%dma_wait3A_174, %dma_wait3A_175] : memref<64x128xf32, #tpu.memory_space<vmem>> -> memref<40x128xf32, #tpu.memory_space<vmem>>
        tpu.wait_dma2 semaphore(%run_scoped3A : memref<!tpu.dma_semaphore, #tpu.memory_space<semaphore_mem>>) src(%dma_wait3A_176 : memref<40x128xf32, #tpu.memory_space<vmem>>) dst(%dma_wait3A_173 : memref<40x128xf32, #tpu.memory_space<vmem_shared>>)
        tpu.yield
      }) : () -> ()
    } else {
    }
    %mul3A_63 = arith.constant 8 : i32
    %mul3A_64 = arith.muli %arg1, %mul3A_63 : i32
    %add3A_65 = arith.constant 7 : i32
    %add3A_66 = arith.addi %mul3A_64, %add3A_65 : i32
    %lt3A_67 = arith.constant 125 : i32
    %lt3A_68 = arith.cmpi slt, %add3A_66, %lt3A_67 : i32
    %convert_element_type3A_69 = arith.extui %lt3A_68 : i1 to i32
    %cond3A_70 = arith.constant 0 : i32
    %cond3A_71 = arith.cmpi ne, %convert_element_type3A_69, %cond3A_70 : i32
    scf.if %cond3A_71 {
      %mul3A_157 = arith.constant 40 : i32
      %mul3A_158 = arith.muli %add3A_66, %mul3A_157 : i32
      "tpu.region"() ({
        %run_scoped3A = tpu.sem_alloc : memref<!tpu.dma_semaphore, #tpu.memory_space<semaphore_mem>>
        %dma_start3A = arith.constant 0 : i32
        %dma_start3A_159 = arith.constant 0 : i32
        %dma_start3A_160 = tpu.memref_slice %arg6[%dma_start3A, %dma_start3A_159] : memref<64x128xf32, #tpu.memory_space<vmem>> -> memref<40x128xf32, #tpu.memory_space<vmem>>
        %dma_start3A_161 = arith.constant 0 : i32
        %dma_start3A_162 = tpu.memref_slice %arg4[%mul3A_158, %dma_start3A_161] : memref<5008x128xf32, #tpu.memory_space<vmem_shared>> -> memref<40x128xf32, #tpu.memory_space<vmem_shared>>
        %dma_start3A_163 = arith.constant 0 : i32
        %dma_start3A_164 = tpu.memref_slice %arg4[%mul3A_158, %dma_start3A_163] : memref<5008x128xf32, #tpu.memory_space<vmem_shared>> -> memref<40x128xf32, #tpu.memory_space<vmem_shared>>
        %dma_start3A_165 = arith.constant 0 : i32
        %dma_start3A_166 = arith.constant 0 : i32
        %dma_start3A_167 = tpu.memref_slice %arg6[%dma_start3A_165, %dma_start3A_166] : memref<64x128xf32, #tpu.memory_space<vmem>> -> memref<40x128xf32, #tpu.memory_space<vmem>>
        tpu.enqueue_dma source(%dma_start3A_167 : memref<40x128xf32, #tpu.memory_space<vmem>>) target(%dma_start3A_164 : memref<40x128xf32, #tpu.memory_space<vmem_shared>>) target_semaphore(%run_scoped3A : memref<!tpu.dma_semaphore, #tpu.memory_space<semaphore_mem>>)
        %dma_wait3A = arith.constant 0 : i32
        %dma_wait3A_168 = arith.constant 0 : i32
        %dma_wait3A_169 = tpu.memref_slice %arg6[%dma_wait3A, %dma_wait3A_168] : memref<64x128xf32, #tpu.memory_space<vmem>> -> memref<40x128xf32, #tpu.memory_space<vmem>>
        %dma_wait3A_170 = arith.constant 0 : i32
        %dma_wait3A_171 = tpu.memref_slice %arg4[%mul3A_158, %dma_wait3A_170] : memref<5008x128xf32, #tpu.memory_space<vmem_shared>> -> memref<40x128xf32, #tpu.memory_space<vmem_shared>>
        %dma_wait3A_172 = arith.constant 0 : i32
        %dma_wait3A_173 = tpu.memref_slice %arg4[%mul3A_158, %dma_wait3A_172] : memref<5008x128xf32, #tpu.memory_space<vmem_shared>> -> memref<40x128xf32, #tpu.memory_space<vmem_shared>>
        %dma_wait3A_174 = arith.constant 0 : i32
        %dma_wait3A_175 = arith.constant 0 : i32
        %dma_wait3A_176 = tpu.memref_slice %arg6[%dma_wait3A_174, %dma_wait3A_175] : memref<64x128xf32, #tpu.memory_space<vmem>> -> memref<40x128xf32, #tpu.memory_space<vmem>>
        tpu.wait_dma2 semaphore(%run_scoped3A : memref<!tpu.dma_semaphore, #tpu.memory_space<semaphore_mem>>) src(%dma_wait3A_176 : memref<40x128xf32, #tpu.memory_space<vmem>>) dst(%dma_wait3A_173 : memref<40x128xf32, #tpu.memory_space<vmem_shared>>)
        tpu.yield
      }) : () -> ()
    } else {
    }
    %scan3A_72 = arith.constant 0 : i32
    %scan3A_73 = arith.constant 0 : i32
    %scan3A_74 = arith.constant 64 : i32
    %scan3A_75 = arith.addi %scan3A_73, %scan3A_74 : i32
    %scan3A_76 = arith.constant 1 : i32
    scf.for %scan3A_157 = %scan3A_73 to %scan3A_75 step %scan3A_76  : i32 {
      %broadcast_in_dim3A = arith.constant 1.000000e+00 : f32
      %broadcast_in_dim3A_158 = vector.broadcast %broadcast_in_dim3A : f32 to vector<16xf32>
      %swap3A = arith.index_cast %scan3A_157 : i32 to index
      %swap3A_159 = arith.constant 0 : index
      %swap3A_160 = tpu.vector_load %arg6[%swap3A, %swap3A_159] {strides = array<i32>} : memref<64x128xf32, #tpu.memory_space<vmem>>, vector<1x16xf32>,
      %swap3A_161 = vector.shape_cast %swap3A_160 : vector<1x16xf32> to vector<16xf32>
      %swap3A_162 = vector.shape_cast %broadcast_in_dim3A_158 : vector<16xf32> to vector<1x16xf32>
      tpu.vector_store %arg6[%swap3A, %swap3A_159], %swap3A_162 {strides = array<i32>} : memref<64x128xf32, #tpu.memory_space<vmem>>, vector<1x16xf32>,
      %broadcast_in_dim3A_163 = arith.constant 1.000000e+00 : f32
      %broadcast_in_dim3A_164 = vector.broadcast %broadcast_in_dim3A_163 : f32 to vector<16xf32>
      %swap3A_165 = arith.index_cast %scan3A_157 : i32 to index
      %swap3A_166 = arith.constant 16 : index
      %swap3A_167 = tpu.vector_load %arg6[%swap3A_165, %swap3A_166] {strides = array<i32>} : memref<64x128xf32, #tpu.memory_space<vmem>>, vector<1x16xf32>,
      %swap3A_168 = vector.shape_cast %swap3A_167 : vector<1x16xf32> to vector<16xf32>
      %swap3A_169 = vector.shape_cast %broadcast_in_dim3A_164 : vector<16xf32> to vector<1x16xf32>
      tpu.vector_store %arg6[%swap3A_165, %swap3A_166], %swap3A_169 {strides = array<i32>} : memref<64x128xf32, #tpu.memory_space<vmem>>, vector<1x16xf32>,
      %broadcast_in_dim3A_170 = arith.constant 1.000000e+00 : f32
      %broadcast_in_dim3A_171 = vector.broadcast %broadcast_in_dim3A_170 : f32 to vector<16xf32>
      %swap3A_172 = arith.index_cast %scan3A_157 : i32 to index
      %swap3A_173 = arith.constant 32 : index
      %swap3A_174 = tpu.vector_load %arg6[%swap3A_172, %swap3A_173] {strides = array<i32>} : memref<64x128xf32, #tpu.memory_space<vmem>>, vector<1x16xf32>,
      %swap3A_175 = vector.shape_cast %swap3A_174 : vector<1x16xf32> to vector<16xf32>
      %swap3A_176 = vector.shape_cast %broadcast_in_dim3A_171 : vector<16xf32> to vector<1x16xf32>
      tpu.vector_store %arg6[%swap3A_172, %swap3A_173], %swap3A_176 {strides = array<i32>} : memref<64x128xf32, #tpu.memory_space<vmem>>, vector<1x16xf32>,
      %broadcast_in_dim3A_177 = arith.constant 1.000000e+00 : f32
      %broadcast_in_dim3A_178 = vector.broadcast %broadcast_in_dim3A_177 : f32 to vector<16xf32>
      %swap3A_179 = arith.index_cast %scan3A_157 : i32 to index
      %swap3A_180 = arith.constant 48 : index
      %swap3A_181 = tpu.vector_load %arg6[%swap3A_179, %swap3A_180] {strides = array<i32>} : memref<64x128xf32, #tpu.memory_space<vmem>>, vector<1x16xf32>,
      %swap3A_182 = vector.shape_cast %swap3A_181 : vector<1x16xf32> to vector<16xf32>
      %swap3A_183 = vector.shape_cast %broadcast_in_dim3A_178 : vector<16xf32> to vector<1x16xf32>
      tpu.vector_store %arg6[%swap3A_179, %swap3A_180], %swap3A_183 {strides = array<i32>} : memref<64x128xf32, #tpu.memory_space<vmem>>, vector<1x16xf32>,
      %broadcast_in_dim3A_184 = arith.constant 1.000000e+00 : f32
      %broadcast_in_dim3A_185 = vector.broadcast %broadcast_in_dim3A_184 : f32 to vector<16xf32>
      %swap3A_186 = arith.index_cast %scan3A_157 : i32 to index
      %swap3A_187 = arith.constant 64 : index
      %swap3A_188 = tpu.vector_load %arg6[%swap3A_186, %swap3A_187] {strides = array<i32>} : memref<64x128xf32, #tpu.memory_space<vmem>>, vector<1x16xf32>,
      %swap3A_189 = vector.shape_cast %swap3A_188 : vector<1x16xf32> to vector<16xf32>
      %swap3A_190 = vector.shape_cast %broadcast_in_dim3A_185 : vector<16xf32> to vector<1x16xf32>
      tpu.vector_store %arg6[%swap3A_186, %swap3A_187], %swap3A_190 {strides = array<i32>} : memref<64x128xf32, #tpu.memory_space<vmem>>, vector<1x16xf32>,
      %broadcast_in_dim3A_191 = arith.constant 1.000000e+00 : f32
      %broadcast_in_dim3A_192 = vector.broadcast %broadcast_in_dim3A_191 : f32 to vector<16xf32>
      %swap3A_193 = arith.index_cast %scan3A_157 : i32 to index
      %swap3A_194 = arith.constant 80 : index
      %swap3A_195 = tpu.vector_load %arg6[%swap3A_193, %swap3A_194] {strides = array<i32>} : memref<64x128xf32, #tpu.memory_space<vmem>>, vector<1x16xf32>,
      %swap3A_196 = vector.shape_cast %swap3A_195 : vector<1x16xf32> to vector<16xf32>
      %swap3A_197 = vector.shape_cast %broadcast_in_dim3A_192 : vector<16xf32> to vector<1x16xf32>
      tpu.vector_store %arg6[%swap3A_193, %swap3A_194], %swap3A_197 {strides = array<i32>} : memref<64x128xf32, #tpu.memory_space<vmem>>, vector<1x16xf32>,
      %broadcast_in_dim3A_198 = arith.constant 1.000000e+00 : f32
      %broadcast_in_dim3A_199 = vector.broadcast %broadcast_in_dim3A_198 : f32 to vector<16xf32>
      %swap3A_200 = arith.index_cast %scan3A_157 : i32 to index
      %swap3A_201 = arith.constant 96 : index
      %swap3A_202 = tpu.vector_load %arg6[%swap3A_200, %swap3A_201] {strides = array<i32>} : memref<64x128xf32, #tpu.memory_space<vmem>>, vector<1x16xf32>,
      %swap3A_203 = vector.shape_cast %swap3A_202 : vector<1x16xf32> to vector<16xf32>
      %swap3A_204 = vector.shape_cast %broadcast_in_dim3A_199 : vector<16xf32> to vector<1x16xf32>
      tpu.vector_store %arg6[%swap3A_200, %swap3A_201], %swap3A_204 {strides = array<i32>} : memref<64x128xf32, #tpu.memory_space<vmem>>, vector<1x16xf32>,
      %broadcast_in_dim3A_205 = arith.constant 1.000000e+00 : f32
      %broadcast_in_dim3A_206 = vector.broadcast %broadcast_in_dim3A_205 : f32 to vector<16xf32>
      %swap3A_207 = arith.index_cast %scan3A_157 : i32 to index
      %swap3A_208 = arith.constant 112 : index
      %swap3A_209 = tpu.vector_load %arg6[%swap3A_207, %swap3A_208] {strides = array<i32>} : memref<64x128xf32, #tpu.memory_space<vmem>>, vector<1x16xf32>,
      %swap3A_210 = vector.shape_cast %swap3A_209 : vector<1x16xf32> to vector<16xf32>
      %swap3A_211 = vector.shape_cast %broadcast_in_dim3A_206 : vector<16xf32> to vector<1x16xf32>
      tpu.vector_store %arg6[%swap3A_207, %swap3A_208], %swap3A_211 {strides = array<i32>} : memref<64x128xf32, #tpu.memory_space<vmem>>, vector<1x16xf32>,
    }
    %scan3A_77 = arith.constant 64 : i32
    %barrier3A = arith.constant 0 : index
    tpu.barrier barrier_id(%barrier3A)
    %scan3A_78 = arith.constant 0 : i32
    %scan3A_79 = arith.constant 0 : i32
    %scan3A_80 = arith.constant 313 : i32
    %scan3A_81 = arith.addi %scan3A_79, %scan3A_80 : i32
    %scan3A_82 = arith.constant 1 : i32
    scf.for %scan3A_157 = %scan3A_79 to %scan3A_81 step %scan3A_82  : i32 {
      %mul3A_158 = arith.constant 313 : i32
      %mul3A_159 = arith.muli %arg1, %mul3A_158 : i32
      %add3A_160 = arith.addi %mul3A_159, %scan3A_157 : i32
      %lt3A_161 = arith.constant 5000 : i32
      %lt3A_162 = arith.cmpi slt, %add3A_160, %lt3A_161 : i32
      %convert_element_type3A_163 = arith.extui %lt3A_162 : i1 to i32
      %cond3A_164 = arith.constant 0 : i32
      %cond3A_165 = arith.cmpi ne, %convert_element_type3A_163, %cond3A_164 : i32
      scf.if %cond3A_165 {
        %mul3A_166 = arith.constant 64 : i32
        %mul3A_167 = arith.muli %add3A_160, %mul3A_166 : i32
        %mul3A_168 = arith.constant 320000 : i32
        %mul3A_169 = arith.muli %arg0, %mul3A_168 : i32
        %add3A_170 = arith.addi %mul3A_169, %mul3A_167 : i32
        "tpu.region"() ({
          %run_scoped3A = tpu.sem_alloc : memref<!tpu.dma_semaphore, #tpu.memory_space<semaphore_mem>>
          %dma_start3A = tpu.memref_slice %arg2[%add3A_170] : memref<640000xi32, #tpu.memory_space<hbm>> -> memref<64xi32, #tpu.memory_space<hbm>>
          %dma_start3A_171 = tpu.memref_slice %arg2[%add3A_170] : memref<640000xi32, #tpu.memory_space<hbm>> -> memref<64xi32, #tpu.memory_space<hbm>>
          tpu.enqueue_dma source(%dma_start3A_171 : memref<64xi32, #tpu.memory_space<hbm>>) target(%arg5 : memref<64xi32, #tpu.memory_space<vmem>>) target_semaphore(%run_scoped3A : memref<!tpu.dma_semaphore, #tpu.memory_space<semaphore_mem>>)
          %dma_wait3A = tpu.memref_slice %arg2[%add3A_170] : memref<640000xi32, #tpu.memory_space<hbm>> -> memref<64xi32, #tpu.memory_space<hbm>>
          %dma_wait3A_172 = tpu.memref_slice %arg2[%add3A_170] : memref<640000xi32, #tpu.memory_space<hbm>> -> memref<64xi32, #tpu.memory_space<hbm>>
          tpu.wait_dma2 semaphore(%run_scoped3A : memref<!tpu.dma_semaphore, #tpu.memory_space<semaphore_mem>>) src(%dma_wait3A_172 : memref<64xi32, #tpu.memory_space<hbm>>) dst(%arg5 : memref<64xi32, #tpu.memory_space<vmem>>)
          tpu.yield
        }) : () -> ()
        "tpu.region"() ({
          %run_scoped3A = tpu.sem_alloc : memref<!tpu.dma_semaphore, #tpu.memory_space<semaphore_mem>>
          %dma_start3A = arith.constant 0 : i32
          %dma_start3A_171 = arith.constant 0 : i32
          %dma_start3A_172 = tpu.memref_slice %arg4[%dma_start3A, %dma_start3A_171] : memref<5008x128xf32, #tpu.memory_space<vmem_shared>> -> memref<5008x128xf32, #tpu.memory_space<vmem_shared>>
          tpu.enqueue_indirect_dma source(%arg6 : memref<64x128xf32, #tpu.memory_space<vmem>>) target(%dma_start3A_172 : memref<5008x128xf32, #tpu.memory_space<vmem_shared>>) offsets(%arg5 : memref<64xi32, #tpu.memory_space<vmem>>) semaphore(%run_scoped3A : memref<!tpu.dma_semaphore, #tpu.memory_space<semaphore_mem>>) {add = true}
          %dma_wait3A = arith.constant 0 : i32
          %dma_wait3A_173 = arith.constant 0 : i32
          %dma_wait3A_174 = tpu.memref_slice %arg4[%dma_wait3A, %dma_wait3A_173] : memref<5008x128xf32, #tpu.memory_space<vmem_shared>> -> memref<5008x128xf32, #tpu.memory_space<vmem_shared>>
          tpu.wait_indirect_dma semaphore(%run_scoped3A : memref<!tpu.dma_semaphore, #tpu.memory_space<semaphore_mem>>) src(%arg6 : memref<64x128xf32, #tpu.memory_space<vmem>>) dst(%dma_wait3A_174 : memref<5008x128xf32, #tpu.memory_space<vmem_shared>>)
          tpu.yield
        }) : () -> ()
      } else {
      }
    }
    %scan3A_83 = arith.constant 313 : i32
    %barrier3A_84 = arith.constant 0 : index
    tpu.barrier barrier_id(%barrier3A_84)
    %mul3A_85 = arith.constant 8 : i32
    %mul3A_86 = arith.muli %arg1, %mul3A_85 : i32
    %add3A_87 = arith.constant 0 : i32
    %add3A_88 = arith.addi %mul3A_86, %add3A_87 : i32
    %lt3A_89 = arith.constant 125 : i32
    %lt3A_90 = arith.cmpi slt, %add3A_88, %lt3A_89 : i32
    %convert_element_type3A_91 = arith.extui %lt3A_90 : i1 to i32
    %cond3A_92 = arith.constant 0 : i32
    %cond3A_93 = arith.cmpi ne, %convert_element_type3A_91, %cond3A_92 : i32
    scf.if %cond3A_93 {
      %mul3A_157 = arith.constant 40 : i32
      %mul3A_158 = arith.muli %add3A_88, %mul3A_157 : i32
      %mul3A_159 = arith.constant 5000 : i32
      %mul3A_160 = arith.muli %arg0, %mul3A_159 : i32
      %mul3A_161 = arith.constant 40 : i32
      %mul3A_162 = arith.muli %add3A_88, %mul3A_161 : i32
      %add3A_163 = arith.addi %mul3A_160, %mul3A_162 : i32
      "tpu.region"() ({
        %run_scoped3A = tpu.sem_alloc : memref<!tpu.dma_semaphore, #tpu.memory_space<semaphore_mem>>
        %dma_start3A = arith.constant 0 : i32
        %dma_start3A_164 = tpu.memref_slice %arg3[%add3A_163, %dma_start3A] : memref<10000x128xf32, #tpu.memory_space<hbm>> -> memref<40x128xf32, #tpu.memory_space<hbm>>
        %dma_start3A_165 = arith.constant 0 : i32
        %dma_start3A_166 = tpu.memref_slice %arg4[%mul3A_158, %dma_start3A_165] : memref<5008x128xf32, #tpu.memory_space<vmem_shared>> -> memref<40x128xf32, #tpu.memory_space<vmem_shared>>
        tpu.enqueue_dma source(%dma_start3A_166 : memref<40x128xf32, #tpu.memory_space<vmem_shared>>) target(%dma_start3A_164 : memref<40x128xf32, #tpu.memory_space<hbm>>) target_semaphore(%run_scoped3A : memref<!tpu.dma_semaphore, #tpu.memory_space<semaphore_mem>>)
        %dma_wait3A = arith.constant 0 : i32
        %dma_wait3A_167 = tpu.memref_slice %arg3[%add3A_163, %dma_wait3A] : memref<10000x128xf32, #tpu.memory_space<hbm>> -> memref<40x128xf32, #tpu.memory_space<hbm>>
        %dma_wait3A_168 = arith.constant 0 : i32
        %dma_wait3A_169 = tpu.memref_slice %arg4[%mul3A_158, %dma_wait3A_168] : memref<5008x128xf32, #tpu.memory_space<vmem_shared>> -> memref<40x128xf32, #tpu.memory_space<vmem_shared>>
        tpu.wait_dma2 semaphore(%run_scoped3A : memref<!tpu.dma_semaphore, #tpu.memory_space<semaphore_mem>>) src(%dma_wait3A_169 : memref<40x128xf32, #tpu.memory_space<vmem_shared>>) dst(%dma_wait3A_167 : memref<40x128xf32, #tpu.memory_space<hbm>>)
        tpu.yield
      }) : () -> ()
    } else {
    }
    %mul3A_94 = arith.constant 8 : i32
    %mul3A_95 = arith.muli %arg1, %mul3A_94 : i32
    %add3A_96 = arith.constant 1 : i32
    %add3A_97 = arith.addi %mul3A_95, %add3A_96 : i32
    %lt3A_98 = arith.constant 125 : i32
    %lt3A_99 = arith.cmpi slt, %add3A_97, %lt3A_98 : i32
    %convert_element_type3A_100 = arith.extui %lt3A_99 : i1 to i32
    %cond3A_101 = arith.constant 0 : i32
    %cond3A_102 = arith.cmpi ne, %convert_element_type3A_100, %cond3A_101 : i32
    scf.if %cond3A_102 {
      %mul3A_157 = arith.constant 40 : i32
      %mul3A_158 = arith.muli %add3A_97, %mul3A_157 : i32
      %mul3A_159 = arith.constant 5000 : i32
      %mul3A_160 = arith.muli %arg0, %mul3A_159 : i32
      %mul3A_161 = arith.constant 40 : i32
      %mul3A_162 = arith.muli %add3A_97, %mul3A_161 : i32
      %add3A_163 = arith.addi %mul3A_160, %mul3A_162 : i32
      "tpu.region"() ({
        %run_scoped3A = tpu.sem_alloc : memref<!tpu.dma_semaphore, #tpu.memory_space<semaphore_mem>>
        %dma_start3A = arith.constant 0 : i32
        %dma_start3A_164 = tpu.memref_slice %arg3[%add3A_163, %dma_start3A] : memref<10000x128xf32, #tpu.memory_space<hbm>> -> memref<40x128xf32, #tpu.memory_space<hbm>>
        %dma_start3A_165 = arith.constant 0 : i32
        %dma_start3A_166 = tpu.memref_slice %arg4[%mul3A_158, %dma_start3A_165] : memref<5008x128xf32, #tpu.memory_space<vmem_shared>> -> memref<40x128xf32, #tpu.memory_space<vmem_shared>>
        tpu.enqueue_dma source(%dma_start3A_166 : memref<40x128xf32, #tpu.memory_space<vmem_shared>>) target(%dma_start3A_164 : memref<40x128xf32, #tpu.memory_space<hbm>>) target_semaphore(%run_scoped3A : memref<!tpu.dma_semaphore, #tpu.memory_space<semaphore_mem>>)
        %dma_wait3A = arith.constant 0 : i32
        %dma_wait3A_167 = tpu.memref_slice %arg3[%add3A_163, %dma_wait3A] : memref<10000x128xf32, #tpu.memory_space<hbm>> -> memref<40x128xf32, #tpu.memory_space<hbm>>
        %dma_wait3A_168 = arith.constant 0 : i32
        %dma_wait3A_169 = tpu.memref_slice %arg4[%mul3A_158, %dma_wait3A_168] : memref<5008x128xf32, #tpu.memory_space<vmem_shared>> -> memref<40x128xf32, #tpu.memory_space<vmem_shared>>
        tpu.wait_dma2 semaphore(%run_scoped3A : memref<!tpu.dma_semaphore, #tpu.memory_space<semaphore_mem>>) src(%dma_wait3A_169 : memref<40x128xf32, #tpu.memory_space<vmem_shared>>) dst(%dma_wait3A_167 : memref<40x128xf32, #tpu.memory_space<hbm>>)
        tpu.yield
      }) : () -> ()
    } else {
    }
    %mul3A_103 = arith.constant 8 : i32
    %mul3A_104 = arith.muli %arg1, %mul3A_103 : i32
    %add3A_105 = arith.constant 2 : i32
    %add3A_106 = arith.addi %mul3A_104, %add3A_105 : i32
    %lt3A_107 = arith.constant 125 : i32
    %lt3A_108 = arith.cmpi slt, %add3A_106, %lt3A_107 : i32
    %convert_element_type3A_109 = arith.extui %lt3A_108 : i1 to i32
    %cond3A_110 = arith.constant 0 : i32
    %cond3A_111 = arith.cmpi ne, %convert_element_type3A_109, %cond3A_110 : i32
    scf.if %cond3A_111 {
      %mul3A_157 = arith.constant 40 : i32
      %mul3A_158 = arith.muli %add3A_106, %mul3A_157 : i32
      %mul3A_159 = arith.constant 5000 : i32
      %mul3A_160 = arith.muli %arg0, %mul3A_159 : i32
      %mul3A_161 = arith.constant 40 : i32
      %mul3A_162 = arith.muli %add3A_106, %mul3A_161 : i32
      %add3A_163 = arith.addi %mul3A_160, %mul3A_162 : i32
      "tpu.region"() ({
        %run_scoped3A = tpu.sem_alloc : memref<!tpu.dma_semaphore, #tpu.memory_space<semaphore_mem>>
        %dma_start3A = arith.constant 0 : i32
        %dma_start3A_164 = tpu.memref_slice %arg3[%add3A_163, %dma_start3A] : memref<10000x128xf32, #tpu.memory_space<hbm>> -> memref<40x128xf32, #tpu.memory_space<hbm>>
        %dma_start3A_165 = arith.constant 0 : i32
        %dma_start3A_166 = tpu.memref_slice %arg4[%mul3A_158, %dma_start3A_165] : memref<5008x128xf32, #tpu.memory_space<vmem_shared>> -> memref<40x128xf32, #tpu.memory_space<vmem_shared>>
        tpu.enqueue_dma source(%dma_start3A_166 : memref<40x128xf32, #tpu.memory_space<vmem_shared>>) target(%dma_start3A_164 : memref<40x128xf32, #tpu.memory_space<hbm>>) target_semaphore(%run_scoped3A : memref<!tpu.dma_semaphore, #tpu.memory_space<semaphore_mem>>)
        %dma_wait3A = arith.constant 0 : i32
        %dma_wait3A_167 = tpu.memref_slice %arg3[%add3A_163, %dma_wait3A] : memref<10000x128xf32, #tpu.memory_space<hbm>> -> memref<40x128xf32, #tpu.memory_space<hbm>>
        %dma_wait3A_168 = arith.constant 0 : i32
        %dma_wait3A_169 = tpu.memref_slice %arg4[%mul3A_158, %dma_wait3A_168] : memref<5008x128xf32, #tpu.memory_space<vmem_shared>> -> memref<40x128xf32, #tpu.memory_space<vmem_shared>>
        tpu.wait_dma2 semaphore(%run_scoped3A : memref<!tpu.dma_semaphore, #tpu.memory_space<semaphore_mem>>) src(%dma_wait3A_169 : memref<40x128xf32, #tpu.memory_space<vmem_shared>>) dst(%dma_wait3A_167 : memref<40x128xf32, #tpu.memory_space<hbm>>)
        tpu.yield
      }) : () -> ()
    } else {
    }
    %mul3A_112 = arith.constant 8 : i32
    %mul3A_113 = arith.muli %arg1, %mul3A_112 : i32
    %add3A_114 = arith.constant 3 : i32
    %add3A_115 = arith.addi %mul3A_113, %add3A_114 : i32
    %lt3A_116 = arith.constant 125 : i32
    %lt3A_117 = arith.cmpi slt, %add3A_115, %lt3A_116 : i32
    %convert_element_type3A_118 = arith.extui %lt3A_117 : i1 to i32
    %cond3A_119 = arith.constant 0 : i32
    %cond3A_120 = arith.cmpi ne, %convert_element_type3A_118, %cond3A_119 : i32
    scf.if %cond3A_120 {
      %mul3A_157 = arith.constant 40 : i32
      %mul3A_158 = arith.muli %add3A_115, %mul3A_157 : i32
      %mul3A_159 = arith.constant 5000 : i32
      %mul3A_160 = arith.muli %arg0, %mul3A_159 : i32
      %mul3A_161 = arith.constant 40 : i32
      %mul3A_162 = arith.muli %add3A_115, %mul3A_161 : i32
      %add3A_163 = arith.addi %mul3A_160, %mul3A_162 : i32
      "tpu.region"() ({
        %run_scoped3A = tpu.sem_alloc : memref<!tpu.dma_semaphore, #tpu.memory_space<semaphore_mem>>
        %dma_start3A = arith.constant 0 : i32
        %dma_start3A_164 = tpu.memref_slice %arg3[%add3A_163, %dma_start3A] : memref<10000x128xf32, #tpu.memory_space<hbm>> -> memref<40x128xf32, #tpu.memory_space<hbm>>
        %dma_start3A_165 = arith.constant 0 : i32
        %dma_start3A_166 = tpu.memref_slice %arg4[%mul3A_158, %dma_start3A_165] : memref<5008x128xf32, #tpu.memory_space<vmem_shared>> -> memref<40x128xf32, #tpu.memory_space<vmem_shared>>
        tpu.enqueue_dma source(%dma_start3A_166 : memref<40x128xf32, #tpu.memory_space<vmem_shared>>) target(%dma_start3A_164 : memref<40x128xf32, #tpu.memory_space<hbm>>) target_semaphore(%run_scoped3A : memref<!tpu.dma_semaphore, #tpu.memory_space<semaphore_mem>>)
        %dma_wait3A = arith.constant 0 : i32
        %dma_wait3A_167 = tpu.memref_slice %arg3[%add3A_163, %dma_wait3A] : memref<10000x128xf32, #tpu.memory_space<hbm>> -> memref<40x128xf32, #tpu.memory_space<hbm>>
        %dma_wait3A_168 = arith.constant 0 : i32
        %dma_wait3A_169 = tpu.memref_slice %arg4[%mul3A_158, %dma_wait3A_168] : memref<5008x128xf32, #tpu.memory_space<vmem_shared>> -> memref<40x128xf32, #tpu.memory_space<vmem_shared>>
        tpu.wait_dma2 semaphore(%run_scoped3A : memref<!tpu.dma_semaphore, #tpu.memory_space<semaphore_mem>>) src(%dma_wait3A_169 : memref<40x128xf32, #tpu.memory_space<vmem_shared>>) dst(%dma_wait3A_167 : memref<40x128xf32, #tpu.memory_space<hbm>>)
        tpu.yield
      }) : () -> ()
    } else {
    }
    %mul3A_121 = arith.constant 8 : i32
    %mul3A_122 = arith.muli %arg1, %mul3A_121 : i32
    %add3A_123 = arith.constant 4 : i32
    %add3A_124 = arith.addi %mul3A_122, %add3A_123 : i32
    %lt3A_125 = arith.constant 125 : i32
    %lt3A_126 = arith.cmpi slt, %add3A_124, %lt3A_125 : i32
    %convert_element_type3A_127 = arith.extui %lt3A_126 : i1 to i32
    %cond3A_128 = arith.constant 0 : i32
    %cond3A_129 = arith.cmpi ne, %convert_element_type3A_127, %cond3A_128 : i32
    scf.if %cond3A_129 {
      %mul3A_157 = arith.constant 40 : i32
      %mul3A_158 = arith.muli %add3A_124, %mul3A_157 : i32
      %mul3A_159 = arith.constant 5000 : i32
      %mul3A_160 = arith.muli %arg0, %mul3A_159 : i32
      %mul3A_161 = arith.constant 40 : i32
      %mul3A_162 = arith.muli %add3A_124, %mul3A_161 : i32
      %add3A_163 = arith.addi %mul3A_160, %mul3A_162 : i32
      "tpu.region"() ({
        %run_scoped3A = tpu.sem_alloc : memref<!tpu.dma_semaphore, #tpu.memory_space<semaphore_mem>>
        %dma_start3A = arith.constant 0 : i32
        %dma_start3A_164 = tpu.memref_slice %arg3[%add3A_163, %dma_start3A] : memref<10000x128xf32, #tpu.memory_space<hbm>> -> memref<40x128xf32, #tpu.memory_space<hbm>>
        %dma_start3A_165 = arith.constant 0 : i32
        %dma_start3A_166 = tpu.memref_slice %arg4[%mul3A_158, %dma_start3A_165] : memref<5008x128xf32, #tpu.memory_space<vmem_shared>> -> memref<40x128xf32, #tpu.memory_space<vmem_shared>>
        tpu.enqueue_dma source(%dma_start3A_166 : memref<40x128xf32, #tpu.memory_space<vmem_shared>>) target(%dma_start3A_164 : memref<40x128xf32, #tpu.memory_space<hbm>>) target_semaphore(%run_scoped3A : memref<!tpu.dma_semaphore, #tpu.memory_space<semaphore_mem>>)
        %dma_wait3A = arith.constant 0 : i32
        %dma_wait3A_167 = tpu.memref_slice %arg3[%add3A_163, %dma_wait3A] : memref<10000x128xf32, #tpu.memory_space<hbm>> -> memref<40x128xf32, #tpu.memory_space<hbm>>
        %dma_wait3A_168 = arith.constant 0 : i32
        %dma_wait3A_169 = tpu.memref_slice %arg4[%mul3A_158, %dma_wait3A_168] : memref<5008x128xf32, #tpu.memory_space<vmem_shared>> -> memref<40x128xf32, #tpu.memory_space<vmem_shared>>
        tpu.wait_dma2 semaphore(%run_scoped3A : memref<!tpu.dma_semaphore, #tpu.memory_space<semaphore_mem>>) src(%dma_wait3A_169 : memref<40x128xf32, #tpu.memory_space<vmem_shared>>) dst(%dma_wait3A_167 : memref<40x128xf32, #tpu.memory_space<hbm>>)
        tpu.yield
      }) : () -> ()
    } else {
    }
    %mul3A_130 = arith.constant 8 : i32
    %mul3A_131 = arith.muli %arg1, %mul3A_130 : i32
    %add3A_132 = arith.constant 5 : i32
    %add3A_133 = arith.addi %mul3A_131, %add3A_132 : i32
    %lt3A_134 = arith.constant 125 : i32
    %lt3A_135 = arith.cmpi slt, %add3A_133, %lt3A_134 : i32
    %convert_element_type3A_136 = arith.extui %lt3A_135 : i1 to i32
    %cond3A_137 = arith.constant 0 : i32
    %cond3A_138 = arith.cmpi ne, %convert_element_type3A_136, %cond3A_137 : i32
    scf.if %cond3A_138 {
      %mul3A_157 = arith.constant 40 : i32
      %mul3A_158 = arith.muli %add3A_133, %mul3A_157 : i32
      %mul3A_159 = arith.constant 5000 : i32
      %mul3A_160 = arith.muli %arg0, %mul3A_159 : i32
      %mul3A_161 = arith.constant 40 : i32
      %mul3A_162 = arith.muli %add3A_133, %mul3A_161 : i32
      %add3A_163 = arith.addi %mul3A_160, %mul3A_162 : i32
      "tpu.region"() ({
        %run_scoped3A = tpu.sem_alloc : memref<!tpu.dma_semaphore, #tpu.memory_space<semaphore_mem>>
        %dma_start3A = arith.constant 0 : i32
        %dma_start3A_164 = tpu.memref_slice %arg3[%add3A_163, %dma_start3A] : memref<10000x128xf32, #tpu.memory_space<hbm>> -> memref<40x128xf32, #tpu.memory_space<hbm>>
        %dma_start3A_165 = arith.constant 0 : i32
        %dma_start3A_166 = tpu.memref_slice %arg4[%mul3A_158, %dma_start3A_165] : memref<5008x128xf32, #tpu.memory_space<vmem_shared>> -> memref<40x128xf32, #tpu.memory_space<vmem_shared>>
        tpu.enqueue_dma source(%dma_start3A_166 : memref<40x128xf32, #tpu.memory_space<vmem_shared>>) target(%dma_start3A_164 : memref<40x128xf32, #tpu.memory_space<hbm>>) target_semaphore(%run_scoped3A : memref<!tpu.dma_semaphore, #tpu.memory_space<semaphore_mem>>)
        %dma_wait3A = arith.constant 0 : i32
        %dma_wait3A_167 = tpu.memref_slice %arg3[%add3A_163, %dma_wait3A] : memref<10000x128xf32, #tpu.memory_space<hbm>> -> memref<40x128xf32, #tpu.memory_space<hbm>>
        %dma_wait3A_168 = arith.constant 0 : i32
        %dma_wait3A_169 = tpu.memref_slice %arg4[%mul3A_158, %dma_wait3A_168] : memref<5008x128xf32, #tpu.memory_space<vmem_shared>> -> memref<40x128xf32, #tpu.memory_space<vmem_shared>>
        tpu.wait_dma2 semaphore(%run_scoped3A : memref<!tpu.dma_semaphore, #tpu.memory_space<semaphore_mem>>) src(%dma_wait3A_169 : memref<40x128xf32, #tpu.memory_space<vmem_shared>>) dst(%dma_wait3A_167 : memref<40x128xf32, #tpu.memory_space<hbm>>)
        tpu.yield
      }) : () -> ()
    } else {
    }
    %mul3A_139 = arith.constant 8 : i32
    %mul3A_140 = arith.muli %arg1, %mul3A_139 : i32
    %add3A_141 = arith.constant 6 : i32
    %add3A_142 = arith.addi %mul3A_140, %add3A_141 : i32
    %lt3A_143 = arith.constant 125 : i32
    %lt3A_144 = arith.cmpi slt, %add3A_142, %lt3A_143 : i32
    %convert_element_type3A_145 = arith.extui %lt3A_144 : i1 to i32
    %cond3A_146 = arith.constant 0 : i32
    %cond3A_147 = arith.cmpi ne, %convert_element_type3A_145, %cond3A_146 : i32
    scf.if %cond3A_147 {
      %mul3A_157 = arith.constant 40 : i32
      %mul3A_158 = arith.muli %add3A_142, %mul3A_157 : i32
      %mul3A_159 = arith.constant 5000 : i32
      %mul3A_160 = arith.muli %arg0, %mul3A_159 : i32
      %mul3A_161 = arith.constant 40 : i32
      %mul3A_162 = arith.muli %add3A_142, %mul3A_161 : i32
      %add3A_163 = arith.addi %mul3A_160, %mul3A_162 : i32
      "tpu.region"() ({
        %run_scoped3A = tpu.sem_alloc : memref<!tpu.dma_semaphore, #tpu.memory_space<semaphore_mem>>
        %dma_start3A = arith.constant 0 : i32
        %dma_start3A_164 = tpu.memref_slice %arg3[%add3A_163, %dma_start3A] : memref<10000x128xf32, #tpu.memory_space<hbm>> -> memref<40x128xf32, #tpu.memory_space<hbm>>
        %dma_start3A_165 = arith.constant 0 : i32
        %dma_start3A_166 = tpu.memref_slice %arg4[%mul3A_158, %dma_start3A_165] : memref<5008x128xf32, #tpu.memory_space<vmem_shared>> -> memref<40x128xf32, #tpu.memory_space<vmem_shared>>
        tpu.enqueue_dma source(%dma_start3A_166 : memref<40x128xf32, #tpu.memory_space<vmem_shared>>) target(%dma_start3A_164 : memref<40x128xf32, #tpu.memory_space<hbm>>) target_semaphore(%run_scoped3A : memref<!tpu.dma_semaphore, #tpu.memory_space<semaphore_mem>>)
        %dma_wait3A = arith.constant 0 : i32
        %dma_wait3A_167 = tpu.memref_slice %arg3[%add3A_163, %dma_wait3A] : memref<10000x128xf32, #tpu.memory_space<hbm>> -> memref<40x128xf32, #tpu.memory_space<hbm>>
        %dma_wait3A_168 = arith.constant 0 : i32
        %dma_wait3A_169 = tpu.memref_slice %arg4[%mul3A_158, %dma_wait3A_168] : memref<5008x128xf32, #tpu.memory_space<vmem_shared>> -> memref<40x128xf32, #tpu.memory_space<vmem_shared>>
        tpu.wait_dma2 semaphore(%run_scoped3A : memref<!tpu.dma_semaphore, #tpu.memory_space<semaphore_mem>>) src(%dma_wait3A_169 : memref<40x128xf32, #tpu.memory_space<vmem_shared>>) dst(%dma_wait3A_167 : memref<40x128xf32, #tpu.memory_space<hbm>>)
        tpu.yield
      }) : () -> ()
    } else {
    }
    %mul3A_148 = arith.constant 8 : i32
    %mul3A_149 = arith.muli %arg1, %mul3A_148 : i32
    %add3A_150 = arith.constant 7 : i32
    %add3A_151 = arith.addi %mul3A_149, %add3A_150 : i32
    %lt3A_152 = arith.constant 125 : i32
    %lt3A_153 = arith.cmpi slt, %add3A_151, %lt3A_152 : i32
    %convert_element_type3A_154 = arith.extui %lt3A_153 : i1 to i32
    %cond3A_155 = arith.constant 0 : i32
    %cond3A_156 = arith.cmpi ne, %convert_element_type3A_154, %cond3A_155 : i32
    scf.if %cond3A_156 {
      %mul3A_157 = arith.constant 40 : i32
      %mul3A_158 = arith.muli %add3A_151, %mul3A_157 : i32
      %mul3A_159 = arith.constant 5000 : i32
      %mul3A_160 = arith.muli %arg0, %mul3A_159 : i32
      %mul3A_161 = arith.constant 40 : i32
      %mul3A_162 = arith.muli %add3A_151, %mul3A_161 : i32
      %add3A_163 = arith.addi %mul3A_160, %mul3A_162 : i32
      "tpu.region"() ({
        %run_scoped3A = tpu.sem_alloc : memref<!tpu.dma_semaphore, #tpu.memory_space<semaphore_mem>>
        %dma_start3A = arith.constant 0 : i32
        %dma_start3A_164 = tpu.memref_slice %arg3[%add3A_163, %dma_start3A] : memref<10000x128xf32, #tpu.memory_space<hbm>> -> memref<40x128xf32, #tpu.memory_space<hbm>>
        %dma_start3A_165 = arith.constant 0 : i32
        %dma_start3A_166 = tpu.memref_slice %arg4[%mul3A_158, %dma_start3A_165] : memref<5008x128xf32, #tpu.memory_space<vmem_shared>> -> memref<40x128xf32, #tpu.memory_space<vmem_shared>>
        tpu.enqueue_dma source(%dma_start3A_166 : memref<40x128xf32, #tpu.memory_space<vmem_shared>>) target(%dma_start3A_164 : memref<40x128xf32, #tpu.memory_space<hbm>>) target_semaphore(%run_scoped3A : memref<!tpu.dma_semaphore, #tpu.memory_space<semaphore_mem>>)
        %dma_wait3A = arith.constant 0 : i32
        %dma_wait3A_167 = tpu.memref_slice %arg3[%add3A_163, %dma_wait3A] : memref<10000x128xf32, #tpu.memory_space<hbm>> -> memref<40x128xf32, #tpu.memory_space<hbm>>
        %dma_wait3A_168 = arith.constant 0 : i32
        %dma_wait3A_169 = tpu.memref_slice %arg4[%mul3A_158, %dma_wait3A_168] : memref<5008x128xf32, #tpu.memory_space<vmem_shared>> -> memref<40x128xf32, #tpu.memory_space<vmem_shared>>
        tpu.wait_dma2 semaphore(%run_scoped3A : memref<!tpu.dma_semaphore, #tpu.memory_space<semaphore_mem>>) src(%dma_wait3A_169 : memref<40x128xf32, #tpu.memory_space<vmem_shared>>) dst(%dma_wait3A_167 : memref<40x128xf32, #tpu.memory_space<hbm>>)
        tpu.yield
      }) : () -> ()
    } else {
    }
    return
  }
}

module attributes {stable_mosaic.version = 14 : i64} {
  func.func @_proj1_body(%arg0: i32, %arg1: memref<1000x128xf32, #tpu.memory_space<vmem>>, %arg2: memref<128x256xf32, #tpu.memory_space<vmem>>, %arg3: memref<128x256xf32, #tpu.memory_space<vmem>>, %arg4: memref<2x1000x128xf32, #tpu.memory_space<vmem>>, %arg5: memref<2x1000x128xf32, #tpu.memory_space<vmem>>) attributes {dimension_semantics = [#tpu.dimension_semantics<arbitrary>], iteration_bounds = array<i64: 10>, scalar_prefetch = 0 : i64, scratch_operands = 0 : i64, tpu.core_type = #tpu.core_type<tc>, window_params = [{transform_indices = @transform_0, window_bounds = array<i64: 1000, 128>}, {pipeline_mode = #tpu.pipeline_mode<synchronous>, transform_indices = @transform_1, window_bounds = array<i64: 128, 256>}, {pipeline_mode = #tpu.pipeline_mode<synchronous>, transform_indices = @transform_2, window_bounds = array<i64: 128, 256>}, {transform_indices = @transform_3, window_bounds = array<i64: 2, 1000, 128>}, {transform_indices = @transform_4, window_bounds = array<i64: 2, 1000, 128>}]} {
    %get3A = arith.constant 0 : index
    %get3A_0 = arith.constant 0 : index
    %get3A_1 = vector.load %arg1[%get3A, %get3A_0] : memref<1000x128xf32, #tpu.memory_space<vmem>>, vector<1000x128xf32>
    %get3A_2 = arith.constant 0 : index
    %get3A_3 = arith.constant 0 : index
    %get3A_4 = vector.load %arg2[%get3A_2, %get3A_3] : memref<128x256xf32, #tpu.memory_space<vmem>>, vector<128x256xf32>
    %dot_general3A = arith.constant dense<0.000000e+00> : vector<1000x256xf32>
    %dot_general3A_5 = tpu.matmul %get3A_1, %get3A_4, %dot_general3A {dimension_numbers = #tpu.dot_dimension_numbers<[1], [0], [0], [1], [0, 0, 1, 1], [], []>, transpose_lhs_hint = false} : vector<1000x128xf32>, vector<128x256xf32>, vector<1000x256xf32> -> vector<1000x256xf32>
    %slice3A = vector.extract_strided_slice %dot_general3A_5 {offsets = [0, 0], sizes = [1000, 128], strides = [1, 1]} : vector<1000x256xf32> to vector<1000x128xf32>
    %swap3A = arith.constant 0 : index
    %swap3A_6 = arith.constant 0 : index
    %swap3A_7 = arith.constant 0 : index
    %swap3A_8 = vector.load %arg4[%swap3A, %swap3A_6, %swap3A_7] : memref<2x1000x128xf32, #tpu.memory_space<vmem>>, vector<1x1000x128xf32>
    %swap3A_9 = vector.shape_cast %swap3A_8 : vector<1x1000x128xf32> to vector<1000x128xf32>
    %swap3A_10 = vector.shape_cast %slice3A : vector<1000x128xf32> to vector<1x1000x128xf32>
    tpu.vector_store %arg4[%swap3A, %swap3A_6, %swap3A_7], %swap3A_10 {strides = array<i32>} : memref<2x1000x128xf32, #tpu.memory_space<vmem>>, vector<1x1000x128xf32>,
    %slice3A_11 = vector.extract_strided_slice %dot_general3A_5 {offsets = [0, 128], sizes = [1000, 128], strides = [1, 1]} : vector<1000x256xf32> to vector<1000x128xf32>
    %swap3A_12 = arith.constant 1 : index
    %swap3A_13 = arith.constant 0 : index
    %swap3A_14 = arith.constant 0 : index
    %swap3A_15 = vector.load %arg4[%swap3A_12, %swap3A_13, %swap3A_14] : memref<2x1000x128xf32, #tpu.memory_space<vmem>>, vector<1x1000x128xf32>
    %swap3A_16 = vector.shape_cast %swap3A_15 : vector<1x1000x128xf32> to vector<1000x128xf32>
    %swap3A_17 = vector.shape_cast %slice3A_11 : vector<1000x128xf32> to vector<1x1000x128xf32>
    tpu.vector_store %arg4[%swap3A_12, %swap3A_13, %swap3A_14], %swap3A_17 {strides = array<i32>} : memref<2x1000x128xf32, #tpu.memory_space<vmem>>, vector<1x1000x128xf32>,
    %get3A_18 = arith.constant 0 : index
    %get3A_19 = arith.constant 0 : index
    %get3A_20 = vector.load %arg1[%get3A_18, %get3A_19] : memref<1000x128xf32, #tpu.memory_space<vmem>>, vector<1000x128xf32>
    %get3A_21 = arith.constant 0 : index
    %get3A_22 = arith.constant 0 : index
    %get3A_23 = vector.load %arg3[%get3A_21, %get3A_22] : memref<128x256xf32, #tpu.memory_space<vmem>>, vector<128x256xf32>
    %dot_general3A_24 = arith.constant dense<0.000000e+00> : vector<1000x256xf32>
    %dot_general3A_25 = tpu.matmul %get3A_20, %get3A_23, %dot_general3A_24 {dimension_numbers = #tpu.dot_dimension_numbers<[1], [0], [0], [1], [0, 0, 1, 1], [], []>, transpose_lhs_hint = false} : vector<1000x128xf32>, vector<128x256xf32>, vector<1000x256xf32> -> vector<1000x256xf32>
    %slice3A_26 = vector.extract_strided_slice %dot_general3A_25 {offsets = [0, 0], sizes = [1000, 128], strides = [1, 1]} : vector<1000x256xf32> to vector<1000x128xf32>
    %swap3A_27 = arith.constant 0 : index
    %swap3A_28 = arith.constant 0 : index
    %swap3A_29 = arith.constant 0 : index
    %swap3A_30 = vector.load %arg5[%swap3A_27, %swap3A_28, %swap3A_29] : memref<2x1000x128xf32, #tpu.memory_space<vmem>>, vector<1x1000x128xf32>
    %swap3A_31 = vector.shape_cast %swap3A_30 : vector<1x1000x128xf32> to vector<1000x128xf32>
    %swap3A_32 = vector.shape_cast %slice3A_26 : vector<1000x128xf32> to vector<1x1000x128xf32>
    tpu.vector_store %arg5[%swap3A_27, %swap3A_28, %swap3A_29], %swap3A_32 {strides = array<i32>} : memref<2x1000x128xf32, #tpu.memory_space<vmem>>, vector<1x1000x128xf32>,
    %slice3A_33 = vector.extract_strided_slice %dot_general3A_25 {offsets = [0, 128], sizes = [1000, 128], strides = [1, 1]} : vector<1000x256xf32> to vector<1000x128xf32>
    %swap3A_34 = arith.constant 1 : index
    %swap3A_35 = arith.constant 0 : index
    %swap3A_36 = arith.constant 0 : index
    %swap3A_37 = vector.load %arg5[%swap3A_34, %swap3A_35, %swap3A_36] : memref<2x1000x128xf32, #tpu.memory_space<vmem>>, vector<1x1000x128xf32>
    %swap3A_38 = vector.shape_cast %swap3A_37 : vector<1x1000x128xf32> to vector<1000x128xf32>
    %swap3A_39 = vector.shape_cast %slice3A_33 : vector<1000x128xf32> to vector<1x1000x128xf32>
    tpu.vector_store %arg5[%swap3A_34, %swap3A_35, %swap3A_36], %swap3A_39 {strides = array<i32>} : memref<2x1000x128xf32, #tpu.memory_space<vmem>>, vector<1x1000x128xf32>,
    return
  }
  func.func @transform_0(%arg0: i32) -> (i32, i32) {
    %c0_i32 = arith.constant 0 : i32
    %c0_i32_0 = arith.constant 0 : i32
    return %arg0, %c0_i32 : i32, i32
  }
  func.func @transform_1(%arg0: i32) -> (i32, i32) {
    %c0_i32 = arith.constant 0 : i32
    %c0_i32_0 = arith.constant 0 : i32
    %c0_i32_1 = arith.constant 0 : i32
    return %c0_i32, %c0_i32_0 : i32, i32
  }
  func.func @transform_2(%arg0: i32) -> (i32, i32) {
    %c0_i32 = arith.constant 0 : i32
    %c0_i32_0 = arith.constant 0 : i32
    %c0_i32_1 = arith.constant 0 : i32
    return %c0_i32, %c0_i32_0 : i32, i32
  }
  func.func @transform_3(%arg0: i32) -> (i32, i32, i32) {
    %c0_i32 = arith.constant 0 : i32
    %c0_i32_0 = arith.constant 0 : i32
    %c0_i32_1 = arith.constant 0 : i32
    return %c0_i32, %arg0, %c0_i32_0 : i32, i32, i32
  }
  func.func @transform_4(%arg0: i32) -> (i32, i32, i32) {
    %c0_i32 = arith.constant 0 : i32
    %c0_i32_0 = arith.constant 0 : i32
    %c0_i32_1 = arith.constant 0 : i32
    return %c0_i32, %arg0, %c0_i32_0 : i32, i32, i32
  }
}

module attributes {stable_mosaic.version = 14 : i64} {
  func.func @_zedge_body(%arg0: i32, %arg1: memref<2000x16xf32, #tpu.memory_space<vmem>>, %arg2: memref<16x256xf32, #tpu.memory_space<vmem>>, %arg3: memref<1x32xf32, #tpu.memory_space<vmem>>, %arg4: memref<32x256xf32, #tpu.memory_space<vmem>>, %arg5: memref<1x256xf32, #tpu.memory_space<vmem>>, %arg6: memref<2x2000x128xf32, #tpu.memory_space<vmem>>) attributes {dimension_semantics = [#tpu.dimension_semantics<arbitrary>], iteration_bounds = array<i64: 160>, scalar_prefetch = 0 : i64, scratch_operands = 0 : i64, tpu.core_type = #tpu.core_type<tc>, window_params = [{transform_indices = @transform_0, window_bounds = array<i64: 2000, 16>}, {pipeline_mode = #tpu.pipeline_mode<synchronous>, transform_indices = @transform_1, window_bounds = array<i64: 16, 256>}, {pipeline_mode = #tpu.pipeline_mode<synchronous>, transform_indices = @transform_2, window_bounds = array<i64: 1, 32>}, {pipeline_mode = #tpu.pipeline_mode<synchronous>, transform_indices = @transform_3, window_bounds = array<i64: 32, 256>}, {pipeline_mode = #tpu.pipeline_mode<synchronous>, transform_indices = @transform_4, window_bounds = array<i64: 1, 256>}, {transform_indices = @transform_5, window_bounds = array<i64: 2, 2000, 128>}]} {
    %get3A = arith.constant 0 : index
    %get3A_0 = arith.constant 0 : index
    %get3A_1 = vector.load %arg3[%get3A, %get3A_0] : memref<1x32xf32, #tpu.memory_space<vmem>>, vector<1x32xf32>
    %get3A_2 = arith.constant 0 : index
    %get3A_3 = arith.constant 0 : index
    %get3A_4 = vector.load %arg4[%get3A_2, %get3A_3] : memref<32x256xf32, #tpu.memory_space<vmem>>, vector<32x256xf32>
    %dot_general3A = arith.constant dense<0.000000e+00> : vector<1x256xf32>
    %dot_general3A_5 = tpu.matmul %get3A_1, %get3A_4, %dot_general3A {dimension_numbers = #tpu.dot_dimension_numbers<[1], [0], [0], [1], [0, 0, 1, 1], [], []>, transpose_lhs_hint = false} : vector<1x32xf32>, vector<32x256xf32>, vector<1x256xf32> -> vector<1x256xf32>
    %get3A_6 = arith.constant 0 : index
    %get3A_7 = arith.constant 0 : index
    %get3A_8 = vector.load %arg5[%get3A_6, %get3A_7] : memref<1x256xf32, #tpu.memory_space<vmem>>, vector<1x256xf32>
    %add3A = arith.addf %dot_general3A_5, %get3A_8 : vector<1x256xf32>
    %get3A_9 = arith.constant 0 : index
    %get3A_10 = arith.constant 0 : index
    %get3A_11 = vector.load %arg1[%get3A_9, %get3A_10] : memref<2000x16xf32, #tpu.memory_space<vmem>>, vector<2000x16xf32>
    %get3A_12 = arith.constant 0 : index
    %get3A_13 = arith.constant 0 : index
    %get3A_14 = vector.load %arg2[%get3A_12, %get3A_13] : memref<16x256xf32, #tpu.memory_space<vmem>>, vector<16x256xf32>
    %dot_general3A_15 = arith.constant dense<0.000000e+00> : vector<2000x256xf32>
    %dot_general3A_16 = tpu.matmul %get3A_11, %get3A_14, %dot_general3A_15 {dimension_numbers = #tpu.dot_dimension_numbers<[1], [0], [0], [1], [0, 0, 1, 1], [], []>, transpose_lhs_hint = false} : vector<2000x16xf32>, vector<16x256xf32>, vector<2000x256xf32> -> vector<2000x256xf32>
    %add3A_17 = vector.broadcast %add3A : vector<1x256xf32> to vector<2000x256xf32>
    %add3A_18 = arith.addf %dot_general3A_16, %add3A_17 : vector<2000x256xf32>
    %slice3A = vector.extract_strided_slice %add3A_18 {offsets = [0, 0], sizes = [2000, 128], strides = [1, 1]} : vector<2000x256xf32> to vector<2000x128xf32>
    %swap3A = arith.constant 0 : index
    %swap3A_19 = arith.constant 0 : index
    %swap3A_20 = arith.constant 0 : index
    %swap3A_21 = vector.load %arg6[%swap3A, %swap3A_19, %swap3A_20] : memref<2x2000x128xf32, #tpu.memory_space<vmem>>, vector<1x2000x128xf32>
    %swap3A_22 = vector.shape_cast %swap3A_21 : vector<1x2000x128xf32> to vector<2000x128xf32>
    %swap3A_23 = vector.shape_cast %slice3A : vector<2000x128xf32> to vector<1x2000x128xf32>
    tpu.vector_store %arg6[%swap3A, %swap3A_19, %swap3A_20], %swap3A_23 {strides = array<i32>} : memref<2x2000x128xf32, #tpu.memory_space<vmem>>, vector<1x2000x128xf32>,
    %slice3A_24 = vector.extract_strided_slice %add3A_18 {offsets = [0, 128], sizes = [2000, 128], strides = [1, 1]} : vector<2000x256xf32> to vector<2000x128xf32>
    %swap3A_25 = arith.constant 1 : index
    %swap3A_26 = arith.constant 0 : index
    %swap3A_27 = arith.constant 0 : index
    %swap3A_28 = vector.load %arg6[%swap3A_25, %swap3A_26, %swap3A_27] : memref<2x2000x128xf32, #tpu.memory_space<vmem>>, vector<1x2000x128xf32>
    %swap3A_29 = vector.shape_cast %swap3A_28 : vector<1x2000x128xf32> to vector<2000x128xf32>
    %swap3A_30 = vector.shape_cast %slice3A_24 : vector<2000x128xf32> to vector<1x2000x128xf32>
    tpu.vector_store %arg6[%swap3A_25, %swap3A_26, %swap3A_27], %swap3A_30 {strides = array<i32>} : memref<2x2000x128xf32, #tpu.memory_space<vmem>>, vector<1x2000x128xf32>,
    return
  }
  func.func @transform_0(%arg0: i32) -> (i32, i32) {
    %c0_i32 = arith.constant 0 : i32
    %c0_i32_0 = arith.constant 0 : i32
    return %arg0, %c0_i32 : i32, i32
  }
  func.func @transform_1(%arg0: i32) -> (i32, i32) {
    %c0_i32 = arith.constant 0 : i32
    %c0_i32_0 = arith.constant 0 : i32
    %c0_i32_1 = arith.constant 0 : i32
    return %c0_i32, %c0_i32_0 : i32, i32
  }
  func.func @transform_2(%arg0: i32) -> (i32, i32) {
    %c0_i32 = arith.constant 0 : i32
    %c0_i32_0 = arith.constant 0 : i32
    %c0_i32_1 = arith.constant 0 : i32
    return %c0_i32, %c0_i32_0 : i32, i32
  }
  func.func @transform_3(%arg0: i32) -> (i32, i32) {
    %c0_i32 = arith.constant 0 : i32
    %c0_i32_0 = arith.constant 0 : i32
    %c0_i32_1 = arith.constant 0 : i32
    return %c0_i32, %c0_i32_0 : i32, i32
  }
  func.func @transform_4(%arg0: i32) -> (i32, i32) {
    %c0_i32 = arith.constant 0 : i32
    %c0_i32_0 = arith.constant 0 : i32
    %c0_i32_1 = arith.constant 0 : i32
    return %c0_i32, %c0_i32_0 : i32, i32
  }
  func.func @transform_5(%arg0: i32) -> (i32, i32, i32) {
    %c0_i32 = arith.constant 0 : i32
    %c0_i32_0 = arith.constant 0 : i32
    %c0_i32_1 = arith.constant 0 : i32
    return %c0_i32, %arg0, %c0_i32_0 : i32, i32, i32
  }
}

module attributes {stable_mosaic.version = 14 : i64} {
  func.func @_node1_body(%arg0: i32, %arg1: memref<1000x128xf32, #tpu.memory_space<vmem>>, %arg2: memref<2x1000x128xf32, #tpu.memory_space<vmem>>, %arg3: memref<1000x128xf32, #tpu.memory_space<vmem>>, %arg4: memref<1x32xf32, #tpu.memory_space<vmem>>, %arg5: memref<128x256xf32, #tpu.memory_space<vmem>>, %arg6: memref<256x256xf32, #tpu.memory_space<vmem>>, %arg7: memref<32x256xf32, #tpu.memory_space<vmem>>, %arg8: memref<1x256xf32, #tpu.memory_space<vmem>>, %arg9: memref<256x128xf32, #tpu.memory_space<vmem>>, %arg10: memref<256x128xf32, #tpu.memory_space<vmem>>, %arg11: memref<1000x256xf32, #tpu.memory_space<vmem>>, %arg12: memref<1000x128xf32, #tpu.memory_space<vmem>>, %arg13: memref<1000x128xf32, #tpu.memory_space<vmem>>, %arg14: memref<1x256xf32, #tpu.memory_space<vmem>>, %arg15: memref<1x256xf32, #tpu.memory_space<vmem>>) attributes {dimension_semantics = [#tpu.dimension_semantics<arbitrary>], iteration_bounds = array<i64: 10>, scalar_prefetch = 0 : i64, scratch_operands = 0 : i64, tpu.core_type = #tpu.core_type<tc>, window_params = [{transform_indices = @transform_0, window_bounds = array<i64: 1000, 128>}, {transform_indices = @transform_1, window_bounds = array<i64: 2, 1000, 128>}, {transform_indices = @transform_2, window_bounds = array<i64: 1000, 128>}, {pipeline_mode = #tpu.pipeline_mode<synchronous>, transform_indices = @transform_3, window_bounds = array<i64: 1, 32>}, {pipeline_mode = #tpu.pipeline_mode<synchronous>, transform_indices = @transform_4, window_bounds = array<i64: 128, 256>}, {pipeline_mode = #tpu.pipeline_mode<synchronous>, transform_indices = @transform_5, window_bounds = array<i64: 256, 256>}, {pipeline_mode = #tpu.pipeline_mode<synchronous>, transform_indices = @transform_6, window_bounds = array<i64: 32, 256>}, {pipeline_mode = #tpu.pipeline_mode<synchronous>, transform_indices = @transform_7, window_bounds = array<i64: 1, 256>}, {pipeline_mode = #tpu.pipeline_mode<synchronous>, transform_indices = @transform_8, window_bounds = array<i64: 256, 128>}, {pipeline_mode = #tpu.pipeline_mode<synchronous>, transform_indices = @transform_9, window_bounds = array<i64: 256, 128>}, {transform_indices = @transform_10, window_bounds = array<i64: 1000, 256>}, {transform_indices = @transform_11, window_bounds = array<i64: 1000, 128>}, {transform_indices = @transform_12, window_bounds = array<i64: 1000, 128>}, {pipeline_mode = #tpu.pipeline_mode<synchronous>, transform_indices = @transform_13, window_bounds = array<i64: 1, 256>}, {pipeline_mode = #tpu.pipeline_mode<synchronous>, transform_indices = @transform_14, window_bounds = array<i64: 1, 256>}]} {
    %eq3A = arith.constant 0 : i32
    %eq3A_0 = arith.cmpi eq, %arg0, %eq3A : i32
    %convert_element_type3A = arith.extui %eq3A_0 : i1 to i32
    %cond3A = arith.constant 0 : i32
    %cond3A_1 = arith.cmpi ne, %convert_element_type3A, %cond3A : i32
    scf.if %cond3A_1 {
      %broadcast_in_dim3A_104 = arith.constant 0.000000e+00 : f32
      %broadcast_in_dim3A_105 = vector.broadcast %broadcast_in_dim3A_104 : f32 to vector<1x256xf32>
      %swap3A_106 = arith.constant 0 : index
      %swap3A_107 = arith.constant 0 : index
      %swap3A_108 = vector.load %arg14[%swap3A_106, %swap3A_107] : memref<1x256xf32, #tpu.memory_space<vmem>>, vector<1x256xf32>
      tpu.vector_store %arg14[%swap3A_106, %swap3A_107], %broadcast_in_dim3A_105 {strides = array<i32>} : memref<1x256xf32, #tpu.memory_space<vmem>>, vector<1x256xf32>,
      %broadcast_in_dim3A_109 = arith.constant 0.000000e+00 : f32
      %broadcast_in_dim3A_110 = vector.broadcast %broadcast_in_dim3A_109 : f32 to vector<1x256xf32>
      %swap3A_111 = arith.constant 0 : index
      %swap3A_112 = arith.constant 0 : index
      %swap3A_113 = vector.load %arg15[%swap3A_111, %swap3A_112] : memref<1x256xf32, #tpu.memory_space<vmem>>, vector<1x256xf32>
      tpu.vector_store %arg15[%swap3A_111, %swap3A_112], %broadcast_in_dim3A_110 {strides = array<i32>} : memref<1x256xf32, #tpu.memory_space<vmem>>, vector<1x256xf32>,
    } else {
    }
    %get3A = arith.constant 0 : index
    %get3A_2 = arith.constant 0 : index
    %get3A_3 = vector.load %arg3[%get3A, %get3A_2] : memref<1000x128xf32, #tpu.memory_space<vmem>>, vector<1000x1xf32>
    %max3A = arith.constant 1.000000e+00 : f32
    %max3A_4 = vector.broadcast %max3A : f32 to vector<1000x1xf32>
    %max3A_5 = arith.maximumf %get3A_3, %max3A_4 : vector<1000x1xf32>
    %get3A_6 = arith.constant 0 : index
    %get3A_7 = arith.constant 0 : index
    %get3A_8 = arith.constant 0 : index
    %get3A_9 = vector.load %arg2[%get3A_6, %get3A_7, %get3A_8] : memref<2x1000x128xf32, #tpu.memory_space<vmem>>, vector<1x1000x128xf32>
    %get3A_10 = vector.shape_cast %get3A_9 : vector<1x1000x128xf32> to vector<1000x128xf32>
    %div3A = vector.broadcast %max3A_5 : vector<1000x1xf32> to vector<1000x128xf32>
    %div3A_11 = arith.divf %get3A_10, %div3A : vector<1000x128xf32>
    %get3A_12 = arith.constant 1 : index
    %get3A_13 = arith.constant 0 : index
    %get3A_14 = arith.constant 0 : index
    %get3A_15 = vector.load %arg2[%get3A_12, %get3A_13, %get3A_14] : memref<2x1000x128xf32, #tpu.memory_space<vmem>>, vector<1x1000x128xf32>
    %get3A_16 = vector.shape_cast %get3A_15 : vector<1x1000x128xf32> to vector<1000x128xf32>
    %div3A_17 = vector.broadcast %max3A_5 : vector<1000x1xf32> to vector<1000x128xf32>
    %div3A_18 = arith.divf %get3A_16, %div3A_17 : vector<1000x128xf32>
    %get3A_19 = arith.constant 0 : index
    %get3A_20 = arith.constant 0 : index
    %get3A_21 = vector.load %arg1[%get3A_19, %get3A_20] : memref<1000x128xf32, #tpu.memory_space<vmem>>, vector<1000x128xf32>
    %get3A_22 = arith.constant 0 : index
    %get3A_23 = arith.constant 0 : index
    %get3A_24 = vector.load %arg5[%get3A_22, %get3A_23] : memref<128x256xf32, #tpu.memory_space<vmem>>, vector<128x256xf32>
    %dot_general3A = arith.constant dense<0.000000e+00> : vector<1000x256xf32>
    %dot_general3A_25 = tpu.matmul %get3A_21, %get3A_24, %dot_general3A {dimension_numbers = #tpu.dot_dimension_numbers<[1], [0], [0], [1], [0, 0, 1, 1], [], []>, transpose_lhs_hint = false} : vector<1000x128xf32>, vector<128x256xf32>, vector<1000x256xf32> -> vector<1000x256xf32>
    %get3A_26 = arith.constant 0 : index
    %get3A_27 = arith.constant 0 : index
    %get3A_28 = vector.load %arg6[%get3A_26, %get3A_27] : memref<256x256xf32, #tpu.memory_space<vmem>>, vector<128x256xf32>
    %dot_general3A_29 = arith.constant dense<0.000000e+00> : vector<1000x256xf32>
    %dot_general3A_30 = tpu.matmul %div3A_11, %get3A_28, %dot_general3A_29 {dimension_numbers = #tpu.dot_dimension_numbers<[1], [0], [0], [1], [0, 0, 1, 1], [], []>, transpose_lhs_hint = false} : vector<1000x128xf32>, vector<128x256xf32>, vector<1000x256xf32> -> vector<1000x256xf32>
    %add3A = arith.addf %dot_general3A_25, %dot_general3A_30 : vector<1000x256xf32>
    %get3A_31 = arith.constant 128 : index
    %get3A_32 = arith.constant 0 : index
    %get3A_33 = vector.load %arg6[%get3A_31, %get3A_32] : memref<256x256xf32, #tpu.memory_space<vmem>>, vector<128x256xf32>
    %dot_general3A_34 = arith.constant dense<0.000000e+00> : vector<1000x256xf32>
    %dot_general3A_35 = tpu.matmul %div3A_18, %get3A_33, %dot_general3A_34 {dimension_numbers = #tpu.dot_dimension_numbers<[1], [0], [0], [1], [0, 0, 1, 1], [], []>, transpose_lhs_hint = false} : vector<1000x128xf32>, vector<128x256xf32>, vector<1000x256xf32> -> vector<1000x256xf32>
    %add3A_36 = arith.addf %add3A, %dot_general3A_35 : vector<1000x256xf32>
    %get3A_37 = arith.constant 0 : index
    %get3A_38 = arith.constant 0 : index
    %get3A_39 = vector.load %arg4[%get3A_37, %get3A_38] : memref<1x32xf32, #tpu.memory_space<vmem>>, vector<1x32xf32>
    %get3A_40 = arith.constant 0 : index
    %get3A_41 = arith.constant 0 : index
    %get3A_42 = vector.load %arg7[%get3A_40, %get3A_41] : memref<32x256xf32, #tpu.memory_space<vmem>>, vector<32x256xf32>
    %dot_general3A_43 = arith.constant dense<0.000000e+00> : vector<1x256xf32>
    %dot_general3A_44 = tpu.matmul %get3A_39, %get3A_42, %dot_general3A_43 {dimension_numbers = #tpu.dot_dimension_numbers<[1], [0], [0], [1], [0, 0, 1, 1], [], []>, transpose_lhs_hint = false} : vector<1x32xf32>, vector<32x256xf32>, vector<1x256xf32> -> vector<1x256xf32>
    %add3A_45 = vector.broadcast %dot_general3A_44 : vector<1x256xf32> to vector<1000x256xf32>
    %add3A_46 = arith.addf %add3A_36, %add3A_45 : vector<1000x256xf32>
    %get3A_47 = arith.constant 0 : index
    %get3A_48 = arith.constant 0 : index
    %get3A_49 = vector.load %arg8[%get3A_47, %get3A_48] : memref<1x256xf32, #tpu.memory_space<vmem>>, vector<1x256xf32>
    %add3A_50 = vector.broadcast %get3A_49 : vector<1x256xf32> to vector<1000x256xf32>
    %add3A_51 = arith.addf %add3A_46, %add3A_50 : vector<1000x256xf32>
    %max3A_52 = arith.constant 0.000000e+00 : f32
    %max3A_53 = vector.broadcast %max3A_52 : f32 to vector<1000x256xf32>
    %max3A_54 = arith.maximumf %add3A_51, %max3A_53 : vector<1000x256xf32>
    %swap3A = arith.constant 0 : index
    %swap3A_55 = arith.constant 0 : index
    %swap3A_56 = vector.load %arg11[%swap3A, %swap3A_55] : memref<1000x256xf32, #tpu.memory_space<vmem>>, vector<1000x256xf32>
    tpu.vector_store %arg11[%swap3A, %swap3A_55], %max3A_54 {strides = array<i32>} : memref<1000x256xf32, #tpu.memory_space<vmem>>, vector<1000x256xf32>,
    %get3A_57 = arith.constant 0 : index
    %get3A_58 = arith.constant 0 : index
    %get3A_59 = vector.load %arg9[%get3A_57, %get3A_58] : memref<256x128xf32, #tpu.memory_space<vmem>>, vector<256x128xf32>
    %dot_general3A_60 = arith.constant dense<0.000000e+00> : vector<1000x128xf32>
    %dot_general3A_61 = tpu.matmul %max3A_54, %get3A_59, %dot_general3A_60 {dimension_numbers = #tpu.dot_dimension_numbers<[1], [0], [0], [1], [0, 0, 1, 1], [], []>, transpose_lhs_hint = false} : vector<1000x256xf32>, vector<256x128xf32>, vector<1000x128xf32> -> vector<1000x128xf32>
    %swap3A_62 = arith.constant 0 : index
    %swap3A_63 = arith.constant 0 : index
    %swap3A_64 = vector.load %arg12[%swap3A_62, %swap3A_63] : memref<1000x128xf32, #tpu.memory_space<vmem>>, vector<1000x128xf32>
    tpu.vector_store %arg12[%swap3A_62, %swap3A_63], %dot_general3A_61 {strides = array<i32>} : memref<1000x128xf32, #tpu.memory_space<vmem>>, vector<1000x128xf32>,
    %get3A_65 = arith.constant 0 : index
    %get3A_66 = arith.constant 0 : index
    %get3A_67 = vector.load %arg10[%get3A_65, %get3A_66] : memref<256x128xf32, #tpu.memory_space<vmem>>, vector<256x128xf32>
    %dot_general3A_68 = arith.constant dense<0.000000e+00> : vector<1000x128xf32>
    %dot_general3A_69 = tpu.matmul %max3A_54, %get3A_67, %dot_general3A_68 {dimension_numbers = #tpu.dot_dimension_numbers<[1], [0], [0], [1], [0, 0, 1, 1], [], []>, transpose_lhs_hint = false} : vector<1000x256xf32>, vector<256x128xf32>, vector<1000x128xf32> -> vector<1000x128xf32>
    %swap3A_70 = arith.constant 0 : index
    %swap3A_71 = arith.constant 0 : index
    %swap3A_72 = vector.load %arg13[%swap3A_70, %swap3A_71] : memref<1000x128xf32, #tpu.memory_space<vmem>>, vector<1000x128xf32>
    tpu.vector_store %arg13[%swap3A_70, %swap3A_71], %dot_general3A_69 {strides = array<i32>} : memref<1000x128xf32, #tpu.memory_space<vmem>>, vector<1000x128xf32>,
    %get3A_73 = arith.constant 0 : index
    %get3A_74 = arith.constant 0 : index
    %get3A_75 = vector.load %arg14[%get3A_73, %get3A_74] : memref<1x256xf32, #tpu.memory_space<vmem>>, vector<1x256xf32>
    %reduce_sum3A = arith.constant dense<0.000000e+00> : vector<256xf32>
    %reduce_sum3A_76 = vector.multi_reduction <add>, %max3A_54, %reduce_sum3A [0] : vector<1000x256xf32> to vector<256xf32>
    %broadcast_in_dim3A = vector.shape_cast %reduce_sum3A_76 : vector<256xf32> to vector<1x256xf32>
    %add3A_77 = arith.addf %get3A_75, %broadcast_in_dim3A : vector<1x256xf32>
    %swap3A_78 = arith.constant 0 : index
    %swap3A_79 = arith.constant 0 : index
    %swap3A_80 = vector.load %arg14[%swap3A_78, %swap3A_79] : memref<1x256xf32, #tpu.memory_space<vmem>>, vector<1x256xf32>
    tpu.vector_store %arg14[%swap3A_78, %swap3A_79], %add3A_77 {strides = array<i32>} : memref<1x256xf32, #tpu.memory_space<vmem>>, vector<1x256xf32>,
    %get3A_81 = arith.constant 0 : index
    %get3A_82 = arith.constant 0 : index
    %get3A_83 = vector.load %arg15[%get3A_81, %get3A_82] : memref<1x256xf32, #tpu.memory_space<vmem>>, vector<1x256xf32>
    %get3A_84 = arith.constant 0 : index
    %get3A_85 = arith.constant 0 : index
    %get3A_86 = arith.constant 0 : index
    %get3A_87 = vector.load %arg2[%get3A_84, %get3A_85, %get3A_86] : memref<2x1000x128xf32, #tpu.memory_space<vmem>>, vector<1x1000x128xf32>
    %get3A_88 = vector.shape_cast %get3A_87 : vector<1x1000x128xf32> to vector<1000x128xf32>
    %reduce_sum3A_89 = arith.constant dense<0.000000e+00> : vector<128xf32>
    %reduce_sum3A_90 = vector.multi_reduction <add>, %get3A_88, %reduce_sum3A_89 [0] : vector<1000x128xf32> to vector<128xf32>
    %broadcast_in_dim3A_91 = vector.shape_cast %reduce_sum3A_90 : vector<128xf32> to vector<1x128xf32>
    %get3A_92 = arith.constant 1 : index
    %get3A_93 = arith.constant 0 : index
    %get3A_94 = arith.constant 0 : index
    %get3A_95 = vector.load %arg2[%get3A_92, %get3A_93, %get3A_94] : memref<2x1000x128xf32, #tpu.memory_space<vmem>>, vector<1x1000x128xf32>
    %get3A_96 = vector.shape_cast %get3A_95 : vector<1x1000x128xf32> to vector<1000x128xf32>
    %reduce_sum3A_97 = arith.constant dense<0.000000e+00> : vector<128xf32>
    %reduce_sum3A_98 = vector.multi_reduction <add>, %get3A_96, %reduce_sum3A_97 [0] : vector<1000x128xf32> to vector<128xf32>
    %broadcast_in_dim3A_99 = vector.shape_cast %reduce_sum3A_98 : vector<128xf32> to vector<1x128xf32>
    %concatenate3A = tpu.concatenate %broadcast_in_dim3A_91, %broadcast_in_dim3A_99 in 1 : vector<1x128xf32>, vector<1x128xf32> -> vector<1x256xf32>
    %add3A_100 = arith.addf %get3A_83, %concatenate3A : vector<1x256xf32>
    %swap3A_101 = arith.constant 0 : index
    %swap3A_102 = arith.constant 0 : index
    %swap3A_103 = vector.load %arg15[%swap3A_101, %swap3A_102] : memref<1x256xf32, #tpu.memory_space<vmem>>, vector<1x256xf32>
    tpu.vector_store %arg15[%swap3A_101, %swap3A_102], %add3A_100 {strides = array<i32>} : memref<1x256xf32, #tpu.memory_space<vmem>>, vector<1x256xf32>,
    return
  }
  func.func @transform_0(%arg0: i32) -> (i32, i32) {
    %c0_i32 = arith.constant 0 : i32
    %c0_i32_0 = arith.constant 0 : i32
    return %arg0, %c0_i32 : i32, i32
  }
  func.func @transform_1(%arg0: i32) -> (i32, i32, i32) {
    %c0_i32 = arith.constant 0 : i32
    %c0_i32_0 = arith.constant 0 : i32
    %c0_i32_1 = arith.constant 0 : i32
    return %c0_i32, %arg0, %c0_i32_0 : i32, i32, i32
  }
  func.func @transform_2(%arg0: i32) -> (i32, i32) {
    %c0_i32 = arith.constant 0 : i32
    %c0_i32_0 = arith.constant 0 : i32
    return %arg0, %c0_i32 : i32, i32
  }
  func.func @transform_3(%arg0: i32) -> (i32, i32) {
    %c0_i32 = arith.constant 0 : i32
    %c0_i32_0 = arith.constant 0 : i32
    %c0_i32_1 = arith.constant 0 : i32
    return %c0_i32, %c0_i32_0 : i32, i32
  }
  func.func @transform_4(%arg0: i32) -> (i32, i32) {
    %c0_i32 = arith.constant 0 : i32
    %c0_i32_0 = arith.constant 0 : i32
    %c0_i32_1 = arith.constant 0 : i32
    return %c0_i32, %c0_i32_0 : i32, i32
  }
  func.func @transform_5(%arg0: i32) -> (i32, i32) {
    %c0_i32 = arith.constant 0 : i32
    %c0_i32_0 = arith.constant 0 : i32
    %c0_i32_1 = arith.constant 0 : i32
    return %c0_i32, %c0_i32_0 : i32, i32
  }
  func.func @transform_6(%arg0: i32) -> (i32, i32) {
    %c0_i32 = arith.constant 0 : i32
    %c0_i32_0 = arith.constant 0 : i32
    %c0_i32_1 = arith.constant 0 : i32
    return %c0_i32, %c0_i32_0 : i32, i32
  }
  func.func @transform_7(%arg0: i32) -> (i32, i32) {
    %c0_i32 = arith.constant 0 : i32
    %c0_i32_0 = arith.constant 0 : i32
    %c0_i32_1 = arith.constant 0 : i32
    return %c0_i32, %c0_i32_0 : i32, i32
  }
  func.func @transform_8(%arg0: i32) -> (i32, i32) {
    %c0_i32 = arith.constant 0 : i32
    %c0_i32_0 = arith.constant 0 : i32
    %c0_i32_1 = arith.constant 0 : i32
    return %c0_i32, %c0_i32_0 : i32, i32
  }
  func.func @transform_9(%arg0: i32) -> (i32, i32) {
    %c0_i32 = arith.constant 0 : i32
    %c0_i32_0 = arith.constant 0 : i32
    %c0_i32_1 = arith.constant 0 : i32
    return %c0_i32, %c0_i32_0 : i32, i32
  }
  func.func @transform_10(%arg0: i32) -> (i32, i32) {
    %c0_i32 = arith.constant 0 : i32
    %c0_i32_0 = arith.constant 0 : i32
    return %arg0, %c0_i32 : i32, i32
  }
  func.func @transform_11(%arg0: i32) -> (i32, i32) {
    %c0_i32 = arith.constant 0 : i32
    %c0_i32_0 = arith.constant 0 : i32
    return %arg0, %c0_i32 : i32, i32
  }
  func.func @transform_12(%arg0: i32) -> (i32, i32) {
    %c0_i32 = arith.constant 0 : i32
    %c0_i32_0 = arith.constant 0 : i32
    return %arg0, %c0_i32 : i32, i32
  }
  func.func @transform_13(%arg0: i32) -> (i32, i32) {
    %c0_i32 = arith.constant 0 : i32
    %c0_i32_0 = arith.constant 0 : i32
    %c0_i32_1 = arith.constant 0 : i32
    return %c0_i32, %c0_i32_0 : i32, i32
  }
  func.func @transform_14(%arg0: i32) -> (i32, i32) {
    %c0_i32 = arith.constant 0 : i32
    %c0_i32_0 = arith.constant 0 : i32
    %c0_i32_1 = arith.constant 0 : i32
    return %c0_i32, %c0_i32_0 : i32, i32
  }
}

module attributes {stable_mosaic.version = 14 : i64} {
  func.func @_t2_body(%arg0: i32, %arg1: memref<2x2000x128xf32, #tpu.memory_space<vmem>>, %arg2: memref<256x128xf32, #tpu.memory_space<vmem>>, %arg3: memref<1x128xf32, #tpu.memory_space<vmem>>, %arg4: memref<2000x128xf32, #tpu.memory_space<vmem>>) attributes {dimension_semantics = [#tpu.dimension_semantics<arbitrary>], iteration_bounds = array<i64: 160>, scalar_prefetch = 0 : i64, scratch_operands = 0 : i64, tpu.core_type = #tpu.core_type<tc>, window_params = [{transform_indices = @transform_0, window_bounds = array<i64: 2, 2000, 128>}, {pipeline_mode = #tpu.pipeline_mode<synchronous>, transform_indices = @transform_1, window_bounds = array<i64: 256, 128>}, {pipeline_mode = #tpu.pipeline_mode<synchronous>, transform_indices = @transform_2, window_bounds = array<i64: 1, 128>}, {transform_indices = @transform_3, window_bounds = array<i64: 2000, 128>}]} {
    %get3A = arith.constant 0 : index
    %get3A_0 = arith.constant 0 : index
    %get3A_1 = arith.constant 0 : index
    %get3A_2 = vector.load %arg1[%get3A, %get3A_0, %get3A_1] : memref<2x2000x128xf32, #tpu.memory_space<vmem>>, vector<1x2000x128xf32>
    %get3A_3 = vector.shape_cast %get3A_2 : vector<1x2000x128xf32> to vector<2000x128xf32>
    %get3A_4 = arith.constant 0 : index
    %get3A_5 = arith.constant 0 : index
    %get3A_6 = vector.load %arg2[%get3A_4, %get3A_5] : memref<256x128xf32, #tpu.memory_space<vmem>>, vector<128x128xf32>
    %dot_general3A = arith.constant dense<0.000000e+00> : vector<2000x128xf32>
    %dot_general3A_7 = tpu.matmul %get3A_3, %get3A_6, %dot_general3A {dimension_numbers = #tpu.dot_dimension_numbers<[1], [0], [0], [1], [0, 0, 1, 1], [], []>, transpose_lhs_hint = false} : vector<2000x128xf32>, vector<128x128xf32>, vector<2000x128xf32> -> vector<2000x128xf32>
    %get3A_8 = arith.constant 1 : index
    %get3A_9 = arith.constant 0 : index
    %get3A_10 = arith.constant 0 : index
    %get3A_11 = vector.load %arg1[%get3A_8, %get3A_9, %get3A_10] : memref<2x2000x128xf32, #tpu.memory_space<vmem>>, vector<1x2000x128xf32>
    %get3A_12 = vector.shape_cast %get3A_11 : vector<1x2000x128xf32> to vector<2000x128xf32>
    %get3A_13 = arith.constant 128 : index
    %get3A_14 = arith.constant 0 : index
    %get3A_15 = vector.load %arg2[%get3A_13, %get3A_14] : memref<256x128xf32, #tpu.memory_space<vmem>>, vector<128x128xf32>
    %dot_general3A_16 = arith.constant dense<0.000000e+00> : vector<2000x128xf32>
    %dot_general3A_17 = tpu.matmul %get3A_12, %get3A_15, %dot_general3A_16 {dimension_numbers = #tpu.dot_dimension_numbers<[1], [0], [0], [1], [0, 0, 1, 1], [], []>, transpose_lhs_hint = false} : vector<2000x128xf32>, vector<128x128xf32>, vector<2000x128xf32> -> vector<2000x128xf32>
    %add3A = arith.addf %dot_general3A_7, %dot_general3A_17 : vector<2000x128xf32>
    %get3A_18 = arith.constant 0 : index
    %get3A_19 = arith.constant 0 : index
    %get3A_20 = vector.load %arg3[%get3A_18, %get3A_19] : memref<1x128xf32, #tpu.memory_space<vmem>>, vector<1x128xf32>
    %add3A_21 = vector.broadcast %get3A_20 : vector<1x128xf32> to vector<2000x128xf32>
    %add3A_22 = arith.addf %add3A, %add3A_21 : vector<2000x128xf32>
    %swap3A = arith.constant 0 : index
    %swap3A_23 = arith.constant 0 : index
    %swap3A_24 = vector.load %arg4[%swap3A, %swap3A_23] : memref<2000x128xf32, #tpu.memory_space<vmem>>, vector<2000x128xf32>
    tpu.vector_store %arg4[%swap3A, %swap3A_23], %add3A_22 {strides = array<i32>} : memref<2000x128xf32, #tpu.memory_space<vmem>>, vector<2000x128xf32>,
    return
  }
  func.func @transform_0(%arg0: i32) -> (i32, i32, i32) {
    %c0_i32 = arith.constant 0 : i32
    %c0_i32_0 = arith.constant 0 : i32
    %c0_i32_1 = arith.constant 0 : i32
    return %c0_i32, %arg0, %c0_i32_0 : i32, i32, i32
  }
  func.func @transform_1(%arg0: i32) -> (i32, i32) {
    %c0_i32 = arith.constant 0 : i32
    %c0_i32_0 = arith.constant 0 : i32
    %c0_i32_1 = arith.constant 0 : i32
    return %c0_i32, %c0_i32_0 : i32, i32
  }
  func.func @transform_2(%arg0: i32) -> (i32, i32) {
    %c0_i32 = arith.constant 0 : i32
    %c0_i32_0 = arith.constant 0 : i32
    %c0_i32_1 = arith.constant 0 : i32
    return %c0_i32, %c0_i32_0 : i32, i32
  }
  func.func @transform_3(%arg0: i32) -> (i32, i32) {
    %c0_i32 = arith.constant 0 : i32
    %c0_i32_0 = arith.constant 0 : i32
    return %arg0, %c0_i32 : i32, i32
  }
}

module attributes {stable_mosaic.version = 14 : i64} {
  func.func @_glob1_body(%arg0: memref<1x256xf32, #tpu.memory_space<vmem>>, %arg1: memref<1x256xf32, #tpu.memory_space<vmem>>, %arg2: memref<1x32xf32, #tpu.memory_space<vmem>>, %arg3: memref<256x16xf32, #tpu.memory_space<vmem>>, %arg4: memref<256x16xf32, #tpu.memory_space<vmem>>, %arg5: memref<32x16xf32, #tpu.memory_space<vmem>>, %arg6: memref<1x16xf32, #tpu.memory_space<vmem>>, %arg7: memref<16x128xf32, #tpu.memory_space<vmem>>, %arg8: memref<1x128xf32, #tpu.memory_space<vmem>>, %arg9: memref<16x128xf32, #tpu.memory_space<vmem>>, %arg10: memref<1x128xf32, #tpu.memory_space<vmem>>, %arg11: memref<1x16xf32, #tpu.memory_space<vmem>>, %arg12: memref<1x128xf32, #tpu.memory_space<vmem>>, %arg13: memref<1x128xf32, #tpu.memory_space<vmem>>) attributes {dimension_semantics = [], scalar_prefetch = 0 : i64, scratch_operands = 0 : i64, tpu.core_type = #tpu.core_type<tc>} {
    %get3A = arith.constant 0 : index
    %get3A_0 = arith.constant 0 : index
    %get3A_1 = vector.load %arg0[%get3A, %get3A_0] : memref<1x256xf32, #tpu.memory_space<vmem>>, vector<1x256xf32>
    %mul3A = arith.constant 9.99999974E-5 : f32
    %mul3A_2 = vector.broadcast %mul3A : f32 to vector<1x256xf32>
    %mul3A_3 = arith.mulf %get3A_1, %mul3A_2 : vector<1x256xf32>
    %get3A_4 = arith.constant 0 : index
    %get3A_5 = arith.constant 0 : index
    %get3A_6 = vector.load %arg3[%get3A_4, %get3A_5] : memref<256x16xf32, #tpu.memory_space<vmem>>, vector<256x16xf32>
    %dot_general3A = arith.constant dense<0.000000e+00> : vector<1x16xf32>
    %dot_general3A_7 = tpu.matmul %mul3A_3, %get3A_6, %dot_general3A {dimension_numbers = #tpu.dot_dimension_numbers<[1], [0], [0], [1], [0, 0, 1, 1], [], []>, transpose_lhs_hint = false} : vector<1x256xf32>, vector<256x16xf32>, vector<1x16xf32> -> vector<1x16xf32>
    %get3A_8 = arith.constant 0 : index
    %get3A_9 = arith.constant 0 : index
    %get3A_10 = vector.load %arg1[%get3A_8, %get3A_9] : memref<1x256xf32, #tpu.memory_space<vmem>>, vector<1x256xf32>
    %mul3A_11 = arith.constant 3.125000e-06 : f32
    %mul3A_12 = vector.broadcast %mul3A_11 : f32 to vector<1x256xf32>
    %mul3A_13 = arith.mulf %get3A_10, %mul3A_12 : vector<1x256xf32>
    %get3A_14 = arith.constant 0 : index
    %get3A_15 = arith.constant 0 : index
    %get3A_16 = vector.load %arg4[%get3A_14, %get3A_15] : memref<256x16xf32, #tpu.memory_space<vmem>>, vector<256x16xf32>
    %dot_general3A_17 = arith.constant dense<0.000000e+00> : vector<1x16xf32>
    %dot_general3A_18 = tpu.matmul %mul3A_13, %get3A_16, %dot_general3A_17 {dimension_numbers = #tpu.dot_dimension_numbers<[1], [0], [0], [1], [0, 0, 1, 1], [], []>, transpose_lhs_hint = false} : vector<1x256xf32>, vector<256x16xf32>, vector<1x16xf32> -> vector<1x16xf32>
    %add3A = arith.addf %dot_general3A_7, %dot_general3A_18 : vector<1x16xf32>
    %get3A_19 = arith.constant 0 : index
    %get3A_20 = arith.constant 0 : index
    %get3A_21 = vector.load %arg2[%get3A_19, %get3A_20] : memref<1x32xf32, #tpu.memory_space<vmem>>, vector<1x32xf32>
    %get3A_22 = arith.constant 0 : index
    %get3A_23 = arith.constant 0 : index
    %get3A_24 = vector.load %arg5[%get3A_22, %get3A_23] : memref<32x16xf32, #tpu.memory_space<vmem>>, vector<32x16xf32>
    %dot_general3A_25 = arith.constant dense<0.000000e+00> : vector<1x16xf32>
    %dot_general3A_26 = tpu.matmul %get3A_21, %get3A_24, %dot_general3A_25 {dimension_numbers = #tpu.dot_dimension_numbers<[1], [0], [0], [1], [0, 0, 1, 1], [], []>, transpose_lhs_hint = false} : vector<1x32xf32>, vector<32x16xf32>, vector<1x16xf32> -> vector<1x16xf32>
    %add3A_27 = arith.addf %add3A, %dot_general3A_26 : vector<1x16xf32>
    %get3A_28 = arith.constant 0 : index
    %get3A_29 = arith.constant 0 : index
    %get3A_30 = vector.load %arg6[%get3A_28, %get3A_29] : memref<1x16xf32, #tpu.memory_space<vmem>>, vector<1x16xf32>
    %add3A_31 = arith.addf %add3A_27, %get3A_30 : vector<1x16xf32>
    %max3A = arith.constant 0.000000e+00 : f32
    %max3A_32 = vector.broadcast %max3A : f32 to vector<1x16xf32>
    %max3A_33 = arith.maximumf %add3A_31, %max3A_32 : vector<1x16xf32>
    %swap3A = arith.constant 0 : index
    %swap3A_34 = arith.constant 0 : index
    %swap3A_35 = vector.load %arg11[%swap3A, %swap3A_34] : memref<1x16xf32, #tpu.memory_space<vmem>>, vector<1x16xf32>
    tpu.vector_store %arg11[%swap3A, %swap3A_34], %max3A_33 {strides = array<i32>} : memref<1x16xf32, #tpu.memory_space<vmem>>, vector<1x16xf32>,
    %get3A_36 = arith.constant 0 : index
    %get3A_37 = arith.constant 0 : index
    %get3A_38 = vector.load %arg7[%get3A_36, %get3A_37] : memref<16x128xf32, #tpu.memory_space<vmem>>, vector<16x128xf32>
    %dot_general3A_39 = arith.constant dense<0.000000e+00> : vector<1x128xf32>
    %dot_general3A_40 = tpu.matmul %max3A_33, %get3A_38, %dot_general3A_39 {dimension_numbers = #tpu.dot_dimension_numbers<[1], [0], [0], [1], [0, 0, 1, 1], [], []>, transpose_lhs_hint = false} : vector<1x16xf32>, vector<16x128xf32>, vector<1x128xf32> -> vector<1x128xf32>
    %get3A_41 = arith.constant 0 : index
    %get3A_42 = arith.constant 0 : index
    %get3A_43 = vector.load %arg8[%get3A_41, %get3A_42] : memref<1x128xf32, #tpu.memory_space<vmem>>, vector<1x128xf32>
    %add3A_44 = arith.addf %dot_general3A_40, %get3A_43 : vector<1x128xf32>
    %swap3A_45 = arith.constant 0 : index
    %swap3A_46 = arith.constant 0 : index
    %swap3A_47 = vector.load %arg12[%swap3A_45, %swap3A_46] : memref<1x128xf32, #tpu.memory_space<vmem>>, vector<1x128xf32>
    tpu.vector_store %arg12[%swap3A_45, %swap3A_46], %add3A_44 {strides = array<i32>} : memref<1x128xf32, #tpu.memory_space<vmem>>, vector<1x128xf32>,
    %get3A_48 = arith.constant 0 : index
    %get3A_49 = arith.constant 0 : index
    %get3A_50 = vector.load %arg9[%get3A_48, %get3A_49] : memref<16x128xf32, #tpu.memory_space<vmem>>, vector<16x128xf32>
    %dot_general3A_51 = arith.constant dense<0.000000e+00> : vector<1x128xf32>
    %dot_general3A_52 = tpu.matmul %max3A_33, %get3A_50, %dot_general3A_51 {dimension_numbers = #tpu.dot_dimension_numbers<[1], [0], [0], [1], [0, 0, 1, 1], [], []>, transpose_lhs_hint = false} : vector<1x16xf32>, vector<16x128xf32>, vector<1x128xf32> -> vector<1x128xf32>
    %get3A_53 = arith.constant 0 : index
    %get3A_54 = arith.constant 0 : index
    %get3A_55 = vector.load %arg10[%get3A_53, %get3A_54] : memref<1x128xf32, #tpu.memory_space<vmem>>, vector<1x128xf32>
    %add3A_56 = arith.addf %dot_general3A_52, %get3A_55 : vector<1x128xf32>
    %swap3A_57 = arith.constant 0 : index
    %swap3A_58 = arith.constant 0 : index
    %swap3A_59 = vector.load %arg13[%swap3A_57, %swap3A_58] : memref<1x128xf32, #tpu.memory_space<vmem>>, vector<1x128xf32>
    tpu.vector_store %arg13[%swap3A_57, %swap3A_58], %add3A_56 {strides = array<i32>} : memref<1x128xf32, #tpu.memory_space<vmem>>, vector<1x128xf32>,
    return
  }
}

module attributes {stable_mosaic.version = 14 : i64} {
  func.func @_node2_body(%arg0: i32, %arg1: memref<1000x256xf32, #tpu.memory_space<vmem>>, %arg2: memref<2x1000x128xf32, #tpu.memory_space<vmem>>, %arg3: memref<1000x128xf32, #tpu.memory_space<vmem>>, %arg4: memref<256x128xf32, #tpu.memory_space<vmem>>, %arg5: memref<128x128xf32, #tpu.memory_space<vmem>>, %arg6: memref<1x128xf32, #tpu.memory_space<vmem>>, %arg7: memref<1x128xf32, #tpu.memory_space<vmem>>, %arg8: memref<1x128xf32, #tpu.memory_space<vmem>>) attributes {dimension_semantics = [#tpu.dimension_semantics<arbitrary>], iteration_bounds = array<i64: 10>, scalar_prefetch = 0 : i64, scratch_operands = 0 : i64, tpu.core_type = #tpu.core_type<tc>, window_params = [{transform_indices = @transform_0, window_bounds = array<i64: 1000, 256>}, {transform_indices = @transform_1, window_bounds = array<i64: 2, 1000, 128>}, {transform_indices = @transform_2, window_bounds = array<i64: 1000, 128>}, {pipeline_mode = #tpu.pipeline_mode<synchronous>, transform_indices = @transform_3, window_bounds = array<i64: 256, 128>}, {pipeline_mode = #tpu.pipeline_mode<synchronous>, transform_indices = @transform_4, window_bounds = array<i64: 128, 128>}, {pipeline_mode = #tpu.pipeline_mode<synchronous>, transform_indices = @transform_5, window_bounds = array<i64: 1, 128>}, {pipeline_mode = #tpu.pipeline_mode<synchronous>, transform_indices = @transform_6, window_bounds = array<i64: 1, 128>}, {pipeline_mode = #tpu.pipeline_mode<synchronous>, transform_indices = @transform_7, window_bounds = array<i64: 1, 128>}]} {
    %eq3A = arith.constant 0 : i32
    %eq3A_0 = arith.cmpi eq, %arg0, %eq3A : i32
    %convert_element_type3A = arith.extui %eq3A_0 : i1 to i32
    %cond3A = arith.constant 0 : i32
    %cond3A_1 = arith.cmpi ne, %convert_element_type3A, %cond3A : i32
    scf.if %cond3A_1 {
      %broadcast_in_dim3A_55 = arith.constant 0.000000e+00 : f32
      %broadcast_in_dim3A_56 = vector.broadcast %broadcast_in_dim3A_55 : f32 to vector<1x128xf32>
      %swap3A_57 = arith.constant 0 : index
      %swap3A_58 = arith.constant 0 : index
      %swap3A_59 = vector.load %arg7[%swap3A_57, %swap3A_58] : memref<1x128xf32, #tpu.memory_space<vmem>>, vector<1x128xf32>
      tpu.vector_store %arg7[%swap3A_57, %swap3A_58], %broadcast_in_dim3A_56 {strides = array<i32>} : memref<1x128xf32, #tpu.memory_space<vmem>>, vector<1x128xf32>,
      %broadcast_in_dim3A_60 = arith.constant 0.000000e+00 : f32
      %broadcast_in_dim3A_61 = vector.broadcast %broadcast_in_dim3A_60 : f32 to vector<1x128xf32>
      %swap3A_62 = arith.constant 0 : index
      %swap3A_63 = arith.constant 0 : index
      %swap3A_64 = vector.load %arg8[%swap3A_62, %swap3A_63] : memref<1x128xf32, #tpu.memory_space<vmem>>, vector<1x128xf32>
      tpu.vector_store %arg8[%swap3A_62, %swap3A_63], %broadcast_in_dim3A_61 {strides = array<i32>} : memref<1x128xf32, #tpu.memory_space<vmem>>, vector<1x128xf32>,
    } else {
    }
    %get3A = arith.constant 0 : index
    %get3A_2 = arith.constant 0 : index
    %get3A_3 = vector.load %arg3[%get3A, %get3A_2] : memref<1000x128xf32, #tpu.memory_space<vmem>>, vector<1000x1xf32>
    %max3A = arith.constant 1.000000e+00 : f32
    %max3A_4 = vector.broadcast %max3A : f32 to vector<1000x1xf32>
    %max3A_5 = arith.maximumf %get3A_3, %max3A_4 : vector<1000x1xf32>
    %get3A_6 = arith.constant 0 : index
    %get3A_7 = arith.constant 0 : index
    %get3A_8 = arith.constant 0 : index
    %get3A_9 = vector.load %arg2[%get3A_6, %get3A_7, %get3A_8] : memref<2x1000x128xf32, #tpu.memory_space<vmem>>, vector<1x1000x128xf32>
    %get3A_10 = vector.shape_cast %get3A_9 : vector<1x1000x128xf32> to vector<1000x128xf32>
    %get3A_11 = arith.constant 1 : index
    %get3A_12 = arith.constant 0 : index
    %get3A_13 = arith.constant 0 : index
    %get3A_14 = vector.load %arg2[%get3A_11, %get3A_12, %get3A_13] : memref<2x1000x128xf32, #tpu.memory_space<vmem>>, vector<1x1000x128xf32>
    %get3A_15 = vector.shape_cast %get3A_14 : vector<1x1000x128xf32> to vector<1000x128xf32>
    %add3A = arith.addf %get3A_10, %get3A_15 : vector<1000x128xf32>
    %div3A = vector.broadcast %max3A_5 : vector<1000x1xf32> to vector<1000x128xf32>
    %div3A_16 = arith.divf %add3A, %div3A : vector<1000x128xf32>
    %get3A_17 = arith.constant 0 : index
    %get3A_18 = arith.constant 0 : index
    %get3A_19 = vector.load %arg1[%get3A_17, %get3A_18] : memref<1000x256xf32, #tpu.memory_space<vmem>>, vector<1000x256xf32>
    %get3A_20 = arith.constant 0 : index
    %get3A_21 = arith.constant 0 : index
    %get3A_22 = vector.load %arg4[%get3A_20, %get3A_21] : memref<256x128xf32, #tpu.memory_space<vmem>>, vector<256x128xf32>
    %dot_general3A = arith.constant dense<0.000000e+00> : vector<1000x128xf32>
    %dot_general3A_23 = tpu.matmul %get3A_19, %get3A_22, %dot_general3A {dimension_numbers = #tpu.dot_dimension_numbers<[1], [0], [0], [1], [0, 0, 1, 1], [], []>, transpose_lhs_hint = false} : vector<1000x256xf32>, vector<256x128xf32>, vector<1000x128xf32> -> vector<1000x128xf32>
    %get3A_24 = arith.constant 0 : index
    %get3A_25 = arith.constant 0 : index
    %get3A_26 = vector.load %arg5[%get3A_24, %get3A_25] : memref<128x128xf32, #tpu.memory_space<vmem>>, vector<128x128xf32>
    %dot_general3A_27 = arith.constant dense<0.000000e+00> : vector<1000x128xf32>
    %dot_general3A_28 = tpu.matmul %div3A_16, %get3A_26, %dot_general3A_27 {dimension_numbers = #tpu.dot_dimension_numbers<[1], [0], [0], [1], [0, 0, 1, 1], [], []>, transpose_lhs_hint = false} : vector<1000x128xf32>, vector<128x128xf32>, vector<1000x128xf32> -> vector<1000x128xf32>
    %add3A_29 = arith.addf %dot_general3A_23, %dot_general3A_28 : vector<1000x128xf32>
    %get3A_30 = arith.constant 0 : index
    %get3A_31 = arith.constant 0 : index
    %get3A_32 = vector.load %arg6[%get3A_30, %get3A_31] : memref<1x128xf32, #tpu.memory_space<vmem>>, vector<1x128xf32>
    %add3A_33 = vector.broadcast %get3A_32 : vector<1x128xf32> to vector<1000x128xf32>
    %add3A_34 = arith.addf %add3A_29, %add3A_33 : vector<1000x128xf32>
    %max3A_35 = arith.constant 0.000000e+00 : f32
    %max3A_36 = vector.broadcast %max3A_35 : f32 to vector<1000x128xf32>
    %max3A_37 = arith.maximumf %add3A_34, %max3A_36 : vector<1000x128xf32>
    %get3A_38 = arith.constant 0 : index
    %get3A_39 = arith.constant 0 : index
    %get3A_40 = vector.load %arg7[%get3A_38, %get3A_39] : memref<1x128xf32, #tpu.memory_space<vmem>>, vector<1x128xf32>
    %reduce_sum3A = arith.constant dense<0.000000e+00> : vector<128xf32>
    %reduce_sum3A_41 = vector.multi_reduction <add>, %max3A_37, %reduce_sum3A [0] : vector<1000x128xf32> to vector<128xf32>
    %broadcast_in_dim3A = vector.shape_cast %reduce_sum3A_41 : vector<128xf32> to vector<1x128xf32>
    %add3A_42 = arith.addf %get3A_40, %broadcast_in_dim3A : vector<1x128xf32>
    %swap3A = arith.constant 0 : index
    %swap3A_43 = arith.constant 0 : index
    %swap3A_44 = vector.load %arg7[%swap3A, %swap3A_43] : memref<1x128xf32, #tpu.memory_space<vmem>>, vector<1x128xf32>
    tpu.vector_store %arg7[%swap3A, %swap3A_43], %add3A_42 {strides = array<i32>} : memref<1x128xf32, #tpu.memory_space<vmem>>, vector<1x128xf32>,
    %get3A_45 = arith.constant 0 : index
    %get3A_46 = arith.constant 0 : index
    %get3A_47 = vector.load %arg8[%get3A_45, %get3A_46] : memref<1x128xf32, #tpu.memory_space<vmem>>, vector<1x128xf32>
    %reduce_sum3A_48 = arith.constant dense<0.000000e+00> : vector<128xf32>
    %reduce_sum3A_49 = vector.multi_reduction <add>, %add3A, %reduce_sum3A_48 [0] : vector<1000x128xf32> to vector<128xf32>
    %broadcast_in_dim3A_50 = vector.shape_cast %reduce_sum3A_49 : vector<128xf32> to vector<1x128xf32>
    %add3A_51 = arith.addf %get3A_47, %broadcast_in_dim3A_50 : vector<1x128xf32>
    %swap3A_52 = arith.constant 0 : index
    %swap3A_53 = arith.constant 0 : index
    %swap3A_54 = vector.load %arg8[%swap3A_52, %swap3A_53] : memref<1x128xf32, #tpu.memory_space<vmem>>, vector<1x128xf32>
    tpu.vector_store %arg8[%swap3A_52, %swap3A_53], %add3A_51 {strides = array<i32>} : memref<1x128xf32, #tpu.memory_space<vmem>>, vector<1x128xf32>,
    return
  }
  func.func @transform_0(%arg0: i32) -> (i32, i32) {
    %c0_i32 = arith.constant 0 : i32
    %c0_i32_0 = arith.constant 0 : i32
    return %arg0, %c0_i32 : i32, i32
  }
  func.func @transform_1(%arg0: i32) -> (i32, i32, i32) {
    %c0_i32 = arith.constant 0 : i32
    %c0_i32_0 = arith.constant 0 : i32
    %c0_i32_1 = arith.constant 0 : i32
    return %c0_i32, %arg0, %c0_i32_0 : i32, i32, i32
  }
  func.func @transform_2(%arg0: i32) -> (i32, i32) {
    %c0_i32 = arith.constant 0 : i32
    %c0_i32_0 = arith.constant 0 : i32
    return %arg0, %c0_i32 : i32, i32
  }
  func.func @transform_3(%arg0: i32) -> (i32, i32) {
    %c0_i32 = arith.constant 0 : i32
    %c0_i32_0 = arith.constant 0 : i32
    %c0_i32_1 = arith.constant 0 : i32
    return %c0_i32, %c0_i32_0 : i32, i32
  }
  func.func @transform_4(%arg0: i32) -> (i32, i32) {
    %c0_i32 = arith.constant 0 : i32
    %c0_i32_0 = arith.constant 0 : i32
    %c0_i32_1 = arith.constant 0 : i32
    return %c0_i32, %c0_i32_0 : i32, i32
  }
  func.func @transform_5(%arg0: i32) -> (i32, i32) {
    %c0_i32 = arith.constant 0 : i32
    %c0_i32_0 = arith.constant 0 : i32
    %c0_i32_1 = arith.constant 0 : i32
    return %c0_i32, %c0_i32_0 : i32, i32
  }
  func.func @transform_6(%arg0: i32) -> (i32, i32) {
    %c0_i32 = arith.constant 0 : i32
    %c0_i32_0 = arith.constant 0 : i32
    %c0_i32_1 = arith.constant 0 : i32
    return %c0_i32, %c0_i32_0 : i32, i32
  }
  func.func @transform_7(%arg0: i32) -> (i32, i32) {
    %c0_i32 = arith.constant 0 : i32
    %c0_i32_0 = arith.constant 0 : i32
    %c0_i32_1 = arith.constant 0 : i32
    return %c0_i32, %c0_i32_0 : i32, i32
  }
}

module attributes {stable_mosaic.version = 14 : i64} {
  func.func @_out_body(%arg0: memref<1x128xf32, #tpu.memory_space<vmem>>, %arg1: memref<1x128xf32, #tpu.memory_space<vmem>>, %arg2: memref<1x16xf32, #tpu.memory_space<vmem>>, %arg3: memref<128x1xf32, #tpu.memory_space<vmem>>, %arg4: memref<128x1xf32, #tpu.memory_space<vmem>>, %arg5: memref<16x1xf32, #tpu.memory_space<vmem>>, %arg6: memref<1x1xf32, #tpu.memory_space<vmem>>, %arg7: memref<1x1xf32, #tpu.memory_space<vmem>>) attributes {dimension_semantics = [], scalar_prefetch = 0 : i64, scratch_operands = 0 : i64, tpu.core_type = #tpu.core_type<tc>} {
    %get3A = arith.constant 0 : index
    %get3A_0 = arith.constant 0 : index
    %get3A_1 = vector.load %arg0[%get3A, %get3A_0] : memref<1x128xf32, #tpu.memory_space<vmem>>, vector<1x128xf32>
    %mul3A = arith.constant 9.99999974E-5 : f32
    %mul3A_2 = vector.broadcast %mul3A : f32 to vector<1x128xf32>
    %mul3A_3 = arith.mulf %get3A_1, %mul3A_2 : vector<1x128xf32>
    %get3A_4 = arith.constant 0 : index
    %get3A_5 = arith.constant 0 : index
    %get3A_6 = vector.load %arg3[%get3A_4, %get3A_5] : memref<128x1xf32, #tpu.memory_space<vmem>>, vector<128x1xf32>
    %dot_general3A = arith.constant dense<0.000000e+00> : vector<1x1xf32>
    %dot_general3A_7 = tpu.matmul %mul3A_3, %get3A_6, %dot_general3A {dimension_numbers = #tpu.dot_dimension_numbers<[1], [0], [0], [1], [0, 0, 1, 1], [], []>, transpose_lhs_hint = false} : vector<1x128xf32>, vector<128x1xf32>, vector<1x1xf32> -> vector<1x1xf32>
    %get3A_8 = arith.constant 0 : index
    %get3A_9 = arith.constant 0 : index
    %get3A_10 = vector.load %arg1[%get3A_8, %get3A_9] : memref<1x128xf32, #tpu.memory_space<vmem>>, vector<1x128xf32>
    %mul3A_11 = arith.constant 3.125000e-06 : f32
    %mul3A_12 = vector.broadcast %mul3A_11 : f32 to vector<1x128xf32>
    %mul3A_13 = arith.mulf %get3A_10, %mul3A_12 : vector<1x128xf32>
    %get3A_14 = arith.constant 0 : index
    %get3A_15 = arith.constant 0 : index
    %get3A_16 = vector.load %arg4[%get3A_14, %get3A_15] : memref<128x1xf32, #tpu.memory_space<vmem>>, vector<128x1xf32>
    %dot_general3A_17 = arith.constant dense<0.000000e+00> : vector<1x1xf32>
    %dot_general3A_18 = tpu.matmul %mul3A_13, %get3A_16, %dot_general3A_17 {dimension_numbers = #tpu.dot_dimension_numbers<[1], [0], [0], [1], [0, 0, 1, 1], [], []>, transpose_lhs_hint = false} : vector<1x128xf32>, vector<128x1xf32>, vector<1x1xf32> -> vector<1x1xf32>
    %add3A = arith.addf %dot_general3A_7, %dot_general3A_18 : vector<1x1xf32>
    %get3A_19 = arith.constant 0 : index
    %get3A_20 = arith.constant 0 : index
    %get3A_21 = vector.load %arg2[%get3A_19, %get3A_20] : memref<1x16xf32, #tpu.memory_space<vmem>>, vector<1x16xf32>
    %get3A_22 = arith.constant 0 : index
    %get3A_23 = arith.constant 0 : index
    %get3A_24 = vector.load %arg5[%get3A_22, %get3A_23] : memref<16x1xf32, #tpu.memory_space<vmem>>, vector<16x1xf32>
    %dot_general3A_25 = arith.constant dense<0.000000e+00> : vector<1x1xf32>
    %dot_general3A_26 = tpu.matmul %get3A_21, %get3A_24, %dot_general3A_25 {dimension_numbers = #tpu.dot_dimension_numbers<[1], [0], [0], [1], [0, 0, 1, 1], [], []>, transpose_lhs_hint = false} : vector<1x16xf32>, vector<16x1xf32>, vector<1x1xf32> -> vector<1x1xf32>
    %add3A_27 = arith.addf %add3A, %dot_general3A_26 : vector<1x1xf32>
    %get3A_28 = arith.constant 0 : index
    %get3A_29 = arith.constant 0 : index
    %get3A_30 = vector.load %arg6[%get3A_28, %get3A_29] : memref<1x1xf32, #tpu.memory_space<vmem>>, vector<1x1xf32>
    %add3A_31 = arith.addf %add3A_27, %get3A_30 : vector<1x1xf32>
    %swap3A = arith.constant 0 : index
    %swap3A_32 = arith.constant 0 : index
    %swap3A_33 = vector.load %arg7[%swap3A, %swap3A_32] : memref<1x1xf32, #tpu.memory_space<vmem>>, vector<1x1xf32>
    tpu.vector_store %arg7[%swap3A, %swap3A_32], %add3A_31 {strides = array<i32>} : memref<1x1xf32, #tpu.memory_space<vmem>>, vector<1x1xf32>,
    return
  }
}

</mosaic_0001>

<sc_bundles>
// kernel: kernel.12.cloned.1.call-start
scs
__scs_entry_jumppad:
0x0: {  	(pc) =	sbr.rel $0x88, $3  }
0x1: {  	(tag) =	ssettag $0x0;
	lr =	simm.s32 $0x1  }
0x2: {  	[smem:$0x3F82] =	sst lr;
	_ =	strace $0xD0000000  }
0x3: {  	_ = 	snop  }
0x4: {  	_ = 	snop  }
0x5: {  	_ = 	snop  }
0x6: {  	_ = 	snop  }
0x7: {  	_ = 	snop  }
__scs_overlays_trampoline_lowered:
0x8: {  	[smem:$0x3F91] =	sst s0  }
0x9: {  	[smem:$0x3F92] =	sst s1  }
0xa: {  	[smem:$0x3F93] =	sst s2  }
0xb: {  	[smem:$0x3F94] =	sst s3  }
0xc: {  	[smem:$0x3F95] =	sst s4  }
0xd: {  	[smem:$0x3F96] =	sst s5  }
0xe: {  	[smem:$0x3F97] =	sst s6  }
0xf: {  	[smem:$0x3F98] =	sst s7  }
0x10: {  	[smem:$0x3F99] =	sst s8  }
0x11: {  	[smem:$0x3F9A] =	sst s9;
	s0 =	simm.s32 @!p0 $0x0  }
0x12: {  	s1 =	sld [smem:$0x3F80];
	s0 =	simm.s32 @p0 $0x1  }
0x13: {  	[smem:$0x3F9B] =	sst s0;
	s0 =	simm.s32 @!p1 $0x0  }
0x14: {  	s2 =	sld [smem:$0x3F7F];
	s0 =	simm.s32 @p1 $0x1  }
0x15: {  	[smem:$0x3F9C] =	sst s0;
	s0 =	simm.s32 @!p2 $0x0  }
0x16: {  	s3 =	sld [smem:$0x3FDB];
	s0 =	simm.s32 @p2 $0x1  }
0x17: {  	s4 =	simm.s32 $0x1BF5;
	[smem:$0x3F9E] =	sst s0  }
0x18: {  	s0 =	sld [smem:$0x3F81];
	_ =	swait.ge [sflag:s4], $0x0  }
0x19: {  	s7 =	sld [smem:$0x3F82]  }
0x1a: {  	s8 =	sadd.s32 $0xFFFFE003, lr  }
0x1b: {  	s9 =	sadd.s32 $0xFFFFFEF7, lr;
	s5 =	simm.s32 $0xFFFFFFFF;
	p2 =	slt.u32 s8, $0xFFFFF086  }
0x1c: {  	p1 =	slt.u32 s9, $0xF7A;
	s5 =	simm.s32 @!p2 $0x0  }
0x1d: {  	s5 =	simm.s32 @p1 $0x1;
	p0 =	seq.s32 s7, s2  }
0x1e: {  	s7 =	smul.u32 @!p0 $0xF7A, s2;
	p2 =	seq.s32 @!p0 s5, $0x0  }
0x1f: {  	s9 =	smul.u32 $0xF7A, s1;
	s8 =	simm.s32 @!p0 $0x1BF5;
	p2 =	por !p2, p0  }
0x20: {  	[sflag:s8] =	ssyncset.s32 @!p0 $0xFFFFF086;
	s6 =	sadd.s32 @!p0 s3, s7;
	s7 =	simm.s32 @!p0 $0x108  }
0x21: {  	s3 =	sadd.s32 s3, s9;
	s6 =	sadd.s32 @!p0 $0x88, s6;
	s7 =	simm.s32 @p2 $0x1082  }
0x22: {  	[simem:s7], [sflag:s8] =	dma.local @!p0 [hbm:s6], $0xF7A  }
0x23: {  	s9 =	sor.u32 $0xD0000000, s2;
	s6 =	simm.s32 $0x108;
	_ =	swait.ge @!p0 [sflag:s8], $0x0  }
0x24: {  	s3 =	sadd.s32 $0x88, s3;
	s6 =	simm.s32 @!p1 $0x1082;
	[sflag:s4] =	ssyncset.s32 $0xFFFFF086  }
0x25: {  	[simem:s6], [sflag:s4] =	dma.local [hbm:s3], $0xF7A  }
0x26: {  	[smem:$0x3F82] =	sst s1;
	(tag) =	ssettag s2;
	_ =	strace s9  }
0x27: {  	s1 =	sld [smem:$0x3F92]  }
0x28: {  	s2 =	sld [smem:$0x3F93]  }
0x29: {  	s4 =	sld [smem:$0x3F95]  }
0x2a: {  	p0 =	seq.s32 s5, $0x0;
	s5 =	sld [smem:$0x3F96]  }
0x2b: {  	s6 =	sld [smem:$0x3F97]  }
0x2c: {  	s7 =	sld [smem:$0x3F98]  }
0x2d: {  	s3 =	simm.s32 $0x108;
	s8 =	sld [smem:$0x3F99]  }
0x2e: {  	s3 =	simm.s32 @!p0 $0x1082;
	s9 =	sld [smem:$0x3F9A]  }
0x2f: {  	lr =	sadd.s32 s0, s3;
	s0 =	sld [smem:$0x3F91]  }
0x30: {  	s3 =	sld [smem:$0x3F94]  }
0x31: {  	[smem:$0x3F9D] =	sst s10  }
0x32: {  	s10 =	sld [smem:$0x3F9B];
	_ =	sdelay $0x3  }
0x33: {  	p0 =	seq.s32 s10, $0x1;
	s10 =	sld [smem:$0x3F9D];
	_ =	sdelay $0x3  }
0x34: {  	[smem:$0x3F9D] =	sst s10  }
0x35: {  	s10 =	sld [smem:$0x3F9C];
	_ =	sdelay $0x3  }
0x36: {  	p1 =	seq.s32 s10, $0x1;
	s10 =	sld [smem:$0x3F9D];
	_ =	sdelay $0x3  }
0x37: {  	[smem:$0x3F9D] =	sst s10  }
0x38: {  	s10 =	sld [smem:$0x3F9E]  }
0x39: {  	_ = 	snop;
	(pc) =	sbr.ind lr, $3  }
0x3a: {  	_ = 	snop  }
0x3b: {  	_ = 	snop  }
0x3c: {  	p2 =	seq.s32 s10, $0x1;
	s10 =	sld [smem:$0x3F9D]  }
0x3d: {  	_ =	shalt  }
0x3e: {  	_ =	shalt  }
0x3f: {  	_ =	shalt  }
0x40: {  	_ =	shalt  }
0x41: {  	_ =	shalt  }
0x42: {  	_ =	shalt  }
0x43: {  	_ =	shalt  }
0x44: {  	_ =	shalt  }
0x45: {  	_ =	shalt  }
0x46: {  	_ =	shalt  }
0x47: {  	_ =	shalt  }
0x48: {  	_ =	shalt  }
0x49: {  	_ =	shalt  }
0x4a: {  	_ =	shalt  }
0x4b: {  	_ =	shalt  }
0x4c: {  	_ =	shalt  }
0x4d: {  	_ =	shalt  }
0x4e: {  	_ =	shalt  }
0x4f: {  	_ =	shalt  }
0x50: {  	_ =	shalt  }
0x51: {  	_ =	shalt  }
0x52: {  	_ =	shalt  }
0x53: {  	_ =	shalt  }
0x54: {  	_ =	shalt  }
0x55: {  	_ =	shalt  }
0x56: {  	_ =	shalt  }
0x57: {  	_ =	shalt  }
0x58: {  	_ =	shalt  }
0x59: {  	_ =	shalt  }
0x5a: {  	_ =	shalt  }
0x5b: {  	_ =	shalt  }
0x5c: {  	_ =	shalt  }
0x5d: {  	_ =	shalt  }
0x5e: {  	_ =	shalt  }
0x5f: {  	_ =	shalt  }
0x60: {  	_ =	shalt  }
0x61: {  	_ =	shalt  }
0x62: {  	_ =	shalt  }
0x63: {  	_ =	shalt  }
0x64: {  	_ =	shalt  }
0x65: {  	_ =	shalt  }
0x66: {  	_ =	shalt  }
0x67: {  	_ =	shalt  }
0x68: {  	_ =	shalt  }
0x69: {  	_ =	shalt  }
0x6a: {  	_ =	shalt  }
0x6b: {  	_ =	shalt  }
0x6c: {  	_ =	shalt  }
0x6d: {  	_ =	shalt  }
0x6e: {  	_ =	shalt  }
0x6f: {  	_ =	shalt  }
0x70: {  	_ =	shalt  }
0x71: {  	_ =	shalt  }
0x72: {  	_ =	shalt  }
0x73: {  	_ =	shalt  }
0x74: {  	_ =	shalt  }
0x75: {  	_ =	shalt  }
0x76: {  	_ =	shalt  }
0x77: {  	_ =	shalt  }
0x78: {  	_ =	shalt  }
0x79: {  	_ =	shalt  }
0x7a: {  	_ =	shalt  }
0x7b: {  	_ =	shalt  }
0x7c: {  	_ =	shalt  }
0x7d: {  	_ =	shalt  }
0x7e: {  	_ =	shalt  }
0x7f: {  	_ =	shalt  }
0x80: {  	_ =	shalt  }
0x81: {  	_ =	shalt  }
0x82: {  	_ =	shalt  }
0x83: {  	_ =	shalt  }
0x84: {  	_ =	shalt  }
0x85: {  	_ =	shalt  }
0x86: {  	_ =	shalt  }
0x87: {  	_ =	shalt  }
.Lfunc_end0:
.L_simem_size_0:
called_computation_lowered:
.L_overlay_start_0:
0x88: {  	s2 =	sld [smem:$0x3FD9]  }
0x89: {  	s3 =	sld [smem:$0x3FFE];
	_ =	sdelay $0x1  }
0x8a: {  	s1 =	srdreg.scid  }
0x8b: {  	s0 =	sand.u32 $0x1, s1  }
0x8c: {  	s17 =	sshll.u32 s0, $0xA;
	s2 =	sadd.s32 s3, s2  }
0x8d: {  	s2 =	sadd.s32 s2, s17  }
0x8e: {  	[smem:$0x3FA9] =	sst s2  }
0x8f: {  	_ = 	snop  }
0x90: {  	(tm) =	ssettm $0x1  }
0x91: {  	s18 =	sld [smem:$0x3FFB];
	_ =	sdelay $0x3  }
0x92: {  	_ =	strace s18  }
0x93: {  	s2 =	sld [smem:$0x3FFC];
	_ =	sdelay $0x3  }
0x94: {  	_ =	strace s2  }
0x95: {  	s2 =	sld [smem:$0x3FFD];
	_ =	sdelay $0x3  }
0x96: {  	_ =	strace s2  }
0x97: {  	_ =	strace $0x8FFFFFFF  }
0x98: {  	s19 =	sld [smem:$0x3FDB];
	_ =	sdelay $0x1  }
0x99: {  	s20 =	simm.s32 $_scs_section_size  }
0x9a: {  	s4 =	simm.s32 $_size__tile_overlayer_lowered;
	s5 =	simm.s32 $_tile_overlayer_lowered  }
0x9b: {  	s6 =	simm.s32 $0x1BFF;
	s21 =	sshll.u32 s5, $0x1;
	s3 =	sadd.s32 s20, s19  }
0x9c: {  	s22 =	simm.s32 $0x0;
	s4 =	sshll.u32 s4, $0x1;
	s5 =	sadd.s32 s21, s3  }
0x9d: {  	[timem:s22], [sflag:s6] =	dma.local [hbm:s5], s4  }
0x9e: {  	_ =	swait.ge [sflag:s6], s4  }
0x9f: {  	s4 =	ssub.s32 $0x0, s4;
	[sflag:s6] =	ssyncset.done $0x0  }
0xa0: {  	[sflag:s6] =	ssyncadd.s32 s4;
	_ =	sdelay $0x1  }
0xa1: {  	s23 =	simm.s32 $0x1B8B  }
0xa2: {  	_ =	swait.ge [sflag:s23], $0x1  }
0xa3: {  	[sflag:s23] =	ssyncset.done $0x0  }
0xa4: {  	[sflag:s23] =	ssyncadd.s32 $0xFFFFFFFF  }
0xa5: {  	s4 =	sld [smem:$0x0]  }
0xa6: {  	s5 =	sand.u32 $0xFFFFFFFE, s1  }
0xa7: {  	p0 =	sne.s32 s1, s5  }
0xa8: {  	s5 =	sshll.u32 @p0 s5, $0xE  }
0xa9: {  	s5 =	sadd.s32 @p0 $0x11B8D, s5;
	s6 =	sshll.u32 @p0 s4, $0x11  }
0xaa: {  	s5 =	sor.u32 @p0 s6, s5  }
0xab: {  	[sflag:s5] =	ssyncadd.remote.s32 @p0 $0x1;
	_ =	sdelay $0x1  }
0xac: {  	s5 =	simm.s32 @p0 $0x1B8D  }
0xad: {  	_ =	swait.eq @p0 [sflag:s5], $0x1  }
0xae: {  	[sflag:s5] =	ssyncadd.s32 @p0 $0xFFFFFFFF  }
0xaf: {  	s6 =	sshll.u32 @!p0 s1, $0xE  }
0xb0: {  	s6 =	sor.u32 @!p0 $0x4000, s6;
	s5 =	simm.s32 @!p0 $0x1B8D  }
0xb1: {  	s4 =	sshll.u32 @!p0 s4, $0x11;
	s6 =	sadd.s32 @!p0 $0x11B8D, s6;
	_ =	swait.eq @!p0 [sflag:s5], $0x1  }
0xb2: {  	s4 =	sor.u32 @!p0 s4, s6;
	[sflag:s5] =	ssyncadd.s32 @!p0 $0xFFFFFFFF  }
0xb3: {  	s25 =	simm.s32 $0x1B8E;
	s24 =	sld [smem:$0x3FFE];
	[sflag:s4] =	ssyncadd.remote.s32 @!p0 $0x1  }
0xb4: {  	s26 =	simm.s32 $execute0_lowered;
	[smem:$0x3FD2] =	sst s25  }
0xb5: {  	s5 =	sshll.u32 s26, $0x1;
	_ =	strace $0x80000049;
	[dreg:$0x1] =	wrdreg $0xFFFFFFFF  }
0xb6: {  	s28 =	simm.s32 $_size_execute0_lowered;
	s3 =	sadd.s32 s3, s5;
	[dreg:$0x0] =	wrdreg $0x0  }
0xb7: {  	s5 =	sshll.u32 s28, $0x1;
	[dreg:$0x2] =	wrdreg s3  }
0xb8: {  	[dreg:$0x3] =	wrdreg s5  }
0xb9: {  	[dreg:$0x4] =	wrdreg $0xC0  }
0xba: {  	_ =	task [dreg:s22], $0x5FFFF  }
0xbb: {  	[dreg:$0x1] =	wrdreg $0xFFFFFFFF  }
0xbc: {  	[dreg:$0x0] =	wrdreg $0x60  }
0xbd: {  	[dreg:$0x2] =	wrdreg s24  }
0xbe: {  	[dreg:$0x3] =	wrdreg $0x0  }
0xbf: {  	[dreg:$0x4] =	wrdreg $0x9  }
0xc0: {  	_ =	task.clear_ibuf [dreg:s22], $0x5FFFF;
	_ =	strace $0x90000049  }
0xc1: {  	s29 =	simm.s32 $0x9;
	_ =	strace $0x8000004B  }
0xc2: {  	_ =	swait.ge [sflag:s29], $0x1  }
0xc3: {  	[sflag:s29] =	ssyncadd.s32 $0xFFFFFFFF  }
0xc4: {  	_ =	strace $0x9000004B  }
0xc5: {  	_ =	sfence  }
0xc6: {  	s30 =	sld [smem:$0x0];
	_ =	sdelay $0x2  }
0xc7: {  	s31 =	sshll.u32 s1, $0xD;
	s1 =	sshrl.u32 s1, $0x2  }
0xc8: {  	s4 =	sand.u32 $0x4000, s31;
	s1 =	sadd.s32 s1, s30  }
0xc9: {  	s0 =	sor.u32 s4, s0;
	s1 =	sshll.u32 s1, $0x11  }
0xca: {  	s0 =	sor.u32 s1, s0  }
0xcb: {  	s0 =	sadd.s32 $0x8F2B, s0  }
0xcc: {  	[sflag:s0] =	ssyncadd.remote.s32 $0x1  }
0xcd: {  	_ =	sfence.sel $0xFFFF  }
0xce: {  	[dreg:$0x0] =	wrdreg $0xFFFFFFFF;
	(pc) =	sbr.abs _section_cstart, $3  }
0xcf: {  	[dreg:$0x1] =	wrdreg $0xFFFFFFFF  }
0xd0: {  	_ =	task.clear_ibuf [dreg:s22], $0x2FFFF;
	_ =	strace $0x9FFFFFFF  }
0xd1: {  	(tm) =	ssettm $0x7FFFFFFF  }
tec
execute0_lowered:
.L_overlay_start_1:
0x0: {  	(tag) =	ssettag $0x1  }
0x1: {  	s0 =	srdreg.scid  }
0x2: {  	s4 =	sand.u32 $0x1, s0  }
0x3: {  	s0 =	stileid.u32;
	s5 =	smul.u32 $0x4E200, s4  }
0x4: {  	s7 =	smul.u32 $0x4E40, s0  }
0x5: {  	s8 =	sshll.u32 s0, $0x3;
	s9 =	smul.u32 $0x28000, s0  }
0x6: {  	s25 =	smul.u32 $0x140, s0;
	s10 =	sor.u32 $0x1, s8  }
0x7: {  	s12 =	sor.u32 $0x2, s8;
	s14 =	sor.u32 $0x3, s8;
	s16 =	sor.u32 $0x4, s8  }
0x8: {  	s18 =	sor.u32 $0x5, s8;
	s23 =	sor.u32 $0x6, s8;
	s8 =	smul.u32 $0x1388, s4  }
0x9: {  	s11 =	smul.u32 $0x5000, s10  }
0xa: {  	s13 =	smul.u32 $0x5000, s12  }
0xb: {  	s6 =	rddreg [dreg:$0x0];
	s15 =	smul.u32 $0x5000, s14  }
0xc: {  	s2 =	rddreg [dreg:$0x1];
	s3 =	simm.s32 $0x0;
	s17 =	smul.u32 $0x5000, s16  }
0xd: {  	[smem:$0x7FF] =	sst s3;
	s19 =	smul.u32 $0x5000, s18  }
0xe: {  	s21 =	sadd.s32 $0x56000, s6;
	_ =	strace $0x8000004A;
	s20 =	smul.u32 $0x5000, s23  }
0xf: {  	s26 =	ssub.s32 $0x2, s4;
	p0 =	seq.s32 s0, $0xF;
	s31 =	smul.u32 $0x28, s10  }
0x10: {  	s28 =	sshrl.u32 s26, $0x1;
	s5 =	sadd.s32 s7, s5;
	s1 =	smul.u32 $0x28, s12  }
0x11: {  	s24 =	ssub.s32 s26, s28;
	s29 =	sshrl.u32 s9, $0x2;
	s12 =	smul.u32 $0x28, s14  }
0x12: {  	s26 =	sshllo.u32 s0, $0x3;
	p1 =	sgt.u32 s23, $0x7C;
	s5 =	sshrl.u32 s5, $0x3  }
0x13: {  	s4 =	sadd.s32 s29, s2;
	p2 =	sgt.u32 s26, $0x7C;
	s22 =	sadd.s32 s5, s6  }
0x14: {  	s30 =	sshrl.u32 s11, $0x2;
	s11 =	sshrl.u32 s15, $0x2;
	s15 =	smul.u32 $0x28, s16  }
0x15: {  	s7 =	sshrl.u32 s13, $0x2;
	s13 =	sshrl.u32 s17, $0x2;
	s17 =	smul.u32 $0x28, s18  }
0x16: {  	s14 =	sshrl.u32 s19, $0x2;
	s16 =	sadd.s32 s25, s8;
	s18 =	smul.u32 $0x28, s23  }
0x17: {  	s19 =	sadd.s32 s8, s31;
	s25 =	sadd.s32 s8, s1;
	s31 =	smul.u32 $0x28, s26  }
0x18: {  	s1 =	sadd.s32 s8, s12;
	s12 =	smul.u32 $0x5000, s26;
	s23 =	simm.s32 $0x9D00  }
0x19: {  	s5 =	sadd.s32 s30, s2;
	s6 =	sadd.s32 s7, s2;
	s7 =	sadd.s32 s11, s2  }
0x1a: {  	s9 =	sadd.s32 s14, s2;
	s16 =	sshll.u32 s16, $0x4;
	s22 =	sadd.s32 $0x511200, s22  }
0x1b: {  	s28 =	sadd.s32 s8, s15;
	s29 =	sadd.s32 s8, s17;
	s17 =	sadd.s32 s8, s18  }
0x1c: {  	s30 =	sadd.s32 s8, s31;
	s8 =	sadd.s32 s13, s2;
	s15 =	sshrl.u32 s20, $0x2  }
0x1d: {  	s11 =	sshrl.u32 s12, $0x2;
	s12 =	sadd.s32 s21, s16;
	s18 =	sshll.u32 s19, $0x4  }
0x1e: {  	s19 =	sshll.u32 s25, $0x4;
	s20 =	sshll.u32 s1, $0x4;
	s10 =	sadd.s32 s15, s2  }
0x1f: {  	s11 =	sadd.s32 s11, s2;
	s13 =	sadd.s32 s21, s18;
	s14 =	sadd.s32 s21, s19  }
0x20: {  	s15 =	sadd.s32 s21, s20;
	s25 =	sshll.u32 s28, $0x4;
	s28 =	sshll.u32 s29, $0x4  }
0x21: {  	s29 =	sshll.u32 s17, $0x4;
	s31 =	sshll.u32 s30, $0x4;
	s20 =	smul.u32 $0x139, s0  }
0x22: {  	s16 =	sadd.s32 s21, s25;
	s17 =	sadd.s32 s21, s28;
	s18 =	sadd.s32 s21, s29  }
0x23: {  	v0 =	vimm.f32 $0.0e+00;
	v1 =	vimm.f32 $1.000000000e+00;
	s19 =	sadd.s32 s21, s31;
	s21 =	smax.u32 s24, $0x1;
	s24 =	simm.s32 $0x1  }
.LBB2_1:
0x24: {  	s25 =	simm.s32 $0x0;
	s26 =	simm.s32 $0x200  }
.LBB2_2:
0x25: {  	p3 =	sne.s32 s26, $0x4E00;
	[tilespmem:s25+$0x9D70] =	vst v0  }
0x26: {  	[tilespmem:s25+$0x9D00] =	vst v0  }
0x27: {  	[tilespmem:s25+$0x9D10] =	vst v0  }
.Ltmp0:
0x28: {  	[tilespmem:s25+$0x9D20] =	vst v0;
	(pc) =	sbr.rel @p3 .LBB2_2-.Ltmp0, $4  }
0x29: {  	[tilespmem:s25+$0x9D30] =	vst v0  }
0x2a: {  	[tilespmem:s25+$0x9D40] =	vst v0  }
0x2b: {  	[tilespmem:s25+$0x9D50] =	vst v0  }
0x2c: {  	[tilespmem:s25+$0x9D60] =	vst v0;
	s25 =	sshra.s32 s26, $0x2;
	s26 =	sadd.s32 $0x200, s26  }
0x2d: {  	[tilespmem:s25+$0x9D70] =	vst v0  }
0x2e: {  	[tilespmem:s25+$0x9D00] =	vst v0  }
0x2f: {  	[tilespmem:s25+$0x9D10] =	vst v0  }
0x30: {  	[tilespmem:s25+$0x9D20] =	vst v0  }
0x31: {  	[tilespmem:s25+$0x9D30] =	vst v0  }
0x32: {  	[tilespmem:s25+$0x9D40] =	vst v0  }
0x33: {  	[tilespmem:s25+$0x9D50] =	vst v0  }
0x34: {  	[tilespmem:s25+$0x9D60] =	vst v0  }
0x35: {  	[spmem:s4] =	stream.linear.scatter [tilespmem:s23], [sflag:$0x1], $0x1400, $0x38;
	[tilespmem:$0xBD00] =	vst v63  }
0x36: {  	_ =	swait.ge [sflag:s24], $0x1400  }
0x37: {  	[sflag:s24] =	ssyncset.done $0x0  }
0x38: {  	[sflag:s24] =	ssyncadd.s32 $0xFFFFEC00  }
0x39: {  	[spmem:s5] =	stream.linear.scatter [tilespmem:s23], [sflag:$0x1], $0x1400, $0x38;
	[tilespmem:$0xBD00] =	vst v63  }
0x3a: {  	_ =	swait.ge [sflag:s24], $0x1400  }
0x3b: {  	[sflag:s24] =	ssyncset.done $0x0  }
0x3c: {  	[sflag:s24] =	ssyncadd.s32 $0xFFFFEC00  }
0x3d: {  	[spmem:s6] =	stream.linear.scatter [tilespmem:s23], [sflag:$0x1], $0x1400, $0x38;
	[tilespmem:$0xBD00] =	vst v63  }
0x3e: {  	_ =	swait.ge [sflag:s24], $0x1400  }
0x3f: {  	[sflag:s24] =	ssyncset.done $0x0  }
0x40: {  	[sflag:s24] =	ssyncadd.s32 $0xFFFFEC00  }
0x41: {  	[spmem:s7] =	stream.linear.scatter [tilespmem:s23], [sflag:$0x1], $0x1400, $0x38;
	[tilespmem:$0xBD00] =	vst v63  }
0x42: {  	_ =	swait.ge [sflag:s24], $0x1400  }
0x43: {  	[sflag:s24] =	ssyncset.done $0x0  }
0x44: {  	[sflag:s24] =	ssyncadd.s32 $0xFFFFEC00  }
0x45: {  	[spmem:s8] =	stream.linear.scatter [tilespmem:s23], [sflag:$0x1], $0x1400, $0x38;
	[tilespmem:$0xBD00] =	vst v63  }
0x46: {  	_ =	swait.ge [sflag:s24], $0x1400  }
0x47: {  	[sflag:s24] =	ssyncset.done $0x0  }
0x48: {  	s25 =	simm.s32 @!p0 $0x9D00;
	[sflag:s24] =	ssyncadd.s32 $0xFFFFEC00  }
0x49: {  	[spmem:s9] =	stream.linear.scatter @!p0 [tilespmem:s25], [sflag:$0x1], $0x1400, $0x38;
	[tilespmem:$0xBD00] =	vst v63  }
0x4a: {  	s25 =	simm.s32 @!p0 $0x1  }
0x4b: {  	_ =	swait.ge @!p0 [sflag:s25], $0x1400  }
0x4c: {  	[sflag:s25] =	ssyncset.done @!p0 $0x0  }
0x4d: {  	[sflag:s25] =	ssyncadd.s32 @!p0 $0xFFFFEC00;
	s25 =	simm.s32 @!p1 $0x9D00  }
0x4e: {  	[spmem:s10] =	stream.linear.scatter @!p1 [tilespmem:s25], [sflag:$0x1], $0x1400, $0x38;
	[tilespmem:$0xBD00] =	vst v63  }
0x4f: {  	s25 =	simm.s32 @!p1 $0x1  }
0x50: {  	_ =	swait.ge @!p1 [sflag:s25], $0x1400  }
0x51: {  	[sflag:s25] =	ssyncset.done @!p1 $0x0  }
0x52: {  	[sflag:s25] =	ssyncadd.s32 @!p1 $0xFFFFEC00;
	s25 =	simm.s32 @!p2 $0x9D00  }
0x53: {  	[spmem:s11] =	stream.linear.scatter @!p2 [tilespmem:s25], [sflag:$0x1], $0x1400, $0x38;
	[tilespmem:$0xBD00] =	vst v63  }
0x54: {  	s25 =	simm.s32 @!p2 $0x1  }
0x55: {  	_ =	swait.ge @!p2 [sflag:s25], $0x1400  }
0x56: {  	[sflag:s25] =	ssyncset.done @!p2 $0x0  }
0x57: {  	s26 =	simm.s32 $0x200;
	[sflag:s25] =	ssyncadd.s32 @!p2 $0xFFFFEC00;
	s25 =	simm.s32 $0x0  }
.LBB2_4:
0x58: {  	p3 =	sne.s32 s26, $0x7E00;
	[tilespmem:s25+$0x9D70] =	vst v1  }
0x59: {  	[tilespmem:s25+$0x9D00] =	vst v1  }
0x5a: {  	[tilespmem:s25+$0x9D10] =	vst v1  }
.Ltmp1:
0x5b: {  	[tilespmem:s25+$0x9D20] =	vst v1;
	(pc) =	sbr.rel @p3 .LBB2_4-.Ltmp1, $4  }
0x5c: {  	[tilespmem:s25+$0x9D30] =	vst v1  }
0x5d: {  	[tilespmem:s25+$0x9D40] =	vst v1  }
0x5e: {  	[tilespmem:s25+$0x9D50] =	vst v1  }
0x5f: {  	[tilespmem:s25+$0x9D60] =	vst v1;
	s25 =	sshra.s32 s26, $0x2;
	s26 =	sadd.s32 $0x200, s26  }
0x60: {  	[tilespmem:s25+$0x9D70] =	vst v1  }
0x61: {  	[tilespmem:s25+$0x9D00] =	vst v1  }
0x62: {  	[tilespmem:s25+$0x9D10] =	vst v1  }
0x63: {  	[tilespmem:s25+$0x9D20] =	vst v1  }
0x64: {  	[tilespmem:s25+$0x9D30] =	vst v1  }
0x65: {  	[tilespmem:s25+$0x9D40] =	vst v1  }
0x66: {  	[tilespmem:s25+$0x9D50] =	vst v1;
	s26 =	sadd.s32 $0x0, s20  }
0x67: {  	[tilespmem:s25+$0x9D60] =	vst v1;
	p4 =	sgt.u32 s26, $0x1387  }
0x68: {  	[bflag:$0x0] =	sbarrier.arrive $0xFFFF;
	p3 =	por p4, p4  }
0x69: {  	s25 =	simm.s32 @!p4 $0x0;
	s26 =	simm.s32 @!p4 $0x9C80;
	s28 =	simm.s32 @!p3 $0x2  }
0x6a: {  	[tilespmem:s26], [sflag:$0x2] =	stream.linear.gather @!p3 [hbm4b:s22+s25], $0x40, $0x38;
	[tilespmem:$0xBD00] =	vst v63  }
0x6b: {  	_ =	swait.ge @!p3 [sflag:s28], $0x40  }
0x6c: {  	s31 =	sadd.s32 $0x1, s20;
	[sflag:s28] =	ssyncset.done @!p3 $0x0  }
0x6d: {  	s25 =	simm.s32 @!p3 $0x40;
	[sflag:s28] =	ssyncadd.s32 @!p3 $0xFFFFFFC0;
	s28 =	simm.s32 @!p3 $0x9D00  }
0x6e: {  	[spmem:s2] =	stream.indirect.scatter.add.f32 @!p3 [tilespmem:s28], [sflag:$0x1], $0x80, s26, s25, $0xb8;
	[tilespmem:$0xBD00] =	vst v63  }
0x6f: {  	p4 =	sgt.u32 s31, $0x1387;
	s28 =	simm.s32 @!p3 $0x1  }
0x70: {  	s26 =	simm.s32 $0x2;
	s25 =	sadd.s32 $0x8, s22;
	_ =	swait.ge @!p3 [sflag:s28], $0x2000  }
.LBB2_6:
0x71: {  	s29 =	simm.s32 @!p4 $0x0  }
0x72: {  	s30 =	simm.s32 @!p4 $0x9C80;
	[sflag:s28] =	ssyncset.done @!p3 $0x0;
	s31 =	smov.u32 s26  }
0x73: {  	p5 =	por p3, p3;
	p3 =	por p4, p4;
	s26 =	sadd.s32 $0x1, s26  }
0x74: {  	s1 =	simm.s32 @!p3 $0x2;
	[sflag:s28] =	ssyncadd.s32 @!p5 $0xFFFFE000;
	p5 =	sne.s32 s26, $0x139  }
0x75: {  	[tilespmem:s30], [sflag:$0x2] =	stream.linear.gather @!p3 [hbm4b:s25+s29], $0x40, $0x38;
	[tilespmem:$0xBD00] =	vst v63  }
.Ltmp2:
0x76: {  	_ =	swait.ge @!p3 [sflag:s1], $0x40;
	(pc) =	sbr.rel @p5 .LBB2_6-.Ltmp2, $4  }
0x77: {  	s28 =	simm.s32 @!p3 $0x1;
	s29 =	sadd.s32 s31, s20;
	[sflag:s1] =	ssyncset.done @!p3 $0x0  }
0x78: {  	s31 =	simm.s32 @!p3 $0x9D00;
	[sflag:s1] =	ssyncadd.s32 @!p3 $0xFFFFFFC0;
	s1 =	simm.s32 @!p3 $0x40  }
0x79: {  	[spmem:s2] =	stream.indirect.scatter.add.f32 @!p3 [tilespmem:s31], [sflag:$0x1], $0x80, s30, s1, $0xb8;
	[tilespmem:$0xBD00] =	vst v63  }
0x7a: {  	s25 =	sadd.s32 $0x8, s25;
	p4 =	sgt.u32 s29, $0x1387;
	_ =	swait.ge @!p3 [sflag:s28], $0x2000  }
0x7b: {  	s1 =	simm.s32 @!p4 $0x0  }
0x7c: {  	[sflag:s28] =	ssyncset.done @!p3 $0x0;
	p3 =	por p3, p3;
	p5 =	por p4, p4  }
0x7d: {  	s26 =	simm.s32 @!p4 $0x9C80;
	s29 =	simm.s32 @!p5 $0x2;
	[sflag:s28] =	ssyncadd.s32 @!p3 $0xFFFFE000  }
0x7e: {  	[tilespmem:s26], [sflag:$0x2] =	stream.linear.gather @!p5 [hbm4b:s25+s1], $0x40, $0x38;
	[tilespmem:$0xBD00] =	vst v63  }
0x7f: {  	_ =	swait.ge @!p5 [sflag:s29], $0x40  }
0x80: {  	s28 =	simm.s32 @!p5 $0x9D00;
	[sflag:s29] =	ssyncset.done @!p5 $0x0  }
0x81: {  	s1 =	simm.s32 @!p5 $0x1;
	s25 =	simm.s32 @!p5 $0x40;
	[sflag:s29] =	ssyncadd.s32 @!p5 $0xFFFFFFC0  }
0x82: {  	[spmem:s2] =	stream.indirect.scatter.add.f32 @!p5 [tilespmem:s28], [sflag:$0x1], $0x80, s26, s25, $0xb8;
	[tilespmem:$0xBD00] =	vst v63  }
0x83: {  	_ =	swait.ge @!p5 [sflag:s1], $0x2000  }
0x84: {  	p3 =	por p5, p5;
	[sflag:s1] =	ssyncset.done @!p5 $0x0  }
0x85: {  	s25 =	sshll.u32 s0, $0x6;
	[sflag:s1] =	ssyncadd.s32 @!p3 $0xFFFFE000  }
0x86: {  	s26 =	sshrl.u32 s4, $0x3;
	s1 =	sor.u32 $0x1C01, s25;
	[bflag:$0x0] =	sbarrier.arrive $0xFFFF  }
0x87: {  	[hbm:s12], [sflag:s1] =	dma.local [spmem:s26], $0x280  }
0x88: {  	_ =	swait.ge [sflag:s24], $0x280  }
0x89: {  	[sflag:s24] =	ssyncset.done $0x0  }
0x8a: {  	s28 =	sshrl.u32 s5, $0x3;
	[sflag:s24] =	ssyncadd.s32 $0xFFFFFD80  }
0x8b: {  	[hbm:s13], [sflag:s1] =	dma.local [spmem:s28], $0x280  }
0x8c: {  	_ =	swait.ge [sflag:s24], $0x280  }
0x8d: {  	[sflag:s24] =	ssyncset.done $0x0  }
0x8e: {  	s29 =	sshrl.u32 s6, $0x3;
	[sflag:s24] =	ssyncadd.s32 $0xFFFFFD80  }
0x8f: {  	[hbm:s14], [sflag:s1] =	dma.local [spmem:s29], $0x280  }
0x90: {  	_ =	swait.ge [sflag:s24], $0x280  }
0x91: {  	[sflag:s24] =	ssyncset.done $0x0  }
0x92: {  	s30 =	sshrl.u32 s7, $0x3;
	[sflag:s24] =	ssyncadd.s32 $0xFFFFFD80  }
0x93: {  	[hbm:s15], [sflag:s1] =	dma.local [spmem:s30], $0x280  }
0x94: {  	_ =	swait.ge [sflag:s24], $0x280  }
0x95: {  	[sflag:s24] =	ssyncset.done $0x0  }
0x96: {  	s31 =	sshrl.u32 s8, $0x3;
	[sflag:s24] =	ssyncadd.s32 $0xFFFFFD80  }
0x97: {  	[hbm:s16], [sflag:s1] =	dma.local [spmem:s31], $0x280  }
0x98: {  	_ =	swait.ge [sflag:s24], $0x280  }
0x99: {  	[sflag:s24] =	ssyncset.done $0x0  }
0x9a: {  	s25 =	sshrl.u32 @!p0 s9, $0x3;
	[sflag:s24] =	ssyncadd.s32 $0xFFFFFD80  }
0x9b: {  	[hbm:s17], [sflag:s1] =	dma.local @!p0 [spmem:s25], $0x280  }
0x9c: {  	s25 =	simm.s32 @!p0 $0x1  }
0x9d: {  	_ =	swait.ge @!p0 [sflag:s25], $0x280  }
0x9e: {  	[sflag:s25] =	ssyncset.done @!p0 $0x0  }
0x9f: {  	[sflag:s25] =	ssyncadd.s32 @!p0 $0xFFFFFD80;
	s25 =	sshrl.u32 @!p1 s10, $0x3  }
0xa0: {  	[hbm:s18], [sflag:s1] =	dma.local @!p1 [spmem:s25], $0x280  }
0xa1: {  	s25 =	simm.s32 @!p1 $0x1  }
0xa2: {  	_ =	swait.ge @!p1 [sflag:s25], $0x280  }
0xa3: {  	s3 =	sadd.s32 $0x1, s3;
	[sflag:s25] =	ssyncset.done @!p1 $0x0  }
0xa4: {  	p3 =	sne.s32 s3, s21;
	[sflag:s25] =	ssyncadd.s32 @!p1 $0xFFFFFD80;
	s25 =	sshrl.u32 @!p2 s11, $0x3  }
0xa5: {  	[hbm:s19], [sflag:s1] =	dma.local @!p2 [spmem:s25], $0x280  }
.Ltmp3:
0xa6: {  	_ = 	snop;
	(pc) =	sbr.rel @p3 .LBB2_1-.Ltmp3, $4  }
0xa7: {  	s1 =	simm.s32 @!p2 $0x1  }
0xa8: {  	_ =	swait.ge @!p2 [sflag:s1], $0x280  }
0xa9: {  	[sflag:s1] =	ssyncset.done @!p2 $0x0  }
0xaa: {  	[sflag:s1] =	ssyncadd.s32 @!p2 $0xFFFFFD80  }
0xab: {  	_ =	sfence.sel $0x180000  }
0xac: {  	[bflag:$0x0] =	sbarrier.arrive $0xFFFF  }
0xad: {  	_ =	strace $0x9000004A  }
0xae: {  	[bflag:$0x2] =	sbarrier.arrive $0xFFFF  }
0xaf: {  	p0 =	sne.s32 s0, $0x0;
	s0 =	rddreg [dreg:$0x2]  }
0xb0: {  	s0 =	sadd.s32 @!p0 $0x100000, s0  }
0xb1: {  	[sflag:s0] =	ssyncadd.tile.s32 @!p0 $0x1;
	_ =	shalt  }
.Lfunc_end2:
_tile_overlayer_lowered:
.L_overlay_start_2:
0xb2: {  	(tag) =	ssettag $0x2  }
0xb3: {  	s0 =	rddreg [dreg:$0x0];
	s2 =	stileid.u32  }
0xb4: {  	s1 =	rddreg [dreg:$0x1];
	p0 =	sne.s32 s2, $0x0  }
0xb5: {  	s3 =	rddreg [dreg:$0x2];
	[bflag:$0x3] =	sbarrier.arrive $0xFFFF;
	s2 =	simm.s32 @!p0 $0x1C01  }
0xb6: {  	[timem:s3], [sflag:s2] =	dma.local @!p0 [hbm:s0], s1  }
0xb7: {  	s0 =	simm.s32 @!p0 $0x1  }
0xb8: {  	_ =	swait.ge @!p0 [sflag:s0], s1  }
0xb9: {  	s1 =	ssub.s32 @!p0 $0x0, s1;
	[sflag:s0] =	ssyncset.done @!p0 $0x0  }
0xba: {  	[sflag:s0] =	ssyncadd.s32 @!p0 s1  }
0xbb: {  	[bflag:$0x3] =	sbarrier.arrive $0xFFFF  }
0xbc: {  	_ =	shalt  }

// kernel: kernel.15.cloned.1.call-start
scs
__scs_entry_jumppad:
0x0: {  	(pc) =	sbr.rel $0x88, $3  }
0x1: {  	(tag) =	ssettag $0x0;
	lr =	simm.s32 $0x1  }
0x2: {  	[smem:$0x3F82] =	sst lr;
	_ =	strace $0xD0000000  }
0x3: {  	_ = 	snop  }
0x4: {  	_ = 	snop  }
0x5: {  	_ = 	snop  }
0x6: {  	_ = 	snop  }
0x7: {  	_ = 	snop  }
__scs_overlays_trampoline_lowered:
0x8: {  	[smem:$0x3F91] =	sst s0  }
0x9: {  	[smem:$0x3F92] =	sst s1  }
0xa: {  	[smem:$0x3F93] =	sst s2  }
0xb: {  	[smem:$0x3F94] =	sst s3  }
0xc: {  	[smem:$0x3F95] =	sst s4  }
0xd: {  	[smem:$0x3F96] =	sst s5  }
0xe: {  	[smem:$0x3F97] =	sst s6  }
0xf: {  	[smem:$0x3F98] =	sst s7  }
0x10: {  	[smem:$0x3F99] =	sst s8  }
0x11: {  	[smem:$0x3F9A] =	sst s9;
	s0 =	simm.s32 @!p0 $0x0  }
0x12: {  	s1 =	sld [smem:$0x3F80];
	s0 =	simm.s32 @p0 $0x1  }
0x13: {  	[smem:$0x3F9B] =	sst s0;
	s0 =	simm.s32 @!p1 $0x0  }
0x14: {  	s2 =	sld [smem:$0x3F7F];
	s0 =	simm.s32 @p1 $0x1  }
0x15: {  	[smem:$0x3F9C] =	sst s0;
	s0 =	simm.s32 @!p2 $0x0  }
0x16: {  	s3 =	sld [smem:$0x3FDB];
	s0 =	simm.s32 @p2 $0x1  }
0x17: {  	s4 =	simm.s32 $0x1BF5;
	[smem:$0x3F9E] =	sst s0  }
0x18: {  	s0 =	sld [smem:$0x3F81];
	_ =	swait.ge [sflag:s4], $0x0  }
0x19: {  	s7 =	sld [smem:$0x3F82]  }
0x1a: {  	s8 =	sadd.s32 $0xFFFFE003, lr  }
0x1b: {  	s9 =	sadd.s32 $0xFFFFFEF7, lr;
	s5 =	simm.s32 $0xFFFFFFFF;
	p2 =	slt.u32 s8, $0xFFFFF086  }
0x1c: {  	p1 =	slt.u32 s9, $0xF7A;
	s5 =	simm.s32 @!p2 $0x0  }
0x1d: {  	s5 =	simm.s32 @p1 $0x1;
	p0 =	seq.s32 s7, s2  }
0x1e: {  	s7 =	smul.u32 @!p0 $0xF7A, s2;
	p2 =	seq.s32 @!p0 s5, $0x0  }
0x1f: {  	s9 =	smul.u32 $0xF7A, s1;
	s8 =	simm.s32 @!p0 $0x1BF5;
	p2 =	por !p2, p0  }
0x20: {  	[sflag:s8] =	ssyncset.s32 @!p0 $0xFFFFF086;
	s6 =	sadd.s32 @!p0 s3, s7;
	s7 =	simm.s32 @!p0 $0x108  }
0x21: {  	s3 =	sadd.s32 s3, s9;
	s6 =	sadd.s32 @!p0 $0x88, s6;
	s7 =	simm.s32 @p2 $0x1082  }
0x22: {  	[simem:s7], [sflag:s8] =	dma.local @!p0 [hbm:s6], $0xF7A  }
0x23: {  	s9 =	sor.u32 $0xD0000000, s2;
	s6 =	simm.s32 $0x108;
	_ =	swait.ge @!p0 [sflag:s8], $0x0  }
0x24: {  	s3 =	sadd.s32 $0x88, s3;
	s6 =	simm.s32 @!p1 $0x1082;
	[sflag:s4] =	ssyncset.s32 $0xFFFFF086  }
0x25: {  	[simem:s6], [sflag:s4] =	dma.local [hbm:s3], $0xF7A  }
0x26: {  	[smem:$0x3F82] =	sst s1;
	(tag) =	ssettag s2;
	_ =	strace s9  }
0x27: {  	s1 =	sld [smem:$0x3F92]  }
0x28: {  	s2 =	sld [smem:$0x3F93]  }
0x29: {  	s4 =	sld [smem:$0x3F95]  }
0x2a: {  	p0 =	seq.s32 s5, $0x0;
	s5 =	sld [smem:$0x3F96]  }
0x2b: {  	s6 =	sld [smem:$0x3F97]  }
0x2c: {  	s7 =	sld [smem:$0x3F98]  }
0x2d: {  	s3 =	simm.s32 $0x108;
	s8 =	sld [smem:$0x3F99]  }
0x2e: {  	s3 =	simm.s32 @!p0 $0x1082;
	s9 =	sld [smem:$0x3F9A]  }
0x2f: {  	lr =	sadd.s32 s0, s3;
	s0 =	sld [smem:$0x3F91]  }
0x30: {  	s3 =	sld [smem:$0x3F94]  }
0x31: {  	[smem:$0x3F9D] =	sst s10  }
0x32: {  	s10 =	sld [smem:$0x3F9B];
	_ =	sdelay $0x3  }
0x33: {  	p0 =	seq.s32 s10, $0x1;
	s10 =	sld [smem:$0x3F9D];
	_ =	sdelay $0x3  }
0x34: {  	[smem:$0x3F9D] =	sst s10  }
0x35: {  	s10 =	sld [smem:$0x3F9C];
	_ =	sdelay $0x3  }
0x36: {  	p1 =	seq.s32 s10, $0x1;
	s10 =	sld [smem:$0x3F9D];
	_ =	sdelay $0x3  }
0x37: {  	[smem:$0x3F9D] =	sst s10  }
0x38: {  	s10 =	sld [smem:$0x3F9E]  }
0x39: {  	_ = 	snop;
	(pc) =	sbr.ind lr, $3  }
0x3a: {  	_ = 	snop  }
0x3b: {  	_ = 	snop  }
0x3c: {  	p2 =	seq.s32 s10, $0x1;
	s10 =	sld [smem:$0x3F9D]  }
0x3d: {  	_ =	shalt  }
0x3e: {  	_ =	shalt  }
0x3f: {  	_ =	shalt  }
0x40: {  	_ =	shalt  }
0x41: {  	_ =	shalt  }
0x42: {  	_ =	shalt  }
0x43: {  	_ =	shalt  }
0x44: {  	_ =	shalt  }
0x45: {  	_ =	shalt  }
0x46: {  	_ =	shalt  }
0x47: {  	_ =	shalt  }
0x48: {  	_ =	shalt  }
0x49: {  	_ =	shalt  }
0x4a: {  	_ =	shalt  }
0x4b: {  	_ =	shalt  }
0x4c: {  	_ =	shalt  }
0x4d: {  	_ =	shalt  }
0x4e: {  	_ =	shalt  }
0x4f: {  	_ =	shalt  }
0x50: {  	_ =	shalt  }
0x51: {  	_ =	shalt  }
0x52: {  	_ =	shalt  }
0x53: {  	_ =	shalt  }
0x54: {  	_ =	shalt  }
0x55: {  	_ =	shalt  }
0x56: {  	_ =	shalt  }
0x57: {  	_ =	shalt  }
0x58: {  	_ =	shalt  }
0x59: {  	_ =	shalt  }
0x5a: {  	_ =	shalt  }
0x5b: {  	_ =	shalt  }
0x5c: {  	_ =	shalt  }
0x5d: {  	_ =	shalt  }
0x5e: {  	_ =	shalt  }
0x5f: {  	_ =	shalt  }
0x60: {  	_ =	shalt  }
0x61: {  	_ =	shalt  }
0x62: {  	_ =	shalt  }
0x63: {  	_ =	shalt  }
0x64: {  	_ =	shalt  }
0x65: {  	_ =	shalt  }
0x66: {  	_ =	shalt  }
0x67: {  	_ =	shalt  }
0x68: {  	_ =	shalt  }
0x69: {  	_ =	shalt  }
0x6a: {  	_ =	shalt  }
0x6b: {  	_ =	shalt  }
0x6c: {  	_ =	shalt  }
0x6d: {  	_ =	shalt  }
0x6e: {  	_ =	shalt  }
0x6f: {  	_ =	shalt  }
0x70: {  	_ =	shalt  }
0x71: {  	_ =	shalt  }
0x72: {  	_ =	shalt  }
0x73: {  	_ =	shalt  }
0x74: {  	_ =	shalt  }
0x75: {  	_ =	shalt  }
0x76: {  	_ =	shalt  }
0x77: {  	_ =	shalt  }
0x78: {  	_ =	shalt  }
0x79: {  	_ =	shalt  }
0x7a: {  	_ =	shalt  }
0x7b: {  	_ =	shalt  }
0x7c: {  	_ =	shalt  }
0x7d: {  	_ =	shalt  }
0x7e: {  	_ =	shalt  }
0x7f: {  	_ =	shalt  }
0x80: {  	_ =	shalt  }
0x81: {  	_ =	shalt  }
0x82: {  	_ =	shalt  }
0x83: {  	_ =	shalt  }
0x84: {  	_ =	shalt  }
0x85: {  	_ =	shalt  }
0x86: {  	_ =	shalt  }
0x87: {  	_ =	shalt  }
.Lfunc_end0:
.L_simem_size_0:
called_computation.1_lowered:
.L_overlay_start_0:
0x88: {  	s2 =	sld [smem:$0x3FD9]  }
0x89: {  	s3 =	sld [smem:$0x3FFE];
	_ =	sdelay $0x1  }
0x8a: {  	s1 =	srdreg.scid  }
0x8b: {  	s0 =	sand.u32 $0x1, s1  }
0x8c: {  	s16 =	sshll.u32 s0, $0xA;
	s2 =	sadd.s32 s3, s2  }
0x8d: {  	s2 =	sadd.s32 s2, s16  }
0x8e: {  	[smem:$0x3FA9] =	sst s2  }
0x8f: {  	_ = 	snop  }
0x90: {  	(tm) =	ssettm $0x1  }
0x91: {  	s17 =	sld [smem:$0x3FFB];
	_ =	sdelay $0x3  }
0x92: {  	_ =	strace s17  }
0x93: {  	s2 =	sld [smem:$0x3FFC];
	_ =	sdelay $0x3  }
0x94: {  	_ =	strace s2  }
0x95: {  	s2 =	sld [smem:$0x3FFD];
	_ =	sdelay $0x3  }
0x96: {  	_ =	strace s2  }
0x97: {  	_ =	strace $0x8FFFFFFF  }
0x98: {  	s18 =	sld [smem:$0x3FDB];
	_ =	sdelay $0x1  }
0x99: {  	s19 =	simm.s32 $_scs_section_size  }
0x9a: {  	s4 =	simm.s32 $_size__tile_overlayer_lowered;
	s5 =	simm.s32 $_tile_overlayer_lowered  }
0x9b: {  	s22 =	simm.s32 $0x1BFF;
	s21 =	sshll.u32 s5, $0x1;
	s2 =	sadd.s32 s19, s18  }
0x9c: {  	s6 =	simm.s32 $0x0;
	s20 =	sshll.u32 s4, $0x1;
	s4 =	sadd.s32 s21, s2  }
0x9d: {  	[timem:s6], [sflag:s22] =	dma.local [hbm:s4], s20  }
0x9e: {  	_ =	swait.ge [sflag:s22], s20  }
0x9f: {  	s3 =	ssub.s32 $0x0, s20;
	[sflag:s22] =	ssyncset.done $0x0  }
0xa0: {  	[sflag:s22] =	ssyncadd.s32 s3;
	_ =	sdelay $0x1  }
0xa1: {  	s23 =	simm.s32 $0x1B8B  }
0xa2: {  	_ =	swait.ge [sflag:s23], $0x1  }
0xa3: {  	[sflag:s23] =	ssyncset.done $0x0  }
0xa4: {  	s25 =	simm.s32 $0x1B8E;
	s24 =	sld [smem:$0x3FFE];
	[sflag:s23] =	ssyncadd.s32 $0xFFFFFFFF  }
0xa5: {  	s26 =	simm.s32 $execute0_lowered;
	[smem:$0x3FD2] =	sst s25  }
0xa6: {  	s4 =	sshll.u32 s26, $0x1;
	_ =	strace $0x80000046;
	[dreg:$0x1] =	wrdreg $0xFFFFFFFF  }
0xa7: {  	s28 =	simm.s32 $_size_execute0_lowered;
	s2 =	sadd.s32 s2, s4;
	[dreg:$0x0] =	wrdreg $0x0  }
0xa8: {  	s4 =	sshll.u32 s28, $0x1;
	[dreg:$0x2] =	wrdreg s2  }
0xa9: {  	[dreg:$0x3] =	wrdreg s4  }
0xaa: {  	[dreg:$0x4] =	wrdreg $0xC0  }
0xab: {  	_ =	task [dreg:s6], $0x5FFFF  }
0xac: {  	[dreg:$0x1] =	wrdreg $0xFFFFFFFF  }
0xad: {  	[dreg:$0x0] =	wrdreg $0x60  }
0xae: {  	[dreg:$0x2] =	wrdreg s24  }
0xaf: {  	[dreg:$0x3] =	wrdreg $0x0  }
0xb0: {  	[dreg:$0x4] =	wrdreg $0xA  }
0xb1: {  	_ =	task.clear_ibuf [dreg:s6], $0x5FFFF;
	_ =	strace $0x90000046  }
0xb2: {  	s29 =	simm.s32 $0xA;
	_ =	strace $0x80000048  }
0xb3: {  	_ =	swait.ge [sflag:s29], $0x1  }
0xb4: {  	[sflag:s29] =	ssyncadd.s32 $0xFFFFFFFF  }
0xb5: {  	_ =	strace $0x90000048  }
0xb6: {  	_ =	sfence  }
0xb7: {  	s30 =	sld [smem:$0x0];
	_ =	sdelay $0x2  }
0xb8: {  	s31 =	sshll.u32 s1, $0xD;
	s1 =	sshrl.u32 s1, $0x2  }
0xb9: {  	s3 =	sand.u32 $0x4000, s31;
	s1 =	sadd.s32 s1, s30  }
0xba: {  	s0 =	sor.u32 s3, s0;
	s1 =	sshll.u32 s1, $0x11  }
0xbb: {  	s0 =	sor.u32 s1, s0  }
0xbc: {  	s0 =	sadd.s32 $0x8F2B, s0  }
0xbd: {  	[sflag:s0] =	ssyncadd.remote.s32 $0x1  }
0xbe: {  	_ =	sfence.sel $0xFFFF  }
0xbf: {  	[dreg:$0x0] =	wrdreg $0xFFFFFFFF;
	(pc) =	sbr.abs _section_cstart, $3  }
0xc0: {  	[dreg:$0x1] =	wrdreg $0xFFFFFFFF  }
0xc1: {  	_ =	task.clear_ibuf [dreg:s6], $0x2FFFF;
	_ =	strace $0x9FFFFFFF  }
0xc2: {  	(tm) =	ssettm $0x7FFFFFFF  }
0xc3: {  	_ =	shalt  }
tec
execute0_lowered:
.L_overlay_start_1:
0x0: {  	(tag) =	ssettag $0x1  }
0x1: {  	s0 =	srdreg.scid;
	s29 =	stileid.u32  }
0x2: {  	s0 =	sand.u32 $0x1, s0;
	s2 =	sshll.u32 s29, $0x3;
	s10 =	smul.u32 $0x140, s29  }
0x3: {  	s9 =	smul.u32 $0x2710, s0;
	s8 =	sor.u32 $0x1, s2  }
0x4: {  	s4 =	sor.u32 $0x2, s2;
	s11 =	smul.u32 $0x28, s8  }
0x5: {  	s5 =	sor.u32 $0x3, s2;
	s12 =	smul.u32 $0x28, s4  }
0x6: {  	s6 =	sor.u32 $0x4, s2;
	s13 =	smul.u32 $0x28, s5  }
0x7: {  	s7 =	sor.u32 $0x5, s2;
	s14 =	smul.u32 $0x28, s6  }
0x8: {  	s15 =	smul.u32 $0x28, s7  }
0x9: {  	s8 =	smul.u32 $0x5000, s8  }
0xa: {  	s30 =	simm.s32 $0x0;
	s28 =	rddreg [dreg:$0x0];
	s4 =	smul.u32 $0x5000, s4  }
0xb: {  	[smem:$0x7FF] =	sst s30;
	s1 =	ssub.s32 $0x2, s0;
	s5 =	smul.u32 $0x5000, s5  }
0xc: {  	p2 =	seq.s32 s29, $0xF;
	s3 =	sshrl.u32 s1, $0x1;
	s6 =	smul.u32 $0x5000, s6  }
0xd: {  	s1 =	ssub.s32 s1, s3;
	s3 =	sor.u32 $0x6, s2;
	s2 =	sshllo.u32 s29, $0x3  }
0xe: {  	s16 =	sadd.s32 s10, s9;
	s17 =	smul.u32 $0x28, s3;
	s18 =	sadd.s32 s9, s11  }
0xf: {  	s19 =	sadd.s32 s9, s12;
	s20 =	smul.u32 $0x28, s2;
	s21 =	sadd.s32 s9, s13  }
0x10: {  	s22 =	sadd.s32 s9, s14;
	s23 =	sadd.s32 s9, s15;
	s16 =	sshll.u32 s16, $0x4  }
0x11: {  	s8 =	sshrl.u32 s8, $0x2;
	p0 =	sgt.u32 s3, $0x7C;
	s3 =	smul.u32 $0x5000, s3  }
0x12: {  	s4 =	sshrl.u32 s4, $0x2;
	p1 =	sgt.u32 s2, $0x7C;
	s2 =	smul.u32 $0x5000, s2  }
0x13: {  	s18 =	sshll.u32 s18, $0x4;
	s19 =	sshll.u32 s19, $0x4;
	s21 =	sshll.u32 s21, $0x4  }
0x14: {  	s26 =	sshll.u32 s22, $0x4;
	s24 =	sadd.s32 s9, s17;
	s25 =	sadd.s32 s9, s20  }
0x15: {  	s9 =	sadd.s32 $0x1388, s9;
	s3 =	sshrl.u32 s3, $0x2;
	s2 =	sshrl.u32 s2, $0x2  }
0x16: {  	s10 =	sadd.s32 s10, s9;
	s11 =	sadd.s32 s9, s11;
	s12 =	sadd.s32 s9, s12  }
0x17: {  	s13 =	sadd.s32 s9, s13;
	s14 =	sadd.s32 s9, s14;
	s15 =	sadd.s32 s9, s15  }
0x18: {  	s17 =	sadd.s32 s9, s17;
	s9 =	sadd.s32 s9, s20;
	s20 =	sadd.s32 $0x7E00, s28  }
0x19: {  	s22 =	sshll.u32 s25, $0x4;
	s16 =	sadd.s32 s20, s16;
	s18 =	sadd.s32 s20, s18  }
0x1a: {  	s10 =	sshll.u32 s10, $0x4;
	s25 =	sshll.u32 s12, $0x4;
	[dreg:$0x3] =	wrdreg s16  }
0x1b: {  	s12 =	sshll.u32 s14, $0x4;
	s9 =	sshll.u32 s9, $0x4;
	[dreg:$0x4] =	wrdreg s18  }
0x1c: {  	s16 =	sadd.s32 s20, s19;
	s18 =	sadd.s32 s20, s26;
	s19 =	sshll.u32 s23, $0x4  }
0x1d: {  	s23 =	sadd.s32 s20, s22;
	s10 =	sadd.s32 s20, s10;
	[dreg:$0x5] =	wrdreg s16  }
0x1e: {  	s26 =	sadd.s32 s20, s25;
	s9 =	sadd.s32 s20, s9;
	[dreg:$0x7] =	wrdreg s18  }
0x1f: {  	s22 =	sadd.s32 $0x5C1000, s28;
	s25 =	sadd.s32 $0x4E9E00, s28;
	[dreg:$0xa] =	wrdreg s23  }
0x20: {  	s16 =	sadd.s32 s20, s21;
	s21 =	sshll.u32 s24, $0x4;
	[dreg:$0xb] =	wrdreg s10  }
0x21: {  	s24 =	sshll.u32 s11, $0x4;
	[dreg:$0xd] =	wrdreg s26;
	s11 =	sshll.u32 s13, $0x4  }
0x22: {  	s13 =	sshll.u32 s15, $0x4;
	s15 =	sshll.u32 s17, $0x4;
	s18 =	rddreg [dreg:$0x1]  }
0x23: {  	[dreg:$0x12] =	wrdreg s9;
	s17 =	smul.u32 $0x4E400, s29;
	s23 =	sadd.s32 $0x524C00, s28  }
0x24: {  	s26 =	sadd.s32 $0x4FD800, s28;
	[dreg:$0x6] =	wrdreg s16;
	s16 =	sadd.s32 s20, s19  }
0x25: {  	s10 =	sadd.s32 s20, s24;
	s14 =	sadd.s32 s20, s13;
	s19 =	smul.u32 $0x28000, s29  }
0x26: {  	s31 =	sadd.s32 s4, s18;
	s3 =	sadd.s32 s3, s18;
	[dreg:$0x8] =	wrdreg s16  }
0x27: {  	s2 =	sadd.s32 s2, s18;
	s16 =	sadd.s32 s20, s21;
	[dreg:$0xc] =	wrdreg s10  }
0x28: {  	s10 =	sadd.s32 s20, s11;
	[dreg:$0x10] =	wrdreg s14;
	s11 =	smul.u32 $0x5000, s7  }
0x29: {  	s21 =	sadd.s32 $0x572E00, s28;
	s14 =	smul.u32 $0x9C8, s29;
	[dreg:$0x9] =	wrdreg s16  }
0x2a: {  	s7 =	simm.s32 $0x3;
	[dreg:$0xe] =	wrdreg s10;
	s10 =	sadd.s32 s20, s12  }
0x2b: {  	s16 =	smul.u32 $0x4E2000, s0;
	s24 =	sshrl.u32 s19, $0x2;
	s12 =	sshrl.u32 s6, $0x2  }
0x2c: {  	s19 =	smax.u32 s1, $0x1;
	s6 =	simm.s32 $0x1;
	[dreg:$0xf] =	wrdreg s10  }
0x2d: {  	s10 =	sadd.s32 s20, s15;
	s20 =	sadd.s32 $0xF85000, s28;
	s28 =	sadd.s32 $0x511200, s28  }
0x2e: {  	s15 =	sadd.s32 s24, s18;
	s13 =	sshrl.u32 s11, $0x2;
	[dreg:$0x11] =	wrdreg s10  }
0x2f: {  	s11 =	simm.s32 $0x9D80;
	_ =	strace $0x80000047;
	[dreg:$0x1a] =	wrdreg s3  }
0x30: {  	s9 =	sadd.s32 s16, s20;
	s10 =	sshrl.u32 s5, $0x2;
	[dreg:$0x1b] =	wrdreg s2  }
0x31: {  	s16 =	sadd.s32 s14, s28;
	s5 =	smul.u32 $0x4E200, s0;
	[dreg:$0x1c] =	wrdreg s19  }
0x32: {  	s14 =	simm.s32 $0x9D00;
	s9 =	sadd.s32 s17, s9;
	[dreg:$0x14] =	wrdreg s15  }
0x33: {  	s17 =	sadd.s32 s8, s18;
	s4 =	sadd.s32 s10, s18;
	[dreg:$0x16] =	wrdreg s31  }
0x34: {  	s24 =	sadd.s32 $0x9C40, s16;
	s8 =	smul.u32 $0x139, s29;
	[dreg:$0x13] =	wrdreg s9  }
0x35: {  	s10 =	simm.s32 $0x4;
	s16 =	simm.s32 $0x40;
	[dreg:$0x17] =	wrdreg s4  }
0x36: {  	s19 =	simm.s32 $0xDE00;
	s2 =	simm.s32 $0x0;
	[dreg:$0x1d] =	wrdreg s24  }
0x37: {  	s4 =	sadd.s32 s12, s18;
	s9 =	simm.s32 $0x9E00;
	[dreg:$0x15] =	wrdreg s17  }
0x38: {  	s12 =	simm.s32 $0x5;
	[dreg:$0x18] =	wrdreg s4;
	s4 =	sadd.s32 s13, s18  }
0x39: {  	v0 =	vimm.f32 $0.0e+00;
	s24 =	simm.s32 $0x2;
	s13 =	simm.s32 $0x9C80;
	[dreg:$0x19] =	wrdreg s4  }
.LBB2_1:
0x3a: {  	[dreg:$0x1e] =	wrdreg s2;
	s0 =	simm.s32 $0x0;
	s1 =	simm.s32 $0x200  }
.LBB2_2:
0x3b: {  	p3 =	sne.s32 s1, $0x4E00;
	[tilespmem:s0+$0x9E70] =	vst v0  }
0x3c: {  	[tilespmem:s0+$0x9E00] =	vst v0  }
0x3d: {  	[tilespmem:s0+$0x9E10] =	vst v0  }
.Ltmp0:
0x3e: {  	[tilespmem:s0+$0x9E20] =	vst v0;
	(pc) =	sbr.rel @p3 .LBB2_2-.Ltmp0, $4  }
0x3f: {  	[tilespmem:s0+$0x9E30] =	vst v0  }
0x40: {  	[tilespmem:s0+$0x9E40] =	vst v0  }
0x41: {  	[tilespmem:s0+$0x9E50] =	vst v0  }
0x42: {  	[tilespmem:s0+$0x9E60] =	vst v0;
	s0 =	sshra.s32 s1, $0x2;
	s1 =	sadd.s32 $0x200, s1  }
0x43: {  	[tilespmem:s0+$0x9E70] =	vst v0  }
0x44: {  	[tilespmem:s0+$0x9E00] =	vst v0  }
0x45: {  	[tilespmem:s0+$0x9E10] =	vst v0  }
0x46: {  	[tilespmem:s0+$0x9E20] =	vst v0  }
0x47: {  	[tilespmem:s0+$0x9E30] =	vst v0  }
0x48: {  	[tilespmem:s0+$0x9E40] =	vst v0  }
0x49: {  	[tilespmem:s0+$0x9E50] =	vst v0  }
0x4a: {  	[tilespmem:s0+$0x9E60] =	vst v0  }
0x4b: {  	[spmem:s15] =	stream.linear.scatter [tilespmem:s9], [sflag:$0x4], $0x1400, $0x38;
	[tilespmem:$0xFE00] =	vst v63  }
0x4c: {  	_ =	swait.ge [sflag:s10], $0x1400  }
0x4d: {  	[sflag:s10] =	ssyncset.done $0x0  }
0x4e: {  	[sflag:s10] =	ssyncadd.s32 $0xFFFFEC00  }
0x4f: {  	[spmem:s17] =	stream.linear.scatter [tilespmem:s9], [sflag:$0x4], $0x1400, $0x38;
	[tilespmem:$0xFE00] =	vst v63  }
0x50: {  	_ =	swait.ge [sflag:s10], $0x1400  }
0x51: {  	[sflag:s10] =	ssyncset.done $0x0  }
0x52: {  	[sflag:s10] =	ssyncadd.s32 $0xFFFFEC00  }
0x53: {  	[spmem:s31] =	stream.linear.scatter [tilespmem:s9], [sflag:$0x4], $0x1400, $0x38;
	[tilespmem:$0xFE00] =	vst v63  }
0x54: {  	_ =	swait.ge [sflag:s10], $0x1400  }
0x55: {  	[sflag:s10] =	ssyncset.done $0x0  }
0x56: {  	s29 =	rddreg [dreg:$0x17];
	[sflag:s10] =	ssyncadd.s32 $0xFFFFEC00  }
0x57: {  	[spmem:s29] =	stream.linear.scatter [tilespmem:s9], [sflag:$0x4], $0x1400, $0x38;
	[tilespmem:$0xFE00] =	vst v63  }
0x58: {  	_ =	swait.ge [sflag:s10], $0x1400  }
0x59: {  	[sflag:s10] =	ssyncset.done $0x0  }
0x5a: {  	s4 =	rddreg [dreg:$0x18];
	[sflag:s10] =	ssyncadd.s32 $0xFFFFEC00  }
0x5b: {  	[spmem:s4] =	stream.linear.scatter [tilespmem:s9], [sflag:$0x4], $0x1400, $0x38;
	[tilespmem:$0xFE00] =	vst v63  }
0x5c: {  	_ =	swait.ge [sflag:s10], $0x1400  }
0x5d: {  	[sflag:s10] =	ssyncset.done $0x0  }
0x5e: {  	s0 =	simm.s32 @!p2 $0x9E00;
	s1 =	rddreg [dreg:$0x19];
	[sflag:s10] =	ssyncadd.s32 $0xFFFFEC00  }
0x5f: {  	[spmem:s1] =	stream.linear.scatter @!p2 [tilespmem:s0], [sflag:$0x4], $0x1400, $0x38;
	[tilespmem:$0xFE00] =	vst v63  }
0x60: {  	s0 =	simm.s32 @!p2 $0x4  }
0x61: {  	_ =	swait.ge @!p2 [sflag:s0], $0x1400  }
0x62: {  	[sflag:s0] =	ssyncset.done @!p2 $0x0  }
0x63: {  	s1 =	rddreg [dreg:$0x1a];
	[sflag:s0] =	ssyncadd.s32 @!p2 $0xFFFFEC00;
	s0 =	simm.s32 @!p0 $0x9E00  }
0x64: {  	[spmem:s1] =	stream.linear.scatter @!p0 [tilespmem:s0], [sflag:$0x4], $0x1400, $0x38;
	[tilespmem:$0xFE00] =	vst v63  }
0x65: {  	s0 =	simm.s32 @!p0 $0x4  }
0x66: {  	_ =	swait.ge @!p0 [sflag:s0], $0x1400  }
0x67: {  	[sflag:s0] =	ssyncset.done @!p0 $0x0  }
0x68: {  	s1 =	rddreg [dreg:$0x1b];
	[sflag:s0] =	ssyncadd.s32 @!p0 $0xFFFFEC00;
	s0 =	simm.s32 @!p1 $0x9E00  }
0x69: {  	[spmem:s1] =	stream.linear.scatter @!p1 [tilespmem:s0], [sflag:$0x4], $0x1400, $0x38;
	[tilespmem:$0xFE00] =	vst v63  }
0x6a: {  	s0 =	simm.s32 @!p1 $0x4  }
.Ltmp1:
0x6b: {  	_ =	swait.ge @!p1 [sflag:s0], $0x1400;
	(pc) =	sbr.rel .LBB2_4-.Ltmp1, $4  }
0x6c: {  	[sflag:s0] =	ssyncset.done @!p1 $0x0  }
0x6d: {  	[sflag:s0] =	ssyncadd.s32 @!p1 $0xFFFFEC00  }
0x6e: {  	[bflag:$0x0] =	sbarrier.arrive $0xFFFF  }
0x6f: {  	s0 =	simm.s32 $0x0  }
.LBB2_8:
0x70: {  	s0 =	sadd.s32 $0x1, s0  }
0x71: {  	p3 =	sne.s32 s0, $0x139  }
.Ltmp2:
0x72: {  	_ = 	snop;
	(pc) =	sbr.rel @!p3 .LBB2_9-.Ltmp2, $1  }
0x73: {  	_ =	sdelay $0x3  }
.LBB2_4:
0x74: {  	s1 =	sadd.s32 s8, s0  }
0x75: {  	p3 =	sgt.u32 s1, $0x1387  }
.Ltmp3:
0x76: {  	_ = 	snop;
	(pc) =	sbr.rel @p3 .LBB2_8-.Ltmp3, $1  }
0x77: {  	_ =	sdelay $0x3  }
0x78: {  	s2 =	sshll.u32 s1, $0x3  }
0x79: {  	s4 =	sshll.u32 s1, $0x6;
	s3 =	simm.s32 $0x0;
	s2 =	sadd.s32 s28, s2  }
0x7a: {  	[tilespmem:s11], [sflag:$0x5] =	stream.linear.gather [hbm4b:s2+s3], $0x40, $0x38;
	[tilespmem:$0xFE00] =	vst v63  }
0x7b: {  	s1 =	sadd.s32 s5, s4;
	_ =	swait.ge [sflag:s12], $0x40  }
0x7c: {  	s2 =	sshrl.u32 s1, $0x3;
	[sflag:s12] =	ssyncset.done $0x0  }
0x7d: {  	s4 =	sadd.s32 s25, s2;
	[sflag:s12] =	ssyncadd.s32 $0xFFFFFFC0  }
0x7e: {  	[tilespmem:s13], [sflag:$0x5] =	stream.linear.gather [hbm4b:s4+s3], $0x40, $0x38;
	[tilespmem:$0xFE00] =	vst v63  }
0x7f: {  	_ =	swait.ge [sflag:s12], $0x40  }
0x80: {  	[sflag:s12] =	ssyncset.done $0x0  }
0x81: {  	s2 =	sadd.s32 s26, s2;
	[sflag:s12] =	ssyncadd.s32 $0xFFFFFFC0  }
0x82: {  	[tilespmem:s14], [sflag:$0x5] =	stream.linear.gather [hbm4b:s2+s3], $0x40, $0x38;
	[tilespmem:$0xFE00] =	vst v63  }
0x83: {  	_ =	swait.ge [sflag:s12], $0x40  }
0x84: {  	[sflag:s12] =	ssyncset.done $0x0  }
0x85: {  	s4 =	simm.s32 $0xBE00;
	[sflag:s12] =	ssyncadd.s32 $0xFFFFFFC0  }
0x86: {  	[tilespmem:s4], [sflag:$0x1] =	stream.indirect.gather [hbm4b:s21+s16], $0x80, s13, s16, $0xb8;
	[tilespmem:$0xFE00] =	vst v63  }
0x87: {  	s1 =	sshll.u32 s1, $0x4  }
0x88: {  	[tilespmem:s19], [sflag:$0x2] =	stream.indirect.gather [hbm4b:s23+s16], $0x80, s14, s16, $0xb8;
	[tilespmem:$0xFE00] =	vst v63  }
0x89: {  	s4 =	sadd.s32 s22, s1  }
0x8a: {  	[tilespmem:s9], [sflag:$0x3] =	stream.linear.gather [hbm4b:s4+s3], $0x2000, $0x38;
	[tilespmem:$0xFE00] =	vst v63  }
0x8b: {  	_ =	swait.ge [sflag:s6], $0x2000  }
0x8c: {  	[sflag:s6] =	ssyncset.done $0x0  }
0x8d: {  	[sflag:s6] =	ssyncadd.s32 $0xFFFFE000  }
0x8e: {  	_ =	swait.ge [sflag:s24], $0x2000  }
0x8f: {  	[sflag:s24] =	ssyncset.done $0x0  }
0x90: {  	[sflag:s24] =	ssyncadd.s32 $0xFFFFE000  }
0x91: {  	_ =	swait.ge [sflag:s7], $0x2000  }
0x92: {  	[sflag:s7] =	ssyncset.done $0x0  }
0x93: {  	s2 =	simm.s32 $0x0;
	[sflag:s7] =	ssyncadd.s32 $0xFFFFE000  }
0x94: {  	v5 =	vld [tilespmem:s2+$0xDE00]  }
0x95: {  	v6 =	vld [tilespmem:s2+$0xDE10]  }
0x96: {  	v4 =	vld [tilespmem:s2+$0xDE20]  }
0x97: {  	v3 =	vld [tilespmem:s2+$0xDE30]  }
0x98: {  	v2 =	vld [tilespmem:s2+$0xDE40]  }
0x99: {  	v1 =	vld [tilespmem:s2+$0xDE50]  }
0x9a: {  	v13 =	vld [tilespmem:s2+$0xBE00]  }
0x9b: {  	v18 =	vld [tilespmem:s2+$0xBE10]  }
0x9c: {  	v12 =	vld [tilespmem:s2+$0xBE20]  }
0x9d: {  	v11 =	vld [tilespmem:s2+$0xBE30]  }
0x9e: {  	v10 =	vld [tilespmem:s2+$0xBE40]  }
0x9f: {  	v9 =	vld [tilespmem:s2+$0xBE50]  }
0xa0: {  	v8 =	vld [tilespmem:s2+$0xBE60]  }
0xa1: {  	v7 =	vld [tilespmem:s2+$0xBE70]  }
0xa2: {  	v19 =	vld [tilespmem:s2+$0x9E00]  }
0xa3: {  	v20 =	vld [tilespmem:s2+$0x9E10]  }
0xa4: {  	v17 =	vld [tilespmem:s2+$0x9E20]  }
0xa5: {  	v16 =	vld [tilespmem:s2+$0x9E30]  }
0xa6: {  	v15 =	vld [tilespmem:s2+$0x9E40]  }
0xa7: {  	v14 =	vld [tilespmem:s2+$0x9E50];
	v19 =	vadd.f32 v13, v19  }
0xa8: {  	s3 =	simm.s32 $0x200;
	v18 =	vadd.f32 v18, v20;
	v13 =	vld [tilespmem:s2+$0x9E60]  }
.LBB2_6:
0xa9: {  	p3 =	sne.s32 s3, $0x7E00;
	v5 =	vadd.f32 v5, v19;
	v12 =	vadd.f32 v12, v17;
	v17 =	vld [tilespmem:s2+$0x9E70]  }
0xaa: {  	v6 =	vadd.f32 v6, v18;
	v11 =	vadd.f32 v11, v16;
	v16 =	vld [tilespmem:s2+$0xDE60]  }
0xab: {  	s4 =	sshra.s32 s3, $0x2;
	v18 =	vmax.f32 v5, $0.0e+00;
	v4 =	vadd.f32 v4, v12;
	v10 =	vadd.f32 v10, v15;
	v12 =	vld [tilespmem:s2+$0xDE70]  }
0xac: {  	v5 =	vld [tilespmem:s4+$0xDE00];
	[tilespmem:s2+$0x9E00] =	vst v18;
	v15 =	vmax.f32 v6, $0.0e+00;
	v3 =	vadd.f32 v3, v11;
	v9 =	vadd.f32 v9, v14  }
0xad: {  	v6 =	vld [tilespmem:s4+$0xDE10];
	[tilespmem:s2+$0x9E10] =	vst v15;
	v11 =	vmax.f32 v4, $0.0e+00;
	v2 =	vadd.f32 v2, v10;
	v8 =	vadd.f32 v8, v13  }
0xae: {  	v4 =	vld [tilespmem:s4+$0xDE20];
	[tilespmem:s2+$0x9E20] =	vst v11;
	v10 =	vmax.f32 v3, $0.0e+00;
	v1 =	vadd.f32 v1, v9;
	v7 =	vadd.f32 v7, v17  }
0xaf: {  	v3 =	vld [tilespmem:s4+$0xDE30];
	[tilespmem:s2+$0x9E30] =	vst v10;
	v9 =	vmax.f32 v2, $0.0e+00;
	v8 =	vadd.f32 v16, v8  }
0xb0: {  	v2 =	vld [tilespmem:s4+$0xDE40];
	[tilespmem:s2+$0x9E40] =	vst v9;
	v9 =	vmax.f32 v1, $0.0e+00;
	v7 =	vadd.f32 v12, v7  }
0xb1: {  	v1 =	vld [tilespmem:s4+$0xDE50];
	[tilespmem:s2+$0x9E50] =	vst v9;
	v8 =	vmax.f32 v8, $0.0e+00  }
0xb2: {  	v13 =	vld [tilespmem:s4+$0xBE00];
	[tilespmem:s2+$0x9E60] =	vst v8;
	v7 =	vmax.f32 v7, $0.0e+00  }
0xb3: {  	v18 =	vld [tilespmem:s4+$0xBE10];
	[tilespmem:s2+$0x9E70] =	vst v7;
	s2 =	smov.u32 s4  }
0xb4: {  	v12 =	vld [tilespmem:s2+$0xBE20]  }
0xb5: {  	v11 =	vld [tilespmem:s2+$0xBE30]  }
0xb6: {  	v10 =	vld [tilespmem:s2+$0xBE40]  }
0xb7: {  	v9 =	vld [tilespmem:s2+$0xBE50]  }
0xb8: {  	v8 =	vld [tilespmem:s2+$0xBE60]  }
0xb9: {  	v7 =	vld [tilespmem:s2+$0xBE70]  }
0xba: {  	v14 =	vld [tilespmem:s2+$0x9E00]  }
0xbb: {  	v20 =	vld [tilespmem:s2+$0x9E10]  }
.Ltmp4:
0xbc: {  	v17 =	vld [tilespmem:s2+$0x9E20];
	(pc) =	sbr.rel @p3 .LBB2_6-.Ltmp4, $4  }
0xbd: {  	v16 =	vld [tilespmem:s2+$0x9E30]  }
0xbe: {  	v15 =	vld [tilespmem:s2+$0x9E40]  }
0xbf: {  	v19 =	vadd.f32 v13, v14;
	v14 =	vld [tilespmem:s2+$0x9E50]  }
0xc0: {  	s3 =	sadd.s32 $0x200, s3;
	v18 =	vadd.f32 v18, v20;
	v13 =	vld [tilespmem:s2+$0x9E60]  }
0xc1: {  	v5 =	vadd.f32 v5, v19;
	v12 =	vadd.f32 v12, v17;
	v57 =	vld [tilespmem:s2+$0x9E70]  }
0xc2: {  	v58 =	vld [tilespmem:s2+$0xDE60];
	v6 =	vadd.f32 v6, v18;
	v11 =	vadd.f32 v11, v16  }
0xc3: {  	v59 =	vld [tilespmem:s2+$0xDE70];
	v5 =	vmax.f32 v5, $0.0e+00;
	v4 =	vadd.f32 v4, v12;
	v10 =	vadd.f32 v10, v15  }
0xc4: {  	[tilespmem:s2+$0x9E00] =	vst v5;
	v60 =	vmax.f32 v6, $0.0e+00;
	v3 =	vadd.f32 v3, v11;
	v61 =	vadd.f32 v9, v14  }
0xc5: {  	[tilespmem:s2+$0x9E10] =	vst v60;
	v4 =	vmax.f32 v4, $0.0e+00;
	v2 =	vadd.f32 v2, v10;
	v62 =	vadd.f32 v8, v13  }
0xc6: {  	[tilespmem:s2+$0x9E20] =	vst v4;
	v3 =	vmax.f32 v3, $0.0e+00;
	v1 =	vadd.f32 v1, v61;
	v63 =	vadd.f32 v7, v57  }
0xc7: {  	[tilespmem:s2+$0x9E30] =	vst v3;
	v2 =	vmax.f32 v2, $0.0e+00;
	v3 =	vadd.f32 v58, v62  }
0xc8: {  	[tilespmem:s2+$0x9E40] =	vst v2;
	v1 =	vmax.f32 v1, $0.0e+00;
	v2 =	vadd.f32 v59, v63  }
0xc9: {  	[tilespmem:s2+$0x9E50] =	vst v1;
	v1 =	vmax.f32 v3, $0.0e+00  }
0xca: {  	[tilespmem:s2+$0x9E60] =	vst v1;
	v1 =	vmax.f32 v2, $0.0e+00  }
0xcb: {  	s1 =	sadd.s32 s20, s1;
	[tilespmem:s2+$0x9E70] =	vst v1  }
0xcc: {  	[hbm4b:s1+s30] =	stream.linear.scatter [tilespmem:s9], [sflag:$0x5], $0x2000, $0x38;
	[tilespmem:$0xFE00] =	vst v63  }
0xcd: {  	_ =	swait.ge [sflag:s12], $0x2000  }
0xce: {  	[sflag:s12] =	ssyncset.done $0x0  }
.Ltmp5:
0xcf: {  	[sflag:s12] =	ssyncadd.s32 $0xFFFFE000;
	(pc) =	sbr.rel .LBB2_8-.Ltmp5, $4  }
0xd0: {  	[spmem:s18] =	stream.indirect.scatter.add.f32 [tilespmem:s9], [sflag:$0x4], $0x80, s11, s16, $0xb8;
	[tilespmem:$0xFE00] =	vst v63  }
0xd1: {  	_ =	swait.ge [sflag:s10], $0x2000  }
0xd2: {  	[sflag:s10] =	ssyncset.done $0x0  }
0xd3: {  	[sflag:s10] =	ssyncadd.s32 $0xFFFFE000  }
.LBB2_9:
0xd4: {  	s0 =	stileid.u32;
	[bflag:$0x0] =	sbarrier.arrive $0xFFFF  }
0xd5: {  	s1 =	sshrl.u32 s15, $0x3;
	s0 =	sshll.u32 s0, $0x6;
	s2 =	rddreg [dreg:$0x3]  }
0xd6: {  	[dreg:$0x1f] =	wrdreg s1;
	s30 =	sor.u32 $0x1C04, s0  }
0xd7: {  	[hbm:s2], [sflag:s30] =	dma.local [spmem:s1], $0x280  }
0xd8: {  	_ =	swait.ge [sflag:s10], $0x280  }
0xd9: {  	s3 =	sshrl.u32 s17, $0x3;
	[sflag:s10] =	ssyncset.done $0x0;
	s4 =	rddreg [dreg:$0x4]  }
0xda: {  	[smem:$0x7F7] =	sst s3;
	[sflag:s10] =	ssyncadd.s32 $0xFFFFFD80  }
0xdb: {  	[hbm:s4], [sflag:s30] =	dma.local [spmem:s3], $0x280  }
0xdc: {  	_ =	swait.ge [sflag:s10], $0x280  }
0xdd: {  	s0 =	sshrl.u32 s31, $0x3;
	[sflag:s10] =	ssyncset.done $0x0;
	s2 =	rddreg [dreg:$0x5]  }
0xde: {  	[smem:$0x7F8] =	sst s0;
	[sflag:s10] =	ssyncadd.s32 $0xFFFFFD80  }
0xdf: {  	[hbm:s2], [sflag:s30] =	dma.local [spmem:s0], $0x280  }
0xe0: {  	_ =	swait.ge [sflag:s10], $0x280  }
0xe1: {  	s3 =	sshrl.u32 s29, $0x3;
	[sflag:s10] =	ssyncset.done $0x0;
	s4 =	rddreg [dreg:$0x6]  }
0xe2: {  	[smem:$0x7F9] =	sst s3;
	[sflag:s10] =	ssyncadd.s32 $0xFFFFFD80  }
0xe3: {  	[hbm:s4], [sflag:s30] =	dma.local [spmem:s3], $0x280  }
0xe4: {  	_ =	swait.ge [sflag:s10], $0x280  }
0xe5: {  	s2 =	rddreg [dreg:$0x18]  }
0xe6: {  	[sflag:s10] =	ssyncset.done $0x0;
	s4 =	rddreg [dreg:$0x7];
	s3 =	sshrl.u32 s2, $0x3  }
0xe7: {  	[sflag:s10] =	ssyncadd.s32 $0xFFFFFD80;
	[smem:$0x7FA] =	sst s3  }
0xe8: {  	[hbm:s4], [sflag:s30] =	dma.local [spmem:s3], $0x280  }
0xe9: {  	_ =	swait.ge [sflag:s10], $0x280  }
0xea: {  	s0 =	rddreg [dreg:$0x19]  }
0xeb: {  	[sflag:s10] =	ssyncset.done $0x0;
	s1 =	sshrl.u32 @!p2 s0, $0x3;
	s0 =	rddreg [dreg:$0x8]  }
0xec: {  	[sflag:s10] =	ssyncadd.s32 $0xFFFFFD80;
	[smem:$0x7FB] =	sst s1  }
0xed: {  	[hbm:s0], [sflag:s30] =	dma.local @!p2 [spmem:s1], $0x280  }
0xee: {  	s0 =	simm.s32 @!p2 $0x4  }
0xef: {  	_ =	swait.ge @!p2 [sflag:s0], $0x280  }
0xf0: {  	[sflag:s0] =	ssyncset.done @!p2 $0x0  }
0xf1: {  	[sflag:s0] =	ssyncadd.s32 @!p2 $0xFFFFFD80;
	s0 =	rddreg [dreg:$0x1a]  }
0xf2: {  	s1 =	sshrl.u32 @!p0 s0, $0x3;
	s0 =	rddreg [dreg:$0x9]  }
0xf3: {  	[smem:$0x7FC] =	sst s1  }
0xf4: {  	[hbm:s0], [sflag:s30] =	dma.local @!p0 [spmem:s1], $0x280  }
0xf5: {  	s0 =	simm.s32 @!p0 $0x4  }
0xf6: {  	_ =	swait.ge @!p0 [sflag:s0], $0x280  }
0xf7: {  	[sflag:s0] =	ssyncset.done @!p0 $0x0  }
0xf8: {  	[sflag:s0] =	ssyncadd.s32 @!p0 $0xFFFFFD80;
	s0 =	rddreg [dreg:$0x1b]  }
0xf9: {  	s1 =	sshrl.u32 @!p1 s0, $0x3;
	s0 =	rddreg [dreg:$0xa]  }
0xfa: {  	[smem:$0x7FD] =	sst s1  }
0xfb: {  	[hbm:s0], [sflag:s30] =	dma.local @!p1 [spmem:s1], $0x280  }
0xfc: {  	s0 =	simm.s32 @!p1 $0x4  }
0xfd: {  	_ =	swait.ge @!p1 [sflag:s0], $0x280  }
0xfe: {  	[sflag:s0] =	ssyncset.done @!p1 $0x0  }
0xff: {  	s2 =	simm.s32 $0x200;
	[sflag:s0] =	ssyncadd.s32 @!p1 $0xFFFFFD80;
	s0 =	simm.s32 $0x0  }
.LBB2_10:
0x100: {  	p3 =	sne.s32 s2, $0x4E00;
	[tilespmem:s0+$0x9E70] =	vst v0  }
0x101: {  	[tilespmem:s0+$0x9E00] =	vst v0  }
0x102: {  	[tilespmem:s0+$0x9E10] =	vst v0  }
.Ltmp6:
0x103: {  	[tilespmem:s0+$0x9E20] =	vst v0;
	(pc) =	sbr.rel @p3 .LBB2_10-.Ltmp6, $4  }
0x104: {  	[tilespmem:s0+$0x9E30] =	vst v0  }
0x105: {  	[tilespmem:s0+$0x9E40] =	vst v0  }
0x106: {  	[tilespmem:s0+$0x9E50] =	vst v0  }
0x107: {  	[tilespmem:s0+$0x9E60] =	vst v0;
	s0 =	sshra.s32 s2, $0x2;
	s2 =	sadd.s32 $0x200, s2  }
0x108: {  	[tilespmem:s0+$0x9E70] =	vst v0  }
0x109: {  	[tilespmem:s0+$0x9E00] =	vst v0  }
0x10a: {  	[tilespmem:s0+$0x9E10] =	vst v0  }
0x10b: {  	[tilespmem:s0+$0x9E20] =	vst v0  }
0x10c: {  	[tilespmem:s0+$0x9E30] =	vst v0  }
0x10d: {  	[tilespmem:s0+$0x9E40] =	vst v0  }
0x10e: {  	[tilespmem:s0+$0x9E50] =	vst v0  }
0x10f: {  	[tilespmem:s0+$0x9E60] =	vst v0  }
0x110: {  	[spmem:s15] =	stream.linear.scatter [tilespmem:s9], [sflag:$0x4], $0x1400, $0x38;
	[tilespmem:$0xFE00] =	vst v63  }
0x111: {  	_ =	swait.ge [sflag:s10], $0x1400  }
0x112: {  	[sflag:s10] =	ssyncset.done $0x0  }
0x113: {  	[sflag:s10] =	ssyncadd.s32 $0xFFFFEC00  }
0x114: {  	[spmem:s17] =	stream.linear.scatter [tilespmem:s9], [sflag:$0x4], $0x1400, $0x38;
	[tilespmem:$0xFE00] =	vst v63  }
0x115: {  	_ =	swait.ge [sflag:s10], $0x1400  }
0x116: {  	[sflag:s10] =	ssyncset.done $0x0  }
0x117: {  	[sflag:s10] =	ssyncadd.s32 $0xFFFFEC00  }
0x118: {  	[spmem:s31] =	stream.linear.scatter [tilespmem:s9], [sflag:$0x4], $0x1400, $0x38;
	[tilespmem:$0xFE00] =	vst v63  }
0x119: {  	_ =	swait.ge [sflag:s10], $0x1400  }
0x11a: {  	[sflag:s10] =	ssyncset.done $0x0  }
0x11b: {  	[sflag:s10] =	ssyncadd.s32 $0xFFFFEC00  }
0x11c: {  	[spmem:s29] =	stream.linear.scatter [tilespmem:s9], [sflag:$0x4], $0x1400, $0x38;
	[tilespmem:$0xFE00] =	vst v63  }
0x11d: {  	_ =	swait.ge [sflag:s10], $0x1400  }
0x11e: {  	[sflag:s10] =	ssyncset.done $0x0  }
0x11f: {  	s15 =	rddreg [dreg:$0x18];
	[sflag:s10] =	ssyncadd.s32 $0xFFFFEC00  }
0x120: {  	[spmem:s15] =	stream.linear.scatter [tilespmem:s9], [sflag:$0x4], $0x1400, $0x38;
	[tilespmem:$0xFE00] =	vst v63  }
0x121: {  	_ =	swait.ge [sflag:s10], $0x1400  }
0x122: {  	[sflag:s10] =	ssyncset.done $0x0  }
0x123: {  	s0 =	simm.s32 @!p2 $0x9E00;
	s1 =	rddreg [dreg:$0x19];
	[sflag:s10] =	ssyncadd.s32 $0xFFFFEC00  }
0x124: {  	[spmem:s1] =	stream.linear.scatter @!p2 [tilespmem:s0], [sflag:$0x4], $0x1400, $0x38;
	[tilespmem:$0xFE00] =	vst v63  }
0x125: {  	s0 =	simm.s32 @!p2 $0x4  }
0x126: {  	_ =	swait.ge @!p2 [sflag:s0], $0x1400  }
0x127: {  	[sflag:s0] =	ssyncset.done @!p2 $0x0  }
0x128: {  	s1 =	rddreg [dreg:$0x1a];
	[sflag:s0] =	ssyncadd.s32 @!p2 $0xFFFFEC00;
	s0 =	simm.s32 @!p0 $0x9E00  }
0x129: {  	[spmem:s1] =	stream.linear.scatter @!p0 [tilespmem:s0], [sflag:$0x4], $0x1400, $0x38;
	[tilespmem:$0xFE00] =	vst v63  }
0x12a: {  	s0 =	simm.s32 @!p0 $0x4  }
0x12b: {  	_ =	swait.ge @!p0 [sflag:s0], $0x1400  }
0x12c: {  	[sflag:s0] =	ssyncset.done @!p0 $0x0  }
0x12d: {  	s1 =	rddreg [dreg:$0x1b];
	[sflag:s0] =	ssyncadd.s32 @!p0 $0xFFFFEC00;
	s0 =	simm.s32 @!p1 $0x9E00  }
0x12e: {  	[spmem:s1] =	stream.linear.scatter @!p1 [tilespmem:s0], [sflag:$0x4], $0x1400, $0x38;
	[tilespmem:$0xFE00] =	vst v63  }
0x12f: {  	s0 =	simm.s32 @!p1 $0x4  }
0x130: {  	_ =	swait.ge @!p1 [sflag:s0], $0x1400  }
0x131: {  	s17 =	sadd.s32 $0x0, s8;
	[sflag:s0] =	ssyncset.done @!p1 $0x0  }
0x132: {  	p3 =	sgt.u32 s17, $0x1387;
	[sflag:s0] =	ssyncadd.s32 @!p1 $0xFFFFEC00  }
0x133: {  	s2 =	simm.s32 @!p3 $0x9D80;
	[bflag:$0x0] =	sbarrier.arrive $0xFFFF  }
0x134: {  	s31 =	simm.s32 @!p3 $0x5;
	s0 =	simm.s32 @!p3 $0x0;
	s4 =	rddreg [dreg:$0x1d]  }
0x135: {  	[tilespmem:s2], [sflag:$0x5] =	stream.linear.gather @!p3 [hbm4b:s4+s0], $0x40, $0x38;
	[tilespmem:$0xFE00] =	vst v63  }
0x136: {  	_ =	swait.ge @!p3 [sflag:s31], $0x40;
	p3 =	por p3, p3  }
0x137: {  	[sflag:s31] =	ssyncset.done @!p3 $0x0  }
0x138: {  	s3 =	simm.s32 @!p3 $0x9E00;
	s1 =	rddreg [dreg:$0x13];
	[sflag:s31] =	ssyncadd.s32 @!p3 $0xFFFFFFC0  }
0x139: {  	[tilespmem:s3], [sflag:$0x5] =	stream.linear.gather @!p3 [hbm4b:s1+s0], $0x2000, $0x38;
	[tilespmem:$0xFE00] =	vst v63  }
0x13a: {  	_ =	swait.ge @!p3 [sflag:s31], $0x2000  }
0x13b: {  	[sflag:s31] =	ssyncset.done @!p3 $0x0  }
0x13c: {  	s29 =	sadd.s32 $0x1, s8;
	s0 =	simm.s32 @!p3 $0x40;
	[sflag:s31] =	ssyncadd.s32 @!p3 $0xFFFFE000  }
0x13d: {  	[spmem:s18] =	stream.indirect.scatter.add.f32 @!p3 [tilespmem:s3], [sflag:$0x4], $0x80, s2, s0, $0xb8;
	[tilespmem:$0xFE00] =	vst v63  }
0x13e: {  	p4 =	sgt.u32 s29, $0x1387;
	s15 =	simm.s32 $0x2;
	s2 =	simm.s32 @!p3 $0x4  }
0x13f: {  	s31 =	sadd.s32 $0x400, s1;
	s0 =	sadd.s32 $0x8, s4;
	_ =	swait.ge @!p3 [sflag:s2], $0x2000  }
.LBB2_12:
0x140: {  	s3 =	simm.s32 @!p4 $0x0  }
0x141: {  	s4 =	simm.s32 @!p4 $0x9D80;
	[sflag:s2] =	ssyncset.done @!p3 $0x0;
	s1 =	smov.u32 s15  }
0x142: {  	s15 =	sadd.s32 $0x1, s15;
	s29 =	simm.s32 @!p4 $0x5;
	[sflag:s2] =	ssyncadd.s32 @!p3 $0xFFFFE000  }
0x143: {  	[tilespmem:s4], [sflag:$0x5] =	stream.linear.gather @!p4 [hbm4b:s0+s3], $0x40, $0x38;
	[tilespmem:$0xFE00] =	vst v63  }
0x144: {  	p5 =	sne.s32 s15, $0x139;
	p3 =	por p4, p4;
	_ =	swait.ge @!p4 [sflag:s29], $0x40  }
0x145: {  	[sflag:s29] =	ssyncset.done @!p3 $0x0  }
0x146: {  	s17 =	simm.s32 @!p3 $0x9E00;
	[sflag:s29] =	ssyncadd.s32 @!p3 $0xFFFFFFC0  }
0x147: {  	[tilespmem:s17], [sflag:$0x5] =	stream.linear.gather @!p3 [hbm4b:s31+s3], $0x2000, $0x38;
	[tilespmem:$0xFE00] =	vst v63  }
.Ltmp7:
0x148: {  	_ =	swait.ge @!p3 [sflag:s29], $0x2000;
	(pc) =	sbr.rel @p5 .LBB2_12-.Ltmp7, $4  }
0x149: {  	s2 =	simm.s32 @!p3 $0x4;
	s31 =	sadd.s32 $0x400, s31;
	[sflag:s29] =	ssyncset.done @!p3 $0x0  }
0x14a: {  	s1 =	sadd.s32 s1, s8;
	s3 =	simm.s32 @!p3 $0x40;
	[sflag:s29] =	ssyncadd.s32 @!p3 $0xFFFFE000  }
0x14b: {  	[spmem:s18] =	stream.indirect.scatter.add.f32 @!p3 [tilespmem:s17], [sflag:$0x4], $0x80, s4, s3, $0xb8;
	[tilespmem:$0xFE00] =	vst v63  }
0x14c: {  	s0 =	sadd.s32 $0x8, s0;
	p4 =	sgt.u32 s1, $0x1387;
	_ =	swait.ge @!p3 [sflag:s2], $0x2000  }
0x14d: {  	s1 =	simm.s32 @!p4 $0x0;
	[sflag:s2] =	ssyncset.done @!p3 $0x0  }
0x14e: {  	s3 =	simm.s32 @!p4 $0x9D80;
	[sflag:s2] =	ssyncadd.s32 @!p3 $0xFFFFE000;
	s2 =	simm.s32 @!p4 $0x5  }
0x14f: {  	[tilespmem:s3], [sflag:$0x5] =	stream.linear.gather @!p4 [hbm4b:s0+s1], $0x40, $0x38;
	[tilespmem:$0xFE00] =	vst v63  }
0x150: {  	p3 =	por p4, p4;
	_ =	swait.ge @!p4 [sflag:s2], $0x40  }
0x151: {  	[sflag:s2] =	ssyncset.done @!p3 $0x0  }
0x152: {  	s0 =	simm.s32 @!p3 $0x9E00;
	[sflag:s2] =	ssyncadd.s32 @!p3 $0xFFFFFFC0  }
0x153: {  	[tilespmem:s0], [sflag:$0x5] =	stream.linear.gather @!p3 [hbm4b:s31+s1], $0x2000, $0x38;
	[tilespmem:$0xFE00] =	vst v63  }
0x154: {  	_ =	swait.ge @!p3 [sflag:s2], $0x2000  }
0x155: {  	[sflag:s2] =	ssyncset.done @!p3 $0x0  }
0x156: {  	s1 =	simm.s32 @!p3 $0x40;
	[sflag:s2] =	ssyncadd.s32 @!p3 $0xFFFFE000  }
0x157: {  	[spmem:s18] =	stream.indirect.scatter.add.f32 @!p3 [tilespmem:s0], [sflag:$0x4], $0x80, s3, s1, $0xb8;
	[tilespmem:$0xFE00] =	vst v63  }
0x158: {  	s0 =	simm.s32 @!p3 $0x4  }
0x159: {  	_ =	swait.ge @!p3 [sflag:s0], $0x2000  }
0x15a: {  	[sflag:s0] =	ssyncset.done @!p3 $0x0  }
0x15b: {  	[sflag:s0] =	ssyncadd.s32 @!p3 $0xFFFFE000  }
0x15c: {  	[bflag:$0x0] =	sbarrier.arrive $0xFFFF  }
0x15d: {  	s2 =	rddreg [dreg:$0xb]  }
0x15e: {  	s3 =	rddreg [dreg:$0x1f]  }
0x15f: {  	[hbm:s2], [sflag:s30] =	dma.local [spmem:s3], $0x280  }
0x160: {  	_ =	swait.ge [sflag:s10], $0x280  }
0x161: {  	s15 =	sld [smem:$0x7F7]  }
0x162: {  	[sflag:s10] =	ssyncset.done $0x0  }
0x163: {  	s4 =	rddreg [dreg:$0xc];
	[sflag:s10] =	ssyncadd.s32 $0xFFFFFD80  }
0x164: {  	[hbm:s4], [sflag:s30] =	dma.local [spmem:s15], $0x280  }
0x165: {  	_ =	swait.ge [sflag:s10], $0x280  }
0x166: {  	s29 =	sld [smem:$0x7F8]  }
0x167: {  	[sflag:s10] =	ssyncset.done $0x0  }
0x168: {  	s17 =	rddreg [dreg:$0xd];
	[sflag:s10] =	ssyncadd.s32 $0xFFFFFD80  }
0x169: {  	[hbm:s17], [sflag:s30] =	dma.local [spmem:s29], $0x280  }
0x16a: {  	_ =	swait.ge [sflag:s10], $0x280  }
0x16b: {  	s3 =	sld [smem:$0x7F9]  }
0x16c: {  	[sflag:s10] =	ssyncset.done $0x0  }
0x16d: {  	s2 =	rddreg [dreg:$0xe];
	[sflag:s10] =	ssyncadd.s32 $0xFFFFFD80  }
0x16e: {  	[hbm:s2], [sflag:s30] =	dma.local [spmem:s3], $0x280  }
0x16f: {  	_ =	swait.ge [sflag:s10], $0x280  }
0x170: {  	s15 =	sld [smem:$0x7FA]  }
0x171: {  	[sflag:s10] =	ssyncset.done $0x0  }
0x172: {  	s4 =	rddreg [dreg:$0xf];
	[sflag:s10] =	ssyncadd.s32 $0xFFFFFD80  }
0x173: {  	[hbm:s4], [sflag:s30] =	dma.local [spmem:s15], $0x280  }
0x174: {  	_ =	swait.ge [sflag:s10], $0x280  }
0x175: {  	s1 =	sld [smem:$0x7FB]  }
0x176: {  	[sflag:s10] =	ssyncset.done $0x0  }
0x177: {  	s0 =	rddreg [dreg:$0x10];
	[sflag:s10] =	ssyncadd.s32 $0xFFFFFD80  }
0x178: {  	[hbm:s0], [sflag:s30] =	dma.local @!p2 [spmem:s1], $0x280  }
0x179: {  	s0 =	simm.s32 @!p2 $0x4  }
0x17a: {  	_ =	swait.ge @!p2 [sflag:s0], $0x280  }
0x17b: {  	s1 =	sld [smem:$0x7FC]  }
0x17c: {  	[sflag:s0] =	ssyncset.done @!p2 $0x0  }
0x17d: {  	[sflag:s0] =	ssyncadd.s32 @!p2 $0xFFFFFD80;
	s0 =	rddreg [dreg:$0x11]  }
0x17e: {  	[hbm:s0], [sflag:s30] =	dma.local @!p0 [spmem:s1], $0x280  }
0x17f: {  	s0 =	simm.s32 @!p0 $0x4  }
0x180: {  	_ =	swait.ge @!p0 [sflag:s0], $0x280  }
0x181: {  	s1 =	sld [smem:$0x7FD]  }
0x182: {  	[sflag:s0] =	ssyncset.done @!p0 $0x0  }
0x183: {  	[sflag:s0] =	ssyncadd.s32 @!p0 $0xFFFFFD80;
	s0 =	rddreg [dreg:$0x12]  }
0x184: {  	[hbm:s0], [sflag:s30] =	dma.local @!p1 [spmem:s1], $0x280  }
0x185: {  	s0 =	simm.s32 @!p1 $0x4  }
0x186: {  	_ =	swait.ge @!p1 [sflag:s0], $0x280  }
0x187: {  	s17 =	rddreg [dreg:$0x1e]  }
0x188: {  	s29 =	rddreg [dreg:$0x1c];
	s2 =	sadd.s32 $0x1, s17  }
0x189: {  	p3 =	sne.s32 s2, s29  }
.Ltmp8:
0x18a: {  	_ = 	snop;
	(pc) =	sbr.rel @p3 .LBB2_1-.Ltmp8, $4  }
0x18b: {  	_ = 	snop  }
0x18c: {  	s15 =	rddreg [dreg:$0x14]  }
0x18d: {  	[sflag:s0] =	ssyncset.done @!p1 $0x0;
	s31 =	rddreg [dreg:$0x16]  }
0x18e: {  	s30 =	simm.s32 $0x0;
	[sflag:s0] =	ssyncadd.s32 @!p1 $0xFFFFFD80;
	s17 =	rddreg [dreg:$0x15]  }
0x18f: {  	_ =	sfence.sel $0x180000  }
0x190: {  	[bflag:$0x0] =	sbarrier.arrive $0xFFFF  }
0x191: {  	_ =	strace $0x90000047  }
0x192: {  	s0 =	stileid.u32;
	[bflag:$0x2] =	sbarrier.arrive $0xFFFF  }
0x193: {  	p0 =	sne.s32 s0, $0x0;
	s0 =	rddreg [dreg:$0x2]  }
0x194: {  	s0 =	sadd.s32 @!p0 $0x100000, s0  }
0x195: {  	[sflag:s0] =	ssyncadd.tile.s32 @!p0 $0x1;
	_ =	shalt  }
.Lfunc_end2:
_tile_overlayer_lowered:
.L_overlay_start_2:
0x196: {  	(tag) =	ssettag $0x2  }
0x197: {  	s0 =	rddreg [dreg:$0x0];
	s2 =	stileid.u32  }
0x198: {  	s1 =	rddreg [dreg:$0x1];
	p0 =	sne.s32 s2, $0x0  }
0x199: {  	s3 =	rddreg [dreg:$0x2];
	[bflag:$0x3] =	sbarrier.arrive $0xFFFF;
	s2 =	simm.s32 @!p0 $0x1C04  }
0x19a: {  	[timem:s3], [sflag:s2] =	dma.local @!p0 [hbm:s0], s1  }
0x19b: {  	s0 =	simm.s32 @!p0 $0x4  }
0x19c: {  	_ =	swait.ge @!p0 [sflag:s0], s1  }
0x19d: {  	s1 =	ssub.s32 @!p0 $0x0, s1;
	[sflag:s0] =	ssyncset.done @!p0 $0x0  }
0x19e: {  	[sflag:s0] =	ssyncadd.s32 @!p0 s1  }
0x19f: {  	[bflag:$0x3] =	sbarrier.arrive $0xFFFF  }
0x1a0: {  	_ =	shalt  }

// kernel: kernel.18.cloned.1.call-start
scs
__scs_entry_jumppad:
0x0: {  	(pc) =	sbr.rel $0x88, $3  }
0x1: {  	(tag) =	ssettag $0x0;
	lr =	simm.s32 $0x1  }
0x2: {  	[smem:$0x3F82] =	sst lr;
	_ =	strace $0xD0000000  }
0x3: {  	_ = 	snop  }
0x4: {  	_ = 	snop  }
0x5: {  	_ = 	snop  }
0x6: {  	_ = 	snop  }
0x7: {  	_ = 	snop  }
__scs_overlays_trampoline_lowered:
0x8: {  	[smem:$0x3F91] =	sst s0  }
0x9: {  	[smem:$0x3F92] =	sst s1  }
0xa: {  	[smem:$0x3F93] =	sst s2  }
0xb: {  	[smem:$0x3F94] =	sst s3  }
0xc: {  	[smem:$0x3F95] =	sst s4  }
0xd: {  	[smem:$0x3F96] =	sst s5  }
0xe: {  	[smem:$0x3F97] =	sst s6  }
0xf: {  	[smem:$0x3F98] =	sst s7  }
0x10: {  	[smem:$0x3F99] =	sst s8  }
0x11: {  	[smem:$0x3F9A] =	sst s9;
	s0 =	simm.s32 @!p0 $0x0  }
0x12: {  	s1 =	sld [smem:$0x3F80];
	s0 =	simm.s32 @p0 $0x1  }
0x13: {  	[smem:$0x3F9B] =	sst s0;
	s0 =	simm.s32 @!p1 $0x0  }
0x14: {  	s2 =	sld [smem:$0x3F7F];
	s0 =	simm.s32 @p1 $0x1  }
0x15: {  	[smem:$0x3F9C] =	sst s0;
	s0 =	simm.s32 @!p2 $0x0  }
0x16: {  	s3 =	sld [smem:$0x3FDB];
	s0 =	simm.s32 @p2 $0x1  }
0x17: {  	s4 =	simm.s32 $0x1BF5;
	[smem:$0x3F9E] =	sst s0  }
0x18: {  	s0 =	sld [smem:$0x3F81];
	_ =	swait.ge [sflag:s4], $0x0  }
0x19: {  	s7 =	sld [smem:$0x3F82]  }
0x1a: {  	s8 =	sadd.s32 $0xFFFFE003, lr  }
0x1b: {  	s9 =	sadd.s32 $0xFFFFFEF7, lr;
	s5 =	simm.s32 $0xFFFFFFFF;
	p2 =	slt.u32 s8, $0xFFFFF086  }
0x1c: {  	p1 =	slt.u32 s9, $0xF7A;
	s5 =	simm.s32 @!p2 $0x0  }
0x1d: {  	s5 =	simm.s32 @p1 $0x1;
	p0 =	seq.s32 s7, s2  }
0x1e: {  	s7 =	smul.u32 @!p0 $0xF7A, s2;
	p2 =	seq.s32 @!p0 s5, $0x0  }
0x1f: {  	s9 =	smul.u32 $0xF7A, s1;
	s8 =	simm.s32 @!p0 $0x1BF5;
	p2 =	por !p2, p0  }
0x20: {  	[sflag:s8] =	ssyncset.s32 @!p0 $0xFFFFF086;
	s6 =	sadd.s32 @!p0 s3, s7;
	s7 =	simm.s32 @!p0 $0x108  }
0x21: {  	s3 =	sadd.s32 s3, s9;
	s6 =	sadd.s32 @!p0 $0x88, s6;
	s7 =	simm.s32 @p2 $0x1082  }
0x22: {  	[simem:s7], [sflag:s8] =	dma.local @!p0 [hbm:s6], $0xF7A  }
0x23: {  	s9 =	sor.u32 $0xD0000000, s2;
	s6 =	simm.s32 $0x108;
	_ =	swait.ge @!p0 [sflag:s8], $0x0  }
0x24: {  	s3 =	sadd.s32 $0x88, s3;
	s6 =	simm.s32 @!p1 $0x1082;
	[sflag:s4] =	ssyncset.s32 $0xFFFFF086  }
0x25: {  	[simem:s6], [sflag:s4] =	dma.local [hbm:s3], $0xF7A  }
0x26: {  	[smem:$0x3F82] =	sst s1;
	(tag) =	ssettag s2;
	_ =	strace s9  }
0x27: {  	s1 =	sld [smem:$0x3F92]  }
0x28: {  	s2 =	sld [smem:$0x3F93]  }
0x29: {  	s4 =	sld [smem:$0x3F95]  }
0x2a: {  	p0 =	seq.s32 s5, $0x0;
	s5 =	sld [smem:$0x3F96]  }
0x2b: {  	s6 =	sld [smem:$0x3F97]  }
0x2c: {  	s7 =	sld [smem:$0x3F98]  }
0x2d: {  	s3 =	simm.s32 $0x108;
	s8 =	sld [smem:$0x3F99]  }
0x2e: {  	s3 =	simm.s32 @!p0 $0x1082;
	s9 =	sld [smem:$0x3F9A]  }
0x2f: {  	lr =	sadd.s32 s0, s3;
	s0 =	sld [smem:$0x3F91]  }
0x30: {  	s3 =	sld [smem:$0x3F94]  }
0x31: {  	[smem:$0x3F9D] =	sst s10  }
0x32: {  	s10 =	sld [smem:$0x3F9B];
	_ =	sdelay $0x3  }
0x33: {  	p0 =	seq.s32 s10, $0x1;
	s10 =	sld [smem:$0x3F9D];
	_ =	sdelay $0x3  }
0x34: {  	[smem:$0x3F9D] =	sst s10  }
0x35: {  	s10 =	sld [smem:$0x3F9C];
	_ =	sdelay $0x3  }
0x36: {  	p1 =	seq.s32 s10, $0x1;
	s10 =	sld [smem:$0x3F9D];
	_ =	sdelay $0x3  }
0x37: {  	[smem:$0x3F9D] =	sst s10  }
0x38: {  	s10 =	sld [smem:$0x3F9E]  }
0x39: {  	_ = 	snop;
	(pc) =	sbr.ind lr, $3  }
0x3a: {  	_ = 	snop  }
0x3b: {  	_ = 	snop  }
0x3c: {  	p2 =	seq.s32 s10, $0x1;
	s10 =	sld [smem:$0x3F9D]  }
0x3d: {  	_ =	shalt  }
0x3e: {  	_ =	shalt  }
0x3f: {  	_ =	shalt  }
0x40: {  	_ =	shalt  }
0x41: {  	_ =	shalt  }
0x42: {  	_ =	shalt  }
0x43: {  	_ =	shalt  }
0x44: {  	_ =	shalt  }
0x45: {  	_ =	shalt  }
0x46: {  	_ =	shalt  }
0x47: {  	_ =	shalt  }
0x48: {  	_ =	shalt  }
0x49: {  	_ =	shalt  }
0x4a: {  	_ =	shalt  }
0x4b: {  	_ =	shalt  }
0x4c: {  	_ =	shalt  }
0x4d: {  	_ =	shalt  }
0x4e: {  	_ =	shalt  }
0x4f: {  	_ =	shalt  }
0x50: {  	_ =	shalt  }
0x51: {  	_ =	shalt  }
0x52: {  	_ =	shalt  }
0x53: {  	_ =	shalt  }
0x54: {  	_ =	shalt  }
0x55: {  	_ =	shalt  }
0x56: {  	_ =	shalt  }
0x57: {  	_ =	shalt  }
0x58: {  	_ =	shalt  }
0x59: {  	_ =	shalt  }
0x5a: {  	_ =	shalt  }
0x5b: {  	_ =	shalt  }
0x5c: {  	_ =	shalt  }
0x5d: {  	_ =	shalt  }
0x5e: {  	_ =	shalt  }
0x5f: {  	_ =	shalt  }
0x60: {  	_ =	shalt  }
0x61: {  	_ =	shalt  }
0x62: {  	_ =	shalt  }
0x63: {  	_ =	shalt  }
0x64: {  	_ =	shalt  }
0x65: {  	_ =	shalt  }
0x66: {  	_ =	shalt  }
0x67: {  	_ =	shalt  }
0x68: {  	_ =	shalt  }
0x69: {  	_ =	shalt  }
0x6a: {  	_ =	shalt  }
0x6b: {  	_ =	shalt  }
0x6c: {  	_ =	shalt  }
0x6d: {  	_ =	shalt  }
0x6e: {  	_ =	shalt  }
0x6f: {  	_ =	shalt  }
0x70: {  	_ =	shalt  }
0x71: {  	_ =	shalt  }
0x72: {  	_ =	shalt  }
0x73: {  	_ =	shalt  }
0x74: {  	_ =	shalt  }
0x75: {  	_ =	shalt  }
0x76: {  	_ =	shalt  }
0x77: {  	_ =	shalt  }
0x78: {  	_ =	shalt  }
0x79: {  	_ =	shalt  }
0x7a: {  	_ =	shalt  }
0x7b: {  	_ =	shalt  }
0x7c: {  	_ =	shalt  }
0x7d: {  	_ =	shalt  }
0x7e: {  	_ =	shalt  }
0x7f: {  	_ =	shalt  }
0x80: {  	_ =	shalt  }
0x81: {  	_ =	shalt  }
0x82: {  	_ =	shalt  }
0x83: {  	_ =	shalt  }
0x84: {  	_ =	shalt  }
0x85: {  	_ =	shalt  }
0x86: {  	_ =	shalt  }
0x87: {  	_ =	shalt  }
.Lfunc_end0:
.L_simem_size_0:
called_computation.2_lowered:
.L_overlay_start_0:
0x88: {  	s2 =	sld [smem:$0x3FD9]  }
0x89: {  	s3 =	sld [smem:$0x3FFE];
	_ =	sdelay $0x1  }
0x8a: {  	s1 =	srdreg.scid  }
0x8b: {  	s0 =	sand.u32 $0x1, s1  }
0x8c: {  	s17 =	sshll.u32 s0, $0xA;
	s2 =	sadd.s32 s3, s2  }
0x8d: {  	s2 =	sadd.s32 s2, s17  }
0x8e: {  	[smem:$0x3FA9] =	sst s2  }
0x8f: {  	_ = 	snop  }
0x90: {  	s2 =	sld [smem:$0x3FC7]  }
0x91: {  	s18 =	sld [smem:$0x3FC6];
	(tm) =	ssettm $0x1  }
0x92: {  	s4 =	sld [smem:$0x3FFB];
	_ =	sdelay $0x3  }
0x93: {  	_ =	strace s4  }
0x94: {  	s4 =	sld [smem:$0x3FFC];
	_ =	sdelay $0x3  }
0x95: {  	_ =	strace s4  }
0x96: {  	s4 =	sld [smem:$0x3FFD];
	_ =	sdelay $0x3  }
0x97: {  	_ =	strace s4  }
0x98: {  	_ =	strace $0x8FFFFFFF  }
0x99: {  	s19 =	sld [smem:$0x3FDB];
	_ =	sdelay $0x1  }
0x9a: {  	s5 =	simm.s32 $_scs_section_size  }
0x9b: {  	s6 =	simm.s32 $_size__tile_overlayer_lowered;
	s7 =	simm.s32 $_tile_overlayer_lowered  }
0x9c: {  	s22 =	simm.s32 $0x1BFF;
	s21 =	sshll.u32 s7, $0x1;
	s4 =	sadd.s32 s5, s19  }
0x9d: {  	s8 =	simm.s32 $0x0;
	s20 =	sshll.u32 s6, $0x1;
	s6 =	sadd.s32 s21, s4  }
0x9e: {  	[timem:s8], [sflag:s22] =	dma.local [hbm:s6], s20  }
0x9f: {  	_ =	swait.ge [sflag:s22], s20  }
0xa0: {  	s5 =	ssub.s32 $0x0, s20;
	[sflag:s22] =	ssyncset.done $0x0  }
0xa1: {  	[sflag:s22] =	ssyncadd.s32 s5;
	_ =	sdelay $0x1  }
0xa2: {  	s23 =	simm.s32 $0x1B8B  }
0xa3: {  	_ =	swait.ge [sflag:s23], $0x1  }
0xa4: {  	[sflag:s23] =	ssyncset.done $0x0  }
0xa5: {  	s25 =	simm.s32 $0x1B8E;
	s24 =	sld [smem:$0x3FFE];
	[sflag:s23] =	ssyncadd.s32 $0xFFFFFFFF  }
0xa6: {  	s26 =	simm.s32 $execute0_lowered;
	[smem:$0x3FD2] =	sst s25  }
0xa7: {  	s6 =	sshll.u32 s26, $0x1;
	_ =	strace $0x8000004C;
	[dreg:$0x1] =	wrdreg $0xFFFFFFFF  }
0xa8: {  	s28 =	simm.s32 $_size_execute0_lowered;
	s4 =	sadd.s32 s4, s6;
	[dreg:$0x0] =	wrdreg $0x0  }
0xa9: {  	s6 =	sshll.u32 s28, $0x1;
	[dreg:$0x2] =	wrdreg s4  }
0xaa: {  	[dreg:$0x3] =	wrdreg s6  }
0xab: {  	[dreg:$0x4] =	wrdreg $0xC0  }
0xac: {  	_ =	task [dreg:s8], $0x5FFFF  }
0xad: {  	[dreg:$0x1] =	wrdreg $0xFFFFFFFF  }
0xae: {  	[dreg:$0x0] =	wrdreg $0x60  }
0xaf: {  	[dreg:$0x2] =	wrdreg s24  }
0xb0: {  	[dreg:$0x3] =	wrdreg s2  }
0xb1: {  	[dreg:$0x4] =	wrdreg s18  }
0xb2: {  	[dreg:$0x5] =	wrdreg $0x0  }
0xb3: {  	[dreg:$0x6] =	wrdreg $0x9  }
0xb4: {  	_ =	task.clear_ibuf [dreg:s8], $0x7FFFF;
	_ =	strace $0x9000004C  }
0xb5: {  	s29 =	simm.s32 $0x9;
	_ =	strace $0x8000004E  }
0xb6: {  	_ =	swait.ge [sflag:s29], $0x1  }
0xb7: {  	[sflag:s29] =	ssyncadd.s32 $0xFFFFFFFF  }
0xb8: {  	_ =	strace $0x9000004E  }
0xb9: {  	_ =	sfence  }
0xba: {  	s30 =	sld [smem:$0x0];
	_ =	sdelay $0x2  }
0xbb: {  	s31 =	sshll.u32 s1, $0xD;
	s1 =	sshrl.u32 s1, $0x2  }
0xbc: {  	s3 =	sand.u32 $0x4000, s31;
	s1 =	sadd.s32 s1, s30  }
0xbd: {  	s0 =	sor.u32 s3, s0;
	s1 =	sshll.u32 s1, $0x11  }
0xbe: {  	s0 =	sor.u32 s1, s0  }
0xbf: {  	s0 =	sadd.s32 $0x8F2B, s0  }
0xc0: {  	[sflag:s0] =	ssyncadd.remote.s32 $0x1  }
0xc1: {  	_ =	sfence.sel $0xFFFF  }
0xc2: {  	[dreg:$0x0] =	wrdreg $0xFFFFFFFF;
	(pc) =	sbr.abs _section_cstart, $3  }
0xc3: {  	[dreg:$0x1] =	wrdreg $0xFFFFFFFF  }
0xc4: {  	_ =	task.clear_ibuf [dreg:s8], $0x2FFFF;
	_ =	strace $0x9FFFFFFF  }
0xc5: {  	(tm) =	ssettm $0x7FFFFFFF  }
tec
execute0_lowered:
.L_overlay_start_1:
0x0: {  	(tag) =	ssettag $0x1  }
0x1: {  	s0 =	srdreg.scid;
	s29 =	stileid.u32  }
0x2: {  	s1 =	sand.u32 $0x1, s0;
	s2 =	sshll.u32 s29, $0x3;
	s10 =	smul.u32 $0x140, s29  }
0x3: {  	s9 =	smul.u32 $0x2710, s1;
	s8 =	sor.u32 $0x1, s2  }
0x4: {  	s7 =	sor.u32 $0x2, s2;
	s11 =	smul.u32 $0x28, s8  }
0x5: {  	s4 =	sor.u32 $0x3, s2;
	s12 =	smul.u32 $0x28, s7  }
0x6: {  	s5 =	sor.u32 $0x4, s2;
	s13 =	smul.u32 $0x28, s4  }
0x7: {  	s6 =	sor.u32 $0x5, s2;
	s14 =	smul.u32 $0x28, s5  }
0x8: {  	s15 =	smul.u32 $0x28, s6  }
0x9: {  	s8 =	smul.u32 $0x5000, s8  }
0xa: {  	s28 =	rddreg [dreg:$0x0];
	s30 =	simm.s32 $0x0;
	s7 =	smul.u32 $0x5000, s7  }
0xb: {  	[smem:$0x7FF] =	sst s30;
	s0 =	ssub.s32 $0x2, s1;
	s4 =	smul.u32 $0x5000, s4  }
0xc: {  	p2 =	seq.s32 s29, $0xF;
	s3 =	sshrl.u32 s0, $0x1;
	s5 =	smul.u32 $0x5000, s5  }
0xd: {  	s6 =	smul.u32 $0x5000, s6;
	s0 =	ssub.s32 s0, s3;
	s3 =	sor.u32 $0x6, s2  }
0xe: {  	s2 =	sshllo.u32 s29, $0x3;
	s16 =	sadd.s32 s10, s9;
	s24 =	sadd.s32 $0x1388, s9  }
0xf: {  	s17 =	sadd.s32 s9, s11;
	s18 =	smul.u32 $0x28, s3;
	s19 =	sadd.s32 s9, s12  }
0x10: {  	s20 =	sadd.s32 s9, s13;
	s21 =	smul.u32 $0x28, s2;
	s22 =	sadd.s32 s9, s14  }
0x11: {  	s23 =	sadd.s32 s9, s15;
	s10 =	sadd.s32 s10, s24;
	s11 =	sadd.s32 s24, s11  }
0x12: {  	s12 =	sadd.s32 s24, s12;
	s13 =	sadd.s32 s24, s13;
	s14 =	sadd.s32 s24, s14  }
0x13: {  	s15 =	sadd.s32 s24, s15;
	s16 =	sshll.u32 s16, $0x4;
	s8 =	sshrl.u32 s8, $0x2  }
0x14: {  	s7 =	sshrl.u32 s7, $0x2;
	s4 =	sshrl.u32 s4, $0x2;
	s5 =	sshrl.u32 s5, $0x2  }
0x15: {  	p0 =	sgt.u32 s3, $0x7C;
	s3 =	smul.u32 $0x5000, s3;
	p1 =	sgt.u32 s2, $0x7C  }
0x16: {  	s2 =	smul.u32 $0x5000, s2;
	s0 =	smax.u32 s0, $0x1;
	s17 =	sshll.u32 s17, $0x4  }
0x17: {  	s26 =	sshll.u32 s19, $0x4;
	s19 =	sshll.u32 s20, $0x4;
	s20 =	sshll.u32 s22, $0x4  }
0x18: {  	s22 =	sshll.u32 s23, $0x4;
	s25 =	sadd.s32 s9, s18;
	s9 =	sadd.s32 s9, s21  }
0x19: {  	s18 =	sadd.s32 s24, s18;
	s21 =	sadd.s32 s24, s21;
	s24 =	sadd.s32 $0xF2600, s28  }
0x1a: {  	s10 =	sshll.u32 s10, $0x4;
	s11 =	sshll.u32 s11, $0x4;
	s16 =	sadd.s32 s24, s16  }
0x1b: {  	s3 =	sshrl.u32 s3, $0x2;
	s23 =	sadd.s32 s24, s22;
	[dreg:$0x5] =	wrdreg s16  }
0x1c: {  	s2 =	sshrl.u32 s2, $0x2;
	s10 =	sadd.s32 s24, s10;
	[dreg:$0xa] =	wrdreg s23  }
0x1d: {  	s9 =	sshll.u32 s9, $0x4;
	s22 =	sshll.u32 s15, $0x4;
	[dreg:$0xd] =	wrdreg s10  }
0x1e: {  	s16 =	sadd.s32 s24, s17;
	s23 =	sshll.u32 s18, $0x4;
	s18 =	rddreg [dreg:$0x1]  }
0x1f: {  	s17 =	sadd.s32 s24, s26;
	s26 =	sshll.u32 s25, $0x4;
	[dreg:$0x6] =	wrdreg s16  }
0x20: {  	s9 =	sadd.s32 s24, s9;
	s10 =	smul.u32 $0x271000, s1;
	[dreg:$0x7] =	wrdreg s17  }
0x21: {  	s16 =	sadd.s32 s24, s19;
	[dreg:$0xc] =	wrdreg s9;
	s9 =	sadd.s32 s24, s11  }
0x22: {  	s17 =	sshll.u32 s13, $0x4;
	s25 =	sadd.s32 s24, s23;
	[dreg:$0x8] =	wrdreg s16  }
0x23: {  	s11 =	smul.u32 $0x27400, s29;
	s16 =	sadd.s32 s24, s20;
	[dreg:$0xe] =	wrdreg s9  }
0x24: {  	s19 =	sadd.s32 s24, s17;
	s20 =	sshll.u32 s14, $0x4;
	[dreg:$0x13] =	wrdreg s25  }
0x25: {  	s25 =	sadd.s32 $0x7E00, s28;
	s17 =	sshrl.u32 s6, $0x2;
	[dreg:$0x9] =	wrdreg s16  }
0x26: {  	s6 =	simm.s32 $0x1;
	s16 =	sadd.s32 s24, s26;
	[dreg:$0x10] =	wrdreg s19  }
0x27: {  	s26 =	sshll.u32 s21, $0x4;
	[dreg:$0xb] =	wrdreg s16;
	s16 =	sshll.u32 s12, $0x4  }
0x28: {  	s19 =	rddreg [dreg:$0x2];
	s21 =	smul.u32 $0x27100, s1;
	s9 =	sadd.s32 s24, s16  }
0x29: {  	s12 =	smul.u32 $0x28000, s29;
	[dreg:$0xf] =	wrdreg s9;
	s9 =	sadd.s32 s24, s20  }
0x2a: {  	s16 =	smul.u32 $0x2740, s29;
	s20 =	sadd.s32 $0xA06C00, s28;
	[dreg:$0x11] =	wrdreg s9  }
0x2b: {  	s13 =	sshrl.u32 s12, $0x2;
	s9 =	sadd.s32 s24, s22;
	s22 =	rddreg [dreg:$0x3]  }
0x2c: {  	s12 =	simm.s32 $0x5;
	[dreg:$0x12] =	wrdreg s9;
	s9 =	sadd.s32 s24, s26  }
0x2d: {  	s1 =	sadd.s32 s16, s21;
	[dreg:$0x14] =	wrdreg s9;
	s9 =	sadd.s32 s10, s20  }
0x2e: {  	s16 =	simm.s32 $0xBE00;
	s24 =	sadd.s32 $0x524C00, s28;
	s9 =	sadd.s32 s11, s9  }
0x2f: {  	s26 =	sadd.s32 $0xCB400, s28;
	s8 =	sadd.s32 s8, s22;
	[dreg:$0x15] =	wrdreg s9  }
0x30: {  	s7 =	sadd.s32 s7, s22;
	_ =	strace $0x8000004D;
	[dreg:$0x17] =	wrdreg s8  }
0x31: {  	s28 =	sadd.s32 $0x511200, s28;
	s14 =	sadd.s32 s4, s22;
	[dreg:$0x18] =	wrdreg s7  }
0x32: {  	s31 =	sadd.s32 s13, s22;
	s15 =	sadd.s32 s5, s22;
	[dreg:$0x19] =	wrdreg s14  }
0x33: {  	s4 =	sadd.s32 s17, s22;
	s1 =	sadd.s32 $0x4E200, s1;
	[dreg:$0x1a] =	wrdreg s15  }
0x34: {  	s3 =	sadd.s32 s3, s22;
	s2 =	sadd.s32 s2, s22;
	[dreg:$0x1b] =	wrdreg s4  }
0x35: {  	s13 =	simm.s32 $0x9C80;
	s17 =	simm.s32 $0xDE00;
	[dreg:$0x1c] =	wrdreg s3  }
0x36: {  	s1 =	sshrl.u32 s1, $0x3;
	s10 =	simm.s32 $0x4;
	[dreg:$0x1d] =	wrdreg s2  }
0x37: {  	s23 =	sadd.s32 s1, s28;
	s11 =	simm.s32 $0x9D80;
	[dreg:$0x1e] =	wrdreg s0  }
0x38: {  	s9 =	simm.s32 $0x9E00;
	[dreg:$0x1f] =	wrdreg s23;
	s8 =	smul.u32 $0x9D, s29  }
0x39: {  	s14 =	simm.s32 $0x9D00;
	s15 =	simm.s32 $0x40;
	s23 =	simm.s32 $0x2  }
0x3a: {  	v0 =	vimm.f32 $0.0e+00;
	s7 =	simm.s32 $0x3;
	s2 =	simm.s32 $0x0;
	[dreg:$0x16] =	wrdreg s31  }
.LBB2_1:
0x3b: {  	s0 =	simm.s32 $0x0;
	s1 =	simm.s32 $0x200  }
.LBB2_2:
0x3c: {  	p3 =	sne.s32 s1, $0x4E00;
	[tilespmem:s0+$0x9E70] =	vst v0  }
0x3d: {  	[tilespmem:s0+$0x9E00] =	vst v0  }
0x3e: {  	[tilespmem:s0+$0x9E10] =	vst v0  }
.Ltmp0:
0x3f: {  	[tilespmem:s0+$0x9E20] =	vst v0;
	(pc) =	sbr.rel @p3 .LBB2_2-.Ltmp0, $4  }
0x40: {  	[tilespmem:s0+$0x9E30] =	vst v0  }
0x41: {  	[tilespmem:s0+$0x9E40] =	vst v0  }
0x42: {  	[tilespmem:s0+$0x9E50] =	vst v0  }
0x43: {  	[tilespmem:s0+$0x9E60] =	vst v0;
	s0 =	sshra.s32 s1, $0x2;
	s1 =	sadd.s32 $0x200, s1  }
0x44: {  	[tilespmem:s0+$0x9E70] =	vst v0  }
0x45: {  	[tilespmem:s0+$0x9E00] =	vst v0  }
0x46: {  	[tilespmem:s0+$0x9E10] =	vst v0  }
0x47: {  	[tilespmem:s0+$0x9E20] =	vst v0  }
0x48: {  	[tilespmem:s0+$0x9E30] =	vst v0  }
0x49: {  	[tilespmem:s0+$0x9E40] =	vst v0  }
0x4a: {  	[tilespmem:s0+$0x9E50] =	vst v0  }
0x4b: {  	[smem:$0x7FD] =	sst s2;
	[tilespmem:s0+$0x9E60] =	vst v0  }
0x4c: {  	[spmem:s31] =	stream.linear.scatter [tilespmem:s9], [sflag:$0x4], $0x1400, $0x38;
	[tilespmem:$0xFE00] =	vst v63  }
0x4d: {  	_ =	swait.ge [sflag:s10], $0x1400  }
0x4e: {  	[sflag:s10] =	ssyncset.done $0x0  }
0x4f: {  	s5 =	rddreg [dreg:$0x17];
	[sflag:s10] =	ssyncadd.s32 $0xFFFFEC00  }
0x50: {  	[spmem:s5] =	stream.linear.scatter [tilespmem:s9], [sflag:$0x4], $0x1400, $0x38;
	[tilespmem:$0xFE00] =	vst v63  }
0x51: {  	_ =	swait.ge [sflag:s10], $0x1400  }
0x52: {  	[sflag:s10] =	ssyncset.done $0x0  }
0x53: {  	s3 =	rddreg [dreg:$0x18];
	[sflag:s10] =	ssyncadd.s32 $0xFFFFEC00  }
0x54: {  	[spmem:s3] =	stream.linear.scatter [tilespmem:s9], [sflag:$0x4], $0x1400, $0x38;
	[tilespmem:$0xFE00] =	vst v63  }
0x55: {  	_ =	swait.ge [sflag:s10], $0x1400  }
0x56: {  	[sflag:s10] =	ssyncset.done $0x0  }
0x57: {  	s4 =	rddreg [dreg:$0x19];
	[sflag:s10] =	ssyncadd.s32 $0xFFFFEC00  }
0x58: {  	[spmem:s4] =	stream.linear.scatter [tilespmem:s9], [sflag:$0x4], $0x1400, $0x38;
	[tilespmem:$0xFE00] =	vst v63  }
0x59: {  	_ =	swait.ge [sflag:s10], $0x1400  }
0x5a: {  	[sflag:s10] =	ssyncset.done $0x0  }
0x5b: {  	s29 =	rddreg [dreg:$0x1a];
	[sflag:s10] =	ssyncadd.s32 $0xFFFFEC00  }
0x5c: {  	[spmem:s29] =	stream.linear.scatter [tilespmem:s9], [sflag:$0x4], $0x1400, $0x38;
	[tilespmem:$0xFE00] =	vst v63  }
0x5d: {  	_ =	swait.ge [sflag:s10], $0x1400  }
0x5e: {  	[sflag:s10] =	ssyncset.done $0x0  }
0x5f: {  	s0 =	simm.s32 @!p2 $0x9E00;
	s1 =	rddreg [dreg:$0x1b];
	[sflag:s10] =	ssyncadd.s32 $0xFFFFEC00  }
0x60: {  	[spmem:s1] =	stream.linear.scatter @!p2 [tilespmem:s0], [sflag:$0x4], $0x1400, $0x38;
	[tilespmem:$0xFE00] =	vst v63  }
0x61: {  	s0 =	simm.s32 @!p2 $0x4  }
0x62: {  	_ =	swait.ge @!p2 [sflag:s0], $0x1400  }
0x63: {  	[sflag:s0] =	ssyncset.done @!p2 $0x0  }
0x64: {  	s1 =	rddreg [dreg:$0x1c];
	[sflag:s0] =	ssyncadd.s32 @!p2 $0xFFFFEC00;
	s0 =	simm.s32 @!p0 $0x9E00  }
0x65: {  	[spmem:s1] =	stream.linear.scatter @!p0 [tilespmem:s0], [sflag:$0x4], $0x1400, $0x38;
	[tilespmem:$0xFE00] =	vst v63  }
0x66: {  	s0 =	simm.s32 @!p0 $0x4  }
0x67: {  	_ =	swait.ge @!p0 [sflag:s0], $0x1400  }
0x68: {  	[sflag:s0] =	ssyncset.done @!p0 $0x0  }
0x69: {  	s1 =	rddreg [dreg:$0x1d];
	[sflag:s0] =	ssyncadd.s32 @!p0 $0xFFFFEC00;
	s0 =	simm.s32 @!p1 $0x9E00  }
0x6a: {  	[spmem:s1] =	stream.linear.scatter @!p1 [tilespmem:s0], [sflag:$0x4], $0x1400, $0x38;
	[tilespmem:$0xFE00] =	vst v63  }
0x6b: {  	s0 =	simm.s32 @!p1 $0x4  }
.Ltmp1:
0x6c: {  	_ =	swait.ge @!p1 [sflag:s0], $0x1400;
	(pc) =	sbr.rel .LBB2_4-.Ltmp1, $4  }
0x6d: {  	[sflag:s0] =	ssyncset.done @!p1 $0x0  }
0x6e: {  	[sflag:s0] =	ssyncadd.s32 @!p1 $0xFFFFEC00  }
0x6f: {  	[bflag:$0x0] =	sbarrier.arrive $0xFFFF  }
0x70: {  	s0 =	simm.s32 $0x0  }
.LBB2_8:
0x71: {  	s0 =	sadd.s32 $0x1, s0  }
0x72: {  	p3 =	sne.s32 s0, $0x9D  }
.Ltmp2:
0x73: {  	_ = 	snop;
	(pc) =	sbr.rel @!p3 .LBB2_9-.Ltmp2, $1  }
0x74: {  	_ =	sdelay $0x3  }
.LBB2_4:
0x75: {  	s1 =	sadd.s32 s8, s0  }
0x76: {  	p3 =	sgt.u32 s1, $0x9C3  }
.Ltmp3:
0x77: {  	_ = 	snop;
	(pc) =	sbr.rel @p3 .LBB2_8-.Ltmp3, $1  }
0x78: {  	_ =	sdelay $0x3  }
0x79: {  	s1 =	sshll.u32 s1, $0x6  }
0x7a: {  	s1 =	sadd.s32 s21, s1  }
0x7b: {  	s2 =	sshrl.u32 s1, $0x3  }
0x7c: {  	s4 =	simm.s32 $0x0;
	s3 =	sadd.s32 s28, s2  }
0x7d: {  	[tilespmem:s11], [sflag:$0x5] =	stream.linear.gather [hbm4b:s3+s4], $0x40, $0x38;
	[tilespmem:$0xFE00] =	vst v63  }
0x7e: {  	_ =	swait.ge [sflag:s12], $0x40  }
0x7f: {  	[sflag:s12] =	ssyncset.done $0x0  }
0x80: {  	s29 =	sadd.s32 s18, s2;
	[sflag:s12] =	ssyncadd.s32 $0xFFFFFFC0  }
0x81: {  	[tilespmem:s13], [sflag:$0x5] =	stream.linear.gather [hbm4b:s29+s4], $0x40, $0x38;
	[tilespmem:$0xFE00] =	vst v63  }
0x82: {  	_ =	swait.ge [sflag:s12], $0x40  }
0x83: {  	[sflag:s12] =	ssyncset.done $0x0  }
0x84: {  	s2 =	sadd.s32 s19, s2;
	[sflag:s12] =	ssyncadd.s32 $0xFFFFFFC0  }
0x85: {  	[tilespmem:s14], [sflag:$0x5] =	stream.linear.gather [hbm4b:s2+s4], $0x40, $0x38;
	[tilespmem:$0xFE00] =	vst v63  }
0x86: {  	_ =	swait.ge [sflag:s12], $0x40  }
0x87: {  	[sflag:s12] =	ssyncset.done $0x0  }
0x88: {  	[sflag:s12] =	ssyncadd.s32 $0xFFFFFFC0  }
0x89: {  	[tilespmem:s16], [sflag:$0x1] =	stream.indirect.gather [hbm4b:s25+s15], $0x80, s13, s15, $0xb8;
	[tilespmem:$0xFE00] =	vst v63  }
0x8a: {  	s1 =	sshll.u32 s1, $0x4  }
0x8b: {  	[tilespmem:s17], [sflag:$0x2] =	stream.indirect.gather [hbm4b:s26+s15], $0x80, s14, s15, $0xb8;
	[tilespmem:$0xFE00] =	vst v63  }
0x8c: {  	s29 =	sadd.s32 s24, s1  }
0x8d: {  	[tilespmem:s9], [sflag:$0x3] =	stream.linear.gather [hbm4b:s29+s4], $0x2000, $0x38;
	[tilespmem:$0xFE00] =	vst v63  }
0x8e: {  	_ =	swait.ge [sflag:s6], $0x2000  }
0x8f: {  	[sflag:s6] =	ssyncset.done $0x0  }
0x90: {  	[sflag:s6] =	ssyncadd.s32 $0xFFFFE000  }
0x91: {  	_ =	swait.ge [sflag:s23], $0x2000  }
0x92: {  	[sflag:s23] =	ssyncset.done $0x0  }
0x93: {  	[sflag:s23] =	ssyncadd.s32 $0xFFFFE000  }
0x94: {  	_ =	swait.ge [sflag:s7], $0x2000  }
0x95: {  	[sflag:s7] =	ssyncset.done $0x0  }
0x96: {  	s2 =	simm.s32 $0x0;
	[sflag:s7] =	ssyncadd.s32 $0xFFFFE000  }
0x97: {  	v5 =	vld [tilespmem:s2+$0xDE00]  }
0x98: {  	v6 =	vld [tilespmem:s2+$0xDE10]  }
0x99: {  	v4 =	vld [tilespmem:s2+$0xDE20]  }
0x9a: {  	v3 =	vld [tilespmem:s2+$0xDE30]  }
0x9b: {  	v2 =	vld [tilespmem:s2+$0xDE40]  }
0x9c: {  	v1 =	vld [tilespmem:s2+$0xDE50]  }
0x9d: {  	v13 =	vld [tilespmem:s2+$0xBE00]  }
0x9e: {  	v18 =	vld [tilespmem:s2+$0xBE10]  }
0x9f: {  	v12 =	vld [tilespmem:s2+$0xBE20]  }
0xa0: {  	v11 =	vld [tilespmem:s2+$0xBE30]  }
0xa1: {  	v10 =	vld [tilespmem:s2+$0xBE40]  }
0xa2: {  	v9 =	vld [tilespmem:s2+$0xBE50]  }
0xa3: {  	v8 =	vld [tilespmem:s2+$0xBE60]  }
0xa4: {  	v7 =	vld [tilespmem:s2+$0xBE70]  }
0xa5: {  	v19 =	vld [tilespmem:s2+$0x9E00]  }
0xa6: {  	v20 =	vld [tilespmem:s2+$0x9E10]  }
0xa7: {  	v17 =	vld [tilespmem:s2+$0x9E20]  }
0xa8: {  	v16 =	vld [tilespmem:s2+$0x9E30]  }
0xa9: {  	v15 =	vld [tilespmem:s2+$0x9E40]  }
0xaa: {  	v14 =	vld [tilespmem:s2+$0x9E50];
	v19 =	vadd.f32 v13, v19  }
0xab: {  	s3 =	simm.s32 $0x200;
	v18 =	vadd.f32 v18, v20;
	v13 =	vld [tilespmem:s2+$0x9E60]  }
.LBB2_6:
0xac: {  	p3 =	sne.s32 s3, $0x7E00;
	v5 =	vadd.f32 v5, v19;
	v12 =	vadd.f32 v12, v17;
	v17 =	vld [tilespmem:s2+$0x9E70]  }
0xad: {  	v6 =	vadd.f32 v6, v18;
	v11 =	vadd.f32 v11, v16;
	v16 =	vld [tilespmem:s2+$0xDE60]  }
0xae: {  	s4 =	sshra.s32 s3, $0x2;
	v18 =	vmax.f32 v5, $0.0e+00;
	v4 =	vadd.f32 v4, v12;
	v10 =	vadd.f32 v10, v15;
	v12 =	vld [tilespmem:s2+$0xDE70]  }
0xaf: {  	v5 =	vld [tilespmem:s4+$0xDE00];
	[tilespmem:s2+$0x9E00] =	vst v18;
	v15 =	vmax.f32 v6, $0.0e+00;
	v3 =	vadd.f32 v3, v11;
	v9 =	vadd.f32 v9, v14  }
0xb0: {  	v6 =	vld [tilespmem:s4+$0xDE10];
	[tilespmem:s2+$0x9E10] =	vst v15;
	v11 =	vmax.f32 v4, $0.0e+00;
	v2 =	vadd.f32 v2, v10;
	v8 =	vadd.f32 v8, v13  }
0xb1: {  	v4 =	vld [tilespmem:s4+$0xDE20];
	[tilespmem:s2+$0x9E20] =	vst v11;
	v10 =	vmax.f32 v3, $0.0e+00;
	v1 =	vadd.f32 v1, v9;
	v7 =	vadd.f32 v7, v17  }
0xb2: {  	v3 =	vld [tilespmem:s4+$0xDE30];
	[tilespmem:s2+$0x9E30] =	vst v10;
	v9 =	vmax.f32 v2, $0.0e+00;
	v8 =	vadd.f32 v16, v8  }
0xb3: {  	v2 =	vld [tilespmem:s4+$0xDE40];
	[tilespmem:s2+$0x9E40] =	vst v9;
	v9 =	vmax.f32 v1, $0.0e+00;
	v7 =	vadd.f32 v12, v7  }
0xb4: {  	v1 =	vld [tilespmem:s4+$0xDE50];
	[tilespmem:s2+$0x9E50] =	vst v9;
	v8 =	vmax.f32 v8, $0.0e+00  }
0xb5: {  	v13 =	vld [tilespmem:s4+$0xBE00];
	[tilespmem:s2+$0x9E60] =	vst v8;
	v7 =	vmax.f32 v7, $0.0e+00  }
0xb6: {  	v18 =	vld [tilespmem:s4+$0xBE10];
	[tilespmem:s2+$0x9E70] =	vst v7;
	s2 =	smov.u32 s4  }
0xb7: {  	v12 =	vld [tilespmem:s2+$0xBE20]  }
0xb8: {  	v11 =	vld [tilespmem:s2+$0xBE30]  }
0xb9: {  	v10 =	vld [tilespmem:s2+$0xBE40]  }
0xba: {  	v9 =	vld [tilespmem:s2+$0xBE50]  }
0xbb: {  	v8 =	vld [tilespmem:s2+$0xBE60]  }
0xbc: {  	v7 =	vld [tilespmem:s2+$0xBE70]  }
0xbd: {  	v14 =	vld [tilespmem:s2+$0x9E00]  }
0xbe: {  	v20 =	vld [tilespmem:s2+$0x9E10]  }
.Ltmp4:
0xbf: {  	v17 =	vld [tilespmem:s2+$0x9E20];
	(pc) =	sbr.rel @p3 .LBB2_6-.Ltmp4, $4  }
0xc0: {  	v16 =	vld [tilespmem:s2+$0x9E30]  }
0xc1: {  	v15 =	vld [tilespmem:s2+$0x9E40]  }
0xc2: {  	v19 =	vadd.f32 v13, v14;
	v14 =	vld [tilespmem:s2+$0x9E50]  }
0xc3: {  	s3 =	sadd.s32 $0x200, s3;
	v18 =	vadd.f32 v18, v20;
	v13 =	vld [tilespmem:s2+$0x9E60]  }
0xc4: {  	v5 =	vadd.f32 v5, v19;
	v12 =	vadd.f32 v12, v17;
	v57 =	vld [tilespmem:s2+$0x9E70]  }
0xc5: {  	v58 =	vld [tilespmem:s2+$0xDE60];
	v6 =	vadd.f32 v6, v18;
	v11 =	vadd.f32 v11, v16  }
0xc6: {  	v59 =	vld [tilespmem:s2+$0xDE70];
	v5 =	vmax.f32 v5, $0.0e+00;
	v4 =	vadd.f32 v4, v12;
	v10 =	vadd.f32 v10, v15  }
0xc7: {  	[tilespmem:s2+$0x9E00] =	vst v5;
	v60 =	vmax.f32 v6, $0.0e+00;
	v3 =	vadd.f32 v3, v11;
	v61 =	vadd.f32 v9, v14  }
0xc8: {  	[tilespmem:s2+$0x9E10] =	vst v60;
	v4 =	vmax.f32 v4, $0.0e+00;
	v2 =	vadd.f32 v2, v10;
	v62 =	vadd.f32 v8, v13  }
0xc9: {  	[tilespmem:s2+$0x9E20] =	vst v4;
	v3 =	vmax.f32 v3, $0.0e+00;
	v1 =	vadd.f32 v1, v61;
	v63 =	vadd.f32 v7, v57  }
0xca: {  	[tilespmem:s2+$0x9E30] =	vst v3;
	v2 =	vmax.f32 v2, $0.0e+00;
	v3 =	vadd.f32 v58, v62  }
0xcb: {  	[tilespmem:s2+$0x9E40] =	vst v2;
	v1 =	vmax.f32 v1, $0.0e+00;
	v2 =	vadd.f32 v59, v63  }
0xcc: {  	[tilespmem:s2+$0x9E50] =	vst v1;
	v1 =	vmax.f32 v3, $0.0e+00  }
0xcd: {  	[tilespmem:s2+$0x9E60] =	vst v1;
	v1 =	vmax.f32 v2, $0.0e+00  }
0xce: {  	s1 =	sadd.s32 s20, s1;
	[tilespmem:s2+$0x9E70] =	vst v1  }
0xcf: {  	[hbm4b:s1+s30] =	stream.linear.scatter [tilespmem:s9], [sflag:$0x5], $0x2000, $0x38;
	[tilespmem:$0xFE00] =	vst v63  }
0xd0: {  	_ =	swait.ge [sflag:s12], $0x2000  }
0xd1: {  	[sflag:s12] =	ssyncset.done $0x0  }
.Ltmp5:
0xd2: {  	[sflag:s12] =	ssyncadd.s32 $0xFFFFE000;
	(pc) =	sbr.rel .LBB2_8-.Ltmp5, $4  }
0xd3: {  	[spmem:s22] =	stream.indirect.scatter.add.f32 [tilespmem:s9], [sflag:$0x4], $0x80, s11, s15, $0xb8;
	[tilespmem:$0xFE00] =	vst v63  }
0xd4: {  	_ =	swait.ge [sflag:s10], $0x2000  }
0xd5: {  	[sflag:s10] =	ssyncset.done $0x0  }
0xd6: {  	[sflag:s10] =	ssyncadd.s32 $0xFFFFE000  }
.LBB2_9:
0xd7: {  	s0 =	stileid.u32;
	[bflag:$0x0] =	sbarrier.arrive $0xFFFF  }
0xd8: {  	s1 =	sshrl.u32 s31, $0x3;
	s0 =	sshll.u32 s0, $0x6;
	s19 =	rddreg [dreg:$0x5]  }
0xd9: {  	[smem:$0x7F6] =	sst s1;
	s30 =	sor.u32 $0x1C04, s0  }
0xda: {  	[hbm:s19], [sflag:s30] =	dma.local [spmem:s1], $0x280  }
0xdb: {  	_ =	swait.ge [sflag:s10], $0x280  }
0xdc: {  	s2 =	sshrl.u32 s5, $0x3;
	[sflag:s10] =	ssyncset.done $0x0;
	s3 =	rddreg [dreg:$0x6]  }
0xdd: {  	[smem:$0x7F7] =	sst s2;
	[sflag:s10] =	ssyncadd.s32 $0xFFFFFD80  }
0xde: {  	[hbm:s3], [sflag:s30] =	dma.local [spmem:s2], $0x280  }
0xdf: {  	_ =	swait.ge [sflag:s10], $0x280  }
0xe0: {  	s4 =	rddreg [dreg:$0x18]  }
0xe1: {  	[sflag:s10] =	ssyncset.done $0x0;
	s19 =	rddreg [dreg:$0x7];
	s18 =	sshrl.u32 s4, $0x3  }
0xe2: {  	[sflag:s10] =	ssyncadd.s32 $0xFFFFFD80;
	[smem:$0x7F8] =	sst s18  }
0xe3: {  	[hbm:s19], [sflag:s30] =	dma.local [spmem:s18], $0x280  }
0xe4: {  	_ =	swait.ge [sflag:s10], $0x280  }
0xe5: {  	s1 =	rddreg [dreg:$0x19]  }
0xe6: {  	[sflag:s10] =	ssyncset.done $0x0;
	s3 =	rddreg [dreg:$0x8];
	s2 =	sshrl.u32 s1, $0x3  }
0xe7: {  	[sflag:s10] =	ssyncadd.s32 $0xFFFFFD80;
	[smem:$0x7F9] =	sst s2  }
0xe8: {  	[hbm:s3], [sflag:s30] =	dma.local [spmem:s2], $0x280  }
0xe9: {  	_ =	swait.ge [sflag:s10], $0x280  }
0xea: {  	s4 =	rddreg [dreg:$0x1a]  }
0xeb: {  	[sflag:s10] =	ssyncset.done $0x0;
	s19 =	rddreg [dreg:$0x9];
	s18 =	sshrl.u32 s4, $0x3  }
0xec: {  	[sflag:s10] =	ssyncadd.s32 $0xFFFFFD80;
	[smem:$0x7FA] =	sst s18  }
0xed: {  	[hbm:s19], [sflag:s30] =	dma.local [spmem:s18], $0x280  }
0xee: {  	_ =	swait.ge [sflag:s10], $0x280  }
0xef: {  	s0 =	rddreg [dreg:$0x1b]  }
0xf0: {  	[sflag:s10] =	ssyncset.done $0x0;
	s1 =	sshrl.u32 @!p2 s0, $0x3;
	s0 =	rddreg [dreg:$0xa]  }
0xf1: {  	[sflag:s10] =	ssyncadd.s32 $0xFFFFFD80;
	[smem:$0x7FB] =	sst s1  }
0xf2: {  	[hbm:s0], [sflag:s30] =	dma.local @!p2 [spmem:s1], $0x280  }
0xf3: {  	s0 =	simm.s32 @!p2 $0x4  }
0xf4: {  	_ =	swait.ge @!p2 [sflag:s0], $0x280  }
0xf5: {  	[sflag:s0] =	ssyncset.done @!p2 $0x0  }
0xf6: {  	[sflag:s0] =	ssyncadd.s32 @!p2 $0xFFFFFD80;
	s0 =	rddreg [dreg:$0x1c]  }
0xf7: {  	s1 =	sshrl.u32 @!p0 s0, $0x3;
	s0 =	rddreg [dreg:$0xb]  }
0xf8: {  	[smem:$0x7FC] =	sst s1  }
0xf9: {  	[hbm:s0], [sflag:s30] =	dma.local @!p0 [spmem:s1], $0x280  }
0xfa: {  	s0 =	simm.s32 @!p0 $0x4  }
0xfb: {  	_ =	swait.ge @!p0 [sflag:s0], $0x280  }
0xfc: {  	[sflag:s0] =	ssyncset.done @!p0 $0x0  }
0xfd: {  	[sflag:s0] =	ssyncadd.s32 @!p0 $0xFFFFFD80;
	s0 =	rddreg [dreg:$0x1d]  }
0xfe: {  	s29 =	sshrl.u32 @!p1 s0, $0x3;
	s0 =	rddreg [dreg:$0xc]  }
0xff: {  	[hbm:s0], [sflag:s30] =	dma.local @!p1 [spmem:s29], $0x280  }
0x100: {  	s0 =	simm.s32 @!p1 $0x4  }
0x101: {  	_ =	swait.ge @!p1 [sflag:s0], $0x280  }
0x102: {  	[sflag:s0] =	ssyncset.done @!p1 $0x0  }
0x103: {  	s18 =	simm.s32 $0x200;
	[sflag:s0] =	ssyncadd.s32 @!p1 $0xFFFFFD80;
	s0 =	simm.s32 $0x0  }
.LBB2_10:
0x104: {  	p3 =	sne.s32 s18, $0x4E00;
	[tilespmem:s0+$0x9E70] =	vst v0  }
0x105: {  	[tilespmem:s0+$0x9E00] =	vst v0  }
0x106: {  	[tilespmem:s0+$0x9E10] =	vst v0  }
.Ltmp6:
0x107: {  	[tilespmem:s0+$0x9E20] =	vst v0;
	(pc) =	sbr.rel @p3 .LBB2_10-.Ltmp6, $4  }
0x108: {  	[tilespmem:s0+$0x9E30] =	vst v0  }
0x109: {  	[tilespmem:s0+$0x9E40] =	vst v0  }
0x10a: {  	[tilespmem:s0+$0x9E50] =	vst v0  }
0x10b: {  	[tilespmem:s0+$0x9E60] =	vst v0;
	s0 =	sshra.s32 s18, $0x2;
	s18 =	sadd.s32 $0x200, s18  }
0x10c: {  	[tilespmem:s0+$0x9E70] =	vst v0  }
0x10d: {  	[tilespmem:s0+$0x9E00] =	vst v0  }
0x10e: {  	[tilespmem:s0+$0x9E10] =	vst v0  }
0x10f: {  	[tilespmem:s0+$0x9E20] =	vst v0  }
0x110: {  	[tilespmem:s0+$0x9E30] =	vst v0  }
0x111: {  	[tilespmem:s0+$0x9E40] =	vst v0  }
0x112: {  	[tilespmem:s0+$0x9E50] =	vst v0  }
0x113: {  	[tilespmem:s0+$0x9E60] =	vst v0  }
0x114: {  	[spmem:s31] =	stream.linear.scatter [tilespmem:s9], [sflag:$0x4], $0x1400, $0x38;
	[tilespmem:$0xFE00] =	vst v63  }
0x115: {  	_ =	swait.ge [sflag:s10], $0x1400  }
0x116: {  	[sflag:s10] =	ssyncset.done $0x0  }
0x117: {  	[sflag:s10] =	ssyncadd.s32 $0xFFFFEC00  }
0x118: {  	[spmem:s5] =	stream.linear.scatter [tilespmem:s9], [sflag:$0x4], $0x1400, $0x38;
	[tilespmem:$0xFE00] =	vst v63  }
0x119: {  	_ =	swait.ge [sflag:s10], $0x1400  }
0x11a: {  	[sflag:s10] =	ssyncset.done $0x0  }
0x11b: {  	s4 =	rddreg [dreg:$0x18];
	[sflag:s10] =	ssyncadd.s32 $0xFFFFEC00  }
0x11c: {  	[spmem:s4] =	stream.linear.scatter [tilespmem:s9], [sflag:$0x4], $0x1400, $0x38;
	[tilespmem:$0xFE00] =	vst v63  }
0x11d: {  	_ =	swait.ge [sflag:s10], $0x1400  }
0x11e: {  	[sflag:s10] =	ssyncset.done $0x0  }
0x11f: {  	s5 =	rddreg [dreg:$0x19];
	[sflag:s10] =	ssyncadd.s32 $0xFFFFEC00  }
0x120: {  	[spmem:s5] =	stream.linear.scatter [tilespmem:s9], [sflag:$0x4], $0x1400, $0x38;
	[tilespmem:$0xFE00] =	vst v63  }
0x121: {  	_ =	swait.ge [sflag:s10], $0x1400  }
0x122: {  	[sflag:s10] =	ssyncset.done $0x0  }
0x123: {  	s18 =	rddreg [dreg:$0x1a];
	[sflag:s10] =	ssyncadd.s32 $0xFFFFEC00  }
0x124: {  	[spmem:s18] =	stream.linear.scatter [tilespmem:s9], [sflag:$0x4], $0x1400, $0x38;
	[tilespmem:$0xFE00] =	vst v63  }
0x125: {  	_ =	swait.ge [sflag:s10], $0x1400  }
0x126: {  	[sflag:s10] =	ssyncset.done $0x0  }
0x127: {  	s0 =	simm.s32 @!p2 $0x9E00;
	s1 =	rddreg [dreg:$0x1b];
	[sflag:s10] =	ssyncadd.s32 $0xFFFFEC00  }
0x128: {  	[spmem:s1] =	stream.linear.scatter @!p2 [tilespmem:s0], [sflag:$0x4], $0x1400, $0x38;
	[tilespmem:$0xFE00] =	vst v63  }
0x129: {  	s0 =	simm.s32 @!p2 $0x4  }
0x12a: {  	_ =	swait.ge @!p2 [sflag:s0], $0x1400  }
0x12b: {  	[sflag:s0] =	ssyncset.done @!p2 $0x0  }
0x12c: {  	s1 =	rddreg [dreg:$0x1c];
	[sflag:s0] =	ssyncadd.s32 @!p2 $0xFFFFEC00;
	s0 =	simm.s32 @!p0 $0x9E00  }
0x12d: {  	[spmem:s1] =	stream.linear.scatter @!p0 [tilespmem:s0], [sflag:$0x4], $0x1400, $0x38;
	[tilespmem:$0xFE00] =	vst v63  }
0x12e: {  	s0 =	simm.s32 @!p0 $0x4  }
0x12f: {  	_ =	swait.ge @!p0 [sflag:s0], $0x1400  }
0x130: {  	[sflag:s0] =	ssyncset.done @!p0 $0x0  }
0x131: {  	s1 =	rddreg [dreg:$0x1d];
	[sflag:s0] =	ssyncadd.s32 @!p0 $0xFFFFEC00;
	s0 =	simm.s32 @!p1 $0x9E00  }
0x132: {  	[spmem:s1] =	stream.linear.scatter @!p1 [tilespmem:s0], [sflag:$0x4], $0x1400, $0x38;
	[tilespmem:$0xFE00] =	vst v63  }
0x133: {  	s0 =	simm.s32 @!p1 $0x4  }
0x134: {  	_ =	swait.ge @!p1 [sflag:s0], $0x1400  }
0x135: {  	s19 =	sadd.s32 $0x0, s8;
	[sflag:s0] =	ssyncset.done @!p1 $0x0  }
0x136: {  	p3 =	sgt.u32 s19, $0x9C3;
	[sflag:s0] =	ssyncadd.s32 @!p1 $0xFFFFEC00  }
0x137: {  	s19 =	simm.s32 @!p3 $0x5;
	[bflag:$0x0] =	sbarrier.arrive $0xFFFF  }
0x138: {  	s18 =	simm.s32 @!p3 $0x9D80;
	s0 =	simm.s32 @!p3 $0x0;
	s2 =	rddreg [dreg:$0x1f]  }
0x139: {  	[tilespmem:s18], [sflag:$0x5] =	stream.linear.gather @!p3 [hbm4b:s2+s0], $0x40, $0x38;
	[tilespmem:$0xFE00] =	vst v63  }
0x13a: {  	_ =	swait.ge @!p3 [sflag:s19], $0x40;
	p3 =	por p3, p3  }
0x13b: {  	[sflag:s19] =	ssyncset.done @!p3 $0x0  }
0x13c: {  	s31 =	simm.s32 @!p3 $0x9E00;
	s1 =	rddreg [dreg:$0x15];
	[sflag:s19] =	ssyncadd.s32 @!p3 $0xFFFFFFC0  }
0x13d: {  	[tilespmem:s31], [sflag:$0x5] =	stream.linear.gather @!p3 [hbm4b:s1+s0], $0x2000, $0x38;
	[tilespmem:$0xFE00] =	vst v63  }
0x13e: {  	_ =	swait.ge @!p3 [sflag:s19], $0x2000  }
0x13f: {  	[sflag:s19] =	ssyncset.done @!p3 $0x0  }
0x140: {  	s0 =	simm.s32 $0x2;
	[sflag:s19] =	ssyncadd.s32 @!p3 $0xFFFFE000;
	s19 =	simm.s32 @!p3 $0x40  }
0x141: {  	[spmem:s22] =	stream.indirect.scatter.add.f32 @!p3 [tilespmem:s31], [sflag:$0x4], $0x80, s18, s19, $0xb8;
	[tilespmem:$0xFE00] =	vst v63  }
0x142: {  	s19 =	simm.s32 @!p3 $0x4;
	s18 =	sadd.s32 $0x8, s2;
	s31 =	sadd.s32 $0x1, s8  }
0x143: {  	p4 =	sgt.u32 s31, $0x9C3;
	_ =	swait.ge @!p3 [sflag:s19], $0x2000;
	s31 =	sadd.s32 $0x400, s1  }
.LBB2_12:
0x144: {  	s2 =	simm.s32 @!p4 $0x0  }
0x145: {  	s3 =	simm.s32 @!p4 $0x9D80;
	[sflag:s19] =	ssyncset.done @!p3 $0x0;
	s4 =	smov.u32 s0  }
0x146: {  	s0 =	sadd.s32 $0x1, s0;
	s5 =	simm.s32 @!p4 $0x5;
	[sflag:s19] =	ssyncadd.s32 @!p3 $0xFFFFE000  }
0x147: {  	[tilespmem:s3], [sflag:$0x5] =	stream.linear.gather @!p4 [hbm4b:s18+s2], $0x40, $0x38;
	[tilespmem:$0xFE00] =	vst v63  }
0x148: {  	p5 =	sne.s32 s0, $0x9D;
	p3 =	por p4, p4;
	_ =	swait.ge @!p4 [sflag:s5], $0x40  }
0x149: {  	[sflag:s5] =	ssyncset.done @!p3 $0x0  }
0x14a: {  	s1 =	simm.s32 @!p3 $0x9E00;
	[sflag:s5] =	ssyncadd.s32 @!p3 $0xFFFFFFC0  }
0x14b: {  	[tilespmem:s1], [sflag:$0x5] =	stream.linear.gather @!p3 [hbm4b:s31+s2], $0x2000, $0x38;
	[tilespmem:$0xFE00] =	vst v63  }
.Ltmp7:
0x14c: {  	_ =	swait.ge @!p3 [sflag:s5], $0x2000;
	(pc) =	sbr.rel @p5 .LBB2_12-.Ltmp7, $4  }
0x14d: {  	s19 =	simm.s32 @!p3 $0x4;
	s18 =	sadd.s32 $0x8, s18;
	[sflag:s5] =	ssyncset.done @!p3 $0x0  }
0x14e: {  	s2 =	sadd.s32 s4, s8;
	s4 =	simm.s32 @!p3 $0x40;
	[sflag:s5] =	ssyncadd.s32 @!p3 $0xFFFFE000  }
0x14f: {  	[spmem:s22] =	stream.indirect.scatter.add.f32 @!p3 [tilespmem:s1], [sflag:$0x4], $0x80, s3, s4, $0xb8;
	[tilespmem:$0xFE00] =	vst v63  }
0x150: {  	s31 =	sadd.s32 $0x400, s31;
	p4 =	sgt.u32 s2, $0x9C3;
	_ =	swait.ge @!p3 [sflag:s19], $0x2000  }
0x151: {  	s0 =	simm.s32 @!p4 $0x0;
	[sflag:s19] =	ssyncset.done @!p3 $0x0  }
0x152: {  	s1 =	simm.s32 @!p4 $0x9D80;
	s2 =	simm.s32 @!p4 $0x5;
	[sflag:s19] =	ssyncadd.s32 @!p3 $0xFFFFE000  }
0x153: {  	[tilespmem:s1], [sflag:$0x5] =	stream.linear.gather @!p4 [hbm4b:s18+s0], $0x40, $0x38;
	[tilespmem:$0xFE00] =	vst v63  }
0x154: {  	p3 =	por p4, p4;
	_ =	swait.ge @!p4 [sflag:s2], $0x40  }
0x155: {  	[sflag:s2] =	ssyncset.done @!p3 $0x0  }
0x156: {  	s3 =	simm.s32 @!p3 $0x9E00;
	[sflag:s2] =	ssyncadd.s32 @!p3 $0xFFFFFFC0  }
0x157: {  	[tilespmem:s3], [sflag:$0x5] =	stream.linear.gather @!p3 [hbm4b:s31+s0], $0x2000, $0x38;
	[tilespmem:$0xFE00] =	vst v63  }
0x158: {  	_ =	swait.ge @!p3 [sflag:s2], $0x2000  }
0x159: {  	[sflag:s2] =	ssyncset.done @!p3 $0x0  }
0x15a: {  	s0 =	simm.s32 @!p3 $0x40;
	[sflag:s2] =	ssyncadd.s32 @!p3 $0xFFFFE000  }
0x15b: {  	[spmem:s22] =	stream.indirect.scatter.add.f32 @!p3 [tilespmem:s3], [sflag:$0x4], $0x80, s1, s0, $0xb8;
	[tilespmem:$0xFE00] =	vst v63  }
0x15c: {  	s0 =	simm.s32 @!p3 $0x4  }
0x15d: {  	_ =	swait.ge @!p3 [sflag:s0], $0x2000  }
0x15e: {  	[sflag:s0] =	ssyncset.done @!p3 $0x0  }
0x15f: {  	[sflag:s0] =	ssyncadd.s32 @!p3 $0xFFFFE000  }
0x160: {  	[bflag:$0x0] =	sbarrier.arrive $0xFFFF  }
0x161: {  	s5 =	sld [smem:$0x7F6];
	_ =	sdelay $0x1  }
0x162: {  	s4 =	rddreg [dreg:$0xd]  }
0x163: {  	[hbm:s4], [sflag:s30] =	dma.local [spmem:s5], $0x280  }
0x164: {  	_ =	swait.ge [sflag:s10], $0x280  }
0x165: {  	s19 =	sld [smem:$0x7F7]  }
0x166: {  	[sflag:s10] =	ssyncset.done $0x0  }
0x167: {  	s18 =	rddreg [dreg:$0xe];
	[sflag:s10] =	ssyncadd.s32 $0xFFFFFD80  }
0x168: {  	[hbm:s18], [sflag:s30] =	dma.local [spmem:s19], $0x280  }
0x169: {  	_ =	swait.ge [sflag:s10], $0x280  }
0x16a: {  	s2 =	sld [smem:$0x7F8]  }
0x16b: {  	[sflag:s10] =	ssyncset.done $0x0  }
0x16c: {  	s1 =	rddreg [dreg:$0xf];
	[sflag:s10] =	ssyncadd.s32 $0xFFFFFD80  }
0x16d: {  	[hbm:s1], [sflag:s30] =	dma.local [spmem:s2], $0x280  }
0x16e: {  	_ =	swait.ge [sflag:s10], $0x280  }
0x16f: {  	s4 =	sld [smem:$0x7F9]  }
0x170: {  	[sflag:s10] =	ssyncset.done $0x0  }
0x171: {  	s3 =	rddreg [dreg:$0x10];
	[sflag:s10] =	ssyncadd.s32 $0xFFFFFD80  }
0x172: {  	[hbm:s3], [sflag:s30] =	dma.local [spmem:s4], $0x280  }
0x173: {  	_ =	swait.ge [sflag:s10], $0x280  }
0x174: {  	s18 =	sld [smem:$0x7FA]  }
0x175: {  	[sflag:s10] =	ssyncset.done $0x0  }
0x176: {  	s5 =	rddreg [dreg:$0x11];
	[sflag:s10] =	ssyncadd.s32 $0xFFFFFD80  }
0x177: {  	[hbm:s5], [sflag:s30] =	dma.local [spmem:s18], $0x280  }
0x178: {  	_ =	swait.ge [sflag:s10], $0x280  }
0x179: {  	s1 =	sld [smem:$0x7FB]  }
0x17a: {  	[sflag:s10] =	ssyncset.done $0x0  }
0x17b: {  	s0 =	rddreg [dreg:$0x12];
	[sflag:s10] =	ssyncadd.s32 $0xFFFFFD80  }
0x17c: {  	[hbm:s0], [sflag:s30] =	dma.local @!p2 [spmem:s1], $0x280  }
0x17d: {  	s0 =	simm.s32 @!p2 $0x4  }
0x17e: {  	_ =	swait.ge @!p2 [sflag:s0], $0x280  }
0x17f: {  	s1 =	sld [smem:$0x7FC]  }
0x180: {  	[sflag:s0] =	ssyncset.done @!p2 $0x0  }
0x181: {  	[sflag:s0] =	ssyncadd.s32 @!p2 $0xFFFFFD80;
	s0 =	rddreg [dreg:$0x13]  }
0x182: {  	[hbm:s0], [sflag:s30] =	dma.local @!p0 [spmem:s1], $0x280  }
0x183: {  	s0 =	simm.s32 @!p0 $0x4  }
0x184: {  	_ =	swait.ge @!p0 [sflag:s0], $0x280  }
0x185: {  	[sflag:s0] =	ssyncset.done @!p0 $0x0  }
0x186: {  	[sflag:s0] =	ssyncadd.s32 @!p0 $0xFFFFFD80;
	s0 =	rddreg [dreg:$0x14]  }
0x187: {  	[hbm:s0], [sflag:s30] =	dma.local @!p1 [spmem:s29], $0x280  }
0x188: {  	s0 =	simm.s32 @!p1 $0x4  }
0x189: {  	_ =	swait.ge @!p1 [sflag:s0], $0x280  }
0x18a: {  	s19 =	sld [smem:$0x7FD];
	_ =	sdelay $0x2  }
0x18b: {  	s29 =	rddreg [dreg:$0x1e];
	s2 =	sadd.s32 $0x1, s19  }
0x18c: {  	p3 =	sne.s32 s2, s29  }
.Ltmp8:
0x18d: {  	_ = 	snop;
	(pc) =	sbr.rel @p3 .LBB2_1-.Ltmp8, $4  }
0x18e: {  	[sflag:s0] =	ssyncset.done @!p1 $0x0  }
0x18f: {  	s31 =	rddreg [dreg:$0x16];
	[sflag:s0] =	ssyncadd.s32 @!p1 $0xFFFFFD80  }
0x190: {  	s18 =	rddreg [dreg:$0x1]  }
0x191: {  	s30 =	simm.s32 $0x0;
	s19 =	rddreg [dreg:$0x2]  }
0x192: {  	_ =	sfence.sel $0x180000  }
0x193: {  	[bflag:$0x0] =	sbarrier.arrive $0xFFFF  }
0x194: {  	_ =	strace $0x9000004D  }
0x195: {  	s0 =	stileid.u32;
	[bflag:$0x2] =	sbarrier.arrive $0xFFFF  }
0x196: {  	p0 =	sne.s32 s0, $0x0;
	s0 =	rddreg [dreg:$0x4]  }
0x197: {  	s0 =	sadd.s32 @!p0 $0x100000, s0  }
0x198: {  	[sflag:s0] =	ssyncadd.tile.s32 @!p0 $0x1;
	_ =	shalt  }
.Lfunc_end2:
_tile_overlayer_lowered:
.L_overlay_start_2:
0x199: {  	(tag) =	ssettag $0x2  }
0x19a: {  	s0 =	rddreg [dreg:$0x0];
	s2 =	stileid.u32  }
0x19b: {  	s1 =	rddreg [dreg:$0x1];
	p0 =	sne.s32 s2, $0x0  }
0x19c: {  	s3 =	rddreg [dreg:$0x2];
	[bflag:$0x3] =	sbarrier.arrive $0xFFFF;
	s2 =	simm.s32 @!p0 $0x1C04  }
0x19d: {  	[timem:s3], [sflag:s2] =	dma.local @!p0 [hbm:s0], s1  }
0x19e: {  	s0 =	simm.s32 @!p0 $0x4  }
0x19f: {  	_ =	swait.ge @!p0 [sflag:s0], s1  }
0x1a0: {  	s1 =	ssub.s32 @!p0 $0x0, s1;
	[sflag:s0] =	ssyncset.done @!p0 $0x0  }
0x1a1: {  	[sflag:s0] =	ssyncadd.s32 @!p0 s1  }
0x1a2: {  	[bflag:$0x3] =	sbarrier.arrive $0xFFFF  }
0x1a3: {  	_ =	shalt  }

</sc_bundles>
